<compile_context>
chip_gen: v7x
topology: tpu7x:2x2x1
jax: 0.10.2.dev20260603
libtpu: 0.0.44.dev20260713+nightly
codegen_flags: <defaults>
</compile_context>

<pallas_src>
import functools

import jax
import jax.numpy as jnp
from jax import lax
from jax.experimental import pallas as pl
from jax.experimental.pallas import tpu as pltpu
from jax.experimental.pallas import tpu_sc as plsc

_N = 10000
_E = 320000
_HID = 256
_HALF = 128
_NG = 64

_NC = 2
_NS = 16
_NW = _NC * _NS

_CH = 128
_CPT = 160
_ECH = _CPT * _NS
_EPAD = _ECH * _CH
_PAD_NODE = _N

_NP = 10240
_ROWS_PT = _NP // _NS

_CPW = _ECH // _NW

_BR = 2048
_NB = _NP // _BR
_BRF = 2000
_NBF = _N // _BRF


def _sc_mesh():
    return plsc.VectorSubcoreMesh(
        core_axis_name="c", subcore_axis_name="s",
        num_cores=_NC, num_subcores=_NS,
    )


def _deg_body(dstm_hbm, ones_hbm, zrows_hbm, out0_hbm, out1_hbm,
              didx, onesbuf, acc):
    c = lax.axis_index("c")
    s = lax.axis_index("s")
    wid = c * _NS + s
    r0 = s * _ROWS_PT

    pltpu.sync_copy(ones_hbm, onesbuf)
    pltpu.sync_copy(dstm_hbm.at[pl.ds(wid * _CPW, _CPW)], didx)
    pltpu.sync_copy(zrows_hbm, acc.at[pl.ds(r0, _ROWS_PT)])
    plsc.subcore_barrier()

    def _chunk(k, carry):
        pltpu.sync_copy(onesbuf, acc.at[didx.at[k]], add=True)
        return carry

    lax.fori_loop(0, _CPW, _chunk, 0)
    plsc.subcore_barrier()

    def _writeout(out_hbm):
        pltpu.sync_copy(acc.at[pl.ds(r0, _ROWS_PT)], out_hbm.at[pl.ds(r0, _ROWS_PT)])

    @pl.when(c == 0)
    def _():
        _writeout(out0_hbm)

    @pl.when(c == 1)
    def _():
        _writeout(out1_hbm)


@functools.cache
def _deg_kernel_fn():
    return pl.kernel(
        _deg_body,
        out_type=(
            jax.ShapeDtypeStruct((_NP, _HALF), jnp.float32),
            jax.ShapeDtypeStruct((_NP, _HALF), jnp.float32),
        ),
        mesh=_sc_mesh(),
        scratch_types=[
            pltpu.VMEM((_CPW, _CH), jnp.int32),
            pltpu.VMEM((_CH, _HALF), jnp.float32),
            pltpu.VMEM_SHARED((_NP, _HALF), jnp.float32),
        ],
    )


def _deg_kernel(dstm, ones_rows, zrows):
    return _deg_kernel_fn()(dstm, ones_rows, zrows)


def _agg_body(g0_hbm, g1_hbm, e2_hbm,
              out0_hbm, out1_hbm,
              idx00, idx01, idx10, idx11, buf0, buf1, acc,
              gsem0, gsem1, isem00, isem01, isem10, isem11):
    c = lax.axis_index("c")
    s = lax.axis_index("s")
    r0 = s * _ROWS_PT
    idxs = ((idx00, idx01), (idx10, idx11))
    isems = ((isem00, isem01), (isem10, isem11))
    bufs = (buf0, buf1)
    gsems = (gsem0, gsem1)

    def _run(g_hbm, out_hbm):
        pltpu.sync_copy(g_hbm.at[pl.ds(r0, _ROWS_PT)], acc.at[pl.ds(r0, _ROWS_PT)])
        plsc.subcore_barrier()

        for b in range(2):
            pltpu.sync_copy(e2_hbm.at[b * _NS + s], idxs[b][0])
            pltpu.async_copy(g_hbm.at[idxs[b][0].at[0]], bufs[b], gsems[b])
        for b in range(2):
            pltpu.async_copy(e2_hbm.at[(2 + b) * _NS + s], idxs[b][1], isems[b][1])

        def _super(q, carry):
            for t in range(2):
                for b in range(2):
                    ch = 4 * q + 2 * t + b
                    cn = ch + 2
                    cf = ch + 4
                    p, pn = t, 1 - t
                    pltpu.make_async_copy(
                        g_hbm.at[idxs[b][p].at[0]], bufs[b], gsems[b]).wait()
                    pltpu.sync_copy(bufs[b], acc.at[idxs[b][p].at[1]], add=True)

                    @pl.when(cf < _CPT)
                    def _():
                        pltpu.async_copy(e2_hbm.at[cf * _NS + s],
                                         idxs[b][p], isems[b][p])

                    @pl.when(cn < _CPT)
                    def _():
                        pltpu.make_async_copy(e2_hbm.at[cn * _NS + s],
                                              idxs[b][pn], isems[b][pn]).wait()
                        pltpu.async_copy(g_hbm.at[idxs[b][pn].at[0]],
                                         bufs[b], gsems[b])
            return carry

        lax.fori_loop(0, _CPT // 4, _super, 0)
        plsc.subcore_barrier()
        pltpu.sync_copy(acc.at[pl.ds(r0, _ROWS_PT)], out_hbm.at[pl.ds(r0, _ROWS_PT)])

    @pl.when(c == 0)
    def _():
        _run(g0_hbm, out0_hbm)

    @pl.when(c == 1)
    def _():
        _run(g1_hbm, out1_hbm)


@functools.cache
def _agg_kernel_fn():
    return pl.kernel(
        _agg_body,
        out_type=(
            jax.ShapeDtypeStruct((_NP, _HALF), jnp.float32),
            jax.ShapeDtypeStruct((_NP, _HALF), jnp.float32),
        ),
        mesh=_sc_mesh(),
        scratch_types=[
            pltpu.VMEM((2, _CH), jnp.int32),
            pltpu.VMEM((2, _CH), jnp.int32),
            pltpu.VMEM((2, _CH), jnp.int32),
            pltpu.VMEM((2, _CH), jnp.int32),
            pltpu.VMEM((_CH, _HALF), jnp.float32),
            pltpu.VMEM((_CH, _HALF), jnp.float32),
            pltpu.VMEM_SHARED((_NP, _HALF), jnp.float32),
            pltpu.SemaphoreType.DMA,
            pltpu.SemaphoreType.DMA,
            pltpu.SemaphoreType.DMA,
            pltpu.SemaphoreType.DMA,
            pltpu.SemaphoreType.DMA,
            pltpu.SemaphoreType.DMA,
        ],
    )


def _agg_kernel(g0, g1, e2):
    return _agg_kernel_fn()(g0, g1, e2)


def _tc1_body(x_ref, d0_ref, d1_ref, w_ref, g0_ref, g1_ref, dis_ref):
    dis = lax.rsqrt(d0_ref[:, :1] + d1_ref[:, :1] + 1.0)
    h = jnp.dot(x_ref[...], w_ref[...], preferred_element_type=jnp.float32)
    g = h * dis
    g0_ref[...] = g[:, :_HALF]
    g1_ref[...] = g[:, _HALF:]
    dis_ref[...] = dis


def _tc_layer1(x, deg0, deg1, W1):
    return pl.pallas_call(
        _tc1_body,
        grid=(_NB,),
        in_specs=[
            pl.BlockSpec((_BR, _HALF), lambda i: (i, 0)),
            pl.BlockSpec((_BR, _HALF), lambda i: (i, 0)),
            pl.BlockSpec((_BR, _HALF), lambda i: (i, 0)),
            pl.BlockSpec((_HALF, _HID), lambda i: (0, 0)),
        ],
        out_specs=(
            pl.BlockSpec((_BR, _HALF), lambda i: (i, 0)),
            pl.BlockSpec((_BR, _HALF), lambda i: (i, 0)),
            pl.BlockSpec((_BR, 1), lambda i: (i, 0)),
        ),
        out_shape=(
            jax.ShapeDtypeStruct((_NP, _HALF), jnp.float32),
            jax.ShapeDtypeStruct((_NP, _HALF), jnp.float32),
            jax.ShapeDtypeStruct((_NP, 1), jnp.float32),
        ),
        compiler_params=pltpu.CompilerParams(
            dimension_semantics=("parallel",),
        ),
    )(x, deg0, deg1, W1)


def _tcmid_body(a0_ref, a1_ref, dis_ref, b_ref, w_ref, ng0_ref, ng1_ref):
    dis = dis_ref[...]
    b = b_ref[...]
    a0 = jnp.maximum(dis * a0_ref[...] + b[:, :_HALF], 0.0)
    a1 = jnp.maximum(dis * a1_ref[...] + b[:, _HALF:], 0.0)
    h = (jnp.dot(a0, w_ref[:_HALF, :], preferred_element_type=jnp.float32)
         + jnp.dot(a1, w_ref[_HALF:, :], preferred_element_type=jnp.float32))
    g = h * dis
    ng0_ref[...] = g[:, :_HALF]
    ng1_ref[...] = g[:, _HALF:]


def _tc_layer_mid(agg0, agg1, dis, b_prev, W):
    return pl.pallas_call(
        _tcmid_body,
        grid=(_NB,),
        in_specs=[
            pl.BlockSpec((_BR, _HALF), lambda i: (i, 0)),
            pl.BlockSpec((_BR, _HALF), lambda i: (i, 0)),
            pl.BlockSpec((_BR, 1), lambda i: (i, 0)),
            pl.BlockSpec((1, _HID), lambda i: (0, 0)),
            pl.BlockSpec((_HID, _HID), lambda i: (0, 0)),
        ],
        out_specs=(
            pl.BlockSpec((_BR, _HALF), lambda i: (i, 0)),
            pl.BlockSpec((_BR, _HALF), lambda i: (i, 0)),
        ),
        out_shape=(
            jax.ShapeDtypeStruct((_NP, _HALF), jnp.float32),
            jax.ShapeDtypeStruct((_NP, _HALF), jnp.float32),
        ),
        compiler_params=pltpu.CompilerParams(
            dimension_semantics=("parallel",),
        ),
    )(agg0, agg1, dis, b_prev, W)


def _tcfin_body(a0_ref, a1_ref, dis_ref, b_ref, batch_ref,
                wl_ref, bl_ref, out_ref):
    i = pl.program_id(0)
    dis = dis_ref[...]
    b = b_ref[...]
    a0 = jnp.maximum(dis * a0_ref[...] + b[:, :_HALF], 0.0)
    a1 = jnp.maximum(dis * a1_ref[...] + b[:, _HALF:], 0.0)
    sval = (jnp.dot(a0, wl_ref[:_HALF, :], preferred_element_type=jnp.float32)
            + jnp.dot(a1, wl_ref[_HALF:, :], preferred_element_type=jnp.float32))
    bt = batch_ref[0]
    m = (lax.broadcasted_iota(jnp.int32, (_NG, _BRF), 0) == bt).astype(jnp.float32)
    contrib = jnp.dot(m, sval, preferred_element_type=jnp.float32)

    @pl.when(i == 0)
    def _():
        out_ref[...] = jnp.broadcast_to(bl_ref[...], (_NG, 1))

    out_ref[...] += contrib


def _tc_final(agg0, agg1, dis, b_prev, batch3d, Wl, bl2d):
    return pl.pallas_call(
        _tcfin_body,
        grid=(_NBF,),
        in_specs=[
            pl.BlockSpec((_BRF, _HALF), lambda i: (i, 0)),
            pl.BlockSpec((_BRF, _HALF), lambda i: (i, 0)),
            pl.BlockSpec((_BRF, 1), lambda i: (i, 0)),
            pl.BlockSpec((1, _HID), lambda i: (0, 0)),
            pl.BlockSpec((1, 1, _BRF), lambda i: (i, 0, 0)),
            pl.BlockSpec((_HID, 1), lambda i: (0, 0)),
            pl.BlockSpec((1, 1), lambda i: (0, 0)),
        ],
        out_specs=pl.BlockSpec((_NG, 1), lambda i: (0, 0)),
        out_shape=jax.ShapeDtypeStruct((_NG, 1), jnp.float32),
        compiler_params=pltpu.CompilerParams(
            dimension_semantics=("arbitrary",),
        ),
    )(agg0, agg1, dis, b_prev, batch3d, Wl, bl2d)


def kernel(x, edge_index, batch, W1, b1, W2, b2, W3, b3, W4, b4, Wl, bl):
    pad = _PAD_NODE + (jnp.arange(_EPAD - _E, dtype=jnp.int32) % (_NP - _N))
    src1d = jnp.concatenate([edge_index[0].astype(jnp.int32), pad])
    dst1d = jnp.concatenate([edge_index[1].astype(jnp.int32), pad])
    dstm = dst1d.reshape(_ECH, _CH)
    e2 = jnp.stack([src1d.reshape(_ECH, _CH), dstm], axis=1)
    batch3d = batch.astype(jnp.int32).reshape(_NBF, 1, _BRF)
    xp = jnp.pad(x, ((0, _NP - _N), (0, 0)))

    zrows = jnp.zeros((_ROWS_PT, _HALF), jnp.float32)
    ones_rows = jnp.ones((_CH, _HALF), jnp.float32)

    deg0, deg1 = _deg_kernel(dstm, ones_rows, zrows)
    g0, g1, dis = _tc_layer1(xp, deg0, deg1, W1)

    for b_prev, W in ((b1, W2), (b2, W3), (b3, W4)):
        agg0, agg1 = _agg_kernel(g0, g1, e2)
        g0, g1 = _tc_layer_mid(agg0, agg1, dis, b_prev.reshape(1, _HID), W)

    agg0, agg1 = _agg_kernel(g0, g1, e2)
    out = _tc_final(agg0, agg1, dis, b4.reshape(1, _HID), batch3d,
                    Wl, bl.reshape(1, 1))
    return out

# --- scband reference (transcript-rebuilt; emitter-appended) ---
"""Pipeline reference for scband-gnn-57784490000882 (READ-ONLY COPY).

The authoritative reference and input builder live on the scoring server;
editing this copy changes nothing except your own understanding.
"""

import jax, jax.numpy as jnp
import numpy as np

N_NODES = 10000
N_EDGES = 320000
IN_DIM = 128
HID = 256
OUT_DIM = 1
NUM_GRAPHS = 64


def setup_inputs(seed: int = 0) -> dict:
    key = jax.random.key(seed)
    ks = jax.random.split(key, 16)
    x = jax.random.normal(ks[0], (N_NODES, IN_DIM), dtype=jnp.float32)
    edge_index = jax.random.randint(ks[1], (2, N_EDGES), 0, N_NODES)
    batch = jnp.sort(jax.random.randint(ks[2], (N_NODES,), 0, NUM_GRAPHS))
    def glorot(k, fan_in, fan_out):
        s = jnp.sqrt(6.0 / (fan_in + fan_out))
        return jax.random.uniform(k, (fan_in, fan_out), dtype=jnp.float32, minval=-s, maxval=s)
    W1 = glorot(ks[3], IN_DIM, HID)
    b1 = jnp.zeros((HID,), jnp.float32)
    W2 = glorot(ks[4], HID, HID)
    b2 = jnp.zeros((HID,), jnp.float32)
    W3 = glorot(ks[5], HID, HID)
    b3 = jnp.zeros((HID,), jnp.float32)
    W4 = glorot(ks[6], HID, HID)
    b4 = jnp.zeros((HID,), jnp.float32)
    Wl = glorot(ks[7], HID, OUT_DIM)
    bl = jnp.zeros((OUT_DIM,), jnp.float32)
    return {"x": x, "edge_index": edge_index, "batch": batch,
            "W1": W1, "b1": b1, "W2": W2, "b2": b2, "W3": W3, "b3": b3,
            "W4": W4, "b4": b4, "Wl": Wl, "bl": bl}


def _gcn_conv(x, W, b, src, dst, num_nodes):
    # GCNConv: x' = D^{-1/2} (A + I) D^{-1/2} X W + b
    h = x @ W
    loop = jnp.arange(num_nodes)
    src_f = jnp.concatenate([src, loop])
    dst_f = jnp.concatenate([dst, loop])
    deg = jnp.zeros((num_nodes,), x.dtype).at[dst_f].add(1.0)
    dis = jnp.where(deg > 0, 1.0 / jnp.sqrt(deg), 0.0)
    norm = dis[src_f] * dis[dst_f]
    msg = h[src_f] * norm[:, None]
    out = jax.ops.segment_sum(msg, dst_f, num_segments=num_nodes)
    return out + b


def reference(x, edge_index, batch, W1, b1, W2, b2, W3, b3, W4, b4, Wl, bl):
    src = edge_index[0]
    dst = edge_index[1]
    n = x.shape[0]
    h = jax.nn.relu(_gcn_conv(x, W1, b1, src, dst, n))
    for W, b in ((W2, b2), (W3, b3), (W4, b4)):
        h = jax.nn.relu(_gcn_conv(h, W, b, src, dst, n))
    # global_add_pool
    pooled = jax.ops.segment_sum(h, batch, num_segments=NUM_GRAPHS)
    # lin_base head
    return pooled @ Wl + bl

if __name__ == "__main__":
    import jax
    _d = setup_inputs()
    print(jax.jit(kernel)(*tuple(_d.values())))

</pallas_src>

<mosaic_0001>
#map = affine_map<(d0, d1) -> (0, 0)>
module attributes {stable_mosaic.version = 14 : i64} {
  func.func @_deg_body(%arg0: i32, %arg1: i32, %arg2: memref<2560x128xi32, #tpu.memory_space<hbm>>, %arg3: memref<128x128xf32, #tpu.memory_space<hbm>>, %arg4: memref<640x128xf32, #tpu.memory_space<hbm>>, %arg5: memref<10240x128xf32, #tpu.memory_space<hbm>>, %arg6: memref<10240x128xf32, #tpu.memory_space<hbm>>, %arg7: memref<80x128xi32, #tpu.memory_space<vmem>>, %arg8: memref<128x128xf32, #tpu.memory_space<vmem>>, %arg9: memref<10240x128xf32, #tpu.memory_space<vmem_shared>>) attributes {dimension_semantics = [#tpu.dimension_semantics<core_parallel>, #tpu.dimension_semantics<subcore_parallel>], iteration_bounds = array<i64: 2, 16>, scalar_prefetch = 0 : i64, scratch_operands = 3 : i64, tpu.core_type = #tpu.core_type<sc_vector_subcore>, window_params = [{transform_indices = #map}, {transform_indices = #map}, {transform_indices = #map}, {transform_indices = #map}, {transform_indices = #map}]} {
    %mul3A = arith.constant 16 : i32
    %mul3A_0 = arith.muli %arg0, %mul3A : i32
    %add3A = arith.addi %mul3A_0, %arg1 : i32
    %mul3A_1 = arith.constant 640 : i32
    %mul3A_2 = arith.muli %arg1, %mul3A_1 : i32
    "tpu.region"() ({
      %run_scoped3A = tpu.sem_alloc : memref<!tpu.dma_semaphore, #tpu.memory_space<semaphore_mem>>
      tpu.enqueue_dma source(%arg3 : memref<128x128xf32, #tpu.memory_space<hbm>>) target(%arg8 : memref<128x128xf32, #tpu.memory_space<vmem>>) target_semaphore(%run_scoped3A : memref<!tpu.dma_semaphore, #tpu.memory_space<semaphore_mem>>)
      tpu.wait_dma2 semaphore(%run_scoped3A : memref<!tpu.dma_semaphore, #tpu.memory_space<semaphore_mem>>) src(%arg3 : memref<128x128xf32, #tpu.memory_space<hbm>>) dst(%arg8 : memref<128x128xf32, #tpu.memory_space<vmem>>)
      tpu.yield
    }) : () -> ()
    %mul3A_3 = arith.constant 80 : i32
    %mul3A_4 = arith.muli %add3A, %mul3A_3 : i32
    "tpu.region"() ({
      %run_scoped3A = tpu.sem_alloc : memref<!tpu.dma_semaphore, #tpu.memory_space<semaphore_mem>>
      %dma_start3A = arith.constant 0 : i32
      %dma_start3A_18 = tpu.memref_slice %arg2[%mul3A_4, %dma_start3A] : memref<2560x128xi32, #tpu.memory_space<hbm>> -> memref<80x128xi32, #tpu.memory_space<hbm>>
      %dma_start3A_19 = arith.constant 0 : i32
      %dma_start3A_20 = tpu.memref_slice %arg2[%mul3A_4, %dma_start3A_19] : memref<2560x128xi32, #tpu.memory_space<hbm>> -> memref<80x128xi32, #tpu.memory_space<hbm>>
      tpu.enqueue_dma source(%dma_start3A_20 : memref<80x128xi32, #tpu.memory_space<hbm>>) target(%arg7 : memref<80x128xi32, #tpu.memory_space<vmem>>) target_semaphore(%run_scoped3A : memref<!tpu.dma_semaphore, #tpu.memory_space<semaphore_mem>>)
      %dma_wait3A = arith.constant 0 : i32
      %dma_wait3A_21 = tpu.memref_slice %arg2[%mul3A_4, %dma_wait3A] : memref<2560x128xi32, #tpu.memory_space<hbm>> -> memref<80x128xi32, #tpu.memory_space<hbm>>
      %dma_wait3A_22 = arith.constant 0 : i32
      %dma_wait3A_23 = tpu.memref_slice %arg2[%mul3A_4, %dma_wait3A_22] : memref<2560x128xi32, #tpu.memory_space<hbm>> -> memref<80x128xi32, #tpu.memory_space<hbm>>
      tpu.wait_dma2 semaphore(%run_scoped3A : memref<!tpu.dma_semaphore, #tpu.memory_space<semaphore_mem>>) src(%dma_wait3A_23 : memref<80x128xi32, #tpu.memory_space<hbm>>) dst(%arg7 : memref<80x128xi32, #tpu.memory_space<vmem>>)
      tpu.yield
    }) : () -> ()
    "tpu.region"() ({
      %run_scoped3A = tpu.sem_alloc : memref<!tpu.dma_semaphore, #tpu.memory_space<semaphore_mem>>
      %dma_start3A = arith.constant 0 : i32
      %dma_start3A_18 = tpu.memref_slice %arg9[%mul3A_2, %dma_start3A] : memref<10240x128xf32, #tpu.memory_space<vmem_shared>> -> memref<640x128xf32, #tpu.memory_space<vmem_shared>>
      tpu.enqueue_dma source(%arg4 : memref<640x128xf32, #tpu.memory_space<hbm>>) target(%dma_start3A_18 : memref<640x128xf32, #tpu.memory_space<vmem_shared>>) target_semaphore(%run_scoped3A : memref<!tpu.dma_semaphore, #tpu.memory_space<semaphore_mem>>)
      %dma_wait3A = arith.constant 0 : i32
      %dma_wait3A_19 = tpu.memref_slice %arg9[%mul3A_2, %dma_wait3A] : memref<10240x128xf32, #tpu.memory_space<vmem_shared>> -> memref<640x128xf32, #tpu.memory_space<vmem_shared>>
      tpu.wait_dma2 semaphore(%run_scoped3A : memref<!tpu.dma_semaphore, #tpu.memory_space<semaphore_mem>>) src(%arg4 : memref<640x128xf32, #tpu.memory_space<hbm>>) dst(%dma_wait3A_19 : memref<640x128xf32, #tpu.memory_space<vmem_shared>>)
      tpu.yield
    }) : () -> ()
    %barrier3A = arith.constant 0 : index
    tpu.barrier barrier_id(%barrier3A)
    %scan3A = arith.constant 0 : i32
    %scan3A_5 = arith.constant 0 : i32
    %scan3A_6 = arith.constant 80 : i32
    %scan3A_7 = arith.addi %scan3A_5, %scan3A_6 : i32
    %scan3A_8 = arith.constant 1 : i32
    scf.for %scan3A_18 = %scan3A_5 to %scan3A_7 step %scan3A_8  : i32 {
      "tpu.region"() ({
        %run_scoped3A = tpu.sem_alloc : memref<!tpu.dma_semaphore, #tpu.memory_space<semaphore_mem>>
        %dma_start3A = arith.constant 0 : i32
        %dma_start3A_19 = tpu.memref_slice %arg7[%scan3A_18, %dma_start3A] : memref<80x128xi32, #tpu.memory_space<vmem>> -> memref<1x128xi32, #tpu.memory_space<vmem>>
        %dma_start3A_20 = tpu.memref_squeeze %dma_start3A_19 : memref<1x128xi32, #tpu.memory_space<vmem>> -> memref<128xi32, #tpu.memory_space<vmem>>
        %dma_start3A_21 = arith.constant 0 : i32
        %dma_start3A_22 = arith.constant 0 : i32
        %dma_start3A_23 = tpu.memref_slice %arg9[%dma_start3A_21, %dma_start3A_22] : memref<10240x128xf32, #tpu.memory_space<vmem_shared>> -> memref<10240x128xf32, #tpu.memory_space<vmem_shared>>
        tpu.enqueue_indirect_dma source(%arg8 : memref<128x128xf32, #tpu.memory_space<vmem>>) target(%dma_start3A_23 : memref<10240x128xf32, #tpu.memory_space<vmem_shared>>) offsets(%dma_start3A_20 : memref<128xi32, #tpu.memory_space<vmem>>) semaphore(%run_scoped3A : memref<!tpu.dma_semaphore, #tpu.memory_space<semaphore_mem>>) {add = true}
        %dma_wait3A = arith.constant 0 : i32
        %dma_wait3A_24 = tpu.memref_slice %arg7[%scan3A_18, %dma_wait3A] : memref<80x128xi32, #tpu.memory_space<vmem>> -> memref<1x128xi32, #tpu.memory_space<vmem>>
        %dma_wait3A_25 = tpu.memref_squeeze %dma_wait3A_24 : memref<1x128xi32, #tpu.memory_space<vmem>> -> memref<128xi32, #tpu.memory_space<vmem>>
        %dma_wait3A_26 = arith.constant 0 : i32
        %dma_wait3A_27 = arith.constant 0 : i32
        %dma_wait3A_28 = tpu.memref_slice %arg9[%dma_wait3A_26, %dma_wait3A_27] : memref<10240x128xf32, #tpu.memory_space<vmem_shared>> -> memref<10240x128xf32, #tpu.memory_space<vmem_shared>>
        tpu.wait_indirect_dma semaphore(%run_scoped3A : memref<!tpu.dma_semaphore, #tpu.memory_space<semaphore_mem>>) src(%arg8 : memref<128x128xf32, #tpu.memory_space<vmem>>) dst(%dma_wait3A_28 : memref<10240x128xf32, #tpu.memory_space<vmem_shared>>)
        tpu.yield
      }) : () -> ()
    }
    %scan3A_9 = arith.constant 80 : i32
    %barrier3A_10 = arith.constant 0 : index
    tpu.barrier barrier_id(%barrier3A_10)
    %eq3A = arith.constant 0 : i32
    %eq3A_11 = arith.cmpi eq, %arg0, %eq3A : i32
    %convert_element_type3A = arith.extui %eq3A_11 : i1 to i32
    %cond3A = arith.constant 0 : i32
    %cond3A_12 = arith.cmpi ne, %convert_element_type3A, %cond3A : i32
    scf.if %cond3A_12 {
      "tpu.region"() ({
        %run_scoped3A = tpu.sem_alloc : memref<!tpu.dma_semaphore, #tpu.memory_space<semaphore_mem>>
        %dma_start3A = arith.constant 0 : i32
        %dma_start3A_18 = tpu.memref_slice %arg5[%mul3A_2, %dma_start3A] : memref<10240x128xf32, #tpu.memory_space<hbm>> -> memref<640x128xf32, #tpu.memory_space<hbm>>
        %dma_start3A_19 = arith.constant 0 : i32
        %dma_start3A_20 = tpu.memref_slice %arg9[%mul3A_2, %dma_start3A_19] : memref<10240x128xf32, #tpu.memory_space<vmem_shared>> -> memref<640x128xf32, #tpu.memory_space<vmem_shared>>
        tpu.enqueue_dma source(%dma_start3A_20 : memref<640x128xf32, #tpu.memory_space<vmem_shared>>) target(%dma_start3A_18 : memref<640x128xf32, #tpu.memory_space<hbm>>) target_semaphore(%run_scoped3A : memref<!tpu.dma_semaphore, #tpu.memory_space<semaphore_mem>>)
        %dma_wait3A = arith.constant 0 : i32
        %dma_wait3A_21 = tpu.memref_slice %arg5[%mul3A_2, %dma_wait3A] : memref<10240x128xf32, #tpu.memory_space<hbm>> -> memref<640x128xf32, #tpu.memory_space<hbm>>
        %dma_wait3A_22 = arith.constant 0 : i32
        %dma_wait3A_23 = tpu.memref_slice %arg9[%mul3A_2, %dma_wait3A_22] : memref<10240x128xf32, #tpu.memory_space<vmem_shared>> -> memref<640x128xf32, #tpu.memory_space<vmem_shared>>
        tpu.wait_dma2 semaphore(%run_scoped3A : memref<!tpu.dma_semaphore, #tpu.memory_space<semaphore_mem>>) src(%dma_wait3A_23 : memref<640x128xf32, #tpu.memory_space<vmem_shared>>) dst(%dma_wait3A_21 : memref<640x128xf32, #tpu.memory_space<hbm>>)
        tpu.yield
      }) : () -> ()
    } else {
    }
    %eq3A_13 = arith.constant 1 : i32
    %eq3A_14 = arith.cmpi eq, %arg0, %eq3A_13 : i32
    %convert_element_type3A_15 = arith.extui %eq3A_14 : i1 to i32
    %cond3A_16 = arith.constant 0 : i32
    %cond3A_17 = arith.cmpi ne, %convert_element_type3A_15, %cond3A_16 : i32
    scf.if %cond3A_17 {
      "tpu.region"() ({
        %run_scoped3A = tpu.sem_alloc : memref<!tpu.dma_semaphore, #tpu.memory_space<semaphore_mem>>
        %dma_start3A = arith.constant 0 : i32
        %dma_start3A_18 = tpu.memref_slice %arg6[%mul3A_2, %dma_start3A] : memref<10240x128xf32, #tpu.memory_space<hbm>> -> memref<640x128xf32, #tpu.memory_space<hbm>>
        %dma_start3A_19 = arith.constant 0 : i32
        %dma_start3A_20 = tpu.memref_slice %arg9[%mul3A_2, %dma_start3A_19] : memref<10240x128xf32, #tpu.memory_space<vmem_shared>> -> memref<640x128xf32, #tpu.memory_space<vmem_shared>>
        tpu.enqueue_dma source(%dma_start3A_20 : memref<640x128xf32, #tpu.memory_space<vmem_shared>>) target(%dma_start3A_18 : memref<640x128xf32, #tpu.memory_space<hbm>>) target_semaphore(%run_scoped3A : memref<!tpu.dma_semaphore, #tpu.memory_space<semaphore_mem>>)
        %dma_wait3A = arith.constant 0 : i32
        %dma_wait3A_21 = tpu.memref_slice %arg6[%mul3A_2, %dma_wait3A] : memref<10240x128xf32, #tpu.memory_space<hbm>> -> memref<640x128xf32, #tpu.memory_space<hbm>>
        %dma_wait3A_22 = arith.constant 0 : i32
        %dma_wait3A_23 = tpu.memref_slice %arg9[%mul3A_2, %dma_wait3A_22] : memref<10240x128xf32, #tpu.memory_space<vmem_shared>> -> memref<640x128xf32, #tpu.memory_space<vmem_shared>>
        tpu.wait_dma2 semaphore(%run_scoped3A : memref<!tpu.dma_semaphore, #tpu.memory_space<semaphore_mem>>) src(%dma_wait3A_23 : memref<640x128xf32, #tpu.memory_space<vmem_shared>>) dst(%dma_wait3A_21 : memref<640x128xf32, #tpu.memory_space<hbm>>)
        tpu.yield
      }) : () -> ()
    } else {
    }
    return
  }
}

#map = affine_map<(d0, d1) -> (0, 0)>
#map1 = affine_map<(d0, d1) -> (0, 0, 0)>
module attributes {stable_mosaic.version = 14 : i64} {
  func.func @_agg_body(%arg0: i32, %arg1: i32, %arg2: memref<10240x128xf32, #tpu.memory_space<hbm>>, %arg3: memref<10240x128xf32, #tpu.memory_space<hbm>>, %arg4: memref<2560x2x128xi32, #tpu.memory_space<hbm>>, %arg5: memref<10240x128xf32, #tpu.memory_space<hbm>>, %arg6: memref<10240x128xf32, #tpu.memory_space<hbm>>, %arg7: memref<2x128xi32, #tpu.memory_space<vmem>>, %arg8: memref<2x128xi32, #tpu.memory_space<vmem>>, %arg9: memref<2x128xi32, #tpu.memory_space<vmem>>, %arg10: memref<2x128xi32, #tpu.memory_space<vmem>>, %arg11: memref<128x128xf32, #tpu.memory_space<vmem>>, %arg12: memref<128x128xf32, #tpu.memory_space<vmem>>, %arg13: memref<10240x128xf32, #tpu.memory_space<vmem_shared>>, %arg14: memref<!tpu.dma_semaphore, #tpu.memory_space<semaphore_mem>>, %arg15: memref<!tpu.dma_semaphore, #tpu.memory_space<semaphore_mem>>, %arg16: memref<!tpu.dma_semaphore, #tpu.memory_space<semaphore_mem>>, %arg17: memref<!tpu.dma_semaphore, #tpu.memory_space<semaphore_mem>>, %arg18: memref<!tpu.dma_semaphore, #tpu.memory_space<semaphore_mem>>, %arg19: memref<!tpu.dma_semaphore, #tpu.memory_space<semaphore_mem>>) attributes {dimension_semantics = [#tpu.dimension_semantics<core_parallel>, #tpu.dimension_semantics<subcore_parallel>], iteration_bounds = array<i64: 2, 16>, scalar_prefetch = 0 : i64, scratch_operands = 13 : i64, tpu.core_type = #tpu.core_type<sc_vector_subcore>, window_params = [{transform_indices = #map}, {transform_indices = #map}, {transform_indices = #map1}, {transform_indices = #map}, {transform_indices = #map}]} {
    %mul3A = arith.constant 640 : i32
    %mul3A_0 = arith.muli %arg1, %mul3A : i32
    %eq3A = arith.constant 0 : i32
    %eq3A_1 = arith.cmpi eq, %arg0, %eq3A : i32
    %convert_element_type3A = arith.extui %eq3A_1 : i1 to i32
    %cond3A = arith.constant 0 : i32
    %cond3A_2 = arith.cmpi ne, %convert_element_type3A, %cond3A : i32
    scf.if %cond3A_2 {
      "tpu.region"() ({
        %run_scoped3A = tpu.sem_alloc : memref<!tpu.dma_semaphore, #tpu.memory_space<semaphore_mem>>
        %dma_start3A_50 = arith.constant 0 : i32
        %dma_start3A_51 = tpu.memref_slice %arg13[%mul3A_0, %dma_start3A_50] : memref<10240x128xf32, #tpu.memory_space<vmem_shared>> -> memref<640x128xf32, #tpu.memory_space<vmem_shared>>
        %dma_start3A_52 = arith.constant 0 : i32
        %dma_start3A_53 = tpu.memref_slice %arg2[%mul3A_0, %dma_start3A_52] : memref<10240x128xf32, #tpu.memory_space<hbm>> -> memref<640x128xf32, #tpu.memory_space<hbm>>
        tpu.enqueue_dma source(%dma_start3A_53 : memref<640x128xf32, #tpu.memory_space<hbm>>) target(%dma_start3A_51 : memref<640x128xf32, #tpu.memory_space<vmem_shared>>) target_semaphore(%run_scoped3A : memref<!tpu.dma_semaphore, #tpu.memory_space<semaphore_mem>>)
        %dma_wait3A = arith.constant 0 : i32
        %dma_wait3A_54 = tpu.memref_slice %arg13[%mul3A_0, %dma_wait3A] : memref<10240x128xf32, #tpu.memory_space<vmem_shared>> -> memref<640x128xf32, #tpu.memory_space<vmem_shared>>
        %dma_wait3A_55 = arith.constant 0 : i32
        %dma_wait3A_56 = tpu.memref_slice %arg2[%mul3A_0, %dma_wait3A_55] : memref<10240x128xf32, #tpu.memory_space<hbm>> -> memref<640x128xf32, #tpu.memory_space<hbm>>
        tpu.wait_dma2 semaphore(%run_scoped3A : memref<!tpu.dma_semaphore, #tpu.memory_space<semaphore_mem>>) src(%dma_wait3A_56 : memref<640x128xf32, #tpu.memory_space<hbm>>) dst(%dma_wait3A_54 : memref<640x128xf32, #tpu.memory_space<vmem_shared>>)
        tpu.yield
      }) : () -> ()
      %barrier3A = arith.constant 0 : index
      tpu.barrier barrier_id(%barrier3A)
      %add3A = arith.constant 0 : i32
      %add3A_8 = arith.addi %add3A, %arg1 : i32
      "tpu.region"() ({
        %run_scoped3A = tpu.sem_alloc : memref<!tpu.dma_semaphore, #tpu.memory_space<semaphore_mem>>
        %dma_start3A_50 = arith.constant 0 : i32
        %dma_start3A_51 = arith.constant 0 : i32
        %dma_start3A_52 = tpu.memref_slice %arg4[%add3A_8, %dma_start3A_50, %dma_start3A_51] : memref<2560x2x128xi32, #tpu.memory_space<hbm>> -> memref<1x2x128xi32, #tpu.memory_space<hbm>>
        %dma_start3A_53 = tpu.memref_squeeze %dma_start3A_52 : memref<1x2x128xi32, #tpu.memory_space<hbm>> -> memref<2x128xi32, #tpu.memory_space<hbm>>
        %dma_start3A_54 = arith.constant 0 : i32
        %dma_start3A_55 = arith.constant 0 : i32
        %dma_start3A_56 = tpu.memref_slice %arg4[%add3A_8, %dma_start3A_54, %dma_start3A_55] : memref<2560x2x128xi32, #tpu.memory_space<hbm>> -> memref<1x2x128xi32, #tpu.memory_space<hbm>>
        %dma_start3A_57 = tpu.memref_squeeze %dma_start3A_56 : memref<1x2x128xi32, #tpu.memory_space<hbm>> -> memref<2x128xi32, #tpu.memory_space<hbm>>
        tpu.enqueue_dma source(%dma_start3A_57 : memref<2x128xi32, #tpu.memory_space<hbm>>) target(%arg7 : memref<2x128xi32, #tpu.memory_space<vmem>>) target_semaphore(%run_scoped3A : memref<!tpu.dma_semaphore, #tpu.memory_space<semaphore_mem>>)
        %dma_wait3A = arith.constant 0 : i32
        %dma_wait3A_58 = arith.constant 0 : i32
        %dma_wait3A_59 = tpu.memref_slice %arg4[%add3A_8, %dma_wait3A, %dma_wait3A_58] : memref<2560x2x128xi32, #tpu.memory_space<hbm>> -> memref<1x2x128xi32, #tpu.memory_space<hbm>>
        %dma_wait3A_60 = tpu.memref_squeeze %dma_wait3A_59 : memref<1x2x128xi32, #tpu.memory_space<hbm>> -> memref<2x128xi32, #tpu.memory_space<hbm>>
        %dma_wait3A_61 = arith.constant 0 : i32
        %dma_wait3A_62 = arith.constant 0 : i32
        %dma_wait3A_63 = tpu.memref_slice %arg4[%add3A_8, %dma_wait3A_61, %dma_wait3A_62] : memref<2560x2x128xi32, #tpu.memory_space<hbm>> -> memref<1x2x128xi32, #tpu.memory_space<hbm>>
        %dma_wait3A_64 = tpu.memref_squeeze %dma_wait3A_63 : memref<1x2x128xi32, #tpu.memory_space<hbm>> -> memref<2x128xi32, #tpu.memory_space<hbm>>
        tpu.wait_dma2 semaphore(%run_scoped3A : memref<!tpu.dma_semaphore, #tpu.memory_space<semaphore_mem>>) src(%dma_wait3A_64 : memref<2x128xi32, #tpu.memory_space<hbm>>) dst(%arg7 : memref<2x128xi32, #tpu.memory_space<vmem>>)
        tpu.yield
      }) : () -> ()
      %dma_start3A = arith.constant 0 : i32
      %dma_start3A_9 = arith.constant 0 : i32
      %dma_start3A_10 = tpu.memref_slice %arg7[%dma_start3A, %dma_start3A_9] : memref<2x128xi32, #tpu.memory_space<vmem>> -> memref<1x128xi32, #tpu.memory_space<vmem>>
      %dma_start3A_11 = tpu.memref_squeeze %dma_start3A_10 : memref<1x128xi32, #tpu.memory_space<vmem>> -> memref<128xi32, #tpu.memory_space<vmem>>
      %dma_start3A_12 = arith.constant 0 : i32
      %dma_start3A_13 = arith.constant 0 : i32
      %dma_start3A_14 = tpu.memref_slice %arg2[%dma_start3A_12, %dma_start3A_13] : memref<10240x128xf32, #tpu.memory_space<hbm>> -> memref<10240x128xf32, #tpu.memory_space<hbm>>
      tpu.enqueue_indirect_dma source(%dma_start3A_14 : memref<10240x128xf32, #tpu.memory_space<hbm>>) target(%arg11 : memref<128x128xf32, #tpu.memory_space<vmem>>) offsets(%dma_start3A_11 : memref<128xi32, #tpu.memory_space<vmem>>) semaphore(%arg14 : memref<!tpu.dma_semaphore, #tpu.memory_space<semaphore_mem>>)
      %add3A_15 = arith.constant 16 : i32
      %add3A_16 = arith.addi %add3A_15, %arg1 : i32
      "tpu.region"() ({
        %run_scoped3A = tpu.sem_alloc : memref<!tpu.dma_semaphore, #tpu.memory_space<semaphore_mem>>
        %dma_start3A_50 = arith.constant 0 : i32
        %dma_start3A_51 = arith.constant 0 : i32
        %dma_start3A_52 = tpu.memref_slice %arg4[%add3A_16, %dma_start3A_50, %dma_start3A_51] : memref<2560x2x128xi32, #tpu.memory_space<hbm>> -> memref<1x2x128xi32, #tpu.memory_space<hbm>>
        %dma_start3A_53 = tpu.memref_squeeze %dma_start3A_52 : memref<1x2x128xi32, #tpu.memory_space<hbm>> -> memref<2x128xi32, #tpu.memory_space<hbm>>
        %dma_start3A_54 = arith.constant 0 : i32
        %dma_start3A_55 = arith.constant 0 : i32
        %dma_start3A_56 = tpu.memref_slice %arg4[%add3A_16, %dma_start3A_54, %dma_start3A_55] : memref<2560x2x128xi32, #tpu.memory_space<hbm>> -> memref<1x2x128xi32, #tpu.memory_space<hbm>>
        %dma_start3A_57 = tpu.memref_squeeze %dma_start3A_56 : memref<1x2x128xi32, #tpu.memory_space<hbm>> -> memref<2x128xi32, #tpu.memory_space<hbm>>
        tpu.enqueue_dma source(%dma_start3A_57 : memref<2x128xi32, #tpu.memory_space<hbm>>) target(%arg9 : memref<2x128xi32, #tpu.memory_space<vmem>>) target_semaphore(%run_scoped3A : memref<!tpu.dma_semaphore, #tpu.memory_space<semaphore_mem>>)
        %dma_wait3A = arith.constant 0 : i32
        %dma_wait3A_58 = arith.constant 0 : i32
        %dma_wait3A_59 = tpu.memref_slice %arg4[%add3A_16, %dma_wait3A, %dma_wait3A_58] : memref<2560x2x128xi32, #tpu.memory_space<hbm>> -> memref<1x2x128xi32, #tpu.memory_space<hbm>>
        %dma_wait3A_60 = tpu.memref_squeeze %dma_wait3A_59 : memref<1x2x128xi32, #tpu.memory_space<hbm>> -> memref<2x128xi32, #tpu.memory_space<hbm>>
        %dma_wait3A_61 = arith.constant 0 : i32
        %dma_wait3A_62 = arith.constant 0 : i32
        %dma_wait3A_63 = tpu.memref_slice %arg4[%add3A_16, %dma_wait3A_61, %dma_wait3A_62] : memref<2560x2x128xi32, #tpu.memory_space<hbm>> -> memref<1x2x128xi32, #tpu.memory_space<hbm>>
        %dma_wait3A_64 = tpu.memref_squeeze %dma_wait3A_63 : memref<1x2x128xi32, #tpu.memory_space<hbm>> -> memref<2x128xi32, #tpu.memory_space<hbm>>
        tpu.wait_dma2 semaphore(%run_scoped3A : memref<!tpu.dma_semaphore, #tpu.memory_space<semaphore_mem>>) src(%dma_wait3A_64 : memref<2x128xi32, #tpu.memory_space<hbm>>) dst(%arg9 : memref<2x128xi32, #tpu.memory_space<vmem>>)
        tpu.yield
      }) : () -> ()
      %dma_start3A_17 = arith.constant 0 : i32
      %dma_start3A_18 = arith.constant 0 : i32
      %dma_start3A_19 = tpu.memref_slice %arg9[%dma_start3A_17, %dma_start3A_18] : memref<2x128xi32, #tpu.memory_space<vmem>> -> memref<1x128xi32, #tpu.memory_space<vmem>>
      %dma_start3A_20 = tpu.memref_squeeze %dma_start3A_19 : memref<1x128xi32, #tpu.memory_space<vmem>> -> memref<128xi32, #tpu.memory_space<vmem>>
      %dma_start3A_21 = arith.constant 0 : i32
      %dma_start3A_22 = arith.constant 0 : i32
      %dma_start3A_23 = tpu.memref_slice %arg2[%dma_start3A_21, %dma_start3A_22] : memref<10240x128xf32, #tpu.memory_space<hbm>> -> memref<10240x128xf32, #tpu.memory_space<hbm>>
      tpu.enqueue_indirect_dma source(%dma_start3A_23 : memref<10240x128xf32, #tpu.memory_space<hbm>>) target(%arg12 : memref<128x128xf32, #tpu.memory_space<vmem>>) offsets(%dma_start3A_20 : memref<128xi32, #tpu.memory_space<vmem>>) semaphore(%arg15 : memref<!tpu.dma_semaphore, #tpu.memory_space<semaphore_mem>>)
      %add3A_24 = arith.constant 32 : i32
      %add3A_25 = arith.addi %add3A_24, %arg1 : i32
      %dma_start3A_26 = arith.constant 0 : i32
      %dma_start3A_27 = arith.constant 0 : i32
      %dma_start3A_28 = tpu.memref_slice %arg4[%add3A_25, %dma_start3A_26, %dma_start3A_27] : memref<2560x2x128xi32, #tpu.memory_space<hbm>> -> memref<1x2x128xi32, #tpu.memory_space<hbm>>
      %dma_start3A_29 = tpu.memref_squeeze %dma_start3A_28 : memref<1x2x128xi32, #tpu.memory_space<hbm>> -> memref<2x128xi32, #tpu.memory_space<hbm>>
      %dma_start3A_30 = arith.constant 0 : i32
      %dma_start3A_31 = arith.constant 0 : i32
      %dma_start3A_32 = tpu.memref_slice %arg4[%add3A_25, %dma_start3A_30, %dma_start3A_31] : memref<2560x2x128xi32, #tpu.memory_space<hbm>> -> memref<1x2x128xi32, #tpu.memory_space<hbm>>
      %dma_start3A_33 = tpu.memref_squeeze %dma_start3A_32 : memref<1x2x128xi32, #tpu.memory_space<hbm>> -> memref<2x128xi32, #tpu.memory_space<hbm>>
      tpu.enqueue_dma source(%dma_start3A_33 : memref<2x128xi32, #tpu.memory_space<hbm>>) target(%arg8 : memref<2x128xi32, #tpu.memory_space<vmem>>) target_semaphore(%arg17 : memref<!tpu.dma_semaphore, #tpu.memory_space<semaphore_mem>>)
      %add3A_34 = arith.constant 48 : i32
      %add3A_35 = arith.addi %add3A_34, %arg1 : i32
      %dma_start3A_36 = arith.constant 0 : i32
      %dma_start3A_37 = arith.constant 0 : i32
      %dma_start3A_38 = tpu.memref_slice %arg4[%add3A_35, %dma_start3A_36, %dma_start3A_37] : memref<2560x2x128xi32, #tpu.memory_space<hbm>> -> memref<1x2x128xi32, #tpu.memory_space<hbm>>
      %dma_start3A_39 = tpu.memref_squeeze %dma_start3A_38 : memref<1x2x128xi32, #tpu.memory_space<hbm>> -> memref<2x128xi32, #tpu.memory_space<hbm>>
      %dma_start3A_40 = arith.constant 0 : i32
      %dma_start3A_41 = arith.constant 0 : i32
      %dma_start3A_42 = tpu.memref_slice %arg4[%add3A_35, %dma_start3A_40, %dma_start3A_41] : memref<2560x2x128xi32, #tpu.memory_space<hbm>> -> memref<1x2x128xi32, #tpu.memory_space<hbm>>
      %dma_start3A_43 = tpu.memref_squeeze %dma_start3A_42 : memref<1x2x128xi32, #tpu.memory_space<hbm>> -> memref<2x128xi32, #tpu.memory_space<hbm>>
      tpu.enqueue_dma source(%dma_start3A_43 : memref<2x128xi32, #tpu.memory_space<hbm>>) target(%arg10 : memref<2x128xi32, #tpu.memory_space<vmem>>) target_semaphore(%arg19 : memref<!tpu.dma_semaphore, #tpu.memory_space<semaphore_mem>>)
      %scan3A = arith.constant 0 : i32
      %scan3A_44 = arith.constant 0 : i32
      %scan3A_45 = arith.constant 40 : i32
      %scan3A_46 = arith.addi %scan3A_44, %scan3A_45 : i32
      %scan3A_47 = arith.constant 1 : i32
      scf.for %scan3A_50 = %scan3A_44 to %scan3A_46 step %scan3A_47  : i32 {
        %mul3A_51 = arith.constant 4 : i32
        %mul3A_52 = arith.muli %mul3A_51, %scan3A_50 : i32
        %add3A_53 = arith.constant 0 : i32
        %add3A_54 = arith.addi %mul3A_52, %add3A_53 : i32
        %add3A_55 = arith.constant 0 : i32
        %add3A_56 = arith.addi %add3A_54, %add3A_55 : i32
        %add3A_57 = arith.constant 2 : i32
        %add3A_58 = arith.addi %add3A_56, %add3A_57 : i32
        %add3A_59 = arith.constant 4 : i32
        %add3A_60 = arith.addi %add3A_56, %add3A_59 : i32
        %dma_wait3A = arith.constant 0 : i32
        %dma_wait3A_61 = arith.constant 0 : i32
        %dma_wait3A_62 = tpu.memref_slice %arg7[%dma_wait3A, %dma_wait3A_61] : memref<2x128xi32, #tpu.memory_space<vmem>> -> memref<1x128xi32, #tpu.memory_space<vmem>>
        %dma_wait3A_63 = tpu.memref_squeeze %dma_wait3A_62 : memref<1x128xi32, #tpu.memory_space<vmem>> -> memref<128xi32, #tpu.memory_space<vmem>>
        %dma_wait3A_64 = arith.constant 0 : i32
        %dma_wait3A_65 = arith.constant 0 : i32
        %dma_wait3A_66 = tpu.memref_slice %arg2[%dma_wait3A_64, %dma_wait3A_65] : memref<10240x128xf32, #tpu.memory_space<hbm>> -> memref<10240x128xf32, #tpu.memory_space<hbm>>
        tpu.wait_indirect_dma semaphore(%arg14 : memref<!tpu.dma_semaphore, #tpu.memory_space<semaphore_mem>>) src(%dma_wait3A_66 : memref<10240x128xf32, #tpu.memory_space<hbm>>) dst(%arg11 : memref<128x128xf32, #tpu.memory_space<vmem>>)
        %run_scoped3A = arith.constant 1 : i32
        "tpu.region"() ({
          %run_scoped3A_160 = tpu.sem_alloc : memref<!tpu.dma_semaphore, #tpu.memory_space<semaphore_mem>>
          %dma_start3A_161 = arith.constant 0 : i32
          %dma_start3A_162 = tpu.memref_slice %arg7[%run_scoped3A, %dma_start3A_161] : memref<2x128xi32, #tpu.memory_space<vmem>> -> memref<1x128xi32, #tpu.memory_space<vmem>>
          %dma_start3A_163 = tpu.memref_squeeze %dma_start3A_162 : memref<1x128xi32, #tpu.memory_space<vmem>> -> memref<128xi32, #tpu.memory_space<vmem>>
          %dma_start3A_164 = arith.constant 0 : i32
          %dma_start3A_165 = arith.constant 0 : i32
          %dma_start3A_166 = tpu.memref_slice %arg13[%dma_start3A_164, %dma_start3A_165] : memref<10240x128xf32, #tpu.memory_space<vmem_shared>> -> memref<10240x128xf32, #tpu.memory_space<vmem_shared>>
          tpu.enqueue_indirect_dma source(%arg11 : memref<128x128xf32, #tpu.memory_space<vmem>>) target(%dma_start3A_166 : memref<10240x128xf32, #tpu.memory_space<vmem_shared>>) offsets(%dma_start3A_163 : memref<128xi32, #tpu.memory_space<vmem>>) semaphore(%run_scoped3A_160 : memref<!tpu.dma_semaphore, #tpu.memory_space<semaphore_mem>>) {add = true}
          %dma_wait3A_167 = arith.constant 0 : i32
          %dma_wait3A_168 = tpu.memref_slice %arg7[%run_scoped3A, %dma_wait3A_167] : memref<2x128xi32, #tpu.memory_space<vmem>> -> memref<1x128xi32, #tpu.memory_space<vmem>>
          %dma_wait3A_169 = tpu.memref_squeeze %dma_wait3A_168 : memref<1x128xi32, #tpu.memory_space<vmem>> -> memref<128xi32, #tpu.memory_space<vmem>>
          %dma_wait3A_170 = arith.constant 0 : i32
          %dma_wait3A_171 = arith.constant 0 : i32
          %dma_wait3A_172 = tpu.memref_slice %arg13[%dma_wait3A_170, %dma_wait3A_171] : memref<10240x128xf32, #tpu.memory_space<vmem_shared>> -> memref<10240x128xf32, #tpu.memory_space<vmem_shared>>
          tpu.wait_indirect_dma semaphore(%run_scoped3A_160 : memref<!tpu.dma_semaphore, #tpu.memory_space<semaphore_mem>>) src(%arg11 : memref<128x128xf32, #tpu.memory_space<vmem>>) dst(%dma_wait3A_172 : memref<10240x128xf32, #tpu.memory_space<vmem_shared>>)
          tpu.yield
        }) : () -> ()
        %lt3A = arith.constant 160 : i32
        %lt3A_67 = arith.cmpi slt, %add3A_60, %lt3A : i32
        %convert_element_type3A_68 = arith.extui %lt3A_67 : i1 to i32
        %cond3A_69 = arith.constant 0 : i32
        %cond3A_70 = arith.cmpi ne, %convert_element_type3A_68, %cond3A_69 : i32
        scf.if %cond3A_70 {
          %mul3A_160 = arith.constant 16 : i32
          %mul3A_161 = arith.muli %add3A_60, %mul3A_160 : i32
          %add3A_162 = arith.addi %mul3A_161, %arg1 : i32
          %dma_start3A_163 = arith.constant 0 : i32
          %dma_start3A_164 = arith.constant 0 : i32
          %dma_start3A_165 = tpu.memref_slice %arg4[%add3A_162, %dma_start3A_163, %dma_start3A_164] : memref<2560x2x128xi32, #tpu.memory_space<hbm>> -> memref<1x2x128xi32, #tpu.memory_space<hbm>>
          %dma_start3A_166 = tpu.memref_squeeze %dma_start3A_165 : memref<1x2x128xi32, #tpu.memory_space<hbm>> -> memref<2x128xi32, #tpu.memory_space<hbm>>
          %dma_start3A_167 = arith.constant 0 : i32
          %dma_start3A_168 = arith.constant 0 : i32
          %dma_start3A_169 = tpu.memref_slice %arg4[%add3A_162, %dma_start3A_167, %dma_start3A_168] : memref<2560x2x128xi32, #tpu.memory_space<hbm>> -> memref<1x2x128xi32, #tpu.memory_space<hbm>>
          %dma_start3A_170 = tpu.memref_squeeze %dma_start3A_169 : memref<1x2x128xi32, #tpu.memory_space<hbm>> -> memref<2x128xi32, #tpu.memory_space<hbm>>
          tpu.enqueue_dma source(%dma_start3A_170 : memref<2x128xi32, #tpu.memory_space<hbm>>) target(%arg7 : memref<2x128xi32, #tpu.memory_space<vmem>>) target_semaphore(%arg16 : memref<!tpu.dma_semaphore, #tpu.memory_space<semaphore_mem>>)
        } else {
        }
        %lt3A_71 = arith.constant 160 : i32
        %lt3A_72 = arith.cmpi slt, %add3A_58, %lt3A_71 : i32
        %convert_element_type3A_73 = arith.extui %lt3A_72 : i1 to i32
        %cond3A_74 = arith.constant 0 : i32
        %cond3A_75 = arith.cmpi ne, %convert_element_type3A_73, %cond3A_74 : i32
        scf.if %cond3A_75 {
          %mul3A_160 = arith.constant 16 : i32
          %mul3A_161 = arith.muli %add3A_58, %mul3A_160 : i32
          %add3A_162 = arith.addi %mul3A_161, %arg1 : i32
          %dma_wait3A_163 = arith.constant 0 : i32
          %dma_wait3A_164 = arith.constant 0 : i32
          %dma_wait3A_165 = tpu.memref_slice %arg4[%add3A_162, %dma_wait3A_163, %dma_wait3A_164] : memref<2560x2x128xi32, #tpu.memory_space<hbm>> -> memref<1x2x128xi32, #tpu.memory_space<hbm>>
          %dma_wait3A_166 = tpu.memref_squeeze %dma_wait3A_165 : memref<1x2x128xi32, #tpu.memory_space<hbm>> -> memref<2x128xi32, #tpu.memory_space<hbm>>
          %dma_wait3A_167 = arith.constant 0 : i32
          %dma_wait3A_168 = arith.constant 0 : i32
          %dma_wait3A_169 = tpu.memref_slice %arg4[%add3A_162, %dma_wait3A_167, %dma_wait3A_168] : memref<2560x2x128xi32, #tpu.memory_space<hbm>> -> memref<1x2x128xi32, #tpu.memory_space<hbm>>
          %dma_wait3A_170 = tpu.memref_squeeze %dma_wait3A_169 : memref<1x2x128xi32, #tpu.memory_space<hbm>> -> memref<2x128xi32, #tpu.memory_space<hbm>>
          tpu.wait_dma2 semaphore(%arg17 : memref<!tpu.dma_semaphore, #tpu.memory_space<semaphore_mem>>) src(%dma_wait3A_170 : memref<2x128xi32, #tpu.memory_space<hbm>>) dst(%arg8 : memref<2x128xi32, #tpu.memory_space<vmem>>)
          %dma_start3A_171 = arith.constant 0 : i32
          %dma_start3A_172 = arith.constant 0 : i32
          %dma_start3A_173 = tpu.memref_slice %arg8[%dma_start3A_171, %dma_start3A_172] : memref<2x128xi32, #tpu.memory_space<vmem>> -> memref<1x128xi32, #tpu.memory_space<vmem>>
          %dma_start3A_174 = tpu.memref_squeeze %dma_start3A_173 : memref<1x128xi32, #tpu.memory_space<vmem>> -> memref<128xi32, #tpu.memory_space<vmem>>
          %dma_start3A_175 = arith.constant 0 : i32
          %dma_start3A_176 = arith.constant 0 : i32
          %dma_start3A_177 = tpu.memref_slice %arg2[%dma_start3A_175, %dma_start3A_176] : memref<10240x128xf32, #tpu.memory_space<hbm>> -> memref<10240x128xf32, #tpu.memory_space<hbm>>
          tpu.enqueue_indirect_dma source(%dma_start3A_177 : memref<10240x128xf32, #tpu.memory_space<hbm>>) target(%arg11 : memref<128x128xf32, #tpu.memory_space<vmem>>) offsets(%dma_start3A_174 : memref<128xi32, #tpu.memory_space<vmem>>) semaphore(%arg14 : memref<!tpu.dma_semaphore, #tpu.memory_space<semaphore_mem>>)
        } else {
        }
        %mul3A_76 = arith.constant 4 : i32
        %mul3A_77 = arith.muli %mul3A_76, %scan3A_50 : i32
        %add3A_78 = arith.constant 0 : i32
        %add3A_79 = arith.addi %mul3A_77, %add3A_78 : i32
        %add3A_80 = arith.constant 1 : i32
        %add3A_81 = arith.addi %add3A_79, %add3A_80 : i32
        %add3A_82 = arith.constant 2 : i32
        %add3A_83 = arith.addi %add3A_81, %add3A_82 : i32
        %add3A_84 = arith.constant 4 : i32
        %add3A_85 = arith.addi %add3A_81, %add3A_84 : i32
        %dma_wait3A_86 = arith.constant 0 : i32
        %dma_wait3A_87 = arith.constant 0 : i32
        %dma_wait3A_88 = tpu.memref_slice %arg9[%dma_wait3A_86, %dma_wait3A_87] : memref<2x128xi32, #tpu.memory_space<vmem>> -> memref<1x128xi32, #tpu.memory_space<vmem>>
        %dma_wait3A_89 = tpu.memref_squeeze %dma_wait3A_88 : memref<1x128xi32, #tpu.memory_space<vmem>> -> memref<128xi32, #tpu.memory_space<vmem>>
        %dma_wait3A_90 = arith.constant 0 : i32
        %dma_wait3A_91 = arith.constant 0 : i32
        %dma_wait3A_92 = tpu.memref_slice %arg2[%dma_wait3A_90, %dma_wait3A_91] : memref<10240x128xf32, #tpu.memory_space<hbm>> -> memref<10240x128xf32, #tpu.memory_space<hbm>>
        tpu.wait_indirect_dma semaphore(%arg15 : memref<!tpu.dma_semaphore, #tpu.memory_space<semaphore_mem>>) src(%dma_wait3A_92 : memref<10240x128xf32, #tpu.memory_space<hbm>>) dst(%arg12 : memref<128x128xf32, #tpu.memory_space<vmem>>)
        %run_scoped3A_93 = arith.constant 1 : i32
        "tpu.region"() ({
          %run_scoped3A_160 = tpu.sem_alloc : memref<!tpu.dma_semaphore, #tpu.memory_space<semaphore_mem>>
          %dma_start3A_161 = arith.constant 0 : i32
          %dma_start3A_162 = tpu.memref_slice %arg9[%run_scoped3A_93, %dma_start3A_161] : memref<2x128xi32, #tpu.memory_space<vmem>> -> memref<1x128xi32, #tpu.memory_space<vmem>>
          %dma_start3A_163 = tpu.memref_squeeze %dma_start3A_162 : memref<1x128xi32, #tpu.memory_space<vmem>> -> memref<128xi32, #tpu.memory_space<vmem>>
          %dma_start3A_164 = arith.constant 0 : i32
          %dma_start3A_165 = arith.constant 0 : i32
          %dma_start3A_166 = tpu.memref_slice %arg13[%dma_start3A_164, %dma_start3A_165] : memref<10240x128xf32, #tpu.memory_space<vmem_shared>> -> memref<10240x128xf32, #tpu.memory_space<vmem_shared>>
          tpu.enqueue_indirect_dma source(%arg12 : memref<128x128xf32, #tpu.memory_space<vmem>>) target(%dma_start3A_166 : memref<10240x128xf32, #tpu.memory_space<vmem_shared>>) offsets(%dma_start3A_163 : memref<128xi32, #tpu.memory_space<vmem>>) semaphore(%run_scoped3A_160 : memref<!tpu.dma_semaphore, #tpu.memory_space<semaphore_mem>>) {add = true}
          %dma_wait3A_167 = arith.constant 0 : i32
          %dma_wait3A_168 = tpu.memref_slice %arg9[%run_scoped3A_93, %dma_wait3A_167] : memref<2x128xi32, #tpu.memory_space<vmem>> -> memref<1x128xi32, #tpu.memory_space<vmem>>
          %dma_wait3A_169 = tpu.memref_squeeze %dma_wait3A_168 : memref<1x128xi32, #tpu.memory_space<vmem>> -> memref<128xi32, #tpu.memory_space<vmem>>
          %dma_wait3A_170 = arith.constant 0 : i32
          %dma_wait3A_171 = arith.constant 0 : i32
          %dma_wait3A_172 = tpu.memref_slice %arg13[%dma_wait3A_170, %dma_wait3A_171] : memref<10240x128xf32, #tpu.memory_space<vmem_shared>> -> memref<10240x128xf32, #tpu.memory_space<vmem_shared>>
          tpu.wait_indirect_dma semaphore(%run_scoped3A_160 : memref<!tpu.dma_semaphore, #tpu.memory_space<semaphore_mem>>) src(%arg12 : memref<128x128xf32, #tpu.memory_space<vmem>>) dst(%dma_wait3A_172 : memref<10240x128xf32, #tpu.memory_space<vmem_shared>>)
          tpu.yield
        }) : () -> ()
        %lt3A_94 = arith.constant 160 : i32
        %lt3A_95 = arith.cmpi slt, %add3A_85, %lt3A_94 : i32
        %convert_element_type3A_96 = arith.extui %lt3A_95 : i1 to i32
        %cond3A_97 = arith.constant 0 : i32
        %cond3A_98 = arith.cmpi ne, %convert_element_type3A_96, %cond3A_97 : i32
        scf.if %cond3A_98 {
          %mul3A_160 = arith.constant 16 : i32
          %mul3A_161 = arith.muli %add3A_85, %mul3A_160 : i32
          %add3A_162 = arith.addi %mul3A_161, %arg1 : i32
          %dma_start3A_163 = arith.constant 0 : i32
          %dma_start3A_164 = arith.constant 0 : i32
          %dma_start3A_165 = tpu.memref_slice %arg4[%add3A_162, %dma_start3A_163, %dma_start3A_164] : memref<2560x2x128xi32, #tpu.memory_space<hbm>> -> memref<1x2x128xi32, #tpu.memory_space<hbm>>
          %dma_start3A_166 = tpu.memref_squeeze %dma_start3A_165 : memref<1x2x128xi32, #tpu.memory_space<hbm>> -> memref<2x128xi32, #tpu.memory_space<hbm>>
          %dma_start3A_167 = arith.constant 0 : i32
          %dma_start3A_168 = arith.constant 0 : i32
          %dma_start3A_169 = tpu.memref_slice %arg4[%add3A_162, %dma_start3A_167, %dma_start3A_168] : memref<2560x2x128xi32, #tpu.memory_space<hbm>> -> memref<1x2x128xi32, #tpu.memory_space<hbm>>
          %dma_start3A_170 = tpu.memref_squeeze %dma_start3A_169 : memref<1x2x128xi32, #tpu.memory_space<hbm>> -> memref<2x128xi32, #tpu.memory_space<hbm>>
          tpu.enqueue_dma source(%dma_start3A_170 : memref<2x128xi32, #tpu.memory_space<hbm>>) target(%arg9 : memref<2x128xi32, #tpu.memory_space<vmem>>) target_semaphore(%arg18 : memref<!tpu.dma_semaphore, #tpu.memory_space<semaphore_mem>>)
        } else {
        }
        %lt3A_99 = arith.constant 160 : i32
        %lt3A_100 = arith.cmpi slt, %add3A_83, %lt3A_99 : i32
        %convert_element_type3A_101 = arith.extui %lt3A_100 : i1 to i32
        %cond3A_102 = arith.constant 0 : i32
        %cond3A_103 = arith.cmpi ne, %convert_element_type3A_101, %cond3A_102 : i32
        scf.if %cond3A_103 {
          %mul3A_160 = arith.constant 16 : i32
          %mul3A_161 = arith.muli %add3A_83, %mul3A_160 : i32
          %add3A_162 = arith.addi %mul3A_161, %arg1 : i32
          %dma_wait3A_163 = arith.constant 0 : i32
          %dma_wait3A_164 = arith.constant 0 : i32
          %dma_wait3A_165 = tpu.memref_slice %arg4[%add3A_162, %dma_wait3A_163, %dma_wait3A_164] : memref<2560x2x128xi32, #tpu.memory_space<hbm>> -> memref<1x2x128xi32, #tpu.memory_space<hbm>>
          %dma_wait3A_166 = tpu.memref_squeeze %dma_wait3A_165 : memref<1x2x128xi32, #tpu.memory_space<hbm>> -> memref<2x128xi32, #tpu.memory_space<hbm>>
          %dma_wait3A_167 = arith.constant 0 : i32
          %dma_wait3A_168 = arith.constant 0 : i32
          %dma_wait3A_169 = tpu.memref_slice %arg4[%add3A_162, %dma_wait3A_167, %dma_wait3A_168] : memref<2560x2x128xi32, #tpu.memory_space<hbm>> -> memref<1x2x128xi32, #tpu.memory_space<hbm>>
          %dma_wait3A_170 = tpu.memref_squeeze %dma_wait3A_169 : memref<1x2x128xi32, #tpu.memory_space<hbm>> -> memref<2x128xi32, #tpu.memory_space<hbm>>
          tpu.wait_dma2 semaphore(%arg19 : memref<!tpu.dma_semaphore, #tpu.memory_space<semaphore_mem>>) src(%dma_wait3A_170 : memref<2x128xi32, #tpu.memory_space<hbm>>) dst(%arg10 : memref<2x128xi32, #tpu.memory_space<vmem>>)
          %dma_start3A_171 = arith.constant 0 : i32
          %dma_start3A_172 = arith.constant 0 : i32
          %dma_start3A_173 = tpu.memref_slice %arg10[%dma_start3A_171, %dma_start3A_172] : memref<2x128xi32, #tpu.memory_space<vmem>> -> memref<1x128xi32, #tpu.memory_space<vmem>>
          %dma_start3A_174 = tpu.memref_squeeze %dma_start3A_173 : memref<1x128xi32, #tpu.memory_space<vmem>> -> memref<128xi32, #tpu.memory_space<vmem>>
          %dma_start3A_175 = arith.constant 0 : i32
          %dma_start3A_176 = arith.constant 0 : i32
          %dma_start3A_177 = tpu.memref_slice %arg2[%dma_start3A_175, %dma_start3A_176] : memref<10240x128xf32, #tpu.memory_space<hbm>> -> memref<10240x128xf32, #tpu.memory_space<hbm>>
          tpu.enqueue_indirect_dma source(%dma_start3A_177 : memref<10240x128xf32, #tpu.memory_space<hbm>>) target(%arg12 : memref<128x128xf32, #tpu.memory_space<vmem>>) offsets(%dma_start3A_174 : memref<128xi32, #tpu.memory_space<vmem>>) semaphore(%arg15 : memref<!tpu.dma_semaphore, #tpu.memory_space<semaphore_mem>>)
        } else {
        }
        %mul3A_104 = arith.constant 4 : i32
        %mul3A_105 = arith.muli %mul3A_104, %scan3A_50 : i32
        %add3A_106 = arith.constant 2 : i32
        %add3A_107 = arith.addi %mul3A_105, %add3A_106 : i32
        %add3A_108 = arith.constant 0 : i32
        %add3A_109 = arith.addi %add3A_107, %add3A_108 : i32
        %add3A_110 = arith.constant 2 : i32
        %add3A_111 = arith.addi %add3A_109, %add3A_110 : i32
        %add3A_112 = arith.constant 4 : i32
        %add3A_113 = arith.addi %add3A_109, %add3A_112 : i32
        %dma_wait3A_114 = arith.constant 0 : i32
        %dma_wait3A_115 = arith.constant 0 : i32
        %dma_wait3A_116 = tpu.memref_slice %arg8[%dma_wait3A_114, %dma_wait3A_115] : memref<2x128xi32, #tpu.memory_space<vmem>> -> memref<1x128xi32, #tpu.memory_space<vmem>>
        %dma_wait3A_117 = tpu.memref_squeeze %dma_wait3A_116 : memref<1x128xi32, #tpu.memory_space<vmem>> -> memref<128xi32, #tpu.memory_space<vmem>>
        %dma_wait3A_118 = arith.constant 0 : i32
        %dma_wait3A_119 = arith.constant 0 : i32
        %dma_wait3A_120 = tpu.memref_slice %arg2[%dma_wait3A_118, %dma_wait3A_119] : memref<10240x128xf32, #tpu.memory_space<hbm>> -> memref<10240x128xf32, #tpu.memory_space<hbm>>
        tpu.wait_indirect_dma semaphore(%arg14 : memref<!tpu.dma_semaphore, #tpu.memory_space<semaphore_mem>>) src(%dma_wait3A_120 : memref<10240x128xf32, #tpu.memory_space<hbm>>) dst(%arg11 : memref<128x128xf32, #tpu.memory_space<vmem>>)
        %run_scoped3A_121 = arith.constant 1 : i32
        "tpu.region"() ({
          %run_scoped3A_160 = tpu.sem_alloc : memref<!tpu.dma_semaphore, #tpu.memory_space<semaphore_mem>>
          %dma_start3A_161 = arith.constant 0 : i32
          %dma_start3A_162 = tpu.memref_slice %arg8[%run_scoped3A_121, %dma_start3A_161] : memref<2x128xi32, #tpu.memory_space<vmem>> -> memref<1x128xi32, #tpu.memory_space<vmem>>
          %dma_start3A_163 = tpu.memref_squeeze %dma_start3A_162 : memref<1x128xi32, #tpu.memory_space<vmem>> -> memref<128xi32, #tpu.memory_space<vmem>>
          %dma_start3A_164 = arith.constant 0 : i32
          %dma_start3A_165 = arith.constant 0 : i32
          %dma_start3A_166 = tpu.memref_slice %arg13[%dma_start3A_164, %dma_start3A_165] : memref<10240x128xf32, #tpu.memory_space<vmem_shared>> -> memref<10240x128xf32, #tpu.memory_space<vmem_shared>>
          tpu.enqueue_indirect_dma source(%arg11 : memref<128x128xf32, #tpu.memory_space<vmem>>) target(%dma_start3A_166 : memref<10240x128xf32, #tpu.memory_space<vmem_shared>>) offsets(%dma_start3A_163 : memref<128xi32, #tpu.memory_space<vmem>>) semaphore(%run_scoped3A_160 : memref<!tpu.dma_semaphore, #tpu.memory_space<semaphore_mem>>) {add = true}
          %dma_wait3A_167 = arith.constant 0 : i32
          %dma_wait3A_168 = tpu.memref_slice %arg8[%run_scoped3A_121, %dma_wait3A_167] : memref<2x128xi32, #tpu.memory_space<vmem>> -> memref<1x128xi32, #tpu.memory_space<vmem>>
          %dma_wait3A_169 = tpu.memref_squeeze %dma_wait3A_168 : memref<1x128xi32, #tpu.memory_space<vmem>> -> memref<128xi32, #tpu.memory_space<vmem>>
          %dma_wait3A_170 = arith.constant 0 : i32
          %dma_wait3A_171 = arith.constant 0 : i32
          %dma_wait3A_172 = tpu.memref_slice %arg13[%dma_wait3A_170, %dma_wait3A_171] : memref<10240x128xf32, #tpu.memory_space<vmem_shared>> -> memref<10240x128xf32, #tpu.memory_space<vmem_shared>>
          tpu.wait_indirect_dma semaphore(%run_scoped3A_160 : memref<!tpu.dma_semaphore, #tpu.memory_space<semaphore_mem>>) src(%arg11 : memref<128x128xf32, #tpu.memory_space<vmem>>) dst(%dma_wait3A_172 : memref<10240x128xf32, #tpu.memory_space<vmem_shared>>)
          tpu.yield
        }) : () -> ()
        %lt3A_122 = arith.constant 160 : i32
        %lt3A_123 = arith.cmpi slt, %add3A_113, %lt3A_122 : i32
        %convert_element_type3A_124 = arith.extui %lt3A_123 : i1 to i32
        %cond3A_125 = arith.constant 0 : i32
        %cond3A_126 = arith.cmpi ne, %convert_element_type3A_124, %cond3A_125 : i32
        scf.if %cond3A_126 {
          %mul3A_160 = arith.constant 16 : i32
          %mul3A_161 = arith.muli %add3A_113, %mul3A_160 : i32
          %add3A_162 = arith.addi %mul3A_161, %arg1 : i32
          %dma_start3A_163 = arith.constant 0 : i32
          %dma_start3A_164 = arith.constant 0 : i32
          %dma_start3A_165 = tpu.memref_slice %arg4[%add3A_162, %dma_start3A_163, %dma_start3A_164] : memref<2560x2x128xi32, #tpu.memory_space<hbm>> -> memref<1x2x128xi32, #tpu.memory_space<hbm>>
          %dma_start3A_166 = tpu.memref_squeeze %dma_start3A_165 : memref<1x2x128xi32, #tpu.memory_space<hbm>> -> memref<2x128xi32, #tpu.memory_space<hbm>>
          %dma_start3A_167 = arith.constant 0 : i32
          %dma_start3A_168 = arith.constant 0 : i32
          %dma_start3A_169 = tpu.memref_slice %arg4[%add3A_162, %dma_start3A_167, %dma_start3A_168] : memref<2560x2x128xi32, #tpu.memory_space<hbm>> -> memref<1x2x128xi32, #tpu.memory_space<hbm>>
          %dma_start3A_170 = tpu.memref_squeeze %dma_start3A_169 : memref<1x2x128xi32, #tpu.memory_space<hbm>> -> memref<2x128xi32, #tpu.memory_space<hbm>>
          tpu.enqueue_dma source(%dma_start3A_170 : memref<2x128xi32, #tpu.memory_space<hbm>>) target(%arg8 : memref<2x128xi32, #tpu.memory_space<vmem>>) target_semaphore(%arg17 : memref<!tpu.dma_semaphore, #tpu.memory_space<semaphore_mem>>)
        } else {
        }
        %lt3A_127 = arith.constant 160 : i32
        %lt3A_128 = arith.cmpi slt, %add3A_111, %lt3A_127 : i32
        %convert_element_type3A_129 = arith.extui %lt3A_128 : i1 to i32
        %cond3A_130 = arith.constant 0 : i32
        %cond3A_131 = arith.cmpi ne, %convert_element_type3A_129, %cond3A_130 : i32
        scf.if %cond3A_131 {
          %mul3A_160 = arith.constant 16 : i32
          %mul3A_161 = arith.muli %add3A_111, %mul3A_160 : i32
          %add3A_162 = arith.addi %mul3A_161, %arg1 : i32
          %dma_wait3A_163 = arith.constant 0 : i32
          %dma_wait3A_164 = arith.constant 0 : i32
          %dma_wait3A_165 = tpu.memref_slice %arg4[%add3A_162, %dma_wait3A_163, %dma_wait3A_164] : memref<2560x2x128xi32, #tpu.memory_space<hbm>> -> memref<1x2x128xi32, #tpu.memory_space<hbm>>
          %dma_wait3A_166 = tpu.memref_squeeze %dma_wait3A_165 : memref<1x2x128xi32, #tpu.memory_space<hbm>> -> memref<2x128xi32, #tpu.memory_space<hbm>>
          %dma_wait3A_167 = arith.constant 0 : i32
          %dma_wait3A_168 = arith.constant 0 : i32
          %dma_wait3A_169 = tpu.memref_slice %arg4[%add3A_162, %dma_wait3A_167, %dma_wait3A_168] : memref<2560x2x128xi32, #tpu.memory_space<hbm>> -> memref<1x2x128xi32, #tpu.memory_space<hbm>>
          %dma_wait3A_170 = tpu.memref_squeeze %dma_wait3A_169 : memref<1x2x128xi32, #tpu.memory_space<hbm>> -> memref<2x128xi32, #tpu.memory_space<hbm>>
          tpu.wait_dma2 semaphore(%arg16 : memref<!tpu.dma_semaphore, #tpu.memory_space<semaphore_mem>>) src(%dma_wait3A_170 : memref<2x128xi32, #tpu.memory_space<hbm>>) dst(%arg7 : memref<2x128xi32, #tpu.memory_space<vmem>>)
          %dma_start3A_171 = arith.constant 0 : i32
          %dma_start3A_172 = arith.constant 0 : i32
          %dma_start3A_173 = tpu.memref_slice %arg7[%dma_start3A_171, %dma_start3A_172] : memref<2x128xi32, #tpu.memory_space<vmem>> -> memref<1x128xi32, #tpu.memory_space<vmem>>
          %dma_start3A_174 = tpu.memref_squeeze %dma_start3A_173 : memref<1x128xi32, #tpu.memory_space<vmem>> -> memref<128xi32, #tpu.memory_space<vmem>>
          %dma_start3A_175 = arith.constant 0 : i32
          %dma_start3A_176 = arith.constant 0 : i32
          %dma_start3A_177 = tpu.memref_slice %arg2[%dma_start3A_175, %dma_start3A_176] : memref<10240x128xf32, #tpu.memory_space<hbm>> -> memref<10240x128xf32, #tpu.memory_space<hbm>>
          tpu.enqueue_indirect_dma source(%dma_start3A_177 : memref<10240x128xf32, #tpu.memory_space<hbm>>) target(%arg11 : memref<128x128xf32, #tpu.memory_space<vmem>>) offsets(%dma_start3A_174 : memref<128xi32, #tpu.memory_space<vmem>>) semaphore(%arg14 : memref<!tpu.dma_semaphore, #tpu.memory_space<semaphore_mem>>)
        } else {
        }
        %mul3A_132 = arith.constant 4 : i32
        %mul3A_133 = arith.muli %mul3A_132, %scan3A_50 : i32
        %add3A_134 = arith.constant 2 : i32
        %add3A_135 = arith.addi %mul3A_133, %add3A_134 : i32
        %add3A_136 = arith.constant 1 : i32
        %add3A_137 = arith.addi %add3A_135, %add3A_136 : i32
        %add3A_138 = arith.constant 2 : i32
        %add3A_139 = arith.addi %add3A_137, %add3A_138 : i32
        %add3A_140 = arith.constant 4 : i32
        %add3A_141 = arith.addi %add3A_137, %add3A_140 : i32
        %dma_wait3A_142 = arith.constant 0 : i32
        %dma_wait3A_143 = arith.constant 0 : i32
        %dma_wait3A_144 = tpu.memref_slice %arg10[%dma_wait3A_142, %dma_wait3A_143] : memref<2x128xi32, #tpu.memory_space<vmem>> -> memref<1x128xi32, #tpu.memory_space<vmem>>
        %dma_wait3A_145 = tpu.memref_squeeze %dma_wait3A_144 : memref<1x128xi32, #tpu.memory_space<vmem>> -> memref<128xi32, #tpu.memory_space<vmem>>
        %dma_wait3A_146 = arith.constant 0 : i32
        %dma_wait3A_147 = arith.constant 0 : i32
        %dma_wait3A_148 = tpu.memref_slice %arg2[%dma_wait3A_146, %dma_wait3A_147] : memref<10240x128xf32, #tpu.memory_space<hbm>> -> memref<10240x128xf32, #tpu.memory_space<hbm>>
        tpu.wait_indirect_dma semaphore(%arg15 : memref<!tpu.dma_semaphore, #tpu.memory_space<semaphore_mem>>) src(%dma_wait3A_148 : memref<10240x128xf32, #tpu.memory_space<hbm>>) dst(%arg12 : memref<128x128xf32, #tpu.memory_space<vmem>>)
        %run_scoped3A_149 = arith.constant 1 : i32
        "tpu.region"() ({
          %run_scoped3A_160 = tpu.sem_alloc : memref<!tpu.dma_semaphore, #tpu.memory_space<semaphore_mem>>
          %dma_start3A_161 = arith.constant 0 : i32
          %dma_start3A_162 = tpu.memref_slice %arg10[%run_scoped3A_149, %dma_start3A_161] : memref<2x128xi32, #tpu.memory_space<vmem>> -> memref<1x128xi32, #tpu.memory_space<vmem>>
          %dma_start3A_163 = tpu.memref_squeeze %dma_start3A_162 : memref<1x128xi32, #tpu.memory_space<vmem>> -> memref<128xi32, #tpu.memory_space<vmem>>
          %dma_start3A_164 = arith.constant 0 : i32
          %dma_start3A_165 = arith.constant 0 : i32
          %dma_start3A_166 = tpu.memref_slice %arg13[%dma_start3A_164, %dma_start3A_165] : memref<10240x128xf32, #tpu.memory_space<vmem_shared>> -> memref<10240x128xf32, #tpu.memory_space<vmem_shared>>
          tpu.enqueue_indirect_dma source(%arg12 : memref<128x128xf32, #tpu.memory_space<vmem>>) target(%dma_start3A_166 : memref<10240x128xf32, #tpu.memory_space<vmem_shared>>) offsets(%dma_start3A_163 : memref<128xi32, #tpu.memory_space<vmem>>) semaphore(%run_scoped3A_160 : memref<!tpu.dma_semaphore, #tpu.memory_space<semaphore_mem>>) {add = true}
          %dma_wait3A_167 = arith.constant 0 : i32
          %dma_wait3A_168 = tpu.memref_slice %arg10[%run_scoped3A_149, %dma_wait3A_167] : memref<2x128xi32, #tpu.memory_space<vmem>> -> memref<1x128xi32, #tpu.memory_space<vmem>>
          %dma_wait3A_169 = tpu.memref_squeeze %dma_wait3A_168 : memref<1x128xi32, #tpu.memory_space<vmem>> -> memref<128xi32, #tpu.memory_space<vmem>>
          %dma_wait3A_170 = arith.constant 0 : i32
          %dma_wait3A_171 = arith.constant 0 : i32
          %dma_wait3A_172 = tpu.memref_slice %arg13[%dma_wait3A_170, %dma_wait3A_171] : memref<10240x128xf32, #tpu.memory_space<vmem_shared>> -> memref<10240x128xf32, #tpu.memory_space<vmem_shared>>
          tpu.wait_indirect_dma semaphore(%run_scoped3A_160 : memref<!tpu.dma_semaphore, #tpu.memory_space<semaphore_mem>>) src(%arg12 : memref<128x128xf32, #tpu.memory_space<vmem>>) dst(%dma_wait3A_172 : memref<10240x128xf32, #tpu.memory_space<vmem_shared>>)
          tpu.yield
        }) : () -> ()
        %lt3A_150 = arith.constant 160 : i32
        %lt3A_151 = arith.cmpi slt, %add3A_141, %lt3A_150 : i32
        %convert_element_type3A_152 = arith.extui %lt3A_151 : i1 to i32
        %cond3A_153 = arith.constant 0 : i32
        %cond3A_154 = arith.cmpi ne, %convert_element_type3A_152, %cond3A_153 : i32
        scf.if %cond3A_154 {
          %mul3A_160 = arith.constant 16 : i32
          %mul3A_161 = arith.muli %add3A_141, %mul3A_160 : i32
          %add3A_162 = arith.addi %mul3A_161, %arg1 : i32
          %dma_start3A_163 = arith.constant 0 : i32
          %dma_start3A_164 = arith.constant 0 : i32
          %dma_start3A_165 = tpu.memref_slice %arg4[%add3A_162, %dma_start3A_163, %dma_start3A_164] : memref<2560x2x128xi32, #tpu.memory_space<hbm>> -> memref<1x2x128xi32, #tpu.memory_space<hbm>>
          %dma_start3A_166 = tpu.memref_squeeze %dma_start3A_165 : memref<1x2x128xi32, #tpu.memory_space<hbm>> -> memref<2x128xi32, #tpu.memory_space<hbm>>
          %dma_start3A_167 = arith.constant 0 : i32
          %dma_start3A_168 = arith.constant 0 : i32
          %dma_start3A_169 = tpu.memref_slice %arg4[%add3A_162, %dma_start3A_167, %dma_start3A_168] : memref<2560x2x128xi32, #tpu.memory_space<hbm>> -> memref<1x2x128xi32, #tpu.memory_space<hbm>>
          %dma_start3A_170 = tpu.memref_squeeze %dma_start3A_169 : memref<1x2x128xi32, #tpu.memory_space<hbm>> -> memref<2x128xi32, #tpu.memory_space<hbm>>
          tpu.enqueue_dma source(%dma_start3A_170 : memref<2x128xi32, #tpu.memory_space<hbm>>) target(%arg10 : memref<2x128xi32, #tpu.memory_space<vmem>>) target_semaphore(%arg19 : memref<!tpu.dma_semaphore, #tpu.memory_space<semaphore_mem>>)
        } else {
        }
        %lt3A_155 = arith.constant 160 : i32
        %lt3A_156 = arith.cmpi slt, %add3A_139, %lt3A_155 : i32
        %convert_element_type3A_157 = arith.extui %lt3A_156 : i1 to i32
        %cond3A_158 = arith.constant 0 : i32
        %cond3A_159 = arith.cmpi ne, %convert_element_type3A_157, %cond3A_158 : i32
        scf.if %cond3A_159 {
          %mul3A_160 = arith.constant 16 : i32
          %mul3A_161 = arith.muli %add3A_139, %mul3A_160 : i32
          %add3A_162 = arith.addi %mul3A_161, %arg1 : i32
          %dma_wait3A_163 = arith.constant 0 : i32
          %dma_wait3A_164 = arith.constant 0 : i32
          %dma_wait3A_165 = tpu.memref_slice %arg4[%add3A_162, %dma_wait3A_163, %dma_wait3A_164] : memref<2560x2x128xi32, #tpu.memory_space<hbm>> -> memref<1x2x128xi32, #tpu.memory_space<hbm>>
          %dma_wait3A_166 = tpu.memref_squeeze %dma_wait3A_165 : memref<1x2x128xi32, #tpu.memory_space<hbm>> -> memref<2x128xi32, #tpu.memory_space<hbm>>
          %dma_wait3A_167 = arith.constant 0 : i32
          %dma_wait3A_168 = arith.constant 0 : i32
          %dma_wait3A_169 = tpu.memref_slice %arg4[%add3A_162, %dma_wait3A_167, %dma_wait3A_168] : memref<2560x2x128xi32, #tpu.memory_space<hbm>> -> memref<1x2x128xi32, #tpu.memory_space<hbm>>
          %dma_wait3A_170 = tpu.memref_squeeze %dma_wait3A_169 : memref<1x2x128xi32, #tpu.memory_space<hbm>> -> memref<2x128xi32, #tpu.memory_space<hbm>>
          tpu.wait_dma2 semaphore(%arg18 : memref<!tpu.dma_semaphore, #tpu.memory_space<semaphore_mem>>) src(%dma_wait3A_170 : memref<2x128xi32, #tpu.memory_space<hbm>>) dst(%arg9 : memref<2x128xi32, #tpu.memory_space<vmem>>)
          %dma_start3A_171 = arith.constant 0 : i32
          %dma_start3A_172 = arith.constant 0 : i32
          %dma_start3A_173 = tpu.memref_slice %arg9[%dma_start3A_171, %dma_start3A_172] : memref<2x128xi32, #tpu.memory_space<vmem>> -> memref<1x128xi32, #tpu.memory_space<vmem>>
          %dma_start3A_174 = tpu.memref_squeeze %dma_start3A_173 : memref<1x128xi32, #tpu.memory_space<vmem>> -> memref<128xi32, #tpu.memory_space<vmem>>
          %dma_start3A_175 = arith.constant 0 : i32
          %dma_start3A_176 = arith.constant 0 : i32
          %dma_start3A_177 = tpu.memref_slice %arg2[%dma_start3A_175, %dma_start3A_176] : memref<10240x128xf32, #tpu.memory_space<hbm>> -> memref<10240x128xf32, #tpu.memory_space<hbm>>
          tpu.enqueue_indirect_dma source(%dma_start3A_177 : memref<10240x128xf32, #tpu.memory_space<hbm>>) target(%arg12 : memref<128x128xf32, #tpu.memory_space<vmem>>) offsets(%dma_start3A_174 : memref<128xi32, #tpu.memory_space<vmem>>) semaphore(%arg15 : memref<!tpu.dma_semaphore, #tpu.memory_space<semaphore_mem>>)
        } else {
        }
      }
      %scan3A_48 = arith.constant 40 : i32
      %barrier3A_49 = arith.constant 0 : index
      tpu.barrier barrier_id(%barrier3A_49)
      "tpu.region"() ({
        %run_scoped3A = tpu.sem_alloc : memref<!tpu.dma_semaphore, #tpu.memory_space<semaphore_mem>>
        %dma_start3A_50 = arith.constant 0 : i32
        %dma_start3A_51 = tpu.memref_slice %arg5[%mul3A_0, %dma_start3A_50] : memref<10240x128xf32, #tpu.memory_space<hbm>> -> memref<640x128xf32, #tpu.memory_space<hbm>>
        %dma_start3A_52 = arith.constant 0 : i32
        %dma_start3A_53 = tpu.memref_slice %arg13[%mul3A_0, %dma_start3A_52] : memref<10240x128xf32, #tpu.memory_space<vmem_shared>> -> memref<640x128xf32, #tpu.memory_space<vmem_shared>>
        tpu.enqueue_dma source(%dma_start3A_53 : memref<640x128xf32, #tpu.memory_space<vmem_shared>>) target(%dma_start3A_51 : memref<640x128xf32, #tpu.memory_space<hbm>>) target_semaphore(%run_scoped3A : memref<!tpu.dma_semaphore, #tpu.memory_space<semaphore_mem>>)
        %dma_wait3A = arith.constant 0 : i32
        %dma_wait3A_54 = tpu.memref_slice %arg5[%mul3A_0, %dma_wait3A] : memref<10240x128xf32, #tpu.memory_space<hbm>> -> memref<640x128xf32, #tpu.memory_space<hbm>>
        %dma_wait3A_55 = arith.constant 0 : i32
        %dma_wait3A_56 = tpu.memref_slice %arg13[%mul3A_0, %dma_wait3A_55] : memref<10240x128xf32, #tpu.memory_space<vmem_shared>> -> memref<640x128xf32, #tpu.memory_space<vmem_shared>>
        tpu.wait_dma2 semaphore(%run_scoped3A : memref<!tpu.dma_semaphore, #tpu.memory_space<semaphore_mem>>) src(%dma_wait3A_56 : memref<640x128xf32, #tpu.memory_space<vmem_shared>>) dst(%dma_wait3A_54 : memref<640x128xf32, #tpu.memory_space<hbm>>)
        tpu.yield
      }) : () -> ()
    } else {
    }
    %eq3A_3 = arith.constant 1 : i32
    %eq3A_4 = arith.cmpi eq, %arg0, %eq3A_3 : i32
    %convert_element_type3A_5 = arith.extui %eq3A_4 : i1 to i32
    %cond3A_6 = arith.constant 0 : i32
    %cond3A_7 = arith.cmpi ne, %convert_element_type3A_5, %cond3A_6 : i32
    scf.if %cond3A_7 {
      "tpu.region"() ({
        %run_scoped3A = tpu.sem_alloc : memref<!tpu.dma_semaphore, #tpu.memory_space<semaphore_mem>>
        %dma_start3A_50 = arith.constant 0 : i32
        %dma_start3A_51 = tpu.memref_slice %arg13[%mul3A_0, %dma_start3A_50] : memref<10240x128xf32, #tpu.memory_space<vmem_shared>> -> memref<640x128xf32, #tpu.memory_space<vmem_shared>>
        %dma_start3A_52 = arith.constant 0 : i32
        %dma_start3A_53 = tpu.memref_slice %arg3[%mul3A_0, %dma_start3A_52] : memref<10240x128xf32, #tpu.memory_space<hbm>> -> memref<640x128xf32, #tpu.memory_space<hbm>>
        tpu.enqueue_dma source(%dma_start3A_53 : memref<640x128xf32, #tpu.memory_space<hbm>>) target(%dma_start3A_51 : memref<640x128xf32, #tpu.memory_space<vmem_shared>>) target_semaphore(%run_scoped3A : memref<!tpu.dma_semaphore, #tpu.memory_space<semaphore_mem>>)
        %dma_wait3A = arith.constant 0 : i32
        %dma_wait3A_54 = tpu.memref_slice %arg13[%mul3A_0, %dma_wait3A] : memref<10240x128xf32, #tpu.memory_space<vmem_shared>> -> memref<640x128xf32, #tpu.memory_space<vmem_shared>>
        %dma_wait3A_55 = arith.constant 0 : i32
        %dma_wait3A_56 = tpu.memref_slice %arg3[%mul3A_0, %dma_wait3A_55] : memref<10240x128xf32, #tpu.memory_space<hbm>> -> memref<640x128xf32, #tpu.memory_space<hbm>>
        tpu.wait_dma2 semaphore(%run_scoped3A : memref<!tpu.dma_semaphore, #tpu.memory_space<semaphore_mem>>) src(%dma_wait3A_56 : memref<640x128xf32, #tpu.memory_space<hbm>>) dst(%dma_wait3A_54 : memref<640x128xf32, #tpu.memory_space<vmem_shared>>)
        tpu.yield
      }) : () -> ()
      %barrier3A = arith.constant 0 : index
      tpu.barrier barrier_id(%barrier3A)
      %add3A = arith.constant 0 : i32
      %add3A_8 = arith.addi %add3A, %arg1 : i32
      "tpu.region"() ({
        %run_scoped3A = tpu.sem_alloc : memref<!tpu.dma_semaphore, #tpu.memory_space<semaphore_mem>>
        %dma_start3A_50 = arith.constant 0 : i32
        %dma_start3A_51 = arith.constant 0 : i32
        %dma_start3A_52 = tpu.memref_slice %arg4[%add3A_8, %dma_start3A_50, %dma_start3A_51] : memref<2560x2x128xi32, #tpu.memory_space<hbm>> -> memref<1x2x128xi32, #tpu.memory_space<hbm>>
        %dma_start3A_53 = tpu.memref_squeeze %dma_start3A_52 : memref<1x2x128xi32, #tpu.memory_space<hbm>> -> memref<2x128xi32, #tpu.memory_space<hbm>>
        %dma_start3A_54 = arith.constant 0 : i32
        %dma_start3A_55 = arith.constant 0 : i32
        %dma_start3A_56 = tpu.memref_slice %arg4[%add3A_8, %dma_start3A_54, %dma_start3A_55] : memref<2560x2x128xi32, #tpu.memory_space<hbm>> -> memref<1x2x128xi32, #tpu.memory_space<hbm>>
        %dma_start3A_57 = tpu.memref_squeeze %dma_start3A_56 : memref<1x2x128xi32, #tpu.memory_space<hbm>> -> memref<2x128xi32, #tpu.memory_space<hbm>>
        tpu.enqueue_dma source(%dma_start3A_57 : memref<2x128xi32, #tpu.memory_space<hbm>>) target(%arg7 : memref<2x128xi32, #tpu.memory_space<vmem>>) target_semaphore(%run_scoped3A : memref<!tpu.dma_semaphore, #tpu.memory_space<semaphore_mem>>)
        %dma_wait3A = arith.constant 0 : i32
        %dma_wait3A_58 = arith.constant 0 : i32
        %dma_wait3A_59 = tpu.memref_slice %arg4[%add3A_8, %dma_wait3A, %dma_wait3A_58] : memref<2560x2x128xi32, #tpu.memory_space<hbm>> -> memref<1x2x128xi32, #tpu.memory_space<hbm>>
        %dma_wait3A_60 = tpu.memref_squeeze %dma_wait3A_59 : memref<1x2x128xi32, #tpu.memory_space<hbm>> -> memref<2x128xi32, #tpu.memory_space<hbm>>
        %dma_wait3A_61 = arith.constant 0 : i32
        %dma_wait3A_62 = arith.constant 0 : i32
        %dma_wait3A_63 = tpu.memref_slice %arg4[%add3A_8, %dma_wait3A_61, %dma_wait3A_62] : memref<2560x2x128xi32, #tpu.memory_space<hbm>> -> memref<1x2x128xi32, #tpu.memory_space<hbm>>
        %dma_wait3A_64 = tpu.memref_squeeze %dma_wait3A_63 : memref<1x2x128xi32, #tpu.memory_space<hbm>> -> memref<2x128xi32, #tpu.memory_space<hbm>>
        tpu.wait_dma2 semaphore(%run_scoped3A : memref<!tpu.dma_semaphore, #tpu.memory_space<semaphore_mem>>) src(%dma_wait3A_64 : memref<2x128xi32, #tpu.memory_space<hbm>>) dst(%arg7 : memref<2x128xi32, #tpu.memory_space<vmem>>)
        tpu.yield
      }) : () -> ()
      %dma_start3A = arith.constant 0 : i32
      %dma_start3A_9 = arith.constant 0 : i32
      %dma_start3A_10 = tpu.memref_slice %arg7[%dma_start3A, %dma_start3A_9] : memref<2x128xi32, #tpu.memory_space<vmem>> -> memref<1x128xi32, #tpu.memory_space<vmem>>
      %dma_start3A_11 = tpu.memref_squeeze %dma_start3A_10 : memref<1x128xi32, #tpu.memory_space<vmem>> -> memref<128xi32, #tpu.memory_space<vmem>>
      %dma_start3A_12 = arith.constant 0 : i32
      %dma_start3A_13 = arith.constant 0 : i32
      %dma_start3A_14 = tpu.memref_slice %arg3[%dma_start3A_12, %dma_start3A_13] : memref<10240x128xf32, #tpu.memory_space<hbm>> -> memref<10240x128xf32, #tpu.memory_space<hbm>>
      tpu.enqueue_indirect_dma source(%dma_start3A_14 : memref<10240x128xf32, #tpu.memory_space<hbm>>) target(%arg11 : memref<128x128xf32, #tpu.memory_space<vmem>>) offsets(%dma_start3A_11 : memref<128xi32, #tpu.memory_space<vmem>>) semaphore(%arg14 : memref<!tpu.dma_semaphore, #tpu.memory_space<semaphore_mem>>)
      %add3A_15 = arith.constant 16 : i32
      %add3A_16 = arith.addi %add3A_15, %arg1 : i32
      "tpu.region"() ({
        %run_scoped3A = tpu.sem_alloc : memref<!tpu.dma_semaphore, #tpu.memory_space<semaphore_mem>>
        %dma_start3A_50 = arith.constant 0 : i32
        %dma_start3A_51 = arith.constant 0 : i32
        %dma_start3A_52 = tpu.memref_slice %arg4[%add3A_16, %dma_start3A_50, %dma_start3A_51] : memref<2560x2x128xi32, #tpu.memory_space<hbm>> -> memref<1x2x128xi32, #tpu.memory_space<hbm>>
        %dma_start3A_53 = tpu.memref_squeeze %dma_start3A_52 : memref<1x2x128xi32, #tpu.memory_space<hbm>> -> memref<2x128xi32, #tpu.memory_space<hbm>>
        %dma_start3A_54 = arith.constant 0 : i32
        %dma_start3A_55 = arith.constant 0 : i32
        %dma_start3A_56 = tpu.memref_slice %arg4[%add3A_16, %dma_start3A_54, %dma_start3A_55] : memref<2560x2x128xi32, #tpu.memory_space<hbm>> -> memref<1x2x128xi32, #tpu.memory_space<hbm>>
        %dma_start3A_57 = tpu.memref_squeeze %dma_start3A_56 : memref<1x2x128xi32, #tpu.memory_space<hbm>> -> memref<2x128xi32, #tpu.memory_space<hbm>>
        tpu.enqueue_dma source(%dma_start3A_57 : memref<2x128xi32, #tpu.memory_space<hbm>>) target(%arg9 : memref<2x128xi32, #tpu.memory_space<vmem>>) target_semaphore(%run_scoped3A : memref<!tpu.dma_semaphore, #tpu.memory_space<semaphore_mem>>)
        %dma_wait3A = arith.constant 0 : i32
        %dma_wait3A_58 = arith.constant 0 : i32
        %dma_wait3A_59 = tpu.memref_slice %arg4[%add3A_16, %dma_wait3A, %dma_wait3A_58] : memref<2560x2x128xi32, #tpu.memory_space<hbm>> -> memref<1x2x128xi32, #tpu.memory_space<hbm>>
        %dma_wait3A_60 = tpu.memref_squeeze %dma_wait3A_59 : memref<1x2x128xi32, #tpu.memory_space<hbm>> -> memref<2x128xi32, #tpu.memory_space<hbm>>
        %dma_wait3A_61 = arith.constant 0 : i32
        %dma_wait3A_62 = arith.constant 0 : i32
        %dma_wait3A_63 = tpu.memref_slice %arg4[%add3A_16, %dma_wait3A_61, %dma_wait3A_62] : memref<2560x2x128xi32, #tpu.memory_space<hbm>> -> memref<1x2x128xi32, #tpu.memory_space<hbm>>
        %dma_wait3A_64 = tpu.memref_squeeze %dma_wait3A_63 : memref<1x2x128xi32, #tpu.memory_space<hbm>> -> memref<2x128xi32, #tpu.memory_space<hbm>>
        tpu.wait_dma2 semaphore(%run_scoped3A : memref<!tpu.dma_semaphore, #tpu.memory_space<semaphore_mem>>) src(%dma_wait3A_64 : memref<2x128xi32, #tpu.memory_space<hbm>>) dst(%arg9 : memref<2x128xi32, #tpu.memory_space<vmem>>)
        tpu.yield
      }) : () -> ()
      %dma_start3A_17 = arith.constant 0 : i32
      %dma_start3A_18 = arith.constant 0 : i32
      %dma_start3A_19 = tpu.memref_slice %arg9[%dma_start3A_17, %dma_start3A_18] : memref<2x128xi32, #tpu.memory_space<vmem>> -> memref<1x128xi32, #tpu.memory_space<vmem>>
      %dma_start3A_20 = tpu.memref_squeeze %dma_start3A_19 : memref<1x128xi32, #tpu.memory_space<vmem>> -> memref<128xi32, #tpu.memory_space<vmem>>
      %dma_start3A_21 = arith.constant 0 : i32
      %dma_start3A_22 = arith.constant 0 : i32
      %dma_start3A_23 = tpu.memref_slice %arg3[%dma_start3A_21, %dma_start3A_22] : memref<10240x128xf32, #tpu.memory_space<hbm>> -> memref<10240x128xf32, #tpu.memory_space<hbm>>
      tpu.enqueue_indirect_dma source(%dma_start3A_23 : memref<10240x128xf32, #tpu.memory_space<hbm>>) target(%arg12 : memref<128x128xf32, #tpu.memory_space<vmem>>) offsets(%dma_start3A_20 : memref<128xi32, #tpu.memory_space<vmem>>) semaphore(%arg15 : memref<!tpu.dma_semaphore, #tpu.memory_space<semaphore_mem>>)
      %add3A_24 = arith.constant 32 : i32
      %add3A_25 = arith.addi %add3A_24, %arg1 : i32
      %dma_start3A_26 = arith.constant 0 : i32
      %dma_start3A_27 = arith.constant 0 : i32
      %dma_start3A_28 = tpu.memref_slice %arg4[%add3A_25, %dma_start3A_26, %dma_start3A_27] : memref<2560x2x128xi32, #tpu.memory_space<hbm>> -> memref<1x2x128xi32, #tpu.memory_space<hbm>>
      %dma_start3A_29 = tpu.memref_squeeze %dma_start3A_28 : memref<1x2x128xi32, #tpu.memory_space<hbm>> -> memref<2x128xi32, #tpu.memory_space<hbm>>
      %dma_start3A_30 = arith.constant 0 : i32
      %dma_start3A_31 = arith.constant 0 : i32
      %dma_start3A_32 = tpu.memref_slice %arg4[%add3A_25, %dma_start3A_30, %dma_start3A_31] : memref<2560x2x128xi32, #tpu.memory_space<hbm>> -> memref<1x2x128xi32, #tpu.memory_space<hbm>>
      %dma_start3A_33 = tpu.memref_squeeze %dma_start3A_32 : memref<1x2x128xi32, #tpu.memory_space<hbm>> -> memref<2x128xi32, #tpu.memory_space<hbm>>
      tpu.enqueue_dma source(%dma_start3A_33 : memref<2x128xi32, #tpu.memory_space<hbm>>) target(%arg8 : memref<2x128xi32, #tpu.memory_space<vmem>>) target_semaphore(%arg17 : memref<!tpu.dma_semaphore, #tpu.memory_space<semaphore_mem>>)
      %add3A_34 = arith.constant 48 : i32
      %add3A_35 = arith.addi %add3A_34, %arg1 : i32
      %dma_start3A_36 = arith.constant 0 : i32
      %dma_start3A_37 = arith.constant 0 : i32
      %dma_start3A_38 = tpu.memref_slice %arg4[%add3A_35, %dma_start3A_36, %dma_start3A_37] : memref<2560x2x128xi32, #tpu.memory_space<hbm>> -> memref<1x2x128xi32, #tpu.memory_space<hbm>>
      %dma_start3A_39 = tpu.memref_squeeze %dma_start3A_38 : memref<1x2x128xi32, #tpu.memory_space<hbm>> -> memref<2x128xi32, #tpu.memory_space<hbm>>
      %dma_start3A_40 = arith.constant 0 : i32
      %dma_start3A_41 = arith.constant 0 : i32
      %dma_start3A_42 = tpu.memref_slice %arg4[%add3A_35, %dma_start3A_40, %dma_start3A_41] : memref<2560x2x128xi32, #tpu.memory_space<hbm>> -> memref<1x2x128xi32, #tpu.memory_space<hbm>>
      %dma_start3A_43 = tpu.memref_squeeze %dma_start3A_42 : memref<1x2x128xi32, #tpu.memory_space<hbm>> -> memref<2x128xi32, #tpu.memory_space<hbm>>
      tpu.enqueue_dma source(%dma_start3A_43 : memref<2x128xi32, #tpu.memory_space<hbm>>) target(%arg10 : memref<2x128xi32, #tpu.memory_space<vmem>>) target_semaphore(%arg19 : memref<!tpu.dma_semaphore, #tpu.memory_space<semaphore_mem>>)
      %scan3A = arith.constant 0 : i32
      %scan3A_44 = arith.constant 0 : i32
      %scan3A_45 = arith.constant 40 : i32
      %scan3A_46 = arith.addi %scan3A_44, %scan3A_45 : i32
      %scan3A_47 = arith.constant 1 : i32
      scf.for %scan3A_50 = %scan3A_44 to %scan3A_46 step %scan3A_47  : i32 {
        %mul3A_51 = arith.constant 4 : i32
        %mul3A_52 = arith.muli %mul3A_51, %scan3A_50 : i32
        %add3A_53 = arith.constant 0 : i32
        %add3A_54 = arith.addi %mul3A_52, %add3A_53 : i32
        %add3A_55 = arith.constant 0 : i32
        %add3A_56 = arith.addi %add3A_54, %add3A_55 : i32
        %add3A_57 = arith.constant 2 : i32
        %add3A_58 = arith.addi %add3A_56, %add3A_57 : i32
        %add3A_59 = arith.constant 4 : i32
        %add3A_60 = arith.addi %add3A_56, %add3A_59 : i32
        %dma_wait3A = arith.constant 0 : i32
        %dma_wait3A_61 = arith.constant 0 : i32
        %dma_wait3A_62 = tpu.memref_slice %arg7[%dma_wait3A, %dma_wait3A_61] : memref<2x128xi32, #tpu.memory_space<vmem>> -> memref<1x128xi32, #tpu.memory_space<vmem>>
        %dma_wait3A_63 = tpu.memref_squeeze %dma_wait3A_62 : memref<1x128xi32, #tpu.memory_space<vmem>> -> memref<128xi32, #tpu.memory_space<vmem>>
        %dma_wait3A_64 = arith.constant 0 : i32
        %dma_wait3A_65 = arith.constant 0 : i32
        %dma_wait3A_66 = tpu.memref_slice %arg3[%dma_wait3A_64, %dma_wait3A_65] : memref<10240x128xf32, #tpu.memory_space<hbm>> -> memref<10240x128xf32, #tpu.memory_space<hbm>>
        tpu.wait_indirect_dma semaphore(%arg14 : memref<!tpu.dma_semaphore, #tpu.memory_space<semaphore_mem>>) src(%dma_wait3A_66 : memref<10240x128xf32, #tpu.memory_space<hbm>>) dst(%arg11 : memref<128x128xf32, #tpu.memory_space<vmem>>)
        %run_scoped3A = arith.constant 1 : i32
        "tpu.region"() ({
          %run_scoped3A_160 = tpu.sem_alloc : memref<!tpu.dma_semaphore, #tpu.memory_space<semaphore_mem>>
          %dma_start3A_161 = arith.constant 0 : i32
          %dma_start3A_162 = tpu.memref_slice %arg7[%run_scoped3A, %dma_start3A_161] : memref<2x128xi32, #tpu.memory_space<vmem>> -> memref<1x128xi32, #tpu.memory_space<vmem>>
          %dma_start3A_163 = tpu.memref_squeeze %dma_start3A_162 : memref<1x128xi32, #tpu.memory_space<vmem>> -> memref<128xi32, #tpu.memory_space<vmem>>
          %dma_start3A_164 = arith.constant 0 : i32
          %dma_start3A_165 = arith.constant 0 : i32
          %dma_start3A_166 = tpu.memref_slice %arg13[%dma_start3A_164, %dma_start3A_165] : memref<10240x128xf32, #tpu.memory_space<vmem_shared>> -> memref<10240x128xf32, #tpu.memory_space<vmem_shared>>
          tpu.enqueue_indirect_dma source(%arg11 : memref<128x128xf32, #tpu.memory_space<vmem>>) target(%dma_start3A_166 : memref<10240x128xf32, #tpu.memory_space<vmem_shared>>) offsets(%dma_start3A_163 : memref<128xi32, #tpu.memory_space<vmem>>) semaphore(%run_scoped3A_160 : memref<!tpu.dma_semaphore, #tpu.memory_space<semaphore_mem>>) {add = true}
          %dma_wait3A_167 = arith.constant 0 : i32
          %dma_wait3A_168 = tpu.memref_slice %arg7[%run_scoped3A, %dma_wait3A_167] : memref<2x128xi32, #tpu.memory_space<vmem>> -> memref<1x128xi32, #tpu.memory_space<vmem>>
          %dma_wait3A_169 = tpu.memref_squeeze %dma_wait3A_168 : memref<1x128xi32, #tpu.memory_space<vmem>> -> memref<128xi32, #tpu.memory_space<vmem>>
          %dma_wait3A_170 = arith.constant 0 : i32
          %dma_wait3A_171 = arith.constant 0 : i32
          %dma_wait3A_172 = tpu.memref_slice %arg13[%dma_wait3A_170, %dma_wait3A_171] : memref<10240x128xf32, #tpu.memory_space<vmem_shared>> -> memref<10240x128xf32, #tpu.memory_space<vmem_shared>>
          tpu.wait_indirect_dma semaphore(%run_scoped3A_160 : memref<!tpu.dma_semaphore, #tpu.memory_space<semaphore_mem>>) src(%arg11 : memref<128x128xf32, #tpu.memory_space<vmem>>) dst(%dma_wait3A_172 : memref<10240x128xf32, #tpu.memory_space<vmem_shared>>)
          tpu.yield
        }) : () -> ()
        %lt3A = arith.constant 160 : i32
        %lt3A_67 = arith.cmpi slt, %add3A_60, %lt3A : i32
        %convert_element_type3A_68 = arith.extui %lt3A_67 : i1 to i32
        %cond3A_69 = arith.constant 0 : i32
        %cond3A_70 = arith.cmpi ne, %convert_element_type3A_68, %cond3A_69 : i32
        scf.if %cond3A_70 {
          %mul3A_160 = arith.constant 16 : i32
          %mul3A_161 = arith.muli %add3A_60, %mul3A_160 : i32
          %add3A_162 = arith.addi %mul3A_161, %arg1 : i32
          %dma_start3A_163 = arith.constant 0 : i32
          %dma_start3A_164 = arith.constant 0 : i32
          %dma_start3A_165 = tpu.memref_slice %arg4[%add3A_162, %dma_start3A_163, %dma_start3A_164] : memref<2560x2x128xi32, #tpu.memory_space<hbm>> -> memref<1x2x128xi32, #tpu.memory_space<hbm>>
          %dma_start3A_166 = tpu.memref_squeeze %dma_start3A_165 : memref<1x2x128xi32, #tpu.memory_space<hbm>> -> memref<2x128xi32, #tpu.memory_space<hbm>>
          %dma_start3A_167 = arith.constant 0 : i32
          %dma_start3A_168 = arith.constant 0 : i32
          %dma_start3A_169 = tpu.memref_slice %arg4[%add3A_162, %dma_start3A_167, %dma_start3A_168] : memref<2560x2x128xi32, #tpu.memory_space<hbm>> -> memref<1x2x128xi32, #tpu.memory_space<hbm>>
          %dma_start3A_170 = tpu.memref_squeeze %dma_start3A_169 : memref<1x2x128xi32, #tpu.memory_space<hbm>> -> memref<2x128xi32, #tpu.memory_space<hbm>>
          tpu.enqueue_dma source(%dma_start3A_170 : memref<2x128xi32, #tpu.memory_space<hbm>>) target(%arg7 : memref<2x128xi32, #tpu.memory_space<vmem>>) target_semaphore(%arg16 : memref<!tpu.dma_semaphore, #tpu.memory_space<semaphore_mem>>)
        } else {
        }
        %lt3A_71 = arith.constant 160 : i32
        %lt3A_72 = arith.cmpi slt, %add3A_58, %lt3A_71 : i32
        %convert_element_type3A_73 = arith.extui %lt3A_72 : i1 to i32
        %cond3A_74 = arith.constant 0 : i32
        %cond3A_75 = arith.cmpi ne, %convert_element_type3A_73, %cond3A_74 : i32
        scf.if %cond3A_75 {
          %mul3A_160 = arith.constant 16 : i32
          %mul3A_161 = arith.muli %add3A_58, %mul3A_160 : i32
          %add3A_162 = arith.addi %mul3A_161, %arg1 : i32
          %dma_wait3A_163 = arith.constant 0 : i32
          %dma_wait3A_164 = arith.constant 0 : i32
          %dma_wait3A_165 = tpu.memref_slice %arg4[%add3A_162, %dma_wait3A_163, %dma_wait3A_164] : memref<2560x2x128xi32, #tpu.memory_space<hbm>> -> memref<1x2x128xi32, #tpu.memory_space<hbm>>
          %dma_wait3A_166 = tpu.memref_squeeze %dma_wait3A_165 : memref<1x2x128xi32, #tpu.memory_space<hbm>> -> memref<2x128xi32, #tpu.memory_space<hbm>>
          %dma_wait3A_167 = arith.constant 0 : i32
          %dma_wait3A_168 = arith.constant 0 : i32
          %dma_wait3A_169 = tpu.memref_slice %arg4[%add3A_162, %dma_wait3A_167, %dma_wait3A_168] : memref<2560x2x128xi32, #tpu.memory_space<hbm>> -> memref<1x2x128xi32, #tpu.memory_space<hbm>>
          %dma_wait3A_170 = tpu.memref_squeeze %dma_wait3A_169 : memref<1x2x128xi32, #tpu.memory_space<hbm>> -> memref<2x128xi32, #tpu.memory_space<hbm>>
          tpu.wait_dma2 semaphore(%arg17 : memref<!tpu.dma_semaphore, #tpu.memory_space<semaphore_mem>>) src(%dma_wait3A_170 : memref<2x128xi32, #tpu.memory_space<hbm>>) dst(%arg8 : memref<2x128xi32, #tpu.memory_space<vmem>>)
          %dma_start3A_171 = arith.constant 0 : i32
          %dma_start3A_172 = arith.constant 0 : i32
          %dma_start3A_173 = tpu.memref_slice %arg8[%dma_start3A_171, %dma_start3A_172] : memref<2x128xi32, #tpu.memory_space<vmem>> -> memref<1x128xi32, #tpu.memory_space<vmem>>
          %dma_start3A_174 = tpu.memref_squeeze %dma_start3A_173 : memref<1x128xi32, #tpu.memory_space<vmem>> -> memref<128xi32, #tpu.memory_space<vmem>>
          %dma_start3A_175 = arith.constant 0 : i32
          %dma_start3A_176 = arith.constant 0 : i32
          %dma_start3A_177 = tpu.memref_slice %arg3[%dma_start3A_175, %dma_start3A_176] : memref<10240x128xf32, #tpu.memory_space<hbm>> -> memref<10240x128xf32, #tpu.memory_space<hbm>>
          tpu.enqueue_indirect_dma source(%dma_start3A_177 : memref<10240x128xf32, #tpu.memory_space<hbm>>) target(%arg11 : memref<128x128xf32, #tpu.memory_space<vmem>>) offsets(%dma_start3A_174 : memref<128xi32, #tpu.memory_space<vmem>>) semaphore(%arg14 : memref<!tpu.dma_semaphore, #tpu.memory_space<semaphore_mem>>)
        } else {
        }
        %mul3A_76 = arith.constant 4 : i32
        %mul3A_77 = arith.muli %mul3A_76, %scan3A_50 : i32
        %add3A_78 = arith.constant 0 : i32
        %add3A_79 = arith.addi %mul3A_77, %add3A_78 : i32
        %add3A_80 = arith.constant 1 : i32
        %add3A_81 = arith.addi %add3A_79, %add3A_80 : i32
        %add3A_82 = arith.constant 2 : i32
        %add3A_83 = arith.addi %add3A_81, %add3A_82 : i32
        %add3A_84 = arith.constant 4 : i32
        %add3A_85 = arith.addi %add3A_81, %add3A_84 : i32
        %dma_wait3A_86 = arith.constant 0 : i32
        %dma_wait3A_87 = arith.constant 0 : i32
        %dma_wait3A_88 = tpu.memref_slice %arg9[%dma_wait3A_86, %dma_wait3A_87] : memref<2x128xi32, #tpu.memory_space<vmem>> -> memref<1x128xi32, #tpu.memory_space<vmem>>
        %dma_wait3A_89 = tpu.memref_squeeze %dma_wait3A_88 : memref<1x128xi32, #tpu.memory_space<vmem>> -> memref<128xi32, #tpu.memory_space<vmem>>
        %dma_wait3A_90 = arith.constant 0 : i32
        %dma_wait3A_91 = arith.constant 0 : i32
        %dma_wait3A_92 = tpu.memref_slice %arg3[%dma_wait3A_90, %dma_wait3A_91] : memref<10240x128xf32, #tpu.memory_space<hbm>> -> memref<10240x128xf32, #tpu.memory_space<hbm>>
        tpu.wait_indirect_dma semaphore(%arg15 : memref<!tpu.dma_semaphore, #tpu.memory_space<semaphore_mem>>) src(%dma_wait3A_92 : memref<10240x128xf32, #tpu.memory_space<hbm>>) dst(%arg12 : memref<128x128xf32, #tpu.memory_space<vmem>>)
        %run_scoped3A_93 = arith.constant 1 : i32
        "tpu.region"() ({
          %run_scoped3A_160 = tpu.sem_alloc : memref<!tpu.dma_semaphore, #tpu.memory_space<semaphore_mem>>
          %dma_start3A_161 = arith.constant 0 : i32
          %dma_start3A_162 = tpu.memref_slice %arg9[%run_scoped3A_93, %dma_start3A_161] : memref<2x128xi32, #tpu.memory_space<vmem>> -> memref<1x128xi32, #tpu.memory_space<vmem>>
          %dma_start3A_163 = tpu.memref_squeeze %dma_start3A_162 : memref<1x128xi32, #tpu.memory_space<vmem>> -> memref<128xi32, #tpu.memory_space<vmem>>
          %dma_start3A_164 = arith.constant 0 : i32
          %dma_start3A_165 = arith.constant 0 : i32
          %dma_start3A_166 = tpu.memref_slice %arg13[%dma_start3A_164, %dma_start3A_165] : memref<10240x128xf32, #tpu.memory_space<vmem_shared>> -> memref<10240x128xf32, #tpu.memory_space<vmem_shared>>
          tpu.enqueue_indirect_dma source(%arg12 : memref<128x128xf32, #tpu.memory_space<vmem>>) target(%dma_start3A_166 : memref<10240x128xf32, #tpu.memory_space<vmem_shared>>) offsets(%dma_start3A_163 : memref<128xi32, #tpu.memory_space<vmem>>) semaphore(%run_scoped3A_160 : memref<!tpu.dma_semaphore, #tpu.memory_space<semaphore_mem>>) {add = true}
          %dma_wait3A_167 = arith.constant 0 : i32
          %dma_wait3A_168 = tpu.memref_slice %arg9[%run_scoped3A_93, %dma_wait3A_167] : memref<2x128xi32, #tpu.memory_space<vmem>> -> memref<1x128xi32, #tpu.memory_space<vmem>>
          %dma_wait3A_169 = tpu.memref_squeeze %dma_wait3A_168 : memref<1x128xi32, #tpu.memory_space<vmem>> -> memref<128xi32, #tpu.memory_space<vmem>>
          %dma_wait3A_170 = arith.constant 0 : i32
          %dma_wait3A_171 = arith.constant 0 : i32
          %dma_wait3A_172 = tpu.memref_slice %arg13[%dma_wait3A_170, %dma_wait3A_171] : memref<10240x128xf32, #tpu.memory_space<vmem_shared>> -> memref<10240x128xf32, #tpu.memory_space<vmem_shared>>
          tpu.wait_indirect_dma semaphore(%run_scoped3A_160 : memref<!tpu.dma_semaphore, #tpu.memory_space<semaphore_mem>>) src(%arg12 : memref<128x128xf32, #tpu.memory_space<vmem>>) dst(%dma_wait3A_172 : memref<10240x128xf32, #tpu.memory_space<vmem_shared>>)
          tpu.yield
        }) : () -> ()
        %lt3A_94 = arith.constant 160 : i32
        %lt3A_95 = arith.cmpi slt, %add3A_85, %lt3A_94 : i32
        %convert_element_type3A_96 = arith.extui %lt3A_95 : i1 to i32
        %cond3A_97 = arith.constant 0 : i32
        %cond3A_98 = arith.cmpi ne, %convert_element_type3A_96, %cond3A_97 : i32
        scf.if %cond3A_98 {
          %mul3A_160 = arith.constant 16 : i32
          %mul3A_161 = arith.muli %add3A_85, %mul3A_160 : i32
          %add3A_162 = arith.addi %mul3A_161, %arg1 : i32
          %dma_start3A_163 = arith.constant 0 : i32
          %dma_start3A_164 = arith.constant 0 : i32
          %dma_start3A_165 = tpu.memref_slice %arg4[%add3A_162, %dma_start3A_163, %dma_start3A_164] : memref<2560x2x128xi32, #tpu.memory_space<hbm>> -> memref<1x2x128xi32, #tpu.memory_space<hbm>>
          %dma_start3A_166 = tpu.memref_squeeze %dma_start3A_165 : memref<1x2x128xi32, #tpu.memory_space<hbm>> -> memref<2x128xi32, #tpu.memory_space<hbm>>
          %dma_start3A_167 = arith.constant 0 : i32
          %dma_start3A_168 = arith.constant 0 : i32
          %dma_start3A_169 = tpu.memref_slice %arg4[%add3A_162, %dma_start3A_167, %dma_start3A_168] : memref<2560x2x128xi32, #tpu.memory_space<hbm>> -> memref<1x2x128xi32, #tpu.memory_space<hbm>>
          %dma_start3A_170 = tpu.memref_squeeze %dma_start3A_169 : memref<1x2x128xi32, #tpu.memory_space<hbm>> -> memref<2x128xi32, #tpu.memory_space<hbm>>
          tpu.enqueue_dma source(%dma_start3A_170 : memref<2x128xi32, #tpu.memory_space<hbm>>) target(%arg9 : memref<2x128xi32, #tpu.memory_space<vmem>>) target_semaphore(%arg18 : memref<!tpu.dma_semaphore, #tpu.memory_space<semaphore_mem>>)
        } else {
        }
        %lt3A_99 = arith.constant 160 : i32
        %lt3A_100 = arith.cmpi slt, %add3A_83, %lt3A_99 : i32
        %convert_element_type3A_101 = arith.extui %lt3A_100 : i1 to i32
        %cond3A_102 = arith.constant 0 : i32
        %cond3A_103 = arith.cmpi ne, %convert_element_type3A_101, %cond3A_102 : i32
        scf.if %cond3A_103 {
          %mul3A_160 = arith.constant 16 : i32
          %mul3A_161 = arith.muli %add3A_83, %mul3A_160 : i32
          %add3A_162 = arith.addi %mul3A_161, %arg1 : i32
          %dma_wait3A_163 = arith.constant 0 : i32
          %dma_wait3A_164 = arith.constant 0 : i32
          %dma_wait3A_165 = tpu.memref_slice %arg4[%add3A_162, %dma_wait3A_163, %dma_wait3A_164] : memref<2560x2x128xi32, #tpu.memory_space<hbm>> -> memref<1x2x128xi32, #tpu.memory_space<hbm>>
          %dma_wait3A_166 = tpu.memref_squeeze %dma_wait3A_165 : memref<1x2x128xi32, #tpu.memory_space<hbm>> -> memref<2x128xi32, #tpu.memory_space<hbm>>
          %dma_wait3A_167 = arith.constant 0 : i32
          %dma_wait3A_168 = arith.constant 0 : i32
          %dma_wait3A_169 = tpu.memref_slice %arg4[%add3A_162, %dma_wait3A_167, %dma_wait3A_168] : memref<2560x2x128xi32, #tpu.memory_space<hbm>> -> memref<1x2x128xi32, #tpu.memory_space<hbm>>
          %dma_wait3A_170 = tpu.memref_squeeze %dma_wait3A_169 : memref<1x2x128xi32, #tpu.memory_space<hbm>> -> memref<2x128xi32, #tpu.memory_space<hbm>>
          tpu.wait_dma2 semaphore(%arg19 : memref<!tpu.dma_semaphore, #tpu.memory_space<semaphore_mem>>) src(%dma_wait3A_170 : memref<2x128xi32, #tpu.memory_space<hbm>>) dst(%arg10 : memref<2x128xi32, #tpu.memory_space<vmem>>)
          %dma_start3A_171 = arith.constant 0 : i32
          %dma_start3A_172 = arith.constant 0 : i32
          %dma_start3A_173 = tpu.memref_slice %arg10[%dma_start3A_171, %dma_start3A_172] : memref<2x128xi32, #tpu.memory_space<vmem>> -> memref<1x128xi32, #tpu.memory_space<vmem>>
          %dma_start3A_174 = tpu.memref_squeeze %dma_start3A_173 : memref<1x128xi32, #tpu.memory_space<vmem>> -> memref<128xi32, #tpu.memory_space<vmem>>
          %dma_start3A_175 = arith.constant 0 : i32
          %dma_start3A_176 = arith.constant 0 : i32
          %dma_start3A_177 = tpu.memref_slice %arg3[%dma_start3A_175, %dma_start3A_176] : memref<10240x128xf32, #tpu.memory_space<hbm>> -> memref<10240x128xf32, #tpu.memory_space<hbm>>
          tpu.enqueue_indirect_dma source(%dma_start3A_177 : memref<10240x128xf32, #tpu.memory_space<hbm>>) target(%arg12 : memref<128x128xf32, #tpu.memory_space<vmem>>) offsets(%dma_start3A_174 : memref<128xi32, #tpu.memory_space<vmem>>) semaphore(%arg15 : memref<!tpu.dma_semaphore, #tpu.memory_space<semaphore_mem>>)
        } else {
        }
        %mul3A_104 = arith.constant 4 : i32
        %mul3A_105 = arith.muli %mul3A_104, %scan3A_50 : i32
        %add3A_106 = arith.constant 2 : i32
        %add3A_107 = arith.addi %mul3A_105, %add3A_106 : i32
        %add3A_108 = arith.constant 0 : i32
        %add3A_109 = arith.addi %add3A_107, %add3A_108 : i32
        %add3A_110 = arith.constant 2 : i32
        %add3A_111 = arith.addi %add3A_109, %add3A_110 : i32
        %add3A_112 = arith.constant 4 : i32
        %add3A_113 = arith.addi %add3A_109, %add3A_112 : i32
        %dma_wait3A_114 = arith.constant 0 : i32
        %dma_wait3A_115 = arith.constant 0 : i32
        %dma_wait3A_116 = tpu.memref_slice %arg8[%dma_wait3A_114, %dma_wait3A_115] : memref<2x128xi32, #tpu.memory_space<vmem>> -> memref<1x128xi32, #tpu.memory_space<vmem>>
        %dma_wait3A_117 = tpu.memref_squeeze %dma_wait3A_116 : memref<1x128xi32, #tpu.memory_space<vmem>> -> memref<128xi32, #tpu.memory_space<vmem>>
        %dma_wait3A_118 = arith.constant 0 : i32
        %dma_wait3A_119 = arith.constant 0 : i32
        %dma_wait3A_120 = tpu.memref_slice %arg3[%dma_wait3A_118, %dma_wait3A_119] : memref<10240x128xf32, #tpu.memory_space<hbm>> -> memref<10240x128xf32, #tpu.memory_space<hbm>>
        tpu.wait_indirect_dma semaphore(%arg14 : memref<!tpu.dma_semaphore, #tpu.memory_space<semaphore_mem>>) src(%dma_wait3A_120 : memref<10240x128xf32, #tpu.memory_space<hbm>>) dst(%arg11 : memref<128x128xf32, #tpu.memory_space<vmem>>)
        %run_scoped3A_121 = arith.constant 1 : i32
        "tpu.region"() ({
          %run_scoped3A_160 = tpu.sem_alloc : memref<!tpu.dma_semaphore, #tpu.memory_space<semaphore_mem>>
          %dma_start3A_161 = arith.constant 0 : i32
          %dma_start3A_162 = tpu.memref_slice %arg8[%run_scoped3A_121, %dma_start3A_161] : memref<2x128xi32, #tpu.memory_space<vmem>> -> memref<1x128xi32, #tpu.memory_space<vmem>>
          %dma_start3A_163 = tpu.memref_squeeze %dma_start3A_162 : memref<1x128xi32, #tpu.memory_space<vmem>> -> memref<128xi32, #tpu.memory_space<vmem>>
          %dma_start3A_164 = arith.constant 0 : i32
          %dma_start3A_165 = arith.constant 0 : i32
          %dma_start3A_166 = tpu.memref_slice %arg13[%dma_start3A_164, %dma_start3A_165] : memref<10240x128xf32, #tpu.memory_space<vmem_shared>> -> memref<10240x128xf32, #tpu.memory_space<vmem_shared>>
          tpu.enqueue_indirect_dma source(%arg11 : memref<128x128xf32, #tpu.memory_space<vmem>>) target(%dma_start3A_166 : memref<10240x128xf32, #tpu.memory_space<vmem_shared>>) offsets(%dma_start3A_163 : memref<128xi32, #tpu.memory_space<vmem>>) semaphore(%run_scoped3A_160 : memref<!tpu.dma_semaphore, #tpu.memory_space<semaphore_mem>>) {add = true}
          %dma_wait3A_167 = arith.constant 0 : i32
          %dma_wait3A_168 = tpu.memref_slice %arg8[%run_scoped3A_121, %dma_wait3A_167] : memref<2x128xi32, #tpu.memory_space<vmem>> -> memref<1x128xi32, #tpu.memory_space<vmem>>
          %dma_wait3A_169 = tpu.memref_squeeze %dma_wait3A_168 : memref<1x128xi32, #tpu.memory_space<vmem>> -> memref<128xi32, #tpu.memory_space<vmem>>
          %dma_wait3A_170 = arith.constant 0 : i32
          %dma_wait3A_171 = arith.constant 0 : i32
          %dma_wait3A_172 = tpu.memref_slice %arg13[%dma_wait3A_170, %dma_wait3A_171] : memref<10240x128xf32, #tpu.memory_space<vmem_shared>> -> memref<10240x128xf32, #tpu.memory_space<vmem_shared>>
          tpu.wait_indirect_dma semaphore(%run_scoped3A_160 : memref<!tpu.dma_semaphore, #tpu.memory_space<semaphore_mem>>) src(%arg11 : memref<128x128xf32, #tpu.memory_space<vmem>>) dst(%dma_wait3A_172 : memref<10240x128xf32, #tpu.memory_space<vmem_shared>>)
          tpu.yield
        }) : () -> ()
        %lt3A_122 = arith.constant 160 : i32
        %lt3A_123 = arith.cmpi slt, %add3A_113, %lt3A_122 : i32
        %convert_element_type3A_124 = arith.extui %lt3A_123 : i1 to i32
        %cond3A_125 = arith.constant 0 : i32
        %cond3A_126 = arith.cmpi ne, %convert_element_type3A_124, %cond3A_125 : i32
        scf.if %cond3A_126 {
          %mul3A_160 = arith.constant 16 : i32
          %mul3A_161 = arith.muli %add3A_113, %mul3A_160 : i32
          %add3A_162 = arith.addi %mul3A_161, %arg1 : i32
          %dma_start3A_163 = arith.constant 0 : i32
          %dma_start3A_164 = arith.constant 0 : i32
          %dma_start3A_165 = tpu.memref_slice %arg4[%add3A_162, %dma_start3A_163, %dma_start3A_164] : memref<2560x2x128xi32, #tpu.memory_space<hbm>> -> memref<1x2x128xi32, #tpu.memory_space<hbm>>
          %dma_start3A_166 = tpu.memref_squeeze %dma_start3A_165 : memref<1x2x128xi32, #tpu.memory_space<hbm>> -> memref<2x128xi32, #tpu.memory_space<hbm>>
          %dma_start3A_167 = arith.constant 0 : i32
          %dma_start3A_168 = arith.constant 0 : i32
          %dma_start3A_169 = tpu.memref_slice %arg4[%add3A_162, %dma_start3A_167, %dma_start3A_168] : memref<2560x2x128xi32, #tpu.memory_space<hbm>> -> memref<1x2x128xi32, #tpu.memory_space<hbm>>
          %dma_start3A_170 = tpu.memref_squeeze %dma_start3A_169 : memref<1x2x128xi32, #tpu.memory_space<hbm>> -> memref<2x128xi32, #tpu.memory_space<hbm>>
          tpu.enqueue_dma source(%dma_start3A_170 : memref<2x128xi32, #tpu.memory_space<hbm>>) target(%arg8 : memref<2x128xi32, #tpu.memory_space<vmem>>) target_semaphore(%arg17 : memref<!tpu.dma_semaphore, #tpu.memory_space<semaphore_mem>>)
        } else {
        }
        %lt3A_127 = arith.constant 160 : i32
        %lt3A_128 = arith.cmpi slt, %add3A_111, %lt3A_127 : i32
        %convert_element_type3A_129 = arith.extui %lt3A_128 : i1 to i32
        %cond3A_130 = arith.constant 0 : i32
        %cond3A_131 = arith.cmpi ne, %convert_element_type3A_129, %cond3A_130 : i32
        scf.if %cond3A_131 {
          %mul3A_160 = arith.constant 16 : i32
          %mul3A_161 = arith.muli %add3A_111, %mul3A_160 : i32
          %add3A_162 = arith.addi %mul3A_161, %arg1 : i32
          %dma_wait3A_163 = arith.constant 0 : i32
          %dma_wait3A_164 = arith.constant 0 : i32
          %dma_wait3A_165 = tpu.memref_slice %arg4[%add3A_162, %dma_wait3A_163, %dma_wait3A_164] : memref<2560x2x128xi32, #tpu.memory_space<hbm>> -> memref<1x2x128xi32, #tpu.memory_space<hbm>>
          %dma_wait3A_166 = tpu.memref_squeeze %dma_wait3A_165 : memref<1x2x128xi32, #tpu.memory_space<hbm>> -> memref<2x128xi32, #tpu.memory_space<hbm>>
          %dma_wait3A_167 = arith.constant 0 : i32
          %dma_wait3A_168 = arith.constant 0 : i32
          %dma_wait3A_169 = tpu.memref_slice %arg4[%add3A_162, %dma_wait3A_167, %dma_wait3A_168] : memref<2560x2x128xi32, #tpu.memory_space<hbm>> -> memref<1x2x128xi32, #tpu.memory_space<hbm>>
          %dma_wait3A_170 = tpu.memref_squeeze %dma_wait3A_169 : memref<1x2x128xi32, #tpu.memory_space<hbm>> -> memref<2x128xi32, #tpu.memory_space<hbm>>
          tpu.wait_dma2 semaphore(%arg16 : memref<!tpu.dma_semaphore, #tpu.memory_space<semaphore_mem>>) src(%dma_wait3A_170 : memref<2x128xi32, #tpu.memory_space<hbm>>) dst(%arg7 : memref<2x128xi32, #tpu.memory_space<vmem>>)
          %dma_start3A_171 = arith.constant 0 : i32
          %dma_start3A_172 = arith.constant 0 : i32
          %dma_start3A_173 = tpu.memref_slice %arg7[%dma_start3A_171, %dma_start3A_172] : memref<2x128xi32, #tpu.memory_space<vmem>> -> memref<1x128xi32, #tpu.memory_space<vmem>>
          %dma_start3A_174 = tpu.memref_squeeze %dma_start3A_173 : memref<1x128xi32, #tpu.memory_space<vmem>> -> memref<128xi32, #tpu.memory_space<vmem>>
          %dma_start3A_175 = arith.constant 0 : i32
          %dma_start3A_176 = arith.constant 0 : i32
          %dma_start3A_177 = tpu.memref_slice %arg3[%dma_start3A_175, %dma_start3A_176] : memref<10240x128xf32, #tpu.memory_space<hbm>> -> memref<10240x128xf32, #tpu.memory_space<hbm>>
          tpu.enqueue_indirect_dma source(%dma_start3A_177 : memref<10240x128xf32, #tpu.memory_space<hbm>>) target(%arg11 : memref<128x128xf32, #tpu.memory_space<vmem>>) offsets(%dma_start3A_174 : memref<128xi32, #tpu.memory_space<vmem>>) semaphore(%arg14 : memref<!tpu.dma_semaphore, #tpu.memory_space<semaphore_mem>>)
        } else {
        }
        %mul3A_132 = arith.constant 4 : i32
        %mul3A_133 = arith.muli %mul3A_132, %scan3A_50 : i32
        %add3A_134 = arith.constant 2 : i32
        %add3A_135 = arith.addi %mul3A_133, %add3A_134 : i32
        %add3A_136 = arith.constant 1 : i32
        %add3A_137 = arith.addi %add3A_135, %add3A_136 : i32
        %add3A_138 = arith.constant 2 : i32
        %add3A_139 = arith.addi %add3A_137, %add3A_138 : i32
        %add3A_140 = arith.constant 4 : i32
        %add3A_141 = arith.addi %add3A_137, %add3A_140 : i32
        %dma_wait3A_142 = arith.constant 0 : i32
        %dma_wait3A_143 = arith.constant 0 : i32
        %dma_wait3A_144 = tpu.memref_slice %arg10[%dma_wait3A_142, %dma_wait3A_143] : memref<2x128xi32, #tpu.memory_space<vmem>> -> memref<1x128xi32, #tpu.memory_space<vmem>>
        %dma_wait3A_145 = tpu.memref_squeeze %dma_wait3A_144 : memref<1x128xi32, #tpu.memory_space<vmem>> -> memref<128xi32, #tpu.memory_space<vmem>>
        %dma_wait3A_146 = arith.constant 0 : i32
        %dma_wait3A_147 = arith.constant 0 : i32
        %dma_wait3A_148 = tpu.memref_slice %arg3[%dma_wait3A_146, %dma_wait3A_147] : memref<10240x128xf32, #tpu.memory_space<hbm>> -> memref<10240x128xf32, #tpu.memory_space<hbm>>
        tpu.wait_indirect_dma semaphore(%arg15 : memref<!tpu.dma_semaphore, #tpu.memory_space<semaphore_mem>>) src(%dma_wait3A_148 : memref<10240x128xf32, #tpu.memory_space<hbm>>) dst(%arg12 : memref<128x128xf32, #tpu.memory_space<vmem>>)
        %run_scoped3A_149 = arith.constant 1 : i32
        "tpu.region"() ({
          %run_scoped3A_160 = tpu.sem_alloc : memref<!tpu.dma_semaphore, #tpu.memory_space<semaphore_mem>>
          %dma_start3A_161 = arith.constant 0 : i32
          %dma_start3A_162 = tpu.memref_slice %arg10[%run_scoped3A_149, %dma_start3A_161] : memref<2x128xi32, #tpu.memory_space<vmem>> -> memref<1x128xi32, #tpu.memory_space<vmem>>
          %dma_start3A_163 = tpu.memref_squeeze %dma_start3A_162 : memref<1x128xi32, #tpu.memory_space<vmem>> -> memref<128xi32, #tpu.memory_space<vmem>>
          %dma_start3A_164 = arith.constant 0 : i32
          %dma_start3A_165 = arith.constant 0 : i32
          %dma_start3A_166 = tpu.memref_slice %arg13[%dma_start3A_164, %dma_start3A_165] : memref<10240x128xf32, #tpu.memory_space<vmem_shared>> -> memref<10240x128xf32, #tpu.memory_space<vmem_shared>>
          tpu.enqueue_indirect_dma source(%arg12 : memref<128x128xf32, #tpu.memory_space<vmem>>) target(%dma_start3A_166 : memref<10240x128xf32, #tpu.memory_space<vmem_shared>>) offsets(%dma_start3A_163 : memref<128xi32, #tpu.memory_space<vmem>>) semaphore(%run_scoped3A_160 : memref<!tpu.dma_semaphore, #tpu.memory_space<semaphore_mem>>) {add = true}
          %dma_wait3A_167 = arith.constant 0 : i32
          %dma_wait3A_168 = tpu.memref_slice %arg10[%run_scoped3A_149, %dma_wait3A_167] : memref<2x128xi32, #tpu.memory_space<vmem>> -> memref<1x128xi32, #tpu.memory_space<vmem>>
          %dma_wait3A_169 = tpu.memref_squeeze %dma_wait3A_168 : memref<1x128xi32, #tpu.memory_space<vmem>> -> memref<128xi32, #tpu.memory_space<vmem>>
          %dma_wait3A_170 = arith.constant 0 : i32
          %dma_wait3A_171 = arith.constant 0 : i32
          %dma_wait3A_172 = tpu.memref_slice %arg13[%dma_wait3A_170, %dma_wait3A_171] : memref<10240x128xf32, #tpu.memory_space<vmem_shared>> -> memref<10240x128xf32, #tpu.memory_space<vmem_shared>>
          tpu.wait_indirect_dma semaphore(%run_scoped3A_160 : memref<!tpu.dma_semaphore, #tpu.memory_space<semaphore_mem>>) src(%arg12 : memref<128x128xf32, #tpu.memory_space<vmem>>) dst(%dma_wait3A_172 : memref<10240x128xf32, #tpu.memory_space<vmem_shared>>)
          tpu.yield
        }) : () -> ()
        %lt3A_150 = arith.constant 160 : i32
        %lt3A_151 = arith.cmpi slt, %add3A_141, %lt3A_150 : i32
        %convert_element_type3A_152 = arith.extui %lt3A_151 : i1 to i32
        %cond3A_153 = arith.constant 0 : i32
        %cond3A_154 = arith.cmpi ne, %convert_element_type3A_152, %cond3A_153 : i32
        scf.if %cond3A_154 {
          %mul3A_160 = arith.constant 16 : i32
          %mul3A_161 = arith.muli %add3A_141, %mul3A_160 : i32
          %add3A_162 = arith.addi %mul3A_161, %arg1 : i32
          %dma_start3A_163 = arith.constant 0 : i32
          %dma_start3A_164 = arith.constant 0 : i32
          %dma_start3A_165 = tpu.memref_slice %arg4[%add3A_162, %dma_start3A_163, %dma_start3A_164] : memref<2560x2x128xi32, #tpu.memory_space<hbm>> -> memref<1x2x128xi32, #tpu.memory_space<hbm>>
          %dma_start3A_166 = tpu.memref_squeeze %dma_start3A_165 : memref<1x2x128xi32, #tpu.memory_space<hbm>> -> memref<2x128xi32, #tpu.memory_space<hbm>>
          %dma_start3A_167 = arith.constant 0 : i32
          %dma_start3A_168 = arith.constant 0 : i32
          %dma_start3A_169 = tpu.memref_slice %arg4[%add3A_162, %dma_start3A_167, %dma_start3A_168] : memref<2560x2x128xi32, #tpu.memory_space<hbm>> -> memref<1x2x128xi32, #tpu.memory_space<hbm>>
          %dma_start3A_170 = tpu.memref_squeeze %dma_start3A_169 : memref<1x2x128xi32, #tpu.memory_space<hbm>> -> memref<2x128xi32, #tpu.memory_space<hbm>>
          tpu.enqueue_dma source(%dma_start3A_170 : memref<2x128xi32, #tpu.memory_space<hbm>>) target(%arg10 : memref<2x128xi32, #tpu.memory_space<vmem>>) target_semaphore(%arg19 : memref<!tpu.dma_semaphore, #tpu.memory_space<semaphore_mem>>)
        } else {
        }
        %lt3A_155 = arith.constant 160 : i32
        %lt3A_156 = arith.cmpi slt, %add3A_139, %lt3A_155 : i32
        %convert_element_type3A_157 = arith.extui %lt3A_156 : i1 to i32
        %cond3A_158 = arith.constant 0 : i32
        %cond3A_159 = arith.cmpi ne, %convert_element_type3A_157, %cond3A_158 : i32
        scf.if %cond3A_159 {
          %mul3A_160 = arith.constant 16 : i32
          %mul3A_161 = arith.muli %add3A_139, %mul3A_160 : i32
          %add3A_162 = arith.addi %mul3A_161, %arg1 : i32
          %dma_wait3A_163 = arith.constant 0 : i32
          %dma_wait3A_164 = arith.constant 0 : i32
          %dma_wait3A_165 = tpu.memref_slice %arg4[%add3A_162, %dma_wait3A_163, %dma_wait3A_164] : memref<2560x2x128xi32, #tpu.memory_space<hbm>> -> memref<1x2x128xi32, #tpu.memory_space<hbm>>
          %dma_wait3A_166 = tpu.memref_squeeze %dma_wait3A_165 : memref<1x2x128xi32, #tpu.memory_space<hbm>> -> memref<2x128xi32, #tpu.memory_space<hbm>>
          %dma_wait3A_167 = arith.constant 0 : i32
          %dma_wait3A_168 = arith.constant 0 : i32
          %dma_wait3A_169 = tpu.memref_slice %arg4[%add3A_162, %dma_wait3A_167, %dma_wait3A_168] : memref<2560x2x128xi32, #tpu.memory_space<hbm>> -> memref<1x2x128xi32, #tpu.memory_space<hbm>>
          %dma_wait3A_170 = tpu.memref_squeeze %dma_wait3A_169 : memref<1x2x128xi32, #tpu.memory_space<hbm>> -> memref<2x128xi32, #tpu.memory_space<hbm>>
          tpu.wait_dma2 semaphore(%arg18 : memref<!tpu.dma_semaphore, #tpu.memory_space<semaphore_mem>>) src(%dma_wait3A_170 : memref<2x128xi32, #tpu.memory_space<hbm>>) dst(%arg9 : memref<2x128xi32, #tpu.memory_space<vmem>>)
          %dma_start3A_171 = arith.constant 0 : i32
          %dma_start3A_172 = arith.constant 0 : i32
          %dma_start3A_173 = tpu.memref_slice %arg9[%dma_start3A_171, %dma_start3A_172] : memref<2x128xi32, #tpu.memory_space<vmem>> -> memref<1x128xi32, #tpu.memory_space<vmem>>
          %dma_start3A_174 = tpu.memref_squeeze %dma_start3A_173 : memref<1x128xi32, #tpu.memory_space<vmem>> -> memref<128xi32, #tpu.memory_space<vmem>>
          %dma_start3A_175 = arith.constant 0 : i32
          %dma_start3A_176 = arith.constant 0 : i32
          %dma_start3A_177 = tpu.memref_slice %arg3[%dma_start3A_175, %dma_start3A_176] : memref<10240x128xf32, #tpu.memory_space<hbm>> -> memref<10240x128xf32, #tpu.memory_space<hbm>>
          tpu.enqueue_indirect_dma source(%dma_start3A_177 : memref<10240x128xf32, #tpu.memory_space<hbm>>) target(%arg12 : memref<128x128xf32, #tpu.memory_space<vmem>>) offsets(%dma_start3A_174 : memref<128xi32, #tpu.memory_space<vmem>>) semaphore(%arg15 : memref<!tpu.dma_semaphore, #tpu.memory_space<semaphore_mem>>)
        } else {
        }
      }
      %scan3A_48 = arith.constant 40 : i32
      %barrier3A_49 = arith.constant 0 : index
      tpu.barrier barrier_id(%barrier3A_49)
      "tpu.region"() ({
        %run_scoped3A = tpu.sem_alloc : memref<!tpu.dma_semaphore, #tpu.memory_space<semaphore_mem>>
        %dma_start3A_50 = arith.constant 0 : i32
        %dma_start3A_51 = tpu.memref_slice %arg6[%mul3A_0, %dma_start3A_50] : memref<10240x128xf32, #tpu.memory_space<hbm>> -> memref<640x128xf32, #tpu.memory_space<hbm>>
        %dma_start3A_52 = arith.constant 0 : i32
        %dma_start3A_53 = tpu.memref_slice %arg13[%mul3A_0, %dma_start3A_52] : memref<10240x128xf32, #tpu.memory_space<vmem_shared>> -> memref<640x128xf32, #tpu.memory_space<vmem_shared>>
        tpu.enqueue_dma source(%dma_start3A_53 : memref<640x128xf32, #tpu.memory_space<vmem_shared>>) target(%dma_start3A_51 : memref<640x128xf32, #tpu.memory_space<hbm>>) target_semaphore(%run_scoped3A : memref<!tpu.dma_semaphore, #tpu.memory_space<semaphore_mem>>)
        %dma_wait3A = arith.constant 0 : i32
        %dma_wait3A_54 = tpu.memref_slice %arg6[%mul3A_0, %dma_wait3A] : memref<10240x128xf32, #tpu.memory_space<hbm>> -> memref<640x128xf32, #tpu.memory_space<hbm>>
        %dma_wait3A_55 = arith.constant 0 : i32
        %dma_wait3A_56 = tpu.memref_slice %arg13[%mul3A_0, %dma_wait3A_55] : memref<10240x128xf32, #tpu.memory_space<vmem_shared>> -> memref<640x128xf32, #tpu.memory_space<vmem_shared>>
        tpu.wait_dma2 semaphore(%run_scoped3A : memref<!tpu.dma_semaphore, #tpu.memory_space<semaphore_mem>>) src(%dma_wait3A_56 : memref<640x128xf32, #tpu.memory_space<vmem_shared>>) dst(%dma_wait3A_54 : memref<640x128xf32, #tpu.memory_space<hbm>>)
        tpu.yield
      }) : () -> ()
    } else {
    }
    return
  }
}

#map = affine_map<(d0, d1) -> (0, 0)>
#map1 = affine_map<(d0, d1) -> (0, 0, 0)>
module attributes {stable_mosaic.version = 14 : i64} {
  func.func @_agg_body(%arg0: i32, %arg1: i32, %arg2: memref<10240x128xf32, #tpu.memory_space<hbm>>, %arg3: memref<10240x128xf32, #tpu.memory_space<hbm>>, %arg4: memref<2560x2x128xi32, #tpu.memory_space<hbm>>, %arg5: memref<10240x128xf32, #tpu.memory_space<hbm>>, %arg6: memref<10240x128xf32, #tpu.memory_space<hbm>>, %arg7: memref<2x128xi32, #tpu.memory_space<vmem>>, %arg8: memref<2x128xi32, #tpu.memory_space<vmem>>, %arg9: memref<2x128xi32, #tpu.memory_space<vmem>>, %arg10: memref<2x128xi32, #tpu.memory_space<vmem>>, %arg11: memref<128x128xf32, #tpu.memory_space<vmem>>, %arg12: memref<128x128xf32, #tpu.memory_space<vmem>>, %arg13: memref<10240x128xf32, #tpu.memory_space<vmem_shared>>, %arg14: memref<!tpu.dma_semaphore, #tpu.memory_space<semaphore_mem>>, %arg15: memref<!tpu.dma_semaphore, #tpu.memory_space<semaphore_mem>>, %arg16: memref<!tpu.dma_semaphore, #tpu.memory_space<semaphore_mem>>, %arg17: memref<!tpu.dma_semaphore, #tpu.memory_space<semaphore_mem>>, %arg18: memref<!tpu.dma_semaphore, #tpu.memory_space<semaphore_mem>>, %arg19: memref<!tpu.dma_semaphore, #tpu.memory_space<semaphore_mem>>) attributes {dimension_semantics = [#tpu.dimension_semantics<core_parallel>, #tpu.dimension_semantics<subcore_parallel>], iteration_bounds = array<i64: 2, 16>, scalar_prefetch = 0 : i64, scratch_operands = 13 : i64, tpu.core_type = #tpu.core_type<sc_vector_subcore>, window_params = [{transform_indices = #map}, {transform_indices = #map}, {transform_indices = #map1}, {transform_indices = #map}, {transform_indices = #map}]} {
    %mul3A = arith.constant 640 : i32
    %mul3A_0 = arith.muli %arg1, %mul3A : i32
    %eq3A = arith.constant 0 : i32
    %eq3A_1 = arith.cmpi eq, %arg0, %eq3A : i32
    %convert_element_type3A = arith.extui %eq3A_1 : i1 to i32
    %cond3A = arith.constant 0 : i32
    %cond3A_2 = arith.cmpi ne, %convert_element_type3A, %cond3A : i32
    scf.if %cond3A_2 {
      "tpu.region"() ({
        %run_scoped3A = tpu.sem_alloc : memref<!tpu.dma_semaphore, #tpu.memory_space<semaphore_mem>>
        %dma_start3A_50 = arith.constant 0 : i32
        %dma_start3A_51 = tpu.memref_slice %arg13[%mul3A_0, %dma_start3A_50] : memref<10240x128xf32, #tpu.memory_space<vmem_shared>> -> memref<640x128xf32, #tpu.memory_space<vmem_shared>>
        %dma_start3A_52 = arith.constant 0 : i32
        %dma_start3A_53 = tpu.memref_slice %arg2[%mul3A_0, %dma_start3A_52] : memref<10240x128xf32, #tpu.memory_space<hbm>> -> memref<640x128xf32, #tpu.memory_space<hbm>>
        tpu.enqueue_dma source(%dma_start3A_53 : memref<640x128xf32, #tpu.memory_space<hbm>>) target(%dma_start3A_51 : memref<640x128xf32, #tpu.memory_space<vmem_shared>>) target_semaphore(%run_scoped3A : memref<!tpu.dma_semaphore, #tpu.memory_space<semaphore_mem>>)
        %dma_wait3A = arith.constant 0 : i32
        %dma_wait3A_54 = tpu.memref_slice %arg13[%mul3A_0, %dma_wait3A] : memref<10240x128xf32, #tpu.memory_space<vmem_shared>> -> memref<640x128xf32, #tpu.memory_space<vmem_shared>>
        %dma_wait3A_55 = arith.constant 0 : i32
        %dma_wait3A_56 = tpu.memref_slice %arg2[%mul3A_0, %dma_wait3A_55] : memref<10240x128xf32, #tpu.memory_space<hbm>> -> memref<640x128xf32, #tpu.memory_space<hbm>>
        tpu.wait_dma2 semaphore(%run_scoped3A : memref<!tpu.dma_semaphore, #tpu.memory_space<semaphore_mem>>) src(%dma_wait3A_56 : memref<640x128xf32, #tpu.memory_space<hbm>>) dst(%dma_wait3A_54 : memref<640x128xf32, #tpu.memory_space<vmem_shared>>)
        tpu.yield
      }) : () -> ()
      %barrier3A = arith.constant 0 : index
      tpu.barrier barrier_id(%barrier3A)
      %add3A = arith.constant 0 : i32
      %add3A_8 = arith.addi %add3A, %arg1 : i32
      "tpu.region"() ({
        %run_scoped3A = tpu.sem_alloc : memref<!tpu.dma_semaphore, #tpu.memory_space<semaphore_mem>>
        %dma_start3A_50 = arith.constant 0 : i32
        %dma_start3A_51 = arith.constant 0 : i32
        %dma_start3A_52 = tpu.memref_slice %arg4[%add3A_8, %dma_start3A_50, %dma_start3A_51] : memref<2560x2x128xi32, #tpu.memory_space<hbm>> -> memref<1x2x128xi32, #tpu.memory_space<hbm>>
        %dma_start3A_53 = tpu.memref_squeeze %dma_start3A_52 : memref<1x2x128xi32, #tpu.memory_space<hbm>> -> memref<2x128xi32, #tpu.memory_space<hbm>>
        %dma_start3A_54 = arith.constant 0 : i32
        %dma_start3A_55 = arith.constant 0 : i32
        %dma_start3A_56 = tpu.memref_slice %arg4[%add3A_8, %dma_start3A_54, %dma_start3A_55] : memref<2560x2x128xi32, #tpu.memory_space<hbm>> -> memref<1x2x128xi32, #tpu.memory_space<hbm>>
        %dma_start3A_57 = tpu.memref_squeeze %dma_start3A_56 : memref<1x2x128xi32, #tpu.memory_space<hbm>> -> memref<2x128xi32, #tpu.memory_space<hbm>>
        tpu.enqueue_dma source(%dma_start3A_57 : memref<2x128xi32, #tpu.memory_space<hbm>>) target(%arg7 : memref<2x128xi32, #tpu.memory_space<vmem>>) target_semaphore(%run_scoped3A : memref<!tpu.dma_semaphore, #tpu.memory_space<semaphore_mem>>)
        %dma_wait3A = arith.constant 0 : i32
        %dma_wait3A_58 = arith.constant 0 : i32
        %dma_wait3A_59 = tpu.memref_slice %arg4[%add3A_8, %dma_wait3A, %dma_wait3A_58] : memref<2560x2x128xi32, #tpu.memory_space<hbm>> -> memref<1x2x128xi32, #tpu.memory_space<hbm>>
        %dma_wait3A_60 = tpu.memref_squeeze %dma_wait3A_59 : memref<1x2x128xi32, #tpu.memory_space<hbm>> -> memref<2x128xi32, #tpu.memory_space<hbm>>
        %dma_wait3A_61 = arith.constant 0 : i32
        %dma_wait3A_62 = arith.constant 0 : i32
        %dma_wait3A_63 = tpu.memref_slice %arg4[%add3A_8, %dma_wait3A_61, %dma_wait3A_62] : memref<2560x2x128xi32, #tpu.memory_space<hbm>> -> memref<1x2x128xi32, #tpu.memory_space<hbm>>
        %dma_wait3A_64 = tpu.memref_squeeze %dma_wait3A_63 : memref<1x2x128xi32, #tpu.memory_space<hbm>> -> memref<2x128xi32, #tpu.memory_space<hbm>>
        tpu.wait_dma2 semaphore(%run_scoped3A : memref<!tpu.dma_semaphore, #tpu.memory_space<semaphore_mem>>) src(%dma_wait3A_64 : memref<2x128xi32, #tpu.memory_space<hbm>>) dst(%arg7 : memref<2x128xi32, #tpu.memory_space<vmem>>)
        tpu.yield
      }) : () -> ()
      %dma_start3A = arith.constant 0 : i32
      %dma_start3A_9 = arith.constant 0 : i32
      %dma_start3A_10 = tpu.memref_slice %arg7[%dma_start3A, %dma_start3A_9] : memref<2x128xi32, #tpu.memory_space<vmem>> -> memref<1x128xi32, #tpu.memory_space<vmem>>
      %dma_start3A_11 = tpu.memref_squeeze %dma_start3A_10 : memref<1x128xi32, #tpu.memory_space<vmem>> -> memref<128xi32, #tpu.memory_space<vmem>>
      %dma_start3A_12 = arith.constant 0 : i32
      %dma_start3A_13 = arith.constant 0 : i32
      %dma_start3A_14 = tpu.memref_slice %arg2[%dma_start3A_12, %dma_start3A_13] : memref<10240x128xf32, #tpu.memory_space<hbm>> -> memref<10240x128xf32, #tpu.memory_space<hbm>>
      tpu.enqueue_indirect_dma source(%dma_start3A_14 : memref<10240x128xf32, #tpu.memory_space<hbm>>) target(%arg11 : memref<128x128xf32, #tpu.memory_space<vmem>>) offsets(%dma_start3A_11 : memref<128xi32, #tpu.memory_space<vmem>>) semaphore(%arg14 : memref<!tpu.dma_semaphore, #tpu.memory_space<semaphore_mem>>)
      %add3A_15 = arith.constant 16 : i32
      %add3A_16 = arith.addi %add3A_15, %arg1 : i32
      "tpu.region"() ({
        %run_scoped3A = tpu.sem_alloc : memref<!tpu.dma_semaphore, #tpu.memory_space<semaphore_mem>>
        %dma_start3A_50 = arith.constant 0 : i32
        %dma_start3A_51 = arith.constant 0 : i32
        %dma_start3A_52 = tpu.memref_slice %arg4[%add3A_16, %dma_start3A_50, %dma_start3A_51] : memref<2560x2x128xi32, #tpu.memory_space<hbm>> -> memref<1x2x128xi32, #tpu.memory_space<hbm>>
        %dma_start3A_53 = tpu.memref_squeeze %dma_start3A_52 : memref<1x2x128xi32, #tpu.memory_space<hbm>> -> memref<2x128xi32, #tpu.memory_space<hbm>>
        %dma_start3A_54 = arith.constant 0 : i32
        %dma_start3A_55 = arith.constant 0 : i32
        %dma_start3A_56 = tpu.memref_slice %arg4[%add3A_16, %dma_start3A_54, %dma_start3A_55] : memref<2560x2x128xi32, #tpu.memory_space<hbm>> -> memref<1x2x128xi32, #tpu.memory_space<hbm>>
        %dma_start3A_57 = tpu.memref_squeeze %dma_start3A_56 : memref<1x2x128xi32, #tpu.memory_space<hbm>> -> memref<2x128xi32, #tpu.memory_space<hbm>>
        tpu.enqueue_dma source(%dma_start3A_57 : memref<2x128xi32, #tpu.memory_space<hbm>>) target(%arg9 : memref<2x128xi32, #tpu.memory_space<vmem>>) target_semaphore(%run_scoped3A : memref<!tpu.dma_semaphore, #tpu.memory_space<semaphore_mem>>)
        %dma_wait3A = arith.constant 0 : i32
        %dma_wait3A_58 = arith.constant 0 : i32
        %dma_wait3A_59 = tpu.memref_slice %arg4[%add3A_16, %dma_wait3A, %dma_wait3A_58] : memref<2560x2x128xi32, #tpu.memory_space<hbm>> -> memref<1x2x128xi32, #tpu.memory_space<hbm>>
        %dma_wait3A_60 = tpu.memref_squeeze %dma_wait3A_59 : memref<1x2x128xi32, #tpu.memory_space<hbm>> -> memref<2x128xi32, #tpu.memory_space<hbm>>
        %dma_wait3A_61 = arith.constant 0 : i32
        %dma_wait3A_62 = arith.constant 0 : i32
        %dma_wait3A_63 = tpu.memref_slice %arg4[%add3A_16, %dma_wait3A_61, %dma_wait3A_62] : memref<2560x2x128xi32, #tpu.memory_space<hbm>> -> memref<1x2x128xi32, #tpu.memory_space<hbm>>
        %dma_wait3A_64 = tpu.memref_squeeze %dma_wait3A_63 : memref<1x2x128xi32, #tpu.memory_space<hbm>> -> memref<2x128xi32, #tpu.memory_space<hbm>>
        tpu.wait_dma2 semaphore(%run_scoped3A : memref<!tpu.dma_semaphore, #tpu.memory_space<semaphore_mem>>) src(%dma_wait3A_64 : memref<2x128xi32, #tpu.memory_space<hbm>>) dst(%arg9 : memref<2x128xi32, #tpu.memory_space<vmem>>)
        tpu.yield
      }) : () -> ()
      %dma_start3A_17 = arith.constant 0 : i32
      %dma_start3A_18 = arith.constant 0 : i32
      %dma_start3A_19 = tpu.memref_slice %arg9[%dma_start3A_17, %dma_start3A_18] : memref<2x128xi32, #tpu.memory_space<vmem>> -> memref<1x128xi32, #tpu.memory_space<vmem>>
      %dma_start3A_20 = tpu.memref_squeeze %dma_start3A_19 : memref<1x128xi32, #tpu.memory_space<vmem>> -> memref<128xi32, #tpu.memory_space<vmem>>
      %dma_start3A_21 = arith.constant 0 : i32
      %dma_start3A_22 = arith.constant 0 : i32
      %dma_start3A_23 = tpu.memref_slice %arg2[%dma_start3A_21, %dma_start3A_22] : memref<10240x128xf32, #tpu.memory_space<hbm>> -> memref<10240x128xf32, #tpu.memory_space<hbm>>
      tpu.enqueue_indirect_dma source(%dma_start3A_23 : memref<10240x128xf32, #tpu.memory_space<hbm>>) target(%arg12 : memref<128x128xf32, #tpu.memory_space<vmem>>) offsets(%dma_start3A_20 : memref<128xi32, #tpu.memory_space<vmem>>) semaphore(%arg15 : memref<!tpu.dma_semaphore, #tpu.memory_space<semaphore_mem>>)
      %add3A_24 = arith.constant 32 : i32
      %add3A_25 = arith.addi %add3A_24, %arg1 : i32
      %dma_start3A_26 = arith.constant 0 : i32
      %dma_start3A_27 = arith.constant 0 : i32
      %dma_start3A_28 = tpu.memref_slice %arg4[%add3A_25, %dma_start3A_26, %dma_start3A_27] : memref<2560x2x128xi32, #tpu.memory_space<hbm>> -> memref<1x2x128xi32, #tpu.memory_space<hbm>>
      %dma_start3A_29 = tpu.memref_squeeze %dma_start3A_28 : memref<1x2x128xi32, #tpu.memory_space<hbm>> -> memref<2x128xi32, #tpu.memory_space<hbm>>
      %dma_start3A_30 = arith.constant 0 : i32
      %dma_start3A_31 = arith.constant 0 : i32
      %dma_start3A_32 = tpu.memref_slice %arg4[%add3A_25, %dma_start3A_30, %dma_start3A_31] : memref<2560x2x128xi32, #tpu.memory_space<hbm>> -> memref<1x2x128xi32, #tpu.memory_space<hbm>>
      %dma_start3A_33 = tpu.memref_squeeze %dma_start3A_32 : memref<1x2x128xi32, #tpu.memory_space<hbm>> -> memref<2x128xi32, #tpu.memory_space<hbm>>
      tpu.enqueue_dma source(%dma_start3A_33 : memref<2x128xi32, #tpu.memory_space<hbm>>) target(%arg8 : memref<2x128xi32, #tpu.memory_space<vmem>>) target_semaphore(%arg17 : memref<!tpu.dma_semaphore, #tpu.memory_space<semaphore_mem>>)
      %add3A_34 = arith.constant 48 : i32
      %add3A_35 = arith.addi %add3A_34, %arg1 : i32
      %dma_start3A_36 = arith.constant 0 : i32
      %dma_start3A_37 = arith.constant 0 : i32
      %dma_start3A_38 = tpu.memref_slice %arg4[%add3A_35, %dma_start3A_36, %dma_start3A_37] : memref<2560x2x128xi32, #tpu.memory_space<hbm>> -> memref<1x2x128xi32, #tpu.memory_space<hbm>>
      %dma_start3A_39 = tpu.memref_squeeze %dma_start3A_38 : memref<1x2x128xi32, #tpu.memory_space<hbm>> -> memref<2x128xi32, #tpu.memory_space<hbm>>
      %dma_start3A_40 = arith.constant 0 : i32
      %dma_start3A_41 = arith.constant 0 : i32
      %dma_start3A_42 = tpu.memref_slice %arg4[%add3A_35, %dma_start3A_40, %dma_start3A_41] : memref<2560x2x128xi32, #tpu.memory_space<hbm>> -> memref<1x2x128xi32, #tpu.memory_space<hbm>>
      %dma_start3A_43 = tpu.memref_squeeze %dma_start3A_42 : memref<1x2x128xi32, #tpu.memory_space<hbm>> -> memref<2x128xi32, #tpu.memory_space<hbm>>
      tpu.enqueue_dma source(%dma_start3A_43 : memref<2x128xi32, #tpu.memory_space<hbm>>) target(%arg10 : memref<2x128xi32, #tpu.memory_space<vmem>>) target_semaphore(%arg19 : memref<!tpu.dma_semaphore, #tpu.memory_space<semaphore_mem>>)
      %scan3A = arith.constant 0 : i32
      %scan3A_44 = arith.constant 0 : i32
      %scan3A_45 = arith.constant 40 : i32
      %scan3A_46 = arith.addi %scan3A_44, %scan3A_45 : i32
      %scan3A_47 = arith.constant 1 : i32
      scf.for %scan3A_50 = %scan3A_44 to %scan3A_46 step %scan3A_47  : i32 {
        %mul3A_51 = arith.constant 4 : i32
        %mul3A_52 = arith.muli %mul3A_51, %scan3A_50 : i32
        %add3A_53 = arith.constant 0 : i32
        %add3A_54 = arith.addi %mul3A_52, %add3A_53 : i32
        %add3A_55 = arith.constant 0 : i32
        %add3A_56 = arith.addi %add3A_54, %add3A_55 : i32
        %add3A_57 = arith.constant 2 : i32
        %add3A_58 = arith.addi %add3A_56, %add3A_57 : i32
        %add3A_59 = arith.constant 4 : i32
        %add3A_60 = arith.addi %add3A_56, %add3A_59 : i32
        %dma_wait3A = arith.constant 0 : i32
        %dma_wait3A_61 = arith.constant 0 : i32
        %dma_wait3A_62 = tpu.memref_slice %arg7[%dma_wait3A, %dma_wait3A_61] : memref<2x128xi32, #tpu.memory_space<vmem>> -> memref<1x128xi32, #tpu.memory_space<vmem>>
        %dma_wait3A_63 = tpu.memref_squeeze %dma_wait3A_62 : memref<1x128xi32, #tpu.memory_space<vmem>> -> memref<128xi32, #tpu.memory_space<vmem>>
        %dma_wait3A_64 = arith.constant 0 : i32
        %dma_wait3A_65 = arith.constant 0 : i32
        %dma_wait3A_66 = tpu.memref_slice %arg2[%dma_wait3A_64, %dma_wait3A_65] : memref<10240x128xf32, #tpu.memory_space<hbm>> -> memref<10240x128xf32, #tpu.memory_space<hbm>>
        tpu.wait_indirect_dma semaphore(%arg14 : memref<!tpu.dma_semaphore, #tpu.memory_space<semaphore_mem>>) src(%dma_wait3A_66 : memref<10240x128xf32, #tpu.memory_space<hbm>>) dst(%arg11 : memref<128x128xf32, #tpu.memory_space<vmem>>)
        %run_scoped3A = arith.constant 1 : i32
        "tpu.region"() ({
          %run_scoped3A_160 = tpu.sem_alloc : memref<!tpu.dma_semaphore, #tpu.memory_space<semaphore_mem>>
          %dma_start3A_161 = arith.constant 0 : i32
          %dma_start3A_162 = tpu.memref_slice %arg7[%run_scoped3A, %dma_start3A_161] : memref<2x128xi32, #tpu.memory_space<vmem>> -> memref<1x128xi32, #tpu.memory_space<vmem>>
          %dma_start3A_163 = tpu.memref_squeeze %dma_start3A_162 : memref<1x128xi32, #tpu.memory_space<vmem>> -> memref<128xi32, #tpu.memory_space<vmem>>
          %dma_start3A_164 = arith.constant 0 : i32
          %dma_start3A_165 = arith.constant 0 : i32
          %dma_start3A_166 = tpu.memref_slice %arg13[%dma_start3A_164, %dma_start3A_165] : memref<10240x128xf32, #tpu.memory_space<vmem_shared>> -> memref<10240x128xf32, #tpu.memory_space<vmem_shared>>
          tpu.enqueue_indirect_dma source(%arg11 : memref<128x128xf32, #tpu.memory_space<vmem>>) target(%dma_start3A_166 : memref<10240x128xf32, #tpu.memory_space<vmem_shared>>) offsets(%dma_start3A_163 : memref<128xi32, #tpu.memory_space<vmem>>) semaphore(%run_scoped3A_160 : memref<!tpu.dma_semaphore, #tpu.memory_space<semaphore_mem>>) {add = true}
          %dma_wait3A_167 = arith.constant 0 : i32
          %dma_wait3A_168 = tpu.memref_slice %arg7[%run_scoped3A, %dma_wait3A_167] : memref<2x128xi32, #tpu.memory_space<vmem>> -> memref<1x128xi32, #tpu.memory_space<vmem>>
          %dma_wait3A_169 = tpu.memref_squeeze %dma_wait3A_168 : memref<1x128xi32, #tpu.memory_space<vmem>> -> memref<128xi32, #tpu.memory_space<vmem>>
          %dma_wait3A_170 = arith.constant 0 : i32
          %dma_wait3A_171 = arith.constant 0 : i32
          %dma_wait3A_172 = tpu.memref_slice %arg13[%dma_wait3A_170, %dma_wait3A_171] : memref<10240x128xf32, #tpu.memory_space<vmem_shared>> -> memref<10240x128xf32, #tpu.memory_space<vmem_shared>>
          tpu.wait_indirect_dma semaphore(%run_scoped3A_160 : memref<!tpu.dma_semaphore, #tpu.memory_space<semaphore_mem>>) src(%arg11 : memref<128x128xf32, #tpu.memory_space<vmem>>) dst(%dma_wait3A_172 : memref<10240x128xf32, #tpu.memory_space<vmem_shared>>)
          tpu.yield
        }) : () -> ()
        %lt3A = arith.constant 160 : i32
        %lt3A_67 = arith.cmpi slt, %add3A_60, %lt3A : i32
        %convert_element_type3A_68 = arith.extui %lt3A_67 : i1 to i32
        %cond3A_69 = arith.constant 0 : i32
        %cond3A_70 = arith.cmpi ne, %convert_element_type3A_68, %cond3A_69 : i32
        scf.if %cond3A_70 {
          %mul3A_160 = arith.constant 16 : i32
          %mul3A_161 = arith.muli %add3A_60, %mul3A_160 : i32
          %add3A_162 = arith.addi %mul3A_161, %arg1 : i32
          %dma_start3A_163 = arith.constant 0 : i32
          %dma_start3A_164 = arith.constant 0 : i32
          %dma_start3A_165 = tpu.memref_slice %arg4[%add3A_162, %dma_start3A_163, %dma_start3A_164] : memref<2560x2x128xi32, #tpu.memory_space<hbm>> -> memref<1x2x128xi32, #tpu.memory_space<hbm>>
          %dma_start3A_166 = tpu.memref_squeeze %dma_start3A_165 : memref<1x2x128xi32, #tpu.memory_space<hbm>> -> memref<2x128xi32, #tpu.memory_space<hbm>>
          %dma_start3A_167 = arith.constant 0 : i32
          %dma_start3A_168 = arith.constant 0 : i32
          %dma_start3A_169 = tpu.memref_slice %arg4[%add3A_162, %dma_start3A_167, %dma_start3A_168] : memref<2560x2x128xi32, #tpu.memory_space<hbm>> -> memref<1x2x128xi32, #tpu.memory_space<hbm>>
          %dma_start3A_170 = tpu.memref_squeeze %dma_start3A_169 : memref<1x2x128xi32, #tpu.memory_space<hbm>> -> memref<2x128xi32, #tpu.memory_space<hbm>>
          tpu.enqueue_dma source(%dma_start3A_170 : memref<2x128xi32, #tpu.memory_space<hbm>>) target(%arg7 : memref<2x128xi32, #tpu.memory_space<vmem>>) target_semaphore(%arg16 : memref<!tpu.dma_semaphore, #tpu.memory_space<semaphore_mem>>)
        } else {
        }
        %lt3A_71 = arith.constant 160 : i32
        %lt3A_72 = arith.cmpi slt, %add3A_58, %lt3A_71 : i32
        %convert_element_type3A_73 = arith.extui %lt3A_72 : i1 to i32
        %cond3A_74 = arith.constant 0 : i32
        %cond3A_75 = arith.cmpi ne, %convert_element_type3A_73, %cond3A_74 : i32
        scf.if %cond3A_75 {
          %mul3A_160 = arith.constant 16 : i32
          %mul3A_161 = arith.muli %add3A_58, %mul3A_160 : i32
          %add3A_162 = arith.addi %mul3A_161, %arg1 : i32
          %dma_wait3A_163 = arith.constant 0 : i32
          %dma_wait3A_164 = arith.constant 0 : i32
          %dma_wait3A_165 = tpu.memref_slice %arg4[%add3A_162, %dma_wait3A_163, %dma_wait3A_164] : memref<2560x2x128xi32, #tpu.memory_space<hbm>> -> memref<1x2x128xi32, #tpu.memory_space<hbm>>
          %dma_wait3A_166 = tpu.memref_squeeze %dma_wait3A_165 : memref<1x2x128xi32, #tpu.memory_space<hbm>> -> memref<2x128xi32, #tpu.memory_space<hbm>>
          %dma_wait3A_167 = arith.constant 0 : i32
          %dma_wait3A_168 = arith.constant 0 : i32
          %dma_wait3A_169 = tpu.memref_slice %arg4[%add3A_162, %dma_wait3A_167, %dma_wait3A_168] : memref<2560x2x128xi32, #tpu.memory_space<hbm>> -> memref<1x2x128xi32, #tpu.memory_space<hbm>>
          %dma_wait3A_170 = tpu.memref_squeeze %dma_wait3A_169 : memref<1x2x128xi32, #tpu.memory_space<hbm>> -> memref<2x128xi32, #tpu.memory_space<hbm>>
          tpu.wait_dma2 semaphore(%arg17 : memref<!tpu.dma_semaphore, #tpu.memory_space<semaphore_mem>>) src(%dma_wait3A_170 : memref<2x128xi32, #tpu.memory_space<hbm>>) dst(%arg8 : memref<2x128xi32, #tpu.memory_space<vmem>>)
          %dma_start3A_171 = arith.constant 0 : i32
          %dma_start3A_172 = arith.constant 0 : i32
          %dma_start3A_173 = tpu.memref_slice %arg8[%dma_start3A_171, %dma_start3A_172] : memref<2x128xi32, #tpu.memory_space<vmem>> -> memref<1x128xi32, #tpu.memory_space<vmem>>
          %dma_start3A_174 = tpu.memref_squeeze %dma_start3A_173 : memref<1x128xi32, #tpu.memory_space<vmem>> -> memref<128xi32, #tpu.memory_space<vmem>>
          %dma_start3A_175 = arith.constant 0 : i32
          %dma_start3A_176 = arith.constant 0 : i32
          %dma_start3A_177 = tpu.memref_slice %arg2[%dma_start3A_175, %dma_start3A_176] : memref<10240x128xf32, #tpu.memory_space<hbm>> -> memref<10240x128xf32, #tpu.memory_space<hbm>>
          tpu.enqueue_indirect_dma source(%dma_start3A_177 : memref<10240x128xf32, #tpu.memory_space<hbm>>) target(%arg11 : memref<128x128xf32, #tpu.memory_space<vmem>>) offsets(%dma_start3A_174 : memref<128xi32, #tpu.memory_space<vmem>>) semaphore(%arg14 : memref<!tpu.dma_semaphore, #tpu.memory_space<semaphore_mem>>)
        } else {
        }
        %mul3A_76 = arith.constant 4 : i32
        %mul3A_77 = arith.muli %mul3A_76, %scan3A_50 : i32
        %add3A_78 = arith.constant 0 : i32
        %add3A_79 = arith.addi %mul3A_77, %add3A_78 : i32
        %add3A_80 = arith.constant 1 : i32
        %add3A_81 = arith.addi %add3A_79, %add3A_80 : i32
        %add3A_82 = arith.constant 2 : i32
        %add3A_83 = arith.addi %add3A_81, %add3A_82 : i32
        %add3A_84 = arith.constant 4 : i32
        %add3A_85 = arith.addi %add3A_81, %add3A_84 : i32
        %dma_wait3A_86 = arith.constant 0 : i32
        %dma_wait3A_87 = arith.constant 0 : i32
        %dma_wait3A_88 = tpu.memref_slice %arg9[%dma_wait3A_86, %dma_wait3A_87] : memref<2x128xi32, #tpu.memory_space<vmem>> -> memref<1x128xi32, #tpu.memory_space<vmem>>
        %dma_wait3A_89 = tpu.memref_squeeze %dma_wait3A_88 : memref<1x128xi32, #tpu.memory_space<vmem>> -> memref<128xi32, #tpu.memory_space<vmem>>
        %dma_wait3A_90 = arith.constant 0 : i32
        %dma_wait3A_91 = arith.constant 0 : i32
        %dma_wait3A_92 = tpu.memref_slice %arg2[%dma_wait3A_90, %dma_wait3A_91] : memref<10240x128xf32, #tpu.memory_space<hbm>> -> memref<10240x128xf32, #tpu.memory_space<hbm>>
        tpu.wait_indirect_dma semaphore(%arg15 : memref<!tpu.dma_semaphore, #tpu.memory_space<semaphore_mem>>) src(%dma_wait3A_92 : memref<10240x128xf32, #tpu.memory_space<hbm>>) dst(%arg12 : memref<128x128xf32, #tpu.memory_space<vmem>>)
        %run_scoped3A_93 = arith.constant 1 : i32
        "tpu.region"() ({
          %run_scoped3A_160 = tpu.sem_alloc : memref<!tpu.dma_semaphore, #tpu.memory_space<semaphore_mem>>
          %dma_start3A_161 = arith.constant 0 : i32
          %dma_start3A_162 = tpu.memref_slice %arg9[%run_scoped3A_93, %dma_start3A_161] : memref<2x128xi32, #tpu.memory_space<vmem>> -> memref<1x128xi32, #tpu.memory_space<vmem>>
          %dma_start3A_163 = tpu.memref_squeeze %dma_start3A_162 : memref<1x128xi32, #tpu.memory_space<vmem>> -> memref<128xi32, #tpu.memory_space<vmem>>
          %dma_start3A_164 = arith.constant 0 : i32
          %dma_start3A_165 = arith.constant 0 : i32
          %dma_start3A_166 = tpu.memref_slice %arg13[%dma_start3A_164, %dma_start3A_165] : memref<10240x128xf32, #tpu.memory_space<vmem_shared>> -> memref<10240x128xf32, #tpu.memory_space<vmem_shared>>
          tpu.enqueue_indirect_dma source(%arg12 : memref<128x128xf32, #tpu.memory_space<vmem>>) target(%dma_start3A_166 : memref<10240x128xf32, #tpu.memory_space<vmem_shared>>) offsets(%dma_start3A_163 : memref<128xi32, #tpu.memory_space<vmem>>) semaphore(%run_scoped3A_160 : memref<!tpu.dma_semaphore, #tpu.memory_space<semaphore_mem>>) {add = true}
          %dma_wait3A_167 = arith.constant 0 : i32
          %dma_wait3A_168 = tpu.memref_slice %arg9[%run_scoped3A_93, %dma_wait3A_167] : memref<2x128xi32, #tpu.memory_space<vmem>> -> memref<1x128xi32, #tpu.memory_space<vmem>>
          %dma_wait3A_169 = tpu.memref_squeeze %dma_wait3A_168 : memref<1x128xi32, #tpu.memory_space<vmem>> -> memref<128xi32, #tpu.memory_space<vmem>>
          %dma_wait3A_170 = arith.constant 0 : i32
          %dma_wait3A_171 = arith.constant 0 : i32
          %dma_wait3A_172 = tpu.memref_slice %arg13[%dma_wait3A_170, %dma_wait3A_171] : memref<10240x128xf32, #tpu.memory_space<vmem_shared>> -> memref<10240x128xf32, #tpu.memory_space<vmem_shared>>
          tpu.wait_indirect_dma semaphore(%run_scoped3A_160 : memref<!tpu.dma_semaphore, #tpu.memory_space<semaphore_mem>>) src(%arg12 : memref<128x128xf32, #tpu.memory_space<vmem>>) dst(%dma_wait3A_172 : memref<10240x128xf32, #tpu.memory_space<vmem_shared>>)
          tpu.yield
        }) : () -> ()
        %lt3A_94 = arith.constant 160 : i32
        %lt3A_95 = arith.cmpi slt, %add3A_85, %lt3A_94 : i32
        %convert_element_type3A_96 = arith.extui %lt3A_95 : i1 to i32
        %cond3A_97 = arith.constant 0 : i32
        %cond3A_98 = arith.cmpi ne, %convert_element_type3A_96, %cond3A_97 : i32
        scf.if %cond3A_98 {
          %mul3A_160 = arith.constant 16 : i32
          %mul3A_161 = arith.muli %add3A_85, %mul3A_160 : i32
          %add3A_162 = arith.addi %mul3A_161, %arg1 : i32
          %dma_start3A_163 = arith.constant 0 : i32
          %dma_start3A_164 = arith.constant 0 : i32
          %dma_start3A_165 = tpu.memref_slice %arg4[%add3A_162, %dma_start3A_163, %dma_start3A_164] : memref<2560x2x128xi32, #tpu.memory_space<hbm>> -> memref<1x2x128xi32, #tpu.memory_space<hbm>>
          %dma_start3A_166 = tpu.memref_squeeze %dma_start3A_165 : memref<1x2x128xi32, #tpu.memory_space<hbm>> -> memref<2x128xi32, #tpu.memory_space<hbm>>
          %dma_start3A_167 = arith.constant 0 : i32
          %dma_start3A_168 = arith.constant 0 : i32
          %dma_start3A_169 = tpu.memref_slice %arg4[%add3A_162, %dma_start3A_167, %dma_start3A_168] : memref<2560x2x128xi32, #tpu.memory_space<hbm>> -> memref<1x2x128xi32, #tpu.memory_space<hbm>>
          %dma_start3A_170 = tpu.memref_squeeze %dma_start3A_169 : memref<1x2x128xi32, #tpu.memory_space<hbm>> -> memref<2x128xi32, #tpu.memory_space<hbm>>
          tpu.enqueue_dma source(%dma_start3A_170 : memref<2x128xi32, #tpu.memory_space<hbm>>) target(%arg9 : memref<2x128xi32, #tpu.memory_space<vmem>>) target_semaphore(%arg18 : memref<!tpu.dma_semaphore, #tpu.memory_space<semaphore_mem>>)
        } else {
        }
        %lt3A_99 = arith.constant 160 : i32
        %lt3A_100 = arith.cmpi slt, %add3A_83, %lt3A_99 : i32
        %convert_element_type3A_101 = arith.extui %lt3A_100 : i1 to i32
        %cond3A_102 = arith.constant 0 : i32
        %cond3A_103 = arith.cmpi ne, %convert_element_type3A_101, %cond3A_102 : i32
        scf.if %cond3A_103 {
          %mul3A_160 = arith.constant 16 : i32
          %mul3A_161 = arith.muli %add3A_83, %mul3A_160 : i32
          %add3A_162 = arith.addi %mul3A_161, %arg1 : i32
          %dma_wait3A_163 = arith.constant 0 : i32
          %dma_wait3A_164 = arith.constant 0 : i32
          %dma_wait3A_165 = tpu.memref_slice %arg4[%add3A_162, %dma_wait3A_163, %dma_wait3A_164] : memref<2560x2x128xi32, #tpu.memory_space<hbm>> -> memref<1x2x128xi32, #tpu.memory_space<hbm>>
          %dma_wait3A_166 = tpu.memref_squeeze %dma_wait3A_165 : memref<1x2x128xi32, #tpu.memory_space<hbm>> -> memref<2x128xi32, #tpu.memory_space<hbm>>
          %dma_wait3A_167 = arith.constant 0 : i32
          %dma_wait3A_168 = arith.constant 0 : i32
          %dma_wait3A_169 = tpu.memref_slice %arg4[%add3A_162, %dma_wait3A_167, %dma_wait3A_168] : memref<2560x2x128xi32, #tpu.memory_space<hbm>> -> memref<1x2x128xi32, #tpu.memory_space<hbm>>
          %dma_wait3A_170 = tpu.memref_squeeze %dma_wait3A_169 : memref<1x2x128xi32, #tpu.memory_space<hbm>> -> memref<2x128xi32, #tpu.memory_space<hbm>>
          tpu.wait_dma2 semaphore(%arg19 : memref<!tpu.dma_semaphore, #tpu.memory_space<semaphore_mem>>) src(%dma_wait3A_170 : memref<2x128xi32, #tpu.memory_space<hbm>>) dst(%arg10 : memref<2x128xi32, #tpu.memory_space<vmem>>)
          %dma_start3A_171 = arith.constant 0 : i32
          %dma_start3A_172 = arith.constant 0 : i32
          %dma_start3A_173 = tpu.memref_slice %arg10[%dma_start3A_171, %dma_start3A_172] : memref<2x128xi32, #tpu.memory_space<vmem>> -> memref<1x128xi32, #tpu.memory_space<vmem>>
          %dma_start3A_174 = tpu.memref_squeeze %dma_start3A_173 : memref<1x128xi32, #tpu.memory_space<vmem>> -> memref<128xi32, #tpu.memory_space<vmem>>
          %dma_start3A_175 = arith.constant 0 : i32
          %dma_start3A_176 = arith.constant 0 : i32
          %dma_start3A_177 = tpu.memref_slice %arg2[%dma_start3A_175, %dma_start3A_176] : memref<10240x128xf32, #tpu.memory_space<hbm>> -> memref<10240x128xf32, #tpu.memory_space<hbm>>
          tpu.enqueue_indirect_dma source(%dma_start3A_177 : memref<10240x128xf32, #tpu.memory_space<hbm>>) target(%arg12 : memref<128x128xf32, #tpu.memory_space<vmem>>) offsets(%dma_start3A_174 : memref<128xi32, #tpu.memory_space<vmem>>) semaphore(%arg15 : memref<!tpu.dma_semaphore, #tpu.memory_space<semaphore_mem>>)
        } else {
        }
        %mul3A_104 = arith.constant 4 : i32
        %mul3A_105 = arith.muli %mul3A_104, %scan3A_50 : i32
        %add3A_106 = arith.constant 2 : i32
        %add3A_107 = arith.addi %mul3A_105, %add3A_106 : i32
        %add3A_108 = arith.constant 0 : i32
        %add3A_109 = arith.addi %add3A_107, %add3A_108 : i32
        %add3A_110 = arith.constant 2 : i32
        %add3A_111 = arith.addi %add3A_109, %add3A_110 : i32
        %add3A_112 = arith.constant 4 : i32
        %add3A_113 = arith.addi %add3A_109, %add3A_112 : i32
        %dma_wait3A_114 = arith.constant 0 : i32
        %dma_wait3A_115 = arith.constant 0 : i32
        %dma_wait3A_116 = tpu.memref_slice %arg8[%dma_wait3A_114, %dma_wait3A_115] : memref<2x128xi32, #tpu.memory_space<vmem>> -> memref<1x128xi32, #tpu.memory_space<vmem>>
        %dma_wait3A_117 = tpu.memref_squeeze %dma_wait3A_116 : memref<1x128xi32, #tpu.memory_space<vmem>> -> memref<128xi32, #tpu.memory_space<vmem>>
        %dma_wait3A_118 = arith.constant 0 : i32
        %dma_wait3A_119 = arith.constant 0 : i32
        %dma_wait3A_120 = tpu.memref_slice %arg2[%dma_wait3A_118, %dma_wait3A_119] : memref<10240x128xf32, #tpu.memory_space<hbm>> -> memref<10240x128xf32, #tpu.memory_space<hbm>>
        tpu.wait_indirect_dma semaphore(%arg14 : memref<!tpu.dma_semaphore, #tpu.memory_space<semaphore_mem>>) src(%dma_wait3A_120 : memref<10240x128xf32, #tpu.memory_space<hbm>>) dst(%arg11 : memref<128x128xf32, #tpu.memory_space<vmem>>)
        %run_scoped3A_121 = arith.constant 1 : i32
        "tpu.region"() ({
          %run_scoped3A_160 = tpu.sem_alloc : memref<!tpu.dma_semaphore, #tpu.memory_space<semaphore_mem>>
          %dma_start3A_161 = arith.constant 0 : i32
          %dma_start3A_162 = tpu.memref_slice %arg8[%run_scoped3A_121, %dma_start3A_161] : memref<2x128xi32, #tpu.memory_space<vmem>> -> memref<1x128xi32, #tpu.memory_space<vmem>>
          %dma_start3A_163 = tpu.memref_squeeze %dma_start3A_162 : memref<1x128xi32, #tpu.memory_space<vmem>> -> memref<128xi32, #tpu.memory_space<vmem>>
          %dma_start3A_164 = arith.constant 0 : i32
          %dma_start3A_165 = arith.constant 0 : i32
          %dma_start3A_166 = tpu.memref_slice %arg13[%dma_start3A_164, %dma_start3A_165] : memref<10240x128xf32, #tpu.memory_space<vmem_shared>> -> memref<10240x128xf32, #tpu.memory_space<vmem_shared>>
          tpu.enqueue_indirect_dma source(%arg11 : memref<128x128xf32, #tpu.memory_space<vmem>>) target(%dma_start3A_166 : memref<10240x128xf32, #tpu.memory_space<vmem_shared>>) offsets(%dma_start3A_163 : memref<128xi32, #tpu.memory_space<vmem>>) semaphore(%run_scoped3A_160 : memref<!tpu.dma_semaphore, #tpu.memory_space<semaphore_mem>>) {add = true}
          %dma_wait3A_167 = arith.constant 0 : i32
          %dma_wait3A_168 = tpu.memref_slice %arg8[%run_scoped3A_121, %dma_wait3A_167] : memref<2x128xi32, #tpu.memory_space<vmem>> -> memref<1x128xi32, #tpu.memory_space<vmem>>
          %dma_wait3A_169 = tpu.memref_squeeze %dma_wait3A_168 : memref<1x128xi32, #tpu.memory_space<vmem>> -> memref<128xi32, #tpu.memory_space<vmem>>
          %dma_wait3A_170 = arith.constant 0 : i32
          %dma_wait3A_171 = arith.constant 0 : i32
          %dma_wait3A_172 = tpu.memref_slice %arg13[%dma_wait3A_170, %dma_wait3A_171] : memref<10240x128xf32, #tpu.memory_space<vmem_shared>> -> memref<10240x128xf32, #tpu.memory_space<vmem_shared>>
          tpu.wait_indirect_dma semaphore(%run_scoped3A_160 : memref<!tpu.dma_semaphore, #tpu.memory_space<semaphore_mem>>) src(%arg11 : memref<128x128xf32, #tpu.memory_space<vmem>>) dst(%dma_wait3A_172 : memref<10240x128xf32, #tpu.memory_space<vmem_shared>>)
          tpu.yield
        }) : () -> ()
        %lt3A_122 = arith.constant 160 : i32
        %lt3A_123 = arith.cmpi slt, %add3A_113, %lt3A_122 : i32
        %convert_element_type3A_124 = arith.extui %lt3A_123 : i1 to i32
        %cond3A_125 = arith.constant 0 : i32
        %cond3A_126 = arith.cmpi ne, %convert_element_type3A_124, %cond3A_125 : i32
        scf.if %cond3A_126 {
          %mul3A_160 = arith.constant 16 : i32
          %mul3A_161 = arith.muli %add3A_113, %mul3A_160 : i32
          %add3A_162 = arith.addi %mul3A_161, %arg1 : i32
          %dma_start3A_163 = arith.constant 0 : i32
          %dma_start3A_164 = arith.constant 0 : i32
          %dma_start3A_165 = tpu.memref_slice %arg4[%add3A_162, %dma_start3A_163, %dma_start3A_164] : memref<2560x2x128xi32, #tpu.memory_space<hbm>> -> memref<1x2x128xi32, #tpu.memory_space<hbm>>
          %dma_start3A_166 = tpu.memref_squeeze %dma_start3A_165 : memref<1x2x128xi32, #tpu.memory_space<hbm>> -> memref<2x128xi32, #tpu.memory_space<hbm>>
          %dma_start3A_167 = arith.constant 0 : i32
          %dma_start3A_168 = arith.constant 0 : i32
          %dma_start3A_169 = tpu.memref_slice %arg4[%add3A_162, %dma_start3A_167, %dma_start3A_168] : memref<2560x2x128xi32, #tpu.memory_space<hbm>> -> memref<1x2x128xi32, #tpu.memory_space<hbm>>
          %dma_start3A_170 = tpu.memref_squeeze %dma_start3A_169 : memref<1x2x128xi32, #tpu.memory_space<hbm>> -> memref<2x128xi32, #tpu.memory_space<hbm>>
          tpu.enqueue_dma source(%dma_start3A_170 : memref<2x128xi32, #tpu.memory_space<hbm>>) target(%arg8 : memref<2x128xi32, #tpu.memory_space<vmem>>) target_semaphore(%arg17 : memref<!tpu.dma_semaphore, #tpu.memory_space<semaphore_mem>>)
        } else {
        }
        %lt3A_127 = arith.constant 160 : i32
        %lt3A_128 = arith.cmpi slt, %add3A_111, %lt3A_127 : i32
        %convert_element_type3A_129 = arith.extui %lt3A_128 : i1 to i32
        %cond3A_130 = arith.constant 0 : i32
        %cond3A_131 = arith.cmpi ne, %convert_element_type3A_129, %cond3A_130 : i32
        scf.if %cond3A_131 {
          %mul3A_160 = arith.constant 16 : i32
          %mul3A_161 = arith.muli %add3A_111, %mul3A_160 : i32
          %add3A_162 = arith.addi %mul3A_161, %arg1 : i32
          %dma_wait3A_163 = arith.constant 0 : i32
          %dma_wait3A_164 = arith.constant 0 : i32
          %dma_wait3A_165 = tpu.memref_slice %arg4[%add3A_162, %dma_wait3A_163, %dma_wait3A_164] : memref<2560x2x128xi32, #tpu.memory_space<hbm>> -> memref<1x2x128xi32, #tpu.memory_space<hbm>>
          %dma_wait3A_166 = tpu.memref_squeeze %dma_wait3A_165 : memref<1x2x128xi32, #tpu.memory_space<hbm>> -> memref<2x128xi32, #tpu.memory_space<hbm>>
          %dma_wait3A_167 = arith.constant 0 : i32
          %dma_wait3A_168 = arith.constant 0 : i32
          %dma_wait3A_169 = tpu.memref_slice %arg4[%add3A_162, %dma_wait3A_167, %dma_wait3A_168] : memref<2560x2x128xi32, #tpu.memory_space<hbm>> -> memref<1x2x128xi32, #tpu.memory_space<hbm>>
          %dma_wait3A_170 = tpu.memref_squeeze %dma_wait3A_169 : memref<1x2x128xi32, #tpu.memory_space<hbm>> -> memref<2x128xi32, #tpu.memory_space<hbm>>
          tpu.wait_dma2 semaphore(%arg16 : memref<!tpu.dma_semaphore, #tpu.memory_space<semaphore_mem>>) src(%dma_wait3A_170 : memref<2x128xi32, #tpu.memory_space<hbm>>) dst(%arg7 : memref<2x128xi32, #tpu.memory_space<vmem>>)
          %dma_start3A_171 = arith.constant 0 : i32
          %dma_start3A_172 = arith.constant 0 : i32
          %dma_start3A_173 = tpu.memref_slice %arg7[%dma_start3A_171, %dma_start3A_172] : memref<2x128xi32, #tpu.memory_space<vmem>> -> memref<1x128xi32, #tpu.memory_space<vmem>>
          %dma_start3A_174 = tpu.memref_squeeze %dma_start3A_173 : memref<1x128xi32, #tpu.memory_space<vmem>> -> memref<128xi32, #tpu.memory_space<vmem>>
          %dma_start3A_175 = arith.constant 0 : i32
          %dma_start3A_176 = arith.constant 0 : i32
          %dma_start3A_177 = tpu.memref_slice %arg2[%dma_start3A_175, %dma_start3A_176] : memref<10240x128xf32, #tpu.memory_space<hbm>> -> memref<10240x128xf32, #tpu.memory_space<hbm>>
          tpu.enqueue_indirect_dma source(%dma_start3A_177 : memref<10240x128xf32, #tpu.memory_space<hbm>>) target(%arg11 : memref<128x128xf32, #tpu.memory_space<vmem>>) offsets(%dma_start3A_174 : memref<128xi32, #tpu.memory_space<vmem>>) semaphore(%arg14 : memref<!tpu.dma_semaphore, #tpu.memory_space<semaphore_mem>>)
        } else {
        }
        %mul3A_132 = arith.constant 4 : i32
        %mul3A_133 = arith.muli %mul3A_132, %scan3A_50 : i32
        %add3A_134 = arith.constant 2 : i32
        %add3A_135 = arith.addi %mul3A_133, %add3A_134 : i32
        %add3A_136 = arith.constant 1 : i32
        %add3A_137 = arith.addi %add3A_135, %add3A_136 : i32
        %add3A_138 = arith.constant 2 : i32
        %add3A_139 = arith.addi %add3A_137, %add3A_138 : i32
        %add3A_140 = arith.constant 4 : i32
        %add3A_141 = arith.addi %add3A_137, %add3A_140 : i32
        %dma_wait3A_142 = arith.constant 0 : i32
        %dma_wait3A_143 = arith.constant 0 : i32
        %dma_wait3A_144 = tpu.memref_slice %arg10[%dma_wait3A_142, %dma_wait3A_143] : memref<2x128xi32, #tpu.memory_space<vmem>> -> memref<1x128xi32, #tpu.memory_space<vmem>>
        %dma_wait3A_145 = tpu.memref_squeeze %dma_wait3A_144 : memref<1x128xi32, #tpu.memory_space<vmem>> -> memref<128xi32, #tpu.memory_space<vmem>>
        %dma_wait3A_146 = arith.constant 0 : i32
        %dma_wait3A_147 = arith.constant 0 : i32
        %dma_wait3A_148 = tpu.memref_slice %arg2[%dma_wait3A_146, %dma_wait3A_147] : memref<10240x128xf32, #tpu.memory_space<hbm>> -> memref<10240x128xf32, #tpu.memory_space<hbm>>
        tpu.wait_indirect_dma semaphore(%arg15 : memref<!tpu.dma_semaphore, #tpu.memory_space<semaphore_mem>>) src(%dma_wait3A_148 : memref<10240x128xf32, #tpu.memory_space<hbm>>) dst(%arg12 : memref<128x128xf32, #tpu.memory_space<vmem>>)
        %run_scoped3A_149 = arith.constant 1 : i32
        "tpu.region"() ({
          %run_scoped3A_160 = tpu.sem_alloc : memref<!tpu.dma_semaphore, #tpu.memory_space<semaphore_mem>>
          %dma_start3A_161 = arith.constant 0 : i32
          %dma_start3A_162 = tpu.memref_slice %arg10[%run_scoped3A_149, %dma_start3A_161] : memref<2x128xi32, #tpu.memory_space<vmem>> -> memref<1x128xi32, #tpu.memory_space<vmem>>
          %dma_start3A_163 = tpu.memref_squeeze %dma_start3A_162 : memref<1x128xi32, #tpu.memory_space<vmem>> -> memref<128xi32, #tpu.memory_space<vmem>>
          %dma_start3A_164 = arith.constant 0 : i32
          %dma_start3A_165 = arith.constant 0 : i32
          %dma_start3A_166 = tpu.memref_slice %arg13[%dma_start3A_164, %dma_start3A_165] : memref<10240x128xf32, #tpu.memory_space<vmem_shared>> -> memref<10240x128xf32, #tpu.memory_space<vmem_shared>>
          tpu.enqueue_indirect_dma source(%arg12 : memref<128x128xf32, #tpu.memory_space<vmem>>) target(%dma_start3A_166 : memref<10240x128xf32, #tpu.memory_space<vmem_shared>>) offsets(%dma_start3A_163 : memref<128xi32, #tpu.memory_space<vmem>>) semaphore(%run_scoped3A_160 : memref<!tpu.dma_semaphore, #tpu.memory_space<semaphore_mem>>) {add = true}
          %dma_wait3A_167 = arith.constant 0 : i32
          %dma_wait3A_168 = tpu.memref_slice %arg10[%run_scoped3A_149, %dma_wait3A_167] : memref<2x128xi32, #tpu.memory_space<vmem>> -> memref<1x128xi32, #tpu.memory_space<vmem>>
          %dma_wait3A_169 = tpu.memref_squeeze %dma_wait3A_168 : memref<1x128xi32, #tpu.memory_space<vmem>> -> memref<128xi32, #tpu.memory_space<vmem>>
          %dma_wait3A_170 = arith.constant 0 : i32
          %dma_wait3A_171 = arith.constant 0 : i32
          %dma_wait3A_172 = tpu.memref_slice %arg13[%dma_wait3A_170, %dma_wait3A_171] : memref<10240x128xf32, #tpu.memory_space<vmem_shared>> -> memref<10240x128xf32, #tpu.memory_space<vmem_shared>>
          tpu.wait_indirect_dma semaphore(%run_scoped3A_160 : memref<!tpu.dma_semaphore, #tpu.memory_space<semaphore_mem>>) src(%arg12 : memref<128x128xf32, #tpu.memory_space<vmem>>) dst(%dma_wait3A_172 : memref<10240x128xf32, #tpu.memory_space<vmem_shared>>)
          tpu.yield
        }) : () -> ()
        %lt3A_150 = arith.constant 160 : i32
        %lt3A_151 = arith.cmpi slt, %add3A_141, %lt3A_150 : i32
        %convert_element_type3A_152 = arith.extui %lt3A_151 : i1 to i32
        %cond3A_153 = arith.constant 0 : i32
        %cond3A_154 = arith.cmpi ne, %convert_element_type3A_152, %cond3A_153 : i32
        scf.if %cond3A_154 {
          %mul3A_160 = arith.constant 16 : i32
          %mul3A_161 = arith.muli %add3A_141, %mul3A_160 : i32
          %add3A_162 = arith.addi %mul3A_161, %arg1 : i32
          %dma_start3A_163 = arith.constant 0 : i32
          %dma_start3A_164 = arith.constant 0 : i32
          %dma_start3A_165 = tpu.memref_slice %arg4[%add3A_162, %dma_start3A_163, %dma_start3A_164] : memref<2560x2x128xi32, #tpu.memory_space<hbm>> -> memref<1x2x128xi32, #tpu.memory_space<hbm>>
          %dma_start3A_166 = tpu.memref_squeeze %dma_start3A_165 : memref<1x2x128xi32, #tpu.memory_space<hbm>> -> memref<2x128xi32, #tpu.memory_space<hbm>>
          %dma_start3A_167 = arith.constant 0 : i32
          %dma_start3A_168 = arith.constant 0 : i32
          %dma_start3A_169 = tpu.memref_slice %arg4[%add3A_162, %dma_start3A_167, %dma_start3A_168] : memref<2560x2x128xi32, #tpu.memory_space<hbm>> -> memref<1x2x128xi32, #tpu.memory_space<hbm>>
          %dma_start3A_170 = tpu.memref_squeeze %dma_start3A_169 : memref<1x2x128xi32, #tpu.memory_space<hbm>> -> memref<2x128xi32, #tpu.memory_space<hbm>>
          tpu.enqueue_dma source(%dma_start3A_170 : memref<2x128xi32, #tpu.memory_space<hbm>>) target(%arg10 : memref<2x128xi32, #tpu.memory_space<vmem>>) target_semaphore(%arg19 : memref<!tpu.dma_semaphore, #tpu.memory_space<semaphore_mem>>)
        } else {
        }
        %lt3A_155 = arith.constant 160 : i32
        %lt3A_156 = arith.cmpi slt, %add3A_139, %lt3A_155 : i32
        %convert_element_type3A_157 = arith.extui %lt3A_156 : i1 to i32
        %cond3A_158 = arith.constant 0 : i32
        %cond3A_159 = arith.cmpi ne, %convert_element_type3A_157, %cond3A_158 : i32
        scf.if %cond3A_159 {
          %mul3A_160 = arith.constant 16 : i32
          %mul3A_161 = arith.muli %add3A_139, %mul3A_160 : i32
          %add3A_162 = arith.addi %mul3A_161, %arg1 : i32
          %dma_wait3A_163 = arith.constant 0 : i32
          %dma_wait3A_164 = arith.constant 0 : i32
          %dma_wait3A_165 = tpu.memref_slice %arg4[%add3A_162, %dma_wait3A_163, %dma_wait3A_164] : memref<2560x2x128xi32, #tpu.memory_space<hbm>> -> memref<1x2x128xi32, #tpu.memory_space<hbm>>
          %dma_wait3A_166 = tpu.memref_squeeze %dma_wait3A_165 : memref<1x2x128xi32, #tpu.memory_space<hbm>> -> memref<2x128xi32, #tpu.memory_space<hbm>>
          %dma_wait3A_167 = arith.constant 0 : i32
          %dma_wait3A_168 = arith.constant 0 : i32
          %dma_wait3A_169 = tpu.memref_slice %arg4[%add3A_162, %dma_wait3A_167, %dma_wait3A_168] : memref<2560x2x128xi32, #tpu.memory_space<hbm>> -> memref<1x2x128xi32, #tpu.memory_space<hbm>>
          %dma_wait3A_170 = tpu.memref_squeeze %dma_wait3A_169 : memref<1x2x128xi32, #tpu.memory_space<hbm>> -> memref<2x128xi32, #tpu.memory_space<hbm>>
          tpu.wait_dma2 semaphore(%arg18 : memref<!tpu.dma_semaphore, #tpu.memory_space<semaphore_mem>>) src(%dma_wait3A_170 : memref<2x128xi32, #tpu.memory_space<hbm>>) dst(%arg9 : memref<2x128xi32, #tpu.memory_space<vmem>>)
          %dma_start3A_171 = arith.constant 0 : i32
          %dma_start3A_172 = arith.constant 0 : i32
          %dma_start3A_173 = tpu.memref_slice %arg9[%dma_start3A_171, %dma_start3A_172] : memref<2x128xi32, #tpu.memory_space<vmem>> -> memref<1x128xi32, #tpu.memory_space<vmem>>
          %dma_start3A_174 = tpu.memref_squeeze %dma_start3A_173 : memref<1x128xi32, #tpu.memory_space<vmem>> -> memref<128xi32, #tpu.memory_space<vmem>>
          %dma_start3A_175 = arith.constant 0 : i32
          %dma_start3A_176 = arith.constant 0 : i32
          %dma_start3A_177 = tpu.memref_slice %arg2[%dma_start3A_175, %dma_start3A_176] : memref<10240x128xf32, #tpu.memory_space<hbm>> -> memref<10240x128xf32, #tpu.memory_space<hbm>>
          tpu.enqueue_indirect_dma source(%dma_start3A_177 : memref<10240x128xf32, #tpu.memory_space<hbm>>) target(%arg12 : memref<128x128xf32, #tpu.memory_space<vmem>>) offsets(%dma_start3A_174 : memref<128xi32, #tpu.memory_space<vmem>>) semaphore(%arg15 : memref<!tpu.dma_semaphore, #tpu.memory_space<semaphore_mem>>)
        } else {
        }
      }
      %scan3A_48 = arith.constant 40 : i32
      %barrier3A_49 = arith.constant 0 : index
      tpu.barrier barrier_id(%barrier3A_49)
      "tpu.region"() ({
        %run_scoped3A = tpu.sem_alloc : memref<!tpu.dma_semaphore, #tpu.memory_space<semaphore_mem>>
        %dma_start3A_50 = arith.constant 0 : i32
        %dma_start3A_51 = tpu.memref_slice %arg5[%mul3A_0, %dma_start3A_50] : memref<10240x128xf32, #tpu.memory_space<hbm>> -> memref<640x128xf32, #tpu.memory_space<hbm>>
        %dma_start3A_52 = arith.constant 0 : i32
        %dma_start3A_53 = tpu.memref_slice %arg13[%mul3A_0, %dma_start3A_52] : memref<10240x128xf32, #tpu.memory_space<vmem_shared>> -> memref<640x128xf32, #tpu.memory_space<vmem_shared>>
        tpu.enqueue_dma source(%dma_start3A_53 : memref<640x128xf32, #tpu.memory_space<vmem_shared>>) target(%dma_start3A_51 : memref<640x128xf32, #tpu.memory_space<hbm>>) target_semaphore(%run_scoped3A : memref<!tpu.dma_semaphore, #tpu.memory_space<semaphore_mem>>)
        %dma_wait3A = arith.constant 0 : i32
        %dma_wait3A_54 = tpu.memref_slice %arg5[%mul3A_0, %dma_wait3A] : memref<10240x128xf32, #tpu.memory_space<hbm>> -> memref<640x128xf32, #tpu.memory_space<hbm>>
        %dma_wait3A_55 = arith.constant 0 : i32
        %dma_wait3A_56 = tpu.memref_slice %arg13[%mul3A_0, %dma_wait3A_55] : memref<10240x128xf32, #tpu.memory_space<vmem_shared>> -> memref<640x128xf32, #tpu.memory_space<vmem_shared>>
        tpu.wait_dma2 semaphore(%run_scoped3A : memref<!tpu.dma_semaphore, #tpu.memory_space<semaphore_mem>>) src(%dma_wait3A_56 : memref<640x128xf32, #tpu.memory_space<vmem_shared>>) dst(%dma_wait3A_54 : memref<640x128xf32, #tpu.memory_space<hbm>>)
        tpu.yield
      }) : () -> ()
    } else {
    }
    %eq3A_3 = arith.constant 1 : i32
    %eq3A_4 = arith.cmpi eq, %arg0, %eq3A_3 : i32
    %convert_element_type3A_5 = arith.extui %eq3A_4 : i1 to i32
    %cond3A_6 = arith.constant 0 : i32
    %cond3A_7 = arith.cmpi ne, %convert_element_type3A_5, %cond3A_6 : i32
    scf.if %cond3A_7 {
      "tpu.region"() ({
        %run_scoped3A = tpu.sem_alloc : memref<!tpu.dma_semaphore, #tpu.memory_space<semaphore_mem>>
        %dma_start3A_50 = arith.constant 0 : i32
        %dma_start3A_51 = tpu.memref_slice %arg13[%mul3A_0, %dma_start3A_50] : memref<10240x128xf32, #tpu.memory_space<vmem_shared>> -> memref<640x128xf32, #tpu.memory_space<vmem_shared>>
        %dma_start3A_52 = arith.constant 0 : i32
        %dma_start3A_53 = tpu.memref_slice %arg3[%mul3A_0, %dma_start3A_52] : memref<10240x128xf32, #tpu.memory_space<hbm>> -> memref<640x128xf32, #tpu.memory_space<hbm>>
        tpu.enqueue_dma source(%dma_start3A_53 : memref<640x128xf32, #tpu.memory_space<hbm>>) target(%dma_start3A_51 : memref<640x128xf32, #tpu.memory_space<vmem_shared>>) target_semaphore(%run_scoped3A : memref<!tpu.dma_semaphore, #tpu.memory_space<semaphore_mem>>)
        %dma_wait3A = arith.constant 0 : i32
        %dma_wait3A_54 = tpu.memref_slice %arg13[%mul3A_0, %dma_wait3A] : memref<10240x128xf32, #tpu.memory_space<vmem_shared>> -> memref<640x128xf32, #tpu.memory_space<vmem_shared>>
        %dma_wait3A_55 = arith.constant 0 : i32
        %dma_wait3A_56 = tpu.memref_slice %arg3[%mul3A_0, %dma_wait3A_55] : memref<10240x128xf32, #tpu.memory_space<hbm>> -> memref<640x128xf32, #tpu.memory_space<hbm>>
        tpu.wait_dma2 semaphore(%run_scoped3A : memref<!tpu.dma_semaphore, #tpu.memory_space<semaphore_mem>>) src(%dma_wait3A_56 : memref<640x128xf32, #tpu.memory_space<hbm>>) dst(%dma_wait3A_54 : memref<640x128xf32, #tpu.memory_space<vmem_shared>>)
        tpu.yield
      }) : () -> ()
      %barrier3A = arith.constant 0 : index
      tpu.barrier barrier_id(%barrier3A)
      %add3A = arith.constant 0 : i32
      %add3A_8 = arith.addi %add3A, %arg1 : i32
      "tpu.region"() ({
        %run_scoped3A = tpu.sem_alloc : memref<!tpu.dma_semaphore, #tpu.memory_space<semaphore_mem>>
        %dma_start3A_50 = arith.constant 0 : i32
        %dma_start3A_51 = arith.constant 0 : i32
        %dma_start3A_52 = tpu.memref_slice %arg4[%add3A_8, %dma_start3A_50, %dma_start3A_51] : memref<2560x2x128xi32, #tpu.memory_space<hbm>> -> memref<1x2x128xi32, #tpu.memory_space<hbm>>
        %dma_start3A_53 = tpu.memref_squeeze %dma_start3A_52 : memref<1x2x128xi32, #tpu.memory_space<hbm>> -> memref<2x128xi32, #tpu.memory_space<hbm>>
        %dma_start3A_54 = arith.constant 0 : i32
        %dma_start3A_55 = arith.constant 0 : i32
        %dma_start3A_56 = tpu.memref_slice %arg4[%add3A_8, %dma_start3A_54, %dma_start3A_55] : memref<2560x2x128xi32, #tpu.memory_space<hbm>> -> memref<1x2x128xi32, #tpu.memory_space<hbm>>
        %dma_start3A_57 = tpu.memref_squeeze %dma_start3A_56 : memref<1x2x128xi32, #tpu.memory_space<hbm>> -> memref<2x128xi32, #tpu.memory_space<hbm>>
        tpu.enqueue_dma source(%dma_start3A_57 : memref<2x128xi32, #tpu.memory_space<hbm>>) target(%arg7 : memref<2x128xi32, #tpu.memory_space<vmem>>) target_semaphore(%run_scoped3A : memref<!tpu.dma_semaphore, #tpu.memory_space<semaphore_mem>>)
        %dma_wait3A = arith.constant 0 : i32
        %dma_wait3A_58 = arith.constant 0 : i32
        %dma_wait3A_59 = tpu.memref_slice %arg4[%add3A_8, %dma_wait3A, %dma_wait3A_58] : memref<2560x2x128xi32, #tpu.memory_space<hbm>> -> memref<1x2x128xi32, #tpu.memory_space<hbm>>
        %dma_wait3A_60 = tpu.memref_squeeze %dma_wait3A_59 : memref<1x2x128xi32, #tpu.memory_space<hbm>> -> memref<2x128xi32, #tpu.memory_space<hbm>>
        %dma_wait3A_61 = arith.constant 0 : i32
        %dma_wait3A_62 = arith.constant 0 : i32
        %dma_wait3A_63 = tpu.memref_slice %arg4[%add3A_8, %dma_wait3A_61, %dma_wait3A_62] : memref<2560x2x128xi32, #tpu.memory_space<hbm>> -> memref<1x2x128xi32, #tpu.memory_space<hbm>>
        %dma_wait3A_64 = tpu.memref_squeeze %dma_wait3A_63 : memref<1x2x128xi32, #tpu.memory_space<hbm>> -> memref<2x128xi32, #tpu.memory_space<hbm>>
        tpu.wait_dma2 semaphore(%run_scoped3A : memref<!tpu.dma_semaphore, #tpu.memory_space<semaphore_mem>>) src(%dma_wait3A_64 : memref<2x128xi32, #tpu.memory_space<hbm>>) dst(%arg7 : memref<2x128xi32, #tpu.memory_space<vmem>>)
        tpu.yield
      }) : () -> ()
      %dma_start3A = arith.constant 0 : i32
      %dma_start3A_9 = arith.constant 0 : i32
      %dma_start3A_10 = tpu.memref_slice %arg7[%dma_start3A, %dma_start3A_9] : memref<2x128xi32, #tpu.memory_space<vmem>> -> memref<1x128xi32, #tpu.memory_space<vmem>>
      %dma_start3A_11 = tpu.memref_squeeze %dma_start3A_10 : memref<1x128xi32, #tpu.memory_space<vmem>> -> memref<128xi32, #tpu.memory_space<vmem>>
      %dma_start3A_12 = arith.constant 0 : i32
      %dma_start3A_13 = arith.constant 0 : i32
      %dma_start3A_14 = tpu.memref_slice %arg3[%dma_start3A_12, %dma_start3A_13] : memref<10240x128xf32, #tpu.memory_space<hbm>> -> memref<10240x128xf32, #tpu.memory_space<hbm>>
      tpu.enqueue_indirect_dma source(%dma_start3A_14 : memref<10240x128xf32, #tpu.memory_space<hbm>>) target(%arg11 : memref<128x128xf32, #tpu.memory_space<vmem>>) offsets(%dma_start3A_11 : memref<128xi32, #tpu.memory_space<vmem>>) semaphore(%arg14 : memref<!tpu.dma_semaphore, #tpu.memory_space<semaphore_mem>>)
      %add3A_15 = arith.constant 16 : i32
      %add3A_16 = arith.addi %add3A_15, %arg1 : i32
      "tpu.region"() ({
        %run_scoped3A = tpu.sem_alloc : memref<!tpu.dma_semaphore, #tpu.memory_space<semaphore_mem>>
        %dma_start3A_50 = arith.constant 0 : i32
        %dma_start3A_51 = arith.constant 0 : i32
        %dma_start3A_52 = tpu.memref_slice %arg4[%add3A_16, %dma_start3A_50, %dma_start3A_51] : memref<2560x2x128xi32, #tpu.memory_space<hbm>> -> memref<1x2x128xi32, #tpu.memory_space<hbm>>
        %dma_start3A_53 = tpu.memref_squeeze %dma_start3A_52 : memref<1x2x128xi32, #tpu.memory_space<hbm>> -> memref<2x128xi32, #tpu.memory_space<hbm>>
        %dma_start3A_54 = arith.constant 0 : i32
        %dma_start3A_55 = arith.constant 0 : i32
        %dma_start3A_56 = tpu.memref_slice %arg4[%add3A_16, %dma_start3A_54, %dma_start3A_55] : memref<2560x2x128xi32, #tpu.memory_space<hbm>> -> memref<1x2x128xi32, #tpu.memory_space<hbm>>
        %dma_start3A_57 = tpu.memref_squeeze %dma_start3A_56 : memref<1x2x128xi32, #tpu.memory_space<hbm>> -> memref<2x128xi32, #tpu.memory_space<hbm>>
        tpu.enqueue_dma source(%dma_start3A_57 : memref<2x128xi32, #tpu.memory_space<hbm>>) target(%arg9 : memref<2x128xi32, #tpu.memory_space<vmem>>) target_semaphore(%run_scoped3A : memref<!tpu.dma_semaphore, #tpu.memory_space<semaphore_mem>>)
        %dma_wait3A = arith.constant 0 : i32
        %dma_wait3A_58 = arith.constant 0 : i32
        %dma_wait3A_59 = tpu.memref_slice %arg4[%add3A_16, %dma_wait3A, %dma_wait3A_58] : memref<2560x2x128xi32, #tpu.memory_space<hbm>> -> memref<1x2x128xi32, #tpu.memory_space<hbm>>
        %dma_wait3A_60 = tpu.memref_squeeze %dma_wait3A_59 : memref<1x2x128xi32, #tpu.memory_space<hbm>> -> memref<2x128xi32, #tpu.memory_space<hbm>>
        %dma_wait3A_61 = arith.constant 0 : i32
        %dma_wait3A_62 = arith.constant 0 : i32
        %dma_wait3A_63 = tpu.memref_slice %arg4[%add3A_16, %dma_wait3A_61, %dma_wait3A_62] : memref<2560x2x128xi32, #tpu.memory_space<hbm>> -> memref<1x2x128xi32, #tpu.memory_space<hbm>>
        %dma_wait3A_64 = tpu.memref_squeeze %dma_wait3A_63 : memref<1x2x128xi32, #tpu.memory_space<hbm>> -> memref<2x128xi32, #tpu.memory_space<hbm>>
        tpu.wait_dma2 semaphore(%run_scoped3A : memref<!tpu.dma_semaphore, #tpu.memory_space<semaphore_mem>>) src(%dma_wait3A_64 : memref<2x128xi32, #tpu.memory_space<hbm>>) dst(%arg9 : memref<2x128xi32, #tpu.memory_space<vmem>>)
        tpu.yield
      }) : () -> ()
      %dma_start3A_17 = arith.constant 0 : i32
      %dma_start3A_18 = arith.constant 0 : i32
      %dma_start3A_19 = tpu.memref_slice %arg9[%dma_start3A_17, %dma_start3A_18] : memref<2x128xi32, #tpu.memory_space<vmem>> -> memref<1x128xi32, #tpu.memory_space<vmem>>
      %dma_start3A_20 = tpu.memref_squeeze %dma_start3A_19 : memref<1x128xi32, #tpu.memory_space<vmem>> -> memref<128xi32, #tpu.memory_space<vmem>>
      %dma_start3A_21 = arith.constant 0 : i32
      %dma_start3A_22 = arith.constant 0 : i32
      %dma_start3A_23 = tpu.memref_slice %arg3[%dma_start3A_21, %dma_start3A_22] : memref<10240x128xf32, #tpu.memory_space<hbm>> -> memref<10240x128xf32, #tpu.memory_space<hbm>>
      tpu.enqueue_indirect_dma source(%dma_start3A_23 : memref<10240x128xf32, #tpu.memory_space<hbm>>) target(%arg12 : memref<128x128xf32, #tpu.memory_space<vmem>>) offsets(%dma_start3A_20 : memref<128xi32, #tpu.memory_space<vmem>>) semaphore(%arg15 : memref<!tpu.dma_semaphore, #tpu.memory_space<semaphore_mem>>)
      %add3A_24 = arith.constant 32 : i32
      %add3A_25 = arith.addi %add3A_24, %arg1 : i32
      %dma_start3A_26 = arith.constant 0 : i32
      %dma_start3A_27 = arith.constant 0 : i32
      %dma_start3A_28 = tpu.memref_slice %arg4[%add3A_25, %dma_start3A_26, %dma_start3A_27] : memref<2560x2x128xi32, #tpu.memory_space<hbm>> -> memref<1x2x128xi32, #tpu.memory_space<hbm>>
      %dma_start3A_29 = tpu.memref_squeeze %dma_start3A_28 : memref<1x2x128xi32, #tpu.memory_space<hbm>> -> memref<2x128xi32, #tpu.memory_space<hbm>>
      %dma_start3A_30 = arith.constant 0 : i32
      %dma_start3A_31 = arith.constant 0 : i32
      %dma_start3A_32 = tpu.memref_slice %arg4[%add3A_25, %dma_start3A_30, %dma_start3A_31] : memref<2560x2x128xi32, #tpu.memory_space<hbm>> -> memref<1x2x128xi32, #tpu.memory_space<hbm>>
      %dma_start3A_33 = tpu.memref_squeeze %dma_start3A_32 : memref<1x2x128xi32, #tpu.memory_space<hbm>> -> memref<2x128xi32, #tpu.memory_space<hbm>>
      tpu.enqueue_dma source(%dma_start3A_33 : memref<2x128xi32, #tpu.memory_space<hbm>>) target(%arg8 : memref<2x128xi32, #tpu.memory_space<vmem>>) target_semaphore(%arg17 : memref<!tpu.dma_semaphore, #tpu.memory_space<semaphore_mem>>)
      %add3A_34 = arith.constant 48 : i32
      %add3A_35 = arith.addi %add3A_34, %arg1 : i32
      %dma_start3A_36 = arith.constant 0 : i32
      %dma_start3A_37 = arith.constant 0 : i32
      %dma_start3A_38 = tpu.memref_slice %arg4[%add3A_35, %dma_start3A_36, %dma_start3A_37] : memref<2560x2x128xi32, #tpu.memory_space<hbm>> -> memref<1x2x128xi32, #tpu.memory_space<hbm>>
      %dma_start3A_39 = tpu.memref_squeeze %dma_start3A_38 : memref<1x2x128xi32, #tpu.memory_space<hbm>> -> memref<2x128xi32, #tpu.memory_space<hbm>>
      %dma_start3A_40 = arith.constant 0 : i32
      %dma_start3A_41 = arith.constant 0 : i32
      %dma_start3A_42 = tpu.memref_slice %arg4[%add3A_35, %dma_start3A_40, %dma_start3A_41] : memref<2560x2x128xi32, #tpu.memory_space<hbm>> -> memref<1x2x128xi32, #tpu.memory_space<hbm>>
      %dma_start3A_43 = tpu.memref_squeeze %dma_start3A_42 : memref<1x2x128xi32, #tpu.memory_space<hbm>> -> memref<2x128xi32, #tpu.memory_space<hbm>>
      tpu.enqueue_dma source(%dma_start3A_43 : memref<2x128xi32, #tpu.memory_space<hbm>>) target(%arg10 : memref<2x128xi32, #tpu.memory_space<vmem>>) target_semaphore(%arg19 : memref<!tpu.dma_semaphore, #tpu.memory_space<semaphore_mem>>)
      %scan3A = arith.constant 0 : i32
      %scan3A_44 = arith.constant 0 : i32
      %scan3A_45 = arith.constant 40 : i32
      %scan3A_46 = arith.addi %scan3A_44, %scan3A_45 : i32
      %scan3A_47 = arith.constant 1 : i32
      scf.for %scan3A_50 = %scan3A_44 to %scan3A_46 step %scan3A_47  : i32 {
        %mul3A_51 = arith.constant 4 : i32
        %mul3A_52 = arith.muli %mul3A_51, %scan3A_50 : i32
        %add3A_53 = arith.constant 0 : i32
        %add3A_54 = arith.addi %mul3A_52, %add3A_53 : i32
        %add3A_55 = arith.constant 0 : i32
        %add3A_56 = arith.addi %add3A_54, %add3A_55 : i32
        %add3A_57 = arith.constant 2 : i32
        %add3A_58 = arith.addi %add3A_56, %add3A_57 : i32
        %add3A_59 = arith.constant 4 : i32
        %add3A_60 = arith.addi %add3A_56, %add3A_59 : i32
        %dma_wait3A = arith.constant 0 : i32
        %dma_wait3A_61 = arith.constant 0 : i32
        %dma_wait3A_62 = tpu.memref_slice %arg7[%dma_wait3A, %dma_wait3A_61] : memref<2x128xi32, #tpu.memory_space<vmem>> -> memref<1x128xi32, #tpu.memory_space<vmem>>
        %dma_wait3A_63 = tpu.memref_squeeze %dma_wait3A_62 : memref<1x128xi32, #tpu.memory_space<vmem>> -> memref<128xi32, #tpu.memory_space<vmem>>
        %dma_wait3A_64 = arith.constant 0 : i32
        %dma_wait3A_65 = arith.constant 0 : i32
        %dma_wait3A_66 = tpu.memref_slice %arg3[%dma_wait3A_64, %dma_wait3A_65] : memref<10240x128xf32, #tpu.memory_space<hbm>> -> memref<10240x128xf32, #tpu.memory_space<hbm>>
        tpu.wait_indirect_dma semaphore(%arg14 : memref<!tpu.dma_semaphore, #tpu.memory_space<semaphore_mem>>) src(%dma_wait3A_66 : memref<10240x128xf32, #tpu.memory_space<hbm>>) dst(%arg11 : memref<128x128xf32, #tpu.memory_space<vmem>>)
        %run_scoped3A = arith.constant 1 : i32
        "tpu.region"() ({
          %run_scoped3A_160 = tpu.sem_alloc : memref<!tpu.dma_semaphore, #tpu.memory_space<semaphore_mem>>
          %dma_start3A_161 = arith.constant 0 : i32
          %dma_start3A_162 = tpu.memref_slice %arg7[%run_scoped3A, %dma_start3A_161] : memref<2x128xi32, #tpu.memory_space<vmem>> -> memref<1x128xi32, #tpu.memory_space<vmem>>
          %dma_start3A_163 = tpu.memref_squeeze %dma_start3A_162 : memref<1x128xi32, #tpu.memory_space<vmem>> -> memref<128xi32, #tpu.memory_space<vmem>>
          %dma_start3A_164 = arith.constant 0 : i32
          %dma_start3A_165 = arith.constant 0 : i32
          %dma_start3A_166 = tpu.memref_slice %arg13[%dma_start3A_164, %dma_start3A_165] : memref<10240x128xf32, #tpu.memory_space<vmem_shared>> -> memref<10240x128xf32, #tpu.memory_space<vmem_shared>>
          tpu.enqueue_indirect_dma source(%arg11 : memref<128x128xf32, #tpu.memory_space<vmem>>) target(%dma_start3A_166 : memref<10240x128xf32, #tpu.memory_space<vmem_shared>>) offsets(%dma_start3A_163 : memref<128xi32, #tpu.memory_space<vmem>>) semaphore(%run_scoped3A_160 : memref<!tpu.dma_semaphore, #tpu.memory_space<semaphore_mem>>) {add = true}
          %dma_wait3A_167 = arith.constant 0 : i32
          %dma_wait3A_168 = tpu.memref_slice %arg7[%run_scoped3A, %dma_wait3A_167] : memref<2x128xi32, #tpu.memory_space<vmem>> -> memref<1x128xi32, #tpu.memory_space<vmem>>
          %dma_wait3A_169 = tpu.memref_squeeze %dma_wait3A_168 : memref<1x128xi32, #tpu.memory_space<vmem>> -> memref<128xi32, #tpu.memory_space<vmem>>
          %dma_wait3A_170 = arith.constant 0 : i32
          %dma_wait3A_171 = arith.constant 0 : i32
          %dma_wait3A_172 = tpu.memref_slice %arg13[%dma_wait3A_170, %dma_wait3A_171] : memref<10240x128xf32, #tpu.memory_space<vmem_shared>> -> memref<10240x128xf32, #tpu.memory_space<vmem_shared>>
          tpu.wait_indirect_dma semaphore(%run_scoped3A_160 : memref<!tpu.dma_semaphore, #tpu.memory_space<semaphore_mem>>) src(%arg11 : memref<128x128xf32, #tpu.memory_space<vmem>>) dst(%dma_wait3A_172 : memref<10240x128xf32, #tpu.memory_space<vmem_shared>>)
          tpu.yield
        }) : () -> ()
        %lt3A = arith.constant 160 : i32
        %lt3A_67 = arith.cmpi slt, %add3A_60, %lt3A : i32
        %convert_element_type3A_68 = arith.extui %lt3A_67 : i1 to i32
        %cond3A_69 = arith.constant 0 : i32
        %cond3A_70 = arith.cmpi ne, %convert_element_type3A_68, %cond3A_69 : i32
        scf.if %cond3A_70 {
          %mul3A_160 = arith.constant 16 : i32
          %mul3A_161 = arith.muli %add3A_60, %mul3A_160 : i32
          %add3A_162 = arith.addi %mul3A_161, %arg1 : i32
          %dma_start3A_163 = arith.constant 0 : i32
          %dma_start3A_164 = arith.constant 0 : i32
          %dma_start3A_165 = tpu.memref_slice %arg4[%add3A_162, %dma_start3A_163, %dma_start3A_164] : memref<2560x2x128xi32, #tpu.memory_space<hbm>> -> memref<1x2x128xi32, #tpu.memory_space<hbm>>
          %dma_start3A_166 = tpu.memref_squeeze %dma_start3A_165 : memref<1x2x128xi32, #tpu.memory_space<hbm>> -> memref<2x128xi32, #tpu.memory_space<hbm>>
          %dma_start3A_167 = arith.constant 0 : i32
          %dma_start3A_168 = arith.constant 0 : i32
          %dma_start3A_169 = tpu.memref_slice %arg4[%add3A_162, %dma_start3A_167, %dma_start3A_168] : memref<2560x2x128xi32, #tpu.memory_space<hbm>> -> memref<1x2x128xi32, #tpu.memory_space<hbm>>
          %dma_start3A_170 = tpu.memref_squeeze %dma_start3A_169 : memref<1x2x128xi32, #tpu.memory_space<hbm>> -> memref<2x128xi32, #tpu.memory_space<hbm>>
          tpu.enqueue_dma source(%dma_start3A_170 : memref<2x128xi32, #tpu.memory_space<hbm>>) target(%arg7 : memref<2x128xi32, #tpu.memory_space<vmem>>) target_semaphore(%arg16 : memref<!tpu.dma_semaphore, #tpu.memory_space<semaphore_mem>>)
        } else {
        }
        %lt3A_71 = arith.constant 160 : i32
        %lt3A_72 = arith.cmpi slt, %add3A_58, %lt3A_71 : i32
        %convert_element_type3A_73 = arith.extui %lt3A_72 : i1 to i32
        %cond3A_74 = arith.constant 0 : i32
        %cond3A_75 = arith.cmpi ne, %convert_element_type3A_73, %cond3A_74 : i32
        scf.if %cond3A_75 {
          %mul3A_160 = arith.constant 16 : i32
          %mul3A_161 = arith.muli %add3A_58, %mul3A_160 : i32
          %add3A_162 = arith.addi %mul3A_161, %arg1 : i32
          %dma_wait3A_163 = arith.constant 0 : i32
          %dma_wait3A_164 = arith.constant 0 : i32
          %dma_wait3A_165 = tpu.memref_slice %arg4[%add3A_162, %dma_wait3A_163, %dma_wait3A_164] : memref<2560x2x128xi32, #tpu.memory_space<hbm>> -> memref<1x2x128xi32, #tpu.memory_space<hbm>>
          %dma_wait3A_166 = tpu.memref_squeeze %dma_wait3A_165 : memref<1x2x128xi32, #tpu.memory_space<hbm>> -> memref<2x128xi32, #tpu.memory_space<hbm>>
          %dma_wait3A_167 = arith.constant 0 : i32
          %dma_wait3A_168 = arith.constant 0 : i32
          %dma_wait3A_169 = tpu.memref_slice %arg4[%add3A_162, %dma_wait3A_167, %dma_wait3A_168] : memref<2560x2x128xi32, #tpu.memory_space<hbm>> -> memref<1x2x128xi32, #tpu.memory_space<hbm>>
          %dma_wait3A_170 = tpu.memref_squeeze %dma_wait3A_169 : memref<1x2x128xi32, #tpu.memory_space<hbm>> -> memref<2x128xi32, #tpu.memory_space<hbm>>
          tpu.wait_dma2 semaphore(%arg17 : memref<!tpu.dma_semaphore, #tpu.memory_space<semaphore_mem>>) src(%dma_wait3A_170 : memref<2x128xi32, #tpu.memory_space<hbm>>) dst(%arg8 : memref<2x128xi32, #tpu.memory_space<vmem>>)
          %dma_start3A_171 = arith.constant 0 : i32
          %dma_start3A_172 = arith.constant 0 : i32
          %dma_start3A_173 = tpu.memref_slice %arg8[%dma_start3A_171, %dma_start3A_172] : memref<2x128xi32, #tpu.memory_space<vmem>> -> memref<1x128xi32, #tpu.memory_space<vmem>>
          %dma_start3A_174 = tpu.memref_squeeze %dma_start3A_173 : memref<1x128xi32, #tpu.memory_space<vmem>> -> memref<128xi32, #tpu.memory_space<vmem>>
          %dma_start3A_175 = arith.constant 0 : i32
          %dma_start3A_176 = arith.constant 0 : i32
          %dma_start3A_177 = tpu.memref_slice %arg3[%dma_start3A_175, %dma_start3A_176] : memref<10240x128xf32, #tpu.memory_space<hbm>> -> memref<10240x128xf32, #tpu.memory_space<hbm>>
          tpu.enqueue_indirect_dma source(%dma_start3A_177 : memref<10240x128xf32, #tpu.memory_space<hbm>>) target(%arg11 : memref<128x128xf32, #tpu.memory_space<vmem>>) offsets(%dma_start3A_174 : memref<128xi32, #tpu.memory_space<vmem>>) semaphore(%arg14 : memref<!tpu.dma_semaphore, #tpu.memory_space<semaphore_mem>>)
        } else {
        }
        %mul3A_76 = arith.constant 4 : i32
        %mul3A_77 = arith.muli %mul3A_76, %scan3A_50 : i32
        %add3A_78 = arith.constant 0 : i32
        %add3A_79 = arith.addi %mul3A_77, %add3A_78 : i32
        %add3A_80 = arith.constant 1 : i32
        %add3A_81 = arith.addi %add3A_79, %add3A_80 : i32
        %add3A_82 = arith.constant 2 : i32
        %add3A_83 = arith.addi %add3A_81, %add3A_82 : i32
        %add3A_84 = arith.constant 4 : i32
        %add3A_85 = arith.addi %add3A_81, %add3A_84 : i32
        %dma_wait3A_86 = arith.constant 0 : i32
        %dma_wait3A_87 = arith.constant 0 : i32
        %dma_wait3A_88 = tpu.memref_slice %arg9[%dma_wait3A_86, %dma_wait3A_87] : memref<2x128xi32, #tpu.memory_space<vmem>> -> memref<1x128xi32, #tpu.memory_space<vmem>>
        %dma_wait3A_89 = tpu.memref_squeeze %dma_wait3A_88 : memref<1x128xi32, #tpu.memory_space<vmem>> -> memref<128xi32, #tpu.memory_space<vmem>>
        %dma_wait3A_90 = arith.constant 0 : i32
        %dma_wait3A_91 = arith.constant 0 : i32
        %dma_wait3A_92 = tpu.memref_slice %arg3[%dma_wait3A_90, %dma_wait3A_91] : memref<10240x128xf32, #tpu.memory_space<hbm>> -> memref<10240x128xf32, #tpu.memory_space<hbm>>
        tpu.wait_indirect_dma semaphore(%arg15 : memref<!tpu.dma_semaphore, #tpu.memory_space<semaphore_mem>>) src(%dma_wait3A_92 : memref<10240x128xf32, #tpu.memory_space<hbm>>) dst(%arg12 : memref<128x128xf32, #tpu.memory_space<vmem>>)
        %run_scoped3A_93 = arith.constant 1 : i32
        "tpu.region"() ({
          %run_scoped3A_160 = tpu.sem_alloc : memref<!tpu.dma_semaphore, #tpu.memory_space<semaphore_mem>>
          %dma_start3A_161 = arith.constant 0 : i32
          %dma_start3A_162 = tpu.memref_slice %arg9[%run_scoped3A_93, %dma_start3A_161] : memref<2x128xi32, #tpu.memory_space<vmem>> -> memref<1x128xi32, #tpu.memory_space<vmem>>
          %dma_start3A_163 = tpu.memref_squeeze %dma_start3A_162 : memref<1x128xi32, #tpu.memory_space<vmem>> -> memref<128xi32, #tpu.memory_space<vmem>>
          %dma_start3A_164 = arith.constant 0 : i32
          %dma_start3A_165 = arith.constant 0 : i32
          %dma_start3A_166 = tpu.memref_slice %arg13[%dma_start3A_164, %dma_start3A_165] : memref<10240x128xf32, #tpu.memory_space<vmem_shared>> -> memref<10240x128xf32, #tpu.memory_space<vmem_shared>>
          tpu.enqueue_indirect_dma source(%arg12 : memref<128x128xf32, #tpu.memory_space<vmem>>) target(%dma_start3A_166 : memref<10240x128xf32, #tpu.memory_space<vmem_shared>>) offsets(%dma_start3A_163 : memref<128xi32, #tpu.memory_space<vmem>>) semaphore(%run_scoped3A_160 : memref<!tpu.dma_semaphore, #tpu.memory_space<semaphore_mem>>) {add = true}
          %dma_wait3A_167 = arith.constant 0 : i32
          %dma_wait3A_168 = tpu.memref_slice %arg9[%run_scoped3A_93, %dma_wait3A_167] : memref<2x128xi32, #tpu.memory_space<vmem>> -> memref<1x128xi32, #tpu.memory_space<vmem>>
          %dma_wait3A_169 = tpu.memref_squeeze %dma_wait3A_168 : memref<1x128xi32, #tpu.memory_space<vmem>> -> memref<128xi32, #tpu.memory_space<vmem>>
          %dma_wait3A_170 = arith.constant 0 : i32
          %dma_wait3A_171 = arith.constant 0 : i32
          %dma_wait3A_172 = tpu.memref_slice %arg13[%dma_wait3A_170, %dma_wait3A_171] : memref<10240x128xf32, #tpu.memory_space<vmem_shared>> -> memref<10240x128xf32, #tpu.memory_space<vmem_shared>>
          tpu.wait_indirect_dma semaphore(%run_scoped3A_160 : memref<!tpu.dma_semaphore, #tpu.memory_space<semaphore_mem>>) src(%arg12 : memref<128x128xf32, #tpu.memory_space<vmem>>) dst(%dma_wait3A_172 : memref<10240x128xf32, #tpu.memory_space<vmem_shared>>)
          tpu.yield
        }) : () -> ()
        %lt3A_94 = arith.constant 160 : i32
        %lt3A_95 = arith.cmpi slt, %add3A_85, %lt3A_94 : i32
        %convert_element_type3A_96 = arith.extui %lt3A_95 : i1 to i32
        %cond3A_97 = arith.constant 0 : i32
        %cond3A_98 = arith.cmpi ne, %convert_element_type3A_96, %cond3A_97 : i32
        scf.if %cond3A_98 {
          %mul3A_160 = arith.constant 16 : i32
          %mul3A_161 = arith.muli %add3A_85, %mul3A_160 : i32
          %add3A_162 = arith.addi %mul3A_161, %arg1 : i32
          %dma_start3A_163 = arith.constant 0 : i32
          %dma_start3A_164 = arith.constant 0 : i32
          %dma_start3A_165 = tpu.memref_slice %arg4[%add3A_162, %dma_start3A_163, %dma_start3A_164] : memref<2560x2x128xi32, #tpu.memory_space<hbm>> -> memref<1x2x128xi32, #tpu.memory_space<hbm>>
          %dma_start3A_166 = tpu.memref_squeeze %dma_start3A_165 : memref<1x2x128xi32, #tpu.memory_space<hbm>> -> memref<2x128xi32, #tpu.memory_space<hbm>>
          %dma_start3A_167 = arith.constant 0 : i32
          %dma_start3A_168 = arith.constant 0 : i32
          %dma_start3A_169 = tpu.memref_slice %arg4[%add3A_162, %dma_start3A_167, %dma_start3A_168] : memref<2560x2x128xi32, #tpu.memory_space<hbm>> -> memref<1x2x128xi32, #tpu.memory_space<hbm>>
          %dma_start3A_170 = tpu.memref_squeeze %dma_start3A_169 : memref<1x2x128xi32, #tpu.memory_space<hbm>> -> memref<2x128xi32, #tpu.memory_space<hbm>>
          tpu.enqueue_dma source(%dma_start3A_170 : memref<2x128xi32, #tpu.memory_space<hbm>>) target(%arg9 : memref<2x128xi32, #tpu.memory_space<vmem>>) target_semaphore(%arg18 : memref<!tpu.dma_semaphore, #tpu.memory_space<semaphore_mem>>)
        } else {
        }
        %lt3A_99 = arith.constant 160 : i32
        %lt3A_100 = arith.cmpi slt, %add3A_83, %lt3A_99 : i32
        %convert_element_type3A_101 = arith.extui %lt3A_100 : i1 to i32
        %cond3A_102 = arith.constant 0 : i32
        %cond3A_103 = arith.cmpi ne, %convert_element_type3A_101, %cond3A_102 : i32
        scf.if %cond3A_103 {
          %mul3A_160 = arith.constant 16 : i32
          %mul3A_161 = arith.muli %add3A_83, %mul3A_160 : i32
          %add3A_162 = arith.addi %mul3A_161, %arg1 : i32
          %dma_wait3A_163 = arith.constant 0 : i32
          %dma_wait3A_164 = arith.constant 0 : i32
          %dma_wait3A_165 = tpu.memref_slice %arg4[%add3A_162, %dma_wait3A_163, %dma_wait3A_164] : memref<2560x2x128xi32, #tpu.memory_space<hbm>> -> memref<1x2x128xi32, #tpu.memory_space<hbm>>
          %dma_wait3A_166 = tpu.memref_squeeze %dma_wait3A_165 : memref<1x2x128xi32, #tpu.memory_space<hbm>> -> memref<2x128xi32, #tpu.memory_space<hbm>>
          %dma_wait3A_167 = arith.constant 0 : i32
          %dma_wait3A_168 = arith.constant 0 : i32
          %dma_wait3A_169 = tpu.memref_slice %arg4[%add3A_162, %dma_wait3A_167, %dma_wait3A_168] : memref<2560x2x128xi32, #tpu.memory_space<hbm>> -> memref<1x2x128xi32, #tpu.memory_space<hbm>>
          %dma_wait3A_170 = tpu.memref_squeeze %dma_wait3A_169 : memref<1x2x128xi32, #tpu.memory_space<hbm>> -> memref<2x128xi32, #tpu.memory_space<hbm>>
          tpu.wait_dma2 semaphore(%arg19 : memref<!tpu.dma_semaphore, #tpu.memory_space<semaphore_mem>>) src(%dma_wait3A_170 : memref<2x128xi32, #tpu.memory_space<hbm>>) dst(%arg10 : memref<2x128xi32, #tpu.memory_space<vmem>>)
          %dma_start3A_171 = arith.constant 0 : i32
          %dma_start3A_172 = arith.constant 0 : i32
          %dma_start3A_173 = tpu.memref_slice %arg10[%dma_start3A_171, %dma_start3A_172] : memref<2x128xi32, #tpu.memory_space<vmem>> -> memref<1x128xi32, #tpu.memory_space<vmem>>
          %dma_start3A_174 = tpu.memref_squeeze %dma_start3A_173 : memref<1x128xi32, #tpu.memory_space<vmem>> -> memref<128xi32, #tpu.memory_space<vmem>>
          %dma_start3A_175 = arith.constant 0 : i32
          %dma_start3A_176 = arith.constant 0 : i32
          %dma_start3A_177 = tpu.memref_slice %arg3[%dma_start3A_175, %dma_start3A_176] : memref<10240x128xf32, #tpu.memory_space<hbm>> -> memref<10240x128xf32, #tpu.memory_space<hbm>>
          tpu.enqueue_indirect_dma source(%dma_start3A_177 : memref<10240x128xf32, #tpu.memory_space<hbm>>) target(%arg12 : memref<128x128xf32, #tpu.memory_space<vmem>>) offsets(%dma_start3A_174 : memref<128xi32, #tpu.memory_space<vmem>>) semaphore(%arg15 : memref<!tpu.dma_semaphore, #tpu.memory_space<semaphore_mem>>)
        } else {
        }
        %mul3A_104 = arith.constant 4 : i32
        %mul3A_105 = arith.muli %mul3A_104, %scan3A_50 : i32
        %add3A_106 = arith.constant 2 : i32
        %add3A_107 = arith.addi %mul3A_105, %add3A_106 : i32
        %add3A_108 = arith.constant 0 : i32
        %add3A_109 = arith.addi %add3A_107, %add3A_108 : i32
        %add3A_110 = arith.constant 2 : i32
        %add3A_111 = arith.addi %add3A_109, %add3A_110 : i32
        %add3A_112 = arith.constant 4 : i32
        %add3A_113 = arith.addi %add3A_109, %add3A_112 : i32
        %dma_wait3A_114 = arith.constant 0 : i32
        %dma_wait3A_115 = arith.constant 0 : i32
        %dma_wait3A_116 = tpu.memref_slice %arg8[%dma_wait3A_114, %dma_wait3A_115] : memref<2x128xi32, #tpu.memory_space<vmem>> -> memref<1x128xi32, #tpu.memory_space<vmem>>
        %dma_wait3A_117 = tpu.memref_squeeze %dma_wait3A_116 : memref<1x128xi32, #tpu.memory_space<vmem>> -> memref<128xi32, #tpu.memory_space<vmem>>
        %dma_wait3A_118 = arith.constant 0 : i32
        %dma_wait3A_119 = arith.constant 0 : i32
        %dma_wait3A_120 = tpu.memref_slice %arg3[%dma_wait3A_118, %dma_wait3A_119] : memref<10240x128xf32, #tpu.memory_space<hbm>> -> memref<10240x128xf32, #tpu.memory_space<hbm>>
        tpu.wait_indirect_dma semaphore(%arg14 : memref<!tpu.dma_semaphore, #tpu.memory_space<semaphore_mem>>) src(%dma_wait3A_120 : memref<10240x128xf32, #tpu.memory_space<hbm>>) dst(%arg11 : memref<128x128xf32, #tpu.memory_space<vmem>>)
        %run_scoped3A_121 = arith.constant 1 : i32
        "tpu.region"() ({
          %run_scoped3A_160 = tpu.sem_alloc : memref<!tpu.dma_semaphore, #tpu.memory_space<semaphore_mem>>
          %dma_start3A_161 = arith.constant 0 : i32
          %dma_start3A_162 = tpu.memref_slice %arg8[%run_scoped3A_121, %dma_start3A_161] : memref<2x128xi32, #tpu.memory_space<vmem>> -> memref<1x128xi32, #tpu.memory_space<vmem>>
          %dma_start3A_163 = tpu.memref_squeeze %dma_start3A_162 : memref<1x128xi32, #tpu.memory_space<vmem>> -> memref<128xi32, #tpu.memory_space<vmem>>
          %dma_start3A_164 = arith.constant 0 : i32
          %dma_start3A_165 = arith.constant 0 : i32
          %dma_start3A_166 = tpu.memref_slice %arg13[%dma_start3A_164, %dma_start3A_165] : memref<10240x128xf32, #tpu.memory_space<vmem_shared>> -> memref<10240x128xf32, #tpu.memory_space<vmem_shared>>
          tpu.enqueue_indirect_dma source(%arg11 : memref<128x128xf32, #tpu.memory_space<vmem>>) target(%dma_start3A_166 : memref<10240x128xf32, #tpu.memory_space<vmem_shared>>) offsets(%dma_start3A_163 : memref<128xi32, #tpu.memory_space<vmem>>) semaphore(%run_scoped3A_160 : memref<!tpu.dma_semaphore, #tpu.memory_space<semaphore_mem>>) {add = true}
          %dma_wait3A_167 = arith.constant 0 : i32
          %dma_wait3A_168 = tpu.memref_slice %arg8[%run_scoped3A_121, %dma_wait3A_167] : memref<2x128xi32, #tpu.memory_space<vmem>> -> memref<1x128xi32, #tpu.memory_space<vmem>>
          %dma_wait3A_169 = tpu.memref_squeeze %dma_wait3A_168 : memref<1x128xi32, #tpu.memory_space<vmem>> -> memref<128xi32, #tpu.memory_space<vmem>>
          %dma_wait3A_170 = arith.constant 0 : i32
          %dma_wait3A_171 = arith.constant 0 : i32
          %dma_wait3A_172 = tpu.memref_slice %arg13[%dma_wait3A_170, %dma_wait3A_171] : memref<10240x128xf32, #tpu.memory_space<vmem_shared>> -> memref<10240x128xf32, #tpu.memory_space<vmem_shared>>
          tpu.wait_indirect_dma semaphore(%run_scoped3A_160 : memref<!tpu.dma_semaphore, #tpu.memory_space<semaphore_mem>>) src(%arg11 : memref<128x128xf32, #tpu.memory_space<vmem>>) dst(%dma_wait3A_172 : memref<10240x128xf32, #tpu.memory_space<vmem_shared>>)
          tpu.yield
        }) : () -> ()
        %lt3A_122 = arith.constant 160 : i32
        %lt3A_123 = arith.cmpi slt, %add3A_113, %lt3A_122 : i32
        %convert_element_type3A_124 = arith.extui %lt3A_123 : i1 to i32
        %cond3A_125 = arith.constant 0 : i32
        %cond3A_126 = arith.cmpi ne, %convert_element_type3A_124, %cond3A_125 : i32
        scf.if %cond3A_126 {
          %mul3A_160 = arith.constant 16 : i32
          %mul3A_161 = arith.muli %add3A_113, %mul3A_160 : i32
          %add3A_162 = arith.addi %mul3A_161, %arg1 : i32
          %dma_start3A_163 = arith.constant 0 : i32
          %dma_start3A_164 = arith.constant 0 : i32
          %dma_start3A_165 = tpu.memref_slice %arg4[%add3A_162, %dma_start3A_163, %dma_start3A_164] : memref<2560x2x128xi32, #tpu.memory_space<hbm>> -> memref<1x2x128xi32, #tpu.memory_space<hbm>>
          %dma_start3A_166 = tpu.memref_squeeze %dma_start3A_165 : memref<1x2x128xi32, #tpu.memory_space<hbm>> -> memref<2x128xi32, #tpu.memory_space<hbm>>
          %dma_start3A_167 = arith.constant 0 : i32
          %dma_start3A_168 = arith.constant 0 : i32
          %dma_start3A_169 = tpu.memref_slice %arg4[%add3A_162, %dma_start3A_167, %dma_start3A_168] : memref<2560x2x128xi32, #tpu.memory_space<hbm>> -> memref<1x2x128xi32, #tpu.memory_space<hbm>>
          %dma_start3A_170 = tpu.memref_squeeze %dma_start3A_169 : memref<1x2x128xi32, #tpu.memory_space<hbm>> -> memref<2x128xi32, #tpu.memory_space<hbm>>
          tpu.enqueue_dma source(%dma_start3A_170 : memref<2x128xi32, #tpu.memory_space<hbm>>) target(%arg8 : memref<2x128xi32, #tpu.memory_space<vmem>>) target_semaphore(%arg17 : memref<!tpu.dma_semaphore, #tpu.memory_space<semaphore_mem>>)
        } else {
        }
        %lt3A_127 = arith.constant 160 : i32
        %lt3A_128 = arith.cmpi slt, %add3A_111, %lt3A_127 : i32
        %convert_element_type3A_129 = arith.extui %lt3A_128 : i1 to i32
        %cond3A_130 = arith.constant 0 : i32
        %cond3A_131 = arith.cmpi ne, %convert_element_type3A_129, %cond3A_130 : i32
        scf.if %cond3A_131 {
          %mul3A_160 = arith.constant 16 : i32
          %mul3A_161 = arith.muli %add3A_111, %mul3A_160 : i32
          %add3A_162 = arith.addi %mul3A_161, %arg1 : i32
          %dma_wait3A_163 = arith.constant 0 : i32
          %dma_wait3A_164 = arith.constant 0 : i32
          %dma_wait3A_165 = tpu.memref_slice %arg4[%add3A_162, %dma_wait3A_163, %dma_wait3A_164] : memref<2560x2x128xi32, #tpu.memory_space<hbm>> -> memref<1x2x128xi32, #tpu.memory_space<hbm>>
          %dma_wait3A_166 = tpu.memref_squeeze %dma_wait3A_165 : memref<1x2x128xi32, #tpu.memory_space<hbm>> -> memref<2x128xi32, #tpu.memory_space<hbm>>
          %dma_wait3A_167 = arith.constant 0 : i32
          %dma_wait3A_168 = arith.constant 0 : i32
          %dma_wait3A_169 = tpu.memref_slice %arg4[%add3A_162, %dma_wait3A_167, %dma_wait3A_168] : memref<2560x2x128xi32, #tpu.memory_space<hbm>> -> memref<1x2x128xi32, #tpu.memory_space<hbm>>
          %dma_wait3A_170 = tpu.memref_squeeze %dma_wait3A_169 : memref<1x2x128xi32, #tpu.memory_space<hbm>> -> memref<2x128xi32, #tpu.memory_space<hbm>>
          tpu.wait_dma2 semaphore(%arg16 : memref<!tpu.dma_semaphore, #tpu.memory_space<semaphore_mem>>) src(%dma_wait3A_170 : memref<2x128xi32, #tpu.memory_space<hbm>>) dst(%arg7 : memref<2x128xi32, #tpu.memory_space<vmem>>)
          %dma_start3A_171 = arith.constant 0 : i32
          %dma_start3A_172 = arith.constant 0 : i32
          %dma_start3A_173 = tpu.memref_slice %arg7[%dma_start3A_171, %dma_start3A_172] : memref<2x128xi32, #tpu.memory_space<vmem>> -> memref<1x128xi32, #tpu.memory_space<vmem>>
          %dma_start3A_174 = tpu.memref_squeeze %dma_start3A_173 : memref<1x128xi32, #tpu.memory_space<vmem>> -> memref<128xi32, #tpu.memory_space<vmem>>
          %dma_start3A_175 = arith.constant 0 : i32
          %dma_start3A_176 = arith.constant 0 : i32
          %dma_start3A_177 = tpu.memref_slice %arg3[%dma_start3A_175, %dma_start3A_176] : memref<10240x128xf32, #tpu.memory_space<hbm>> -> memref<10240x128xf32, #tpu.memory_space<hbm>>
          tpu.enqueue_indirect_dma source(%dma_start3A_177 : memref<10240x128xf32, #tpu.memory_space<hbm>>) target(%arg11 : memref<128x128xf32, #tpu.memory_space<vmem>>) offsets(%dma_start3A_174 : memref<128xi32, #tpu.memory_space<vmem>>) semaphore(%arg14 : memref<!tpu.dma_semaphore, #tpu.memory_space<semaphore_mem>>)
        } else {
        }
        %mul3A_132 = arith.constant 4 : i32
        %mul3A_133 = arith.muli %mul3A_132, %scan3A_50 : i32
        %add3A_134 = arith.constant 2 : i32
        %add3A_135 = arith.addi %mul3A_133, %add3A_134 : i32
        %add3A_136 = arith.constant 1 : i32
        %add3A_137 = arith.addi %add3A_135, %add3A_136 : i32
        %add3A_138 = arith.constant 2 : i32
        %add3A_139 = arith.addi %add3A_137, %add3A_138 : i32
        %add3A_140 = arith.constant 4 : i32
        %add3A_141 = arith.addi %add3A_137, %add3A_140 : i32
        %dma_wait3A_142 = arith.constant 0 : i32
        %dma_wait3A_143 = arith.constant 0 : i32
        %dma_wait3A_144 = tpu.memref_slice %arg10[%dma_wait3A_142, %dma_wait3A_143] : memref<2x128xi32, #tpu.memory_space<vmem>> -> memref<1x128xi32, #tpu.memory_space<vmem>>
        %dma_wait3A_145 = tpu.memref_squeeze %dma_wait3A_144 : memref<1x128xi32, #tpu.memory_space<vmem>> -> memref<128xi32, #tpu.memory_space<vmem>>
        %dma_wait3A_146 = arith.constant 0 : i32
        %dma_wait3A_147 = arith.constant 0 : i32
        %dma_wait3A_148 = tpu.memref_slice %arg3[%dma_wait3A_146, %dma_wait3A_147] : memref<10240x128xf32, #tpu.memory_space<hbm>> -> memref<10240x128xf32, #tpu.memory_space<hbm>>
        tpu.wait_indirect_dma semaphore(%arg15 : memref<!tpu.dma_semaphore, #tpu.memory_space<semaphore_mem>>) src(%dma_wait3A_148 : memref<10240x128xf32, #tpu.memory_space<hbm>>) dst(%arg12 : memref<128x128xf32, #tpu.memory_space<vmem>>)
        %run_scoped3A_149 = arith.constant 1 : i32
        "tpu.region"() ({
          %run_scoped3A_160 = tpu.sem_alloc : memref<!tpu.dma_semaphore, #tpu.memory_space<semaphore_mem>>
          %dma_start3A_161 = arith.constant 0 : i32
          %dma_start3A_162 = tpu.memref_slice %arg10[%run_scoped3A_149, %dma_start3A_161] : memref<2x128xi32, #tpu.memory_space<vmem>> -> memref<1x128xi32, #tpu.memory_space<vmem>>
          %dma_start3A_163 = tpu.memref_squeeze %dma_start3A_162 : memref<1x128xi32, #tpu.memory_space<vmem>> -> memref<128xi32, #tpu.memory_space<vmem>>
          %dma_start3A_164 = arith.constant 0 : i32
          %dma_start3A_165 = arith.constant 0 : i32
          %dma_start3A_166 = tpu.memref_slice %arg13[%dma_start3A_164, %dma_start3A_165] : memref<10240x128xf32, #tpu.memory_space<vmem_shared>> -> memref<10240x128xf32, #tpu.memory_space<vmem_shared>>
          tpu.enqueue_indirect_dma source(%arg12 : memref<128x128xf32, #tpu.memory_space<vmem>>) target(%dma_start3A_166 : memref<10240x128xf32, #tpu.memory_space<vmem_shared>>) offsets(%dma_start3A_163 : memref<128xi32, #tpu.memory_space<vmem>>) semaphore(%run_scoped3A_160 : memref<!tpu.dma_semaphore, #tpu.memory_space<semaphore_mem>>) {add = true}
          %dma_wait3A_167 = arith.constant 0 : i32
          %dma_wait3A_168 = tpu.memref_slice %arg10[%run_scoped3A_149, %dma_wait3A_167] : memref<2x128xi32, #tpu.memory_space<vmem>> -> memref<1x128xi32, #tpu.memory_space<vmem>>
          %dma_wait3A_169 = tpu.memref_squeeze %dma_wait3A_168 : memref<1x128xi32, #tpu.memory_space<vmem>> -> memref<128xi32, #tpu.memory_space<vmem>>
          %dma_wait3A_170 = arith.constant 0 : i32
          %dma_wait3A_171 = arith.constant 0 : i32
          %dma_wait3A_172 = tpu.memref_slice %arg13[%dma_wait3A_170, %dma_wait3A_171] : memref<10240x128xf32, #tpu.memory_space<vmem_shared>> -> memref<10240x128xf32, #tpu.memory_space<vmem_shared>>
          tpu.wait_indirect_dma semaphore(%run_scoped3A_160 : memref<!tpu.dma_semaphore, #tpu.memory_space<semaphore_mem>>) src(%arg12 : memref<128x128xf32, #tpu.memory_space<vmem>>) dst(%dma_wait3A_172 : memref<10240x128xf32, #tpu.memory_space<vmem_shared>>)
          tpu.yield
        }) : () -> ()
        %lt3A_150 = arith.constant 160 : i32
        %lt3A_151 = arith.cmpi slt, %add3A_141, %lt3A_150 : i32
        %convert_element_type3A_152 = arith.extui %lt3A_151 : i1 to i32
        %cond3A_153 = arith.constant 0 : i32
        %cond3A_154 = arith.cmpi ne, %convert_element_type3A_152, %cond3A_153 : i32
        scf.if %cond3A_154 {
          %mul3A_160 = arith.constant 16 : i32
          %mul3A_161 = arith.muli %add3A_141, %mul3A_160 : i32
          %add3A_162 = arith.addi %mul3A_161, %arg1 : i32
          %dma_start3A_163 = arith.constant 0 : i32
          %dma_start3A_164 = arith.constant 0 : i32
          %dma_start3A_165 = tpu.memref_slice %arg4[%add3A_162, %dma_start3A_163, %dma_start3A_164] : memref<2560x2x128xi32, #tpu.memory_space<hbm>> -> memref<1x2x128xi32, #tpu.memory_space<hbm>>
          %dma_start3A_166 = tpu.memref_squeeze %dma_start3A_165 : memref<1x2x128xi32, #tpu.memory_space<hbm>> -> memref<2x128xi32, #tpu.memory_space<hbm>>
          %dma_start3A_167 = arith.constant 0 : i32
          %dma_start3A_168 = arith.constant 0 : i32
          %dma_start3A_169 = tpu.memref_slice %arg4[%add3A_162, %dma_start3A_167, %dma_start3A_168] : memref<2560x2x128xi32, #tpu.memory_space<hbm>> -> memref<1x2x128xi32, #tpu.memory_space<hbm>>
          %dma_start3A_170 = tpu.memref_squeeze %dma_start3A_169 : memref<1x2x128xi32, #tpu.memory_space<hbm>> -> memref<2x128xi32, #tpu.memory_space<hbm>>
          tpu.enqueue_dma source(%dma_start3A_170 : memref<2x128xi32, #tpu.memory_space<hbm>>) target(%arg10 : memref<2x128xi32, #tpu.memory_space<vmem>>) target_semaphore(%arg19 : memref<!tpu.dma_semaphore, #tpu.memory_space<semaphore_mem>>)
        } else {
        }
        %lt3A_155 = arith.constant 160 : i32
        %lt3A_156 = arith.cmpi slt, %add3A_139, %lt3A_155 : i32
        %convert_element_type3A_157 = arith.extui %lt3A_156 : i1 to i32
        %cond3A_158 = arith.constant 0 : i32
        %cond3A_159 = arith.cmpi ne, %convert_element_type3A_157, %cond3A_158 : i32
        scf.if %cond3A_159 {
          %mul3A_160 = arith.constant 16 : i32
          %mul3A_161 = arith.muli %add3A_139, %mul3A_160 : i32
          %add3A_162 = arith.addi %mul3A_161, %arg1 : i32
          %dma_wait3A_163 = arith.constant 0 : i32
          %dma_wait3A_164 = arith.constant 0 : i32
          %dma_wait3A_165 = tpu.memref_slice %arg4[%add3A_162, %dma_wait3A_163, %dma_wait3A_164] : memref<2560x2x128xi32, #tpu.memory_space<hbm>> -> memref<1x2x128xi32, #tpu.memory_space<hbm>>
          %dma_wait3A_166 = tpu.memref_squeeze %dma_wait3A_165 : memref<1x2x128xi32, #tpu.memory_space<hbm>> -> memref<2x128xi32, #tpu.memory_space<hbm>>
          %dma_wait3A_167 = arith.constant 0 : i32
          %dma_wait3A_168 = arith.constant 0 : i32
          %dma_wait3A_169 = tpu.memref_slice %arg4[%add3A_162, %dma_wait3A_167, %dma_wait3A_168] : memref<2560x2x128xi32, #tpu.memory_space<hbm>> -> memref<1x2x128xi32, #tpu.memory_space<hbm>>
          %dma_wait3A_170 = tpu.memref_squeeze %dma_wait3A_169 : memref<1x2x128xi32, #tpu.memory_space<hbm>> -> memref<2x128xi32, #tpu.memory_space<hbm>>
          tpu.wait_dma2 semaphore(%arg18 : memref<!tpu.dma_semaphore, #tpu.memory_space<semaphore_mem>>) src(%dma_wait3A_170 : memref<2x128xi32, #tpu.memory_space<hbm>>) dst(%arg9 : memref<2x128xi32, #tpu.memory_space<vmem>>)
          %dma_start3A_171 = arith.constant 0 : i32
          %dma_start3A_172 = arith.constant 0 : i32
          %dma_start3A_173 = tpu.memref_slice %arg9[%dma_start3A_171, %dma_start3A_172] : memref<2x128xi32, #tpu.memory_space<vmem>> -> memref<1x128xi32, #tpu.memory_space<vmem>>
          %dma_start3A_174 = tpu.memref_squeeze %dma_start3A_173 : memref<1x128xi32, #tpu.memory_space<vmem>> -> memref<128xi32, #tpu.memory_space<vmem>>
          %dma_start3A_175 = arith.constant 0 : i32
          %dma_start3A_176 = arith.constant 0 : i32
          %dma_start3A_177 = tpu.memref_slice %arg3[%dma_start3A_175, %dma_start3A_176] : memref<10240x128xf32, #tpu.memory_space<hbm>> -> memref<10240x128xf32, #tpu.memory_space<hbm>>
          tpu.enqueue_indirect_dma source(%dma_start3A_177 : memref<10240x128xf32, #tpu.memory_space<hbm>>) target(%arg12 : memref<128x128xf32, #tpu.memory_space<vmem>>) offsets(%dma_start3A_174 : memref<128xi32, #tpu.memory_space<vmem>>) semaphore(%arg15 : memref<!tpu.dma_semaphore, #tpu.memory_space<semaphore_mem>>)
        } else {
        }
      }
      %scan3A_48 = arith.constant 40 : i32
      %barrier3A_49 = arith.constant 0 : index
      tpu.barrier barrier_id(%barrier3A_49)
      "tpu.region"() ({
        %run_scoped3A = tpu.sem_alloc : memref<!tpu.dma_semaphore, #tpu.memory_space<semaphore_mem>>
        %dma_start3A_50 = arith.constant 0 : i32
        %dma_start3A_51 = tpu.memref_slice %arg6[%mul3A_0, %dma_start3A_50] : memref<10240x128xf32, #tpu.memory_space<hbm>> -> memref<640x128xf32, #tpu.memory_space<hbm>>
        %dma_start3A_52 = arith.constant 0 : i32
        %dma_start3A_53 = tpu.memref_slice %arg13[%mul3A_0, %dma_start3A_52] : memref<10240x128xf32, #tpu.memory_space<vmem_shared>> -> memref<640x128xf32, #tpu.memory_space<vmem_shared>>
        tpu.enqueue_dma source(%dma_start3A_53 : memref<640x128xf32, #tpu.memory_space<vmem_shared>>) target(%dma_start3A_51 : memref<640x128xf32, #tpu.memory_space<hbm>>) target_semaphore(%run_scoped3A : memref<!tpu.dma_semaphore, #tpu.memory_space<semaphore_mem>>)
        %dma_wait3A = arith.constant 0 : i32
        %dma_wait3A_54 = tpu.memref_slice %arg6[%mul3A_0, %dma_wait3A] : memref<10240x128xf32, #tpu.memory_space<hbm>> -> memref<640x128xf32, #tpu.memory_space<hbm>>
        %dma_wait3A_55 = arith.constant 0 : i32
        %dma_wait3A_56 = tpu.memref_slice %arg13[%mul3A_0, %dma_wait3A_55] : memref<10240x128xf32, #tpu.memory_space<vmem_shared>> -> memref<640x128xf32, #tpu.memory_space<vmem_shared>>
        tpu.wait_dma2 semaphore(%run_scoped3A : memref<!tpu.dma_semaphore, #tpu.memory_space<semaphore_mem>>) src(%dma_wait3A_56 : memref<640x128xf32, #tpu.memory_space<vmem_shared>>) dst(%dma_wait3A_54 : memref<640x128xf32, #tpu.memory_space<hbm>>)
        tpu.yield
      }) : () -> ()
    } else {
    }
    return
  }
}

#map = affine_map<(d0, d1) -> (0, 0)>
#map1 = affine_map<(d0, d1) -> (0, 0, 0)>
module attributes {stable_mosaic.version = 14 : i64} {
  func.func @_agg_body(%arg0: i32, %arg1: i32, %arg2: memref<10240x128xf32, #tpu.memory_space<hbm>>, %arg3: memref<10240x128xf32, #tpu.memory_space<hbm>>, %arg4: memref<2560x2x128xi32, #tpu.memory_space<hbm>>, %arg5: memref<10240x128xf32, #tpu.memory_space<hbm>>, %arg6: memref<10240x128xf32, #tpu.memory_space<hbm>>, %arg7: memref<2x128xi32, #tpu.memory_space<vmem>>, %arg8: memref<2x128xi32, #tpu.memory_space<vmem>>, %arg9: memref<2x128xi32, #tpu.memory_space<vmem>>, %arg10: memref<2x128xi32, #tpu.memory_space<vmem>>, %arg11: memref<128x128xf32, #tpu.memory_space<vmem>>, %arg12: memref<128x128xf32, #tpu.memory_space<vmem>>, %arg13: memref<10240x128xf32, #tpu.memory_space<vmem_shared>>, %arg14: memref<!tpu.dma_semaphore, #tpu.memory_space<semaphore_mem>>, %arg15: memref<!tpu.dma_semaphore, #tpu.memory_space<semaphore_mem>>, %arg16: memref<!tpu.dma_semaphore, #tpu.memory_space<semaphore_mem>>, %arg17: memref<!tpu.dma_semaphore, #tpu.memory_space<semaphore_mem>>, %arg18: memref<!tpu.dma_semaphore, #tpu.memory_space<semaphore_mem>>, %arg19: memref<!tpu.dma_semaphore, #tpu.memory_space<semaphore_mem>>) attributes {dimension_semantics = [#tpu.dimension_semantics<core_parallel>, #tpu.dimension_semantics<subcore_parallel>], iteration_bounds = array<i64: 2, 16>, scalar_prefetch = 0 : i64, scratch_operands = 13 : i64, tpu.core_type = #tpu.core_type<sc_vector_subcore>, window_params = [{transform_indices = #map}, {transform_indices = #map}, {transform_indices = #map1}, {transform_indices = #map}, {transform_indices = #map}]} {
    %mul3A = arith.constant 640 : i32
    %mul3A_0 = arith.muli %arg1, %mul3A : i32
    %eq3A = arith.constant 0 : i32
    %eq3A_1 = arith.cmpi eq, %arg0, %eq3A : i32
    %convert_element_type3A = arith.extui %eq3A_1 : i1 to i32
    %cond3A = arith.constant 0 : i32
    %cond3A_2 = arith.cmpi ne, %convert_element_type3A, %cond3A : i32
    scf.if %cond3A_2 {
      "tpu.region"() ({
        %run_scoped3A = tpu.sem_alloc : memref<!tpu.dma_semaphore, #tpu.memory_space<semaphore_mem>>
        %dma_start3A_50 = arith.constant 0 : i32
        %dma_start3A_51 = tpu.memref_slice %arg13[%mul3A_0, %dma_start3A_50] : memref<10240x128xf32, #tpu.memory_space<vmem_shared>> -> memref<640x128xf32, #tpu.memory_space<vmem_shared>>
        %dma_start3A_52 = arith.constant 0 : i32
        %dma_start3A_53 = tpu.memref_slice %arg2[%mul3A_0, %dma_start3A_52] : memref<10240x128xf32, #tpu.memory_space<hbm>> -> memref<640x128xf32, #tpu.memory_space<hbm>>
        tpu.enqueue_dma source(%dma_start3A_53 : memref<640x128xf32, #tpu.memory_space<hbm>>) target(%dma_start3A_51 : memref<640x128xf32, #tpu.memory_space<vmem_shared>>) target_semaphore(%run_scoped3A : memref<!tpu.dma_semaphore, #tpu.memory_space<semaphore_mem>>)
        %dma_wait3A = arith.constant 0 : i32
        %dma_wait3A_54 = tpu.memref_slice %arg13[%mul3A_0, %dma_wait3A] : memref<10240x128xf32, #tpu.memory_space<vmem_shared>> -> memref<640x128xf32, #tpu.memory_space<vmem_shared>>
        %dma_wait3A_55 = arith.constant 0 : i32
        %dma_wait3A_56 = tpu.memref_slice %arg2[%mul3A_0, %dma_wait3A_55] : memref<10240x128xf32, #tpu.memory_space<hbm>> -> memref<640x128xf32, #tpu.memory_space<hbm>>
        tpu.wait_dma2 semaphore(%run_scoped3A : memref<!tpu.dma_semaphore, #tpu.memory_space<semaphore_mem>>) src(%dma_wait3A_56 : memref<640x128xf32, #tpu.memory_space<hbm>>) dst(%dma_wait3A_54 : memref<640x128xf32, #tpu.memory_space<vmem_shared>>)
        tpu.yield
      }) : () -> ()
      %barrier3A = arith.constant 0 : index
      tpu.barrier barrier_id(%barrier3A)
      %add3A = arith.constant 0 : i32
      %add3A_8 = arith.addi %add3A, %arg1 : i32
      "tpu.region"() ({
        %run_scoped3A = tpu.sem_alloc : memref<!tpu.dma_semaphore, #tpu.memory_space<semaphore_mem>>
        %dma_start3A_50 = arith.constant 0 : i32
        %dma_start3A_51 = arith.constant 0 : i32
        %dma_start3A_52 = tpu.memref_slice %arg4[%add3A_8, %dma_start3A_50, %dma_start3A_51] : memref<2560x2x128xi32, #tpu.memory_space<hbm>> -> memref<1x2x128xi32, #tpu.memory_space<hbm>>
        %dma_start3A_53 = tpu.memref_squeeze %dma_start3A_52 : memref<1x2x128xi32, #tpu.memory_space<hbm>> -> memref<2x128xi32, #tpu.memory_space<hbm>>
        %dma_start3A_54 = arith.constant 0 : i32
        %dma_start3A_55 = arith.constant 0 : i32
        %dma_start3A_56 = tpu.memref_slice %arg4[%add3A_8, %dma_start3A_54, %dma_start3A_55] : memref<2560x2x128xi32, #tpu.memory_space<hbm>> -> memref<1x2x128xi32, #tpu.memory_space<hbm>>
        %dma_start3A_57 = tpu.memref_squeeze %dma_start3A_56 : memref<1x2x128xi32, #tpu.memory_space<hbm>> -> memref<2x128xi32, #tpu.memory_space<hbm>>
        tpu.enqueue_dma source(%dma_start3A_57 : memref<2x128xi32, #tpu.memory_space<hbm>>) target(%arg7 : memref<2x128xi32, #tpu.memory_space<vmem>>) target_semaphore(%run_scoped3A : memref<!tpu.dma_semaphore, #tpu.memory_space<semaphore_mem>>)
        %dma_wait3A = arith.constant 0 : i32
        %dma_wait3A_58 = arith.constant 0 : i32
        %dma_wait3A_59 = tpu.memref_slice %arg4[%add3A_8, %dma_wait3A, %dma_wait3A_58] : memref<2560x2x128xi32, #tpu.memory_space<hbm>> -> memref<1x2x128xi32, #tpu.memory_space<hbm>>
        %dma_wait3A_60 = tpu.memref_squeeze %dma_wait3A_59 : memref<1x2x128xi32, #tpu.memory_space<hbm>> -> memref<2x128xi32, #tpu.memory_space<hbm>>
        %dma_wait3A_61 = arith.constant 0 : i32
        %dma_wait3A_62 = arith.constant 0 : i32
        %dma_wait3A_63 = tpu.memref_slice %arg4[%add3A_8, %dma_wait3A_61, %dma_wait3A_62] : memref<2560x2x128xi32, #tpu.memory_space<hbm>> -> memref<1x2x128xi32, #tpu.memory_space<hbm>>
        %dma_wait3A_64 = tpu.memref_squeeze %dma_wait3A_63 : memref<1x2x128xi32, #tpu.memory_space<hbm>> -> memref<2x128xi32, #tpu.memory_space<hbm>>
        tpu.wait_dma2 semaphore(%run_scoped3A : memref<!tpu.dma_semaphore, #tpu.memory_space<semaphore_mem>>) src(%dma_wait3A_64 : memref<2x128xi32, #tpu.memory_space<hbm>>) dst(%arg7 : memref<2x128xi32, #tpu.memory_space<vmem>>)
        tpu.yield
      }) : () -> ()
      %dma_start3A = arith.constant 0 : i32
      %dma_start3A_9 = arith.constant 0 : i32
      %dma_start3A_10 = tpu.memref_slice %arg7[%dma_start3A, %dma_start3A_9] : memref<2x128xi32, #tpu.memory_space<vmem>> -> memref<1x128xi32, #tpu.memory_space<vmem>>
      %dma_start3A_11 = tpu.memref_squeeze %dma_start3A_10 : memref<1x128xi32, #tpu.memory_space<vmem>> -> memref<128xi32, #tpu.memory_space<vmem>>
      %dma_start3A_12 = arith.constant 0 : i32
      %dma_start3A_13 = arith.constant 0 : i32
      %dma_start3A_14 = tpu.memref_slice %arg2[%dma_start3A_12, %dma_start3A_13] : memref<10240x128xf32, #tpu.memory_space<hbm>> -> memref<10240x128xf32, #tpu.memory_space<hbm>>
      tpu.enqueue_indirect_dma source(%dma_start3A_14 : memref<10240x128xf32, #tpu.memory_space<hbm>>) target(%arg11 : memref<128x128xf32, #tpu.memory_space<vmem>>) offsets(%dma_start3A_11 : memref<128xi32, #tpu.memory_space<vmem>>) semaphore(%arg14 : memref<!tpu.dma_semaphore, #tpu.memory_space<semaphore_mem>>)
      %add3A_15 = arith.constant 16 : i32
      %add3A_16 = arith.addi %add3A_15, %arg1 : i32
      "tpu.region"() ({
        %run_scoped3A = tpu.sem_alloc : memref<!tpu.dma_semaphore, #tpu.memory_space<semaphore_mem>>
        %dma_start3A_50 = arith.constant 0 : i32
        %dma_start3A_51 = arith.constant 0 : i32
        %dma_start3A_52 = tpu.memref_slice %arg4[%add3A_16, %dma_start3A_50, %dma_start3A_51] : memref<2560x2x128xi32, #tpu.memory_space<hbm>> -> memref<1x2x128xi32, #tpu.memory_space<hbm>>
        %dma_start3A_53 = tpu.memref_squeeze %dma_start3A_52 : memref<1x2x128xi32, #tpu.memory_space<hbm>> -> memref<2x128xi32, #tpu.memory_space<hbm>>
        %dma_start3A_54 = arith.constant 0 : i32
        %dma_start3A_55 = arith.constant 0 : i32
        %dma_start3A_56 = tpu.memref_slice %arg4[%add3A_16, %dma_start3A_54, %dma_start3A_55] : memref<2560x2x128xi32, #tpu.memory_space<hbm>> -> memref<1x2x128xi32, #tpu.memory_space<hbm>>
        %dma_start3A_57 = tpu.memref_squeeze %dma_start3A_56 : memref<1x2x128xi32, #tpu.memory_space<hbm>> -> memref<2x128xi32, #tpu.memory_space<hbm>>
        tpu.enqueue_dma source(%dma_start3A_57 : memref<2x128xi32, #tpu.memory_space<hbm>>) target(%arg9 : memref<2x128xi32, #tpu.memory_space<vmem>>) target_semaphore(%run_scoped3A : memref<!tpu.dma_semaphore, #tpu.memory_space<semaphore_mem>>)
        %dma_wait3A = arith.constant 0 : i32
        %dma_wait3A_58 = arith.constant 0 : i32
        %dma_wait3A_59 = tpu.memref_slice %arg4[%add3A_16, %dma_wait3A, %dma_wait3A_58] : memref<2560x2x128xi32, #tpu.memory_space<hbm>> -> memref<1x2x128xi32, #tpu.memory_space<hbm>>
        %dma_wait3A_60 = tpu.memref_squeeze %dma_wait3A_59 : memref<1x2x128xi32, #tpu.memory_space<hbm>> -> memref<2x128xi32, #tpu.memory_space<hbm>>
        %dma_wait3A_61 = arith.constant 0 : i32
        %dma_wait3A_62 = arith.constant 0 : i32
        %dma_wait3A_63 = tpu.memref_slice %arg4[%add3A_16, %dma_wait3A_61, %dma_wait3A_62] : memref<2560x2x128xi32, #tpu.memory_space<hbm>> -> memref<1x2x128xi32, #tpu.memory_space<hbm>>
        %dma_wait3A_64 = tpu.memref_squeeze %dma_wait3A_63 : memref<1x2x128xi32, #tpu.memory_space<hbm>> -> memref<2x128xi32, #tpu.memory_space<hbm>>
        tpu.wait_dma2 semaphore(%run_scoped3A : memref<!tpu.dma_semaphore, #tpu.memory_space<semaphore_mem>>) src(%dma_wait3A_64 : memref<2x128xi32, #tpu.memory_space<hbm>>) dst(%arg9 : memref<2x128xi32, #tpu.memory_space<vmem>>)
        tpu.yield
      }) : () -> ()
      %dma_start3A_17 = arith.constant 0 : i32
      %dma_start3A_18 = arith.constant 0 : i32
      %dma_start3A_19 = tpu.memref_slice %arg9[%dma_start3A_17, %dma_start3A_18] : memref<2x128xi32, #tpu.memory_space<vmem>> -> memref<1x128xi32, #tpu.memory_space<vmem>>
      %dma_start3A_20 = tpu.memref_squeeze %dma_start3A_19 : memref<1x128xi32, #tpu.memory_space<vmem>> -> memref<128xi32, #tpu.memory_space<vmem>>
      %dma_start3A_21 = arith.constant 0 : i32
      %dma_start3A_22 = arith.constant 0 : i32
      %dma_start3A_23 = tpu.memref_slice %arg2[%dma_start3A_21, %dma_start3A_22] : memref<10240x128xf32, #tpu.memory_space<hbm>> -> memref<10240x128xf32, #tpu.memory_space<hbm>>
      tpu.enqueue_indirect_dma source(%dma_start3A_23 : memref<10240x128xf32, #tpu.memory_space<hbm>>) target(%arg12 : memref<128x128xf32, #tpu.memory_space<vmem>>) offsets(%dma_start3A_20 : memref<128xi32, #tpu.memory_space<vmem>>) semaphore(%arg15 : memref<!tpu.dma_semaphore, #tpu.memory_space<semaphore_mem>>)
      %add3A_24 = arith.constant 32 : i32
      %add3A_25 = arith.addi %add3A_24, %arg1 : i32
      %dma_start3A_26 = arith.constant 0 : i32
      %dma_start3A_27 = arith.constant 0 : i32
      %dma_start3A_28 = tpu.memref_slice %arg4[%add3A_25, %dma_start3A_26, %dma_start3A_27] : memref<2560x2x128xi32, #tpu.memory_space<hbm>> -> memref<1x2x128xi32, #tpu.memory_space<hbm>>
      %dma_start3A_29 = tpu.memref_squeeze %dma_start3A_28 : memref<1x2x128xi32, #tpu.memory_space<hbm>> -> memref<2x128xi32, #tpu.memory_space<hbm>>
      %dma_start3A_30 = arith.constant 0 : i32
      %dma_start3A_31 = arith.constant 0 : i32
      %dma_start3A_32 = tpu.memref_slice %arg4[%add3A_25, %dma_start3A_30, %dma_start3A_31] : memref<2560x2x128xi32, #tpu.memory_space<hbm>> -> memref<1x2x128xi32, #tpu.memory_space<hbm>>
      %dma_start3A_33 = tpu.memref_squeeze %dma_start3A_32 : memref<1x2x128xi32, #tpu.memory_space<hbm>> -> memref<2x128xi32, #tpu.memory_space<hbm>>
      tpu.enqueue_dma source(%dma_start3A_33 : memref<2x128xi32, #tpu.memory_space<hbm>>) target(%arg8 : memref<2x128xi32, #tpu.memory_space<vmem>>) target_semaphore(%arg17 : memref<!tpu.dma_semaphore, #tpu.memory_space<semaphore_mem>>)
      %add3A_34 = arith.constant 48 : i32
      %add3A_35 = arith.addi %add3A_34, %arg1 : i32
      %dma_start3A_36 = arith.constant 0 : i32
      %dma_start3A_37 = arith.constant 0 : i32
      %dma_start3A_38 = tpu.memref_slice %arg4[%add3A_35, %dma_start3A_36, %dma_start3A_37] : memref<2560x2x128xi32, #tpu.memory_space<hbm>> -> memref<1x2x128xi32, #tpu.memory_space<hbm>>
      %dma_start3A_39 = tpu.memref_squeeze %dma_start3A_38 : memref<1x2x128xi32, #tpu.memory_space<hbm>> -> memref<2x128xi32, #tpu.memory_space<hbm>>
      %dma_start3A_40 = arith.constant 0 : i32
      %dma_start3A_41 = arith.constant 0 : i32
      %dma_start3A_42 = tpu.memref_slice %arg4[%add3A_35, %dma_start3A_40, %dma_start3A_41] : memref<2560x2x128xi32, #tpu.memory_space<hbm>> -> memref<1x2x128xi32, #tpu.memory_space<hbm>>
      %dma_start3A_43 = tpu.memref_squeeze %dma_start3A_42 : memref<1x2x128xi32, #tpu.memory_space<hbm>> -> memref<2x128xi32, #tpu.memory_space<hbm>>
      tpu.enqueue_dma source(%dma_start3A_43 : memref<2x128xi32, #tpu.memory_space<hbm>>) target(%arg10 : memref<2x128xi32, #tpu.memory_space<vmem>>) target_semaphore(%arg19 : memref<!tpu.dma_semaphore, #tpu.memory_space<semaphore_mem>>)
      %scan3A = arith.constant 0 : i32
      %scan3A_44 = arith.constant 0 : i32
      %scan3A_45 = arith.constant 40 : i32
      %scan3A_46 = arith.addi %scan3A_44, %scan3A_45 : i32
      %scan3A_47 = arith.constant 1 : i32
      scf.for %scan3A_50 = %scan3A_44 to %scan3A_46 step %scan3A_47  : i32 {
        %mul3A_51 = arith.constant 4 : i32
        %mul3A_52 = arith.muli %mul3A_51, %scan3A_50 : i32
        %add3A_53 = arith.constant 0 : i32
        %add3A_54 = arith.addi %mul3A_52, %add3A_53 : i32
        %add3A_55 = arith.constant 0 : i32
        %add3A_56 = arith.addi %add3A_54, %add3A_55 : i32
        %add3A_57 = arith.constant 2 : i32
        %add3A_58 = arith.addi %add3A_56, %add3A_57 : i32
        %add3A_59 = arith.constant 4 : i32
        %add3A_60 = arith.addi %add3A_56, %add3A_59 : i32
        %dma_wait3A = arith.constant 0 : i32
        %dma_wait3A_61 = arith.constant 0 : i32
        %dma_wait3A_62 = tpu.memref_slice %arg7[%dma_wait3A, %dma_wait3A_61] : memref<2x128xi32, #tpu.memory_space<vmem>> -> memref<1x128xi32, #tpu.memory_space<vmem>>
        %dma_wait3A_63 = tpu.memref_squeeze %dma_wait3A_62 : memref<1x128xi32, #tpu.memory_space<vmem>> -> memref<128xi32, #tpu.memory_space<vmem>>
        %dma_wait3A_64 = arith.constant 0 : i32
        %dma_wait3A_65 = arith.constant 0 : i32
        %dma_wait3A_66 = tpu.memref_slice %arg2[%dma_wait3A_64, %dma_wait3A_65] : memref<10240x128xf32, #tpu.memory_space<hbm>> -> memref<10240x128xf32, #tpu.memory_space<hbm>>
        tpu.wait_indirect_dma semaphore(%arg14 : memref<!tpu.dma_semaphore, #tpu.memory_space<semaphore_mem>>) src(%dma_wait3A_66 : memref<10240x128xf32, #tpu.memory_space<hbm>>) dst(%arg11 : memref<128x128xf32, #tpu.memory_space<vmem>>)
        %run_scoped3A = arith.constant 1 : i32
        "tpu.region"() ({
          %run_scoped3A_160 = tpu.sem_alloc : memref<!tpu.dma_semaphore, #tpu.memory_space<semaphore_mem>>
          %dma_start3A_161 = arith.constant 0 : i32
          %dma_start3A_162 = tpu.memref_slice %arg7[%run_scoped3A, %dma_start3A_161] : memref<2x128xi32, #tpu.memory_space<vmem>> -> memref<1x128xi32, #tpu.memory_space<vmem>>
          %dma_start3A_163 = tpu.memref_squeeze %dma_start3A_162 : memref<1x128xi32, #tpu.memory_space<vmem>> -> memref<128xi32, #tpu.memory_space<vmem>>
          %dma_start3A_164 = arith.constant 0 : i32
          %dma_start3A_165 = arith.constant 0 : i32
          %dma_start3A_166 = tpu.memref_slice %arg13[%dma_start3A_164, %dma_start3A_165] : memref<10240x128xf32, #tpu.memory_space<vmem_shared>> -> memref<10240x128xf32, #tpu.memory_space<vmem_shared>>
          tpu.enqueue_indirect_dma source(%arg11 : memref<128x128xf32, #tpu.memory_space<vmem>>) target(%dma_start3A_166 : memref<10240x128xf32, #tpu.memory_space<vmem_shared>>) offsets(%dma_start3A_163 : memref<128xi32, #tpu.memory_space<vmem>>) semaphore(%run_scoped3A_160 : memref<!tpu.dma_semaphore, #tpu.memory_space<semaphore_mem>>) {add = true}
          %dma_wait3A_167 = arith.constant 0 : i32
          %dma_wait3A_168 = tpu.memref_slice %arg7[%run_scoped3A, %dma_wait3A_167] : memref<2x128xi32, #tpu.memory_space<vmem>> -> memref<1x128xi32, #tpu.memory_space<vmem>>
          %dma_wait3A_169 = tpu.memref_squeeze %dma_wait3A_168 : memref<1x128xi32, #tpu.memory_space<vmem>> -> memref<128xi32, #tpu.memory_space<vmem>>
          %dma_wait3A_170 = arith.constant 0 : i32
          %dma_wait3A_171 = arith.constant 0 : i32
          %dma_wait3A_172 = tpu.memref_slice %arg13[%dma_wait3A_170, %dma_wait3A_171] : memref<10240x128xf32, #tpu.memory_space<vmem_shared>> -> memref<10240x128xf32, #tpu.memory_space<vmem_shared>>
          tpu.wait_indirect_dma semaphore(%run_scoped3A_160 : memref<!tpu.dma_semaphore, #tpu.memory_space<semaphore_mem>>) src(%arg11 : memref<128x128xf32, #tpu.memory_space<vmem>>) dst(%dma_wait3A_172 : memref<10240x128xf32, #tpu.memory_space<vmem_shared>>)
          tpu.yield
        }) : () -> ()
        %lt3A = arith.constant 160 : i32
        %lt3A_67 = arith.cmpi slt, %add3A_60, %lt3A : i32
        %convert_element_type3A_68 = arith.extui %lt3A_67 : i1 to i32
        %cond3A_69 = arith.constant 0 : i32
        %cond3A_70 = arith.cmpi ne, %convert_element_type3A_68, %cond3A_69 : i32
        scf.if %cond3A_70 {
          %mul3A_160 = arith.constant 16 : i32
          %mul3A_161 = arith.muli %add3A_60, %mul3A_160 : i32
          %add3A_162 = arith.addi %mul3A_161, %arg1 : i32
          %dma_start3A_163 = arith.constant 0 : i32
          %dma_start3A_164 = arith.constant 0 : i32
          %dma_start3A_165 = tpu.memref_slice %arg4[%add3A_162, %dma_start3A_163, %dma_start3A_164] : memref<2560x2x128xi32, #tpu.memory_space<hbm>> -> memref<1x2x128xi32, #tpu.memory_space<hbm>>
          %dma_start3A_166 = tpu.memref_squeeze %dma_start3A_165 : memref<1x2x128xi32, #tpu.memory_space<hbm>> -> memref<2x128xi32, #tpu.memory_space<hbm>>
          %dma_start3A_167 = arith.constant 0 : i32
          %dma_start3A_168 = arith.constant 0 : i32
          %dma_start3A_169 = tpu.memref_slice %arg4[%add3A_162, %dma_start3A_167, %dma_start3A_168] : memref<2560x2x128xi32, #tpu.memory_space<hbm>> -> memref<1x2x128xi32, #tpu.memory_space<hbm>>
          %dma_start3A_170 = tpu.memref_squeeze %dma_start3A_169 : memref<1x2x128xi32, #tpu.memory_space<hbm>> -> memref<2x128xi32, #tpu.memory_space<hbm>>
          tpu.enqueue_dma source(%dma_start3A_170 : memref<2x128xi32, #tpu.memory_space<hbm>>) target(%arg7 : memref<2x128xi32, #tpu.memory_space<vmem>>) target_semaphore(%arg16 : memref<!tpu.dma_semaphore, #tpu.memory_space<semaphore_mem>>)
        } else {
        }
        %lt3A_71 = arith.constant 160 : i32
        %lt3A_72 = arith.cmpi slt, %add3A_58, %lt3A_71 : i32
        %convert_element_type3A_73 = arith.extui %lt3A_72 : i1 to i32
        %cond3A_74 = arith.constant 0 : i32
        %cond3A_75 = arith.cmpi ne, %convert_element_type3A_73, %cond3A_74 : i32
        scf.if %cond3A_75 {
          %mul3A_160 = arith.constant 16 : i32
          %mul3A_161 = arith.muli %add3A_58, %mul3A_160 : i32
          %add3A_162 = arith.addi %mul3A_161, %arg1 : i32
          %dma_wait3A_163 = arith.constant 0 : i32
          %dma_wait3A_164 = arith.constant 0 : i32
          %dma_wait3A_165 = tpu.memref_slice %arg4[%add3A_162, %dma_wait3A_163, %dma_wait3A_164] : memref<2560x2x128xi32, #tpu.memory_space<hbm>> -> memref<1x2x128xi32, #tpu.memory_space<hbm>>
          %dma_wait3A_166 = tpu.memref_squeeze %dma_wait3A_165 : memref<1x2x128xi32, #tpu.memory_space<hbm>> -> memref<2x128xi32, #tpu.memory_space<hbm>>
          %dma_wait3A_167 = arith.constant 0 : i32
          %dma_wait3A_168 = arith.constant 0 : i32
          %dma_wait3A_169 = tpu.memref_slice %arg4[%add3A_162, %dma_wait3A_167, %dma_wait3A_168] : memref<2560x2x128xi32, #tpu.memory_space<hbm>> -> memref<1x2x128xi32, #tpu.memory_space<hbm>>
          %dma_wait3A_170 = tpu.memref_squeeze %dma_wait3A_169 : memref<1x2x128xi32, #tpu.memory_space<hbm>> -> memref<2x128xi32, #tpu.memory_space<hbm>>
          tpu.wait_dma2 semaphore(%arg17 : memref<!tpu.dma_semaphore, #tpu.memory_space<semaphore_mem>>) src(%dma_wait3A_170 : memref<2x128xi32, #tpu.memory_space<hbm>>) dst(%arg8 : memref<2x128xi32, #tpu.memory_space<vmem>>)
          %dma_start3A_171 = arith.constant 0 : i32
          %dma_start3A_172 = arith.constant 0 : i32
          %dma_start3A_173 = tpu.memref_slice %arg8[%dma_start3A_171, %dma_start3A_172] : memref<2x128xi32, #tpu.memory_space<vmem>> -> memref<1x128xi32, #tpu.memory_space<vmem>>
          %dma_start3A_174 = tpu.memref_squeeze %dma_start3A_173 : memref<1x128xi32, #tpu.memory_space<vmem>> -> memref<128xi32, #tpu.memory_space<vmem>>
          %dma_start3A_175 = arith.constant 0 : i32
          %dma_start3A_176 = arith.constant 0 : i32
          %dma_start3A_177 = tpu.memref_slice %arg2[%dma_start3A_175, %dma_start3A_176] : memref<10240x128xf32, #tpu.memory_space<hbm>> -> memref<10240x128xf32, #tpu.memory_space<hbm>>
          tpu.enqueue_indirect_dma source(%dma_start3A_177 : memref<10240x128xf32, #tpu.memory_space<hbm>>) target(%arg11 : memref<128x128xf32, #tpu.memory_space<vmem>>) offsets(%dma_start3A_174 : memref<128xi32, #tpu.memory_space<vmem>>) semaphore(%arg14 : memref<!tpu.dma_semaphore, #tpu.memory_space<semaphore_mem>>)
        } else {
        }
        %mul3A_76 = arith.constant 4 : i32
        %mul3A_77 = arith.muli %mul3A_76, %scan3A_50 : i32
        %add3A_78 = arith.constant 0 : i32
        %add3A_79 = arith.addi %mul3A_77, %add3A_78 : i32
        %add3A_80 = arith.constant 1 : i32
        %add3A_81 = arith.addi %add3A_79, %add3A_80 : i32
        %add3A_82 = arith.constant 2 : i32
        %add3A_83 = arith.addi %add3A_81, %add3A_82 : i32
        %add3A_84 = arith.constant 4 : i32
        %add3A_85 = arith.addi %add3A_81, %add3A_84 : i32
        %dma_wait3A_86 = arith.constant 0 : i32
        %dma_wait3A_87 = arith.constant 0 : i32
        %dma_wait3A_88 = tpu.memref_slice %arg9[%dma_wait3A_86, %dma_wait3A_87] : memref<2x128xi32, #tpu.memory_space<vmem>> -> memref<1x128xi32, #tpu.memory_space<vmem>>
        %dma_wait3A_89 = tpu.memref_squeeze %dma_wait3A_88 : memref<1x128xi32, #tpu.memory_space<vmem>> -> memref<128xi32, #tpu.memory_space<vmem>>
        %dma_wait3A_90 = arith.constant 0 : i32
        %dma_wait3A_91 = arith.constant 0 : i32
        %dma_wait3A_92 = tpu.memref_slice %arg2[%dma_wait3A_90, %dma_wait3A_91] : memref<10240x128xf32, #tpu.memory_space<hbm>> -> memref<10240x128xf32, #tpu.memory_space<hbm>>
        tpu.wait_indirect_dma semaphore(%arg15 : memref<!tpu.dma_semaphore, #tpu.memory_space<semaphore_mem>>) src(%dma_wait3A_92 : memref<10240x128xf32, #tpu.memory_space<hbm>>) dst(%arg12 : memref<128x128xf32, #tpu.memory_space<vmem>>)
        %run_scoped3A_93 = arith.constant 1 : i32
        "tpu.region"() ({
          %run_scoped3A_160 = tpu.sem_alloc : memref<!tpu.dma_semaphore, #tpu.memory_space<semaphore_mem>>
          %dma_start3A_161 = arith.constant 0 : i32
          %dma_start3A_162 = tpu.memref_slice %arg9[%run_scoped3A_93, %dma_start3A_161] : memref<2x128xi32, #tpu.memory_space<vmem>> -> memref<1x128xi32, #tpu.memory_space<vmem>>
          %dma_start3A_163 = tpu.memref_squeeze %dma_start3A_162 : memref<1x128xi32, #tpu.memory_space<vmem>> -> memref<128xi32, #tpu.memory_space<vmem>>
          %dma_start3A_164 = arith.constant 0 : i32
          %dma_start3A_165 = arith.constant 0 : i32
          %dma_start3A_166 = tpu.memref_slice %arg13[%dma_start3A_164, %dma_start3A_165] : memref<10240x128xf32, #tpu.memory_space<vmem_shared>> -> memref<10240x128xf32, #tpu.memory_space<vmem_shared>>
          tpu.enqueue_indirect_dma source(%arg12 : memref<128x128xf32, #tpu.memory_space<vmem>>) target(%dma_start3A_166 : memref<10240x128xf32, #tpu.memory_space<vmem_shared>>) offsets(%dma_start3A_163 : memref<128xi32, #tpu.memory_space<vmem>>) semaphore(%run_scoped3A_160 : memref<!tpu.dma_semaphore, #tpu.memory_space<semaphore_mem>>) {add = true}
          %dma_wait3A_167 = arith.constant 0 : i32
          %dma_wait3A_168 = tpu.memref_slice %arg9[%run_scoped3A_93, %dma_wait3A_167] : memref<2x128xi32, #tpu.memory_space<vmem>> -> memref<1x128xi32, #tpu.memory_space<vmem>>
          %dma_wait3A_169 = tpu.memref_squeeze %dma_wait3A_168 : memref<1x128xi32, #tpu.memory_space<vmem>> -> memref<128xi32, #tpu.memory_space<vmem>>
          %dma_wait3A_170 = arith.constant 0 : i32
          %dma_wait3A_171 = arith.constant 0 : i32
          %dma_wait3A_172 = tpu.memref_slice %arg13[%dma_wait3A_170, %dma_wait3A_171] : memref<10240x128xf32, #tpu.memory_space<vmem_shared>> -> memref<10240x128xf32, #tpu.memory_space<vmem_shared>>
          tpu.wait_indirect_dma semaphore(%run_scoped3A_160 : memref<!tpu.dma_semaphore, #tpu.memory_space<semaphore_mem>>) src(%arg12 : memref<128x128xf32, #tpu.memory_space<vmem>>) dst(%dma_wait3A_172 : memref<10240x128xf32, #tpu.memory_space<vmem_shared>>)
          tpu.yield
        }) : () -> ()
        %lt3A_94 = arith.constant 160 : i32
        %lt3A_95 = arith.cmpi slt, %add3A_85, %lt3A_94 : i32
        %convert_element_type3A_96 = arith.extui %lt3A_95 : i1 to i32
        %cond3A_97 = arith.constant 0 : i32
        %cond3A_98 = arith.cmpi ne, %convert_element_type3A_96, %cond3A_97 : i32
        scf.if %cond3A_98 {
          %mul3A_160 = arith.constant 16 : i32
          %mul3A_161 = arith.muli %add3A_85, %mul3A_160 : i32
          %add3A_162 = arith.addi %mul3A_161, %arg1 : i32
          %dma_start3A_163 = arith.constant 0 : i32
          %dma_start3A_164 = arith.constant 0 : i32
          %dma_start3A_165 = tpu.memref_slice %arg4[%add3A_162, %dma_start3A_163, %dma_start3A_164] : memref<2560x2x128xi32, #tpu.memory_space<hbm>> -> memref<1x2x128xi32, #tpu.memory_space<hbm>>
          %dma_start3A_166 = tpu.memref_squeeze %dma_start3A_165 : memref<1x2x128xi32, #tpu.memory_space<hbm>> -> memref<2x128xi32, #tpu.memory_space<hbm>>
          %dma_start3A_167 = arith.constant 0 : i32
          %dma_start3A_168 = arith.constant 0 : i32
          %dma_start3A_169 = tpu.memref_slice %arg4[%add3A_162, %dma_start3A_167, %dma_start3A_168] : memref<2560x2x128xi32, #tpu.memory_space<hbm>> -> memref<1x2x128xi32, #tpu.memory_space<hbm>>
          %dma_start3A_170 = tpu.memref_squeeze %dma_start3A_169 : memref<1x2x128xi32, #tpu.memory_space<hbm>> -> memref<2x128xi32, #tpu.memory_space<hbm>>
          tpu.enqueue_dma source(%dma_start3A_170 : memref<2x128xi32, #tpu.memory_space<hbm>>) target(%arg9 : memref<2x128xi32, #tpu.memory_space<vmem>>) target_semaphore(%arg18 : memref<!tpu.dma_semaphore, #tpu.memory_space<semaphore_mem>>)
        } else {
        }
        %lt3A_99 = arith.constant 160 : i32
        %lt3A_100 = arith.cmpi slt, %add3A_83, %lt3A_99 : i32
        %convert_element_type3A_101 = arith.extui %lt3A_100 : i1 to i32
        %cond3A_102 = arith.constant 0 : i32
        %cond3A_103 = arith.cmpi ne, %convert_element_type3A_101, %cond3A_102 : i32
        scf.if %cond3A_103 {
          %mul3A_160 = arith.constant 16 : i32
          %mul3A_161 = arith.muli %add3A_83, %mul3A_160 : i32
          %add3A_162 = arith.addi %mul3A_161, %arg1 : i32
          %dma_wait3A_163 = arith.constant 0 : i32
          %dma_wait3A_164 = arith.constant 0 : i32
          %dma_wait3A_165 = tpu.memref_slice %arg4[%add3A_162, %dma_wait3A_163, %dma_wait3A_164] : memref<2560x2x128xi32, #tpu.memory_space<hbm>> -> memref<1x2x128xi32, #tpu.memory_space<hbm>>
          %dma_wait3A_166 = tpu.memref_squeeze %dma_wait3A_165 : memref<1x2x128xi32, #tpu.memory_space<hbm>> -> memref<2x128xi32, #tpu.memory_space<hbm>>
          %dma_wait3A_167 = arith.constant 0 : i32
          %dma_wait3A_168 = arith.constant 0 : i32
          %dma_wait3A_169 = tpu.memref_slice %arg4[%add3A_162, %dma_wait3A_167, %dma_wait3A_168] : memref<2560x2x128xi32, #tpu.memory_space<hbm>> -> memref<1x2x128xi32, #tpu.memory_space<hbm>>
          %dma_wait3A_170 = tpu.memref_squeeze %dma_wait3A_169 : memref<1x2x128xi32, #tpu.memory_space<hbm>> -> memref<2x128xi32, #tpu.memory_space<hbm>>
          tpu.wait_dma2 semaphore(%arg19 : memref<!tpu.dma_semaphore, #tpu.memory_space<semaphore_mem>>) src(%dma_wait3A_170 : memref<2x128xi32, #tpu.memory_space<hbm>>) dst(%arg10 : memref<2x128xi32, #tpu.memory_space<vmem>>)
          %dma_start3A_171 = arith.constant 0 : i32
          %dma_start3A_172 = arith.constant 0 : i32
          %dma_start3A_173 = tpu.memref_slice %arg10[%dma_start3A_171, %dma_start3A_172] : memref<2x128xi32, #tpu.memory_space<vmem>> -> memref<1x128xi32, #tpu.memory_space<vmem>>
          %dma_start3A_174 = tpu.memref_squeeze %dma_start3A_173 : memref<1x128xi32, #tpu.memory_space<vmem>> -> memref<128xi32, #tpu.memory_space<vmem>>
          %dma_start3A_175 = arith.constant 0 : i32
          %dma_start3A_176 = arith.constant 0 : i32
          %dma_start3A_177 = tpu.memref_slice %arg2[%dma_start3A_175, %dma_start3A_176] : memref<10240x128xf32, #tpu.memory_space<hbm>> -> memref<10240x128xf32, #tpu.memory_space<hbm>>
          tpu.enqueue_indirect_dma source(%dma_start3A_177 : memref<10240x128xf32, #tpu.memory_space<hbm>>) target(%arg12 : memref<128x128xf32, #tpu.memory_space<vmem>>) offsets(%dma_start3A_174 : memref<128xi32, #tpu.memory_space<vmem>>) semaphore(%arg15 : memref<!tpu.dma_semaphore, #tpu.memory_space<semaphore_mem>>)
        } else {
        }
        %mul3A_104 = arith.constant 4 : i32
        %mul3A_105 = arith.muli %mul3A_104, %scan3A_50 : i32
        %add3A_106 = arith.constant 2 : i32
        %add3A_107 = arith.addi %mul3A_105, %add3A_106 : i32
        %add3A_108 = arith.constant 0 : i32
        %add3A_109 = arith.addi %add3A_107, %add3A_108 : i32
        %add3A_110 = arith.constant 2 : i32
        %add3A_111 = arith.addi %add3A_109, %add3A_110 : i32
        %add3A_112 = arith.constant 4 : i32
        %add3A_113 = arith.addi %add3A_109, %add3A_112 : i32
        %dma_wait3A_114 = arith.constant 0 : i32
        %dma_wait3A_115 = arith.constant 0 : i32
        %dma_wait3A_116 = tpu.memref_slice %arg8[%dma_wait3A_114, %dma_wait3A_115] : memref<2x128xi32, #tpu.memory_space<vmem>> -> memref<1x128xi32, #tpu.memory_space<vmem>>
        %dma_wait3A_117 = tpu.memref_squeeze %dma_wait3A_116 : memref<1x128xi32, #tpu.memory_space<vmem>> -> memref<128xi32, #tpu.memory_space<vmem>>
        %dma_wait3A_118 = arith.constant 0 : i32
        %dma_wait3A_119 = arith.constant 0 : i32
        %dma_wait3A_120 = tpu.memref_slice %arg2[%dma_wait3A_118, %dma_wait3A_119] : memref<10240x128xf32, #tpu.memory_space<hbm>> -> memref<10240x128xf32, #tpu.memory_space<hbm>>
        tpu.wait_indirect_dma semaphore(%arg14 : memref<!tpu.dma_semaphore, #tpu.memory_space<semaphore_mem>>) src(%dma_wait3A_120 : memref<10240x128xf32, #tpu.memory_space<hbm>>) dst(%arg11 : memref<128x128xf32, #tpu.memory_space<vmem>>)
        %run_scoped3A_121 = arith.constant 1 : i32
        "tpu.region"() ({
          %run_scoped3A_160 = tpu.sem_alloc : memref<!tpu.dma_semaphore, #tpu.memory_space<semaphore_mem>>
          %dma_start3A_161 = arith.constant 0 : i32
          %dma_start3A_162 = tpu.memref_slice %arg8[%run_scoped3A_121, %dma_start3A_161] : memref<2x128xi32, #tpu.memory_space<vmem>> -> memref<1x128xi32, #tpu.memory_space<vmem>>
          %dma_start3A_163 = tpu.memref_squeeze %dma_start3A_162 : memref<1x128xi32, #tpu.memory_space<vmem>> -> memref<128xi32, #tpu.memory_space<vmem>>
          %dma_start3A_164 = arith.constant 0 : i32
          %dma_start3A_165 = arith.constant 0 : i32
          %dma_start3A_166 = tpu.memref_slice %arg13[%dma_start3A_164, %dma_start3A_165] : memref<10240x128xf32, #tpu.memory_space<vmem_shared>> -> memref<10240x128xf32, #tpu.memory_space<vmem_shared>>
          tpu.enqueue_indirect_dma source(%arg11 : memref<128x128xf32, #tpu.memory_space<vmem>>) target(%dma_start3A_166 : memref<10240x128xf32, #tpu.memory_space<vmem_shared>>) offsets(%dma_start3A_163 : memref<128xi32, #tpu.memory_space<vmem>>) semaphore(%run_scoped3A_160 : memref<!tpu.dma_semaphore, #tpu.memory_space<semaphore_mem>>) {add = true}
          %dma_wait3A_167 = arith.constant 0 : i32
          %dma_wait3A_168 = tpu.memref_slice %arg8[%run_scoped3A_121, %dma_wait3A_167] : memref<2x128xi32, #tpu.memory_space<vmem>> -> memref<1x128xi32, #tpu.memory_space<vmem>>
          %dma_wait3A_169 = tpu.memref_squeeze %dma_wait3A_168 : memref<1x128xi32, #tpu.memory_space<vmem>> -> memref<128xi32, #tpu.memory_space<vmem>>
          %dma_wait3A_170 = arith.constant 0 : i32
          %dma_wait3A_171 = arith.constant 0 : i32
          %dma_wait3A_172 = tpu.memref_slice %arg13[%dma_wait3A_170, %dma_wait3A_171] : memref<10240x128xf32, #tpu.memory_space<vmem_shared>> -> memref<10240x128xf32, #tpu.memory_space<vmem_shared>>
          tpu.wait_indirect_dma semaphore(%run_scoped3A_160 : memref<!tpu.dma_semaphore, #tpu.memory_space<semaphore_mem>>) src(%arg11 : memref<128x128xf32, #tpu.memory_space<vmem>>) dst(%dma_wait3A_172 : memref<10240x128xf32, #tpu.memory_space<vmem_shared>>)
          tpu.yield
        }) : () -> ()
        %lt3A_122 = arith.constant 160 : i32
        %lt3A_123 = arith.cmpi slt, %add3A_113, %lt3A_122 : i32
        %convert_element_type3A_124 = arith.extui %lt3A_123 : i1 to i32
        %cond3A_125 = arith.constant 0 : i32
        %cond3A_126 = arith.cmpi ne, %convert_element_type3A_124, %cond3A_125 : i32
        scf.if %cond3A_126 {
          %mul3A_160 = arith.constant 16 : i32
          %mul3A_161 = arith.muli %add3A_113, %mul3A_160 : i32
          %add3A_162 = arith.addi %mul3A_161, %arg1 : i32
          %dma_start3A_163 = arith.constant 0 : i32
          %dma_start3A_164 = arith.constant 0 : i32
          %dma_start3A_165 = tpu.memref_slice %arg4[%add3A_162, %dma_start3A_163, %dma_start3A_164] : memref<2560x2x128xi32, #tpu.memory_space<hbm>> -> memref<1x2x128xi32, #tpu.memory_space<hbm>>
          %dma_start3A_166 = tpu.memref_squeeze %dma_start3A_165 : memref<1x2x128xi32, #tpu.memory_space<hbm>> -> memref<2x128xi32, #tpu.memory_space<hbm>>
          %dma_start3A_167 = arith.constant 0 : i32
          %dma_start3A_168 = arith.constant 0 : i32
          %dma_start3A_169 = tpu.memref_slice %arg4[%add3A_162, %dma_start3A_167, %dma_start3A_168] : memref<2560x2x128xi32, #tpu.memory_space<hbm>> -> memref<1x2x128xi32, #tpu.memory_space<hbm>>
          %dma_start3A_170 = tpu.memref_squeeze %dma_start3A_169 : memref<1x2x128xi32, #tpu.memory_space<hbm>> -> memref<2x128xi32, #tpu.memory_space<hbm>>
          tpu.enqueue_dma source(%dma_start3A_170 : memref<2x128xi32, #tpu.memory_space<hbm>>) target(%arg8 : memref<2x128xi32, #tpu.memory_space<vmem>>) target_semaphore(%arg17 : memref<!tpu.dma_semaphore, #tpu.memory_space<semaphore_mem>>)
        } else {
        }
        %lt3A_127 = arith.constant 160 : i32
        %lt3A_128 = arith.cmpi slt, %add3A_111, %lt3A_127 : i32
        %convert_element_type3A_129 = arith.extui %lt3A_128 : i1 to i32
        %cond3A_130 = arith.constant 0 : i32
        %cond3A_131 = arith.cmpi ne, %convert_element_type3A_129, %cond3A_130 : i32
        scf.if %cond3A_131 {
          %mul3A_160 = arith.constant 16 : i32
          %mul3A_161 = arith.muli %add3A_111, %mul3A_160 : i32
          %add3A_162 = arith.addi %mul3A_161, %arg1 : i32
          %dma_wait3A_163 = arith.constant 0 : i32
          %dma_wait3A_164 = arith.constant 0 : i32
          %dma_wait3A_165 = tpu.memref_slice %arg4[%add3A_162, %dma_wait3A_163, %dma_wait3A_164] : memref<2560x2x128xi32, #tpu.memory_space<hbm>> -> memref<1x2x128xi32, #tpu.memory_space<hbm>>
          %dma_wait3A_166 = tpu.memref_squeeze %dma_wait3A_165 : memref<1x2x128xi32, #tpu.memory_space<hbm>> -> memref<2x128xi32, #tpu.memory_space<hbm>>
          %dma_wait3A_167 = arith.constant 0 : i32
          %dma_wait3A_168 = arith.constant 0 : i32
          %dma_wait3A_169 = tpu.memref_slice %arg4[%add3A_162, %dma_wait3A_167, %dma_wait3A_168] : memref<2560x2x128xi32, #tpu.memory_space<hbm>> -> memref<1x2x128xi32, #tpu.memory_space<hbm>>
          %dma_wait3A_170 = tpu.memref_squeeze %dma_wait3A_169 : memref<1x2x128xi32, #tpu.memory_space<hbm>> -> memref<2x128xi32, #tpu.memory_space<hbm>>
          tpu.wait_dma2 semaphore(%arg16 : memref<!tpu.dma_semaphore, #tpu.memory_space<semaphore_mem>>) src(%dma_wait3A_170 : memref<2x128xi32, #tpu.memory_space<hbm>>) dst(%arg7 : memref<2x128xi32, #tpu.memory_space<vmem>>)
          %dma_start3A_171 = arith.constant 0 : i32
          %dma_start3A_172 = arith.constant 0 : i32
          %dma_start3A_173 = tpu.memref_slice %arg7[%dma_start3A_171, %dma_start3A_172] : memref<2x128xi32, #tpu.memory_space<vmem>> -> memref<1x128xi32, #tpu.memory_space<vmem>>
          %dma_start3A_174 = tpu.memref_squeeze %dma_start3A_173 : memref<1x128xi32, #tpu.memory_space<vmem>> -> memref<128xi32, #tpu.memory_space<vmem>>
          %dma_start3A_175 = arith.constant 0 : i32
          %dma_start3A_176 = arith.constant 0 : i32
          %dma_start3A_177 = tpu.memref_slice %arg2[%dma_start3A_175, %dma_start3A_176] : memref<10240x128xf32, #tpu.memory_space<hbm>> -> memref<10240x128xf32, #tpu.memory_space<hbm>>
          tpu.enqueue_indirect_dma source(%dma_start3A_177 : memref<10240x128xf32, #tpu.memory_space<hbm>>) target(%arg11 : memref<128x128xf32, #tpu.memory_space<vmem>>) offsets(%dma_start3A_174 : memref<128xi32, #tpu.memory_space<vmem>>) semaphore(%arg14 : memref<!tpu.dma_semaphore, #tpu.memory_space<semaphore_mem>>)
        } else {
        }
        %mul3A_132 = arith.constant 4 : i32
        %mul3A_133 = arith.muli %mul3A_132, %scan3A_50 : i32
        %add3A_134 = arith.constant 2 : i32
        %add3A_135 = arith.addi %mul3A_133, %add3A_134 : i32
        %add3A_136 = arith.constant 1 : i32
        %add3A_137 = arith.addi %add3A_135, %add3A_136 : i32
        %add3A_138 = arith.constant 2 : i32
        %add3A_139 = arith.addi %add3A_137, %add3A_138 : i32
        %add3A_140 = arith.constant 4 : i32
        %add3A_141 = arith.addi %add3A_137, %add3A_140 : i32
        %dma_wait3A_142 = arith.constant 0 : i32
        %dma_wait3A_143 = arith.constant 0 : i32
        %dma_wait3A_144 = tpu.memref_slice %arg10[%dma_wait3A_142, %dma_wait3A_143] : memref<2x128xi32, #tpu.memory_space<vmem>> -> memref<1x128xi32, #tpu.memory_space<vmem>>
        %dma_wait3A_145 = tpu.memref_squeeze %dma_wait3A_144 : memref<1x128xi32, #tpu.memory_space<vmem>> -> memref<128xi32, #tpu.memory_space<vmem>>
        %dma_wait3A_146 = arith.constant 0 : i32
        %dma_wait3A_147 = arith.constant 0 : i32
        %dma_wait3A_148 = tpu.memref_slice %arg2[%dma_wait3A_146, %dma_wait3A_147] : memref<10240x128xf32, #tpu.memory_space<hbm>> -> memref<10240x128xf32, #tpu.memory_space<hbm>>
        tpu.wait_indirect_dma semaphore(%arg15 : memref<!tpu.dma_semaphore, #tpu.memory_space<semaphore_mem>>) src(%dma_wait3A_148 : memref<10240x128xf32, #tpu.memory_space<hbm>>) dst(%arg12 : memref<128x128xf32, #tpu.memory_space<vmem>>)
        %run_scoped3A_149 = arith.constant 1 : i32
        "tpu.region"() ({
          %run_scoped3A_160 = tpu.sem_alloc : memref<!tpu.dma_semaphore, #tpu.memory_space<semaphore_mem>>
          %dma_start3A_161 = arith.constant 0 : i32
          %dma_start3A_162 = tpu.memref_slice %arg10[%run_scoped3A_149, %dma_start3A_161] : memref<2x128xi32, #tpu.memory_space<vmem>> -> memref<1x128xi32, #tpu.memory_space<vmem>>
          %dma_start3A_163 = tpu.memref_squeeze %dma_start3A_162 : memref<1x128xi32, #tpu.memory_space<vmem>> -> memref<128xi32, #tpu.memory_space<vmem>>
          %dma_start3A_164 = arith.constant 0 : i32
          %dma_start3A_165 = arith.constant 0 : i32
          %dma_start3A_166 = tpu.memref_slice %arg13[%dma_start3A_164, %dma_start3A_165] : memref<10240x128xf32, #tpu.memory_space<vmem_shared>> -> memref<10240x128xf32, #tpu.memory_space<vmem_shared>>
          tpu.enqueue_indirect_dma source(%arg12 : memref<128x128xf32, #tpu.memory_space<vmem>>) target(%dma_start3A_166 : memref<10240x128xf32, #tpu.memory_space<vmem_shared>>) offsets(%dma_start3A_163 : memref<128xi32, #tpu.memory_space<vmem>>) semaphore(%run_scoped3A_160 : memref<!tpu.dma_semaphore, #tpu.memory_space<semaphore_mem>>) {add = true}
          %dma_wait3A_167 = arith.constant 0 : i32
          %dma_wait3A_168 = tpu.memref_slice %arg10[%run_scoped3A_149, %dma_wait3A_167] : memref<2x128xi32, #tpu.memory_space<vmem>> -> memref<1x128xi32, #tpu.memory_space<vmem>>
          %dma_wait3A_169 = tpu.memref_squeeze %dma_wait3A_168 : memref<1x128xi32, #tpu.memory_space<vmem>> -> memref<128xi32, #tpu.memory_space<vmem>>
          %dma_wait3A_170 = arith.constant 0 : i32
          %dma_wait3A_171 = arith.constant 0 : i32
          %dma_wait3A_172 = tpu.memref_slice %arg13[%dma_wait3A_170, %dma_wait3A_171] : memref<10240x128xf32, #tpu.memory_space<vmem_shared>> -> memref<10240x128xf32, #tpu.memory_space<vmem_shared>>
          tpu.wait_indirect_dma semaphore(%run_scoped3A_160 : memref<!tpu.dma_semaphore, #tpu.memory_space<semaphore_mem>>) src(%arg12 : memref<128x128xf32, #tpu.memory_space<vmem>>) dst(%dma_wait3A_172 : memref<10240x128xf32, #tpu.memory_space<vmem_shared>>)
          tpu.yield
        }) : () -> ()
        %lt3A_150 = arith.constant 160 : i32
        %lt3A_151 = arith.cmpi slt, %add3A_141, %lt3A_150 : i32
        %convert_element_type3A_152 = arith.extui %lt3A_151 : i1 to i32
        %cond3A_153 = arith.constant 0 : i32
        %cond3A_154 = arith.cmpi ne, %convert_element_type3A_152, %cond3A_153 : i32
        scf.if %cond3A_154 {
          %mul3A_160 = arith.constant 16 : i32
          %mul3A_161 = arith.muli %add3A_141, %mul3A_160 : i32
          %add3A_162 = arith.addi %mul3A_161, %arg1 : i32
          %dma_start3A_163 = arith.constant 0 : i32
          %dma_start3A_164 = arith.constant 0 : i32
          %dma_start3A_165 = tpu.memref_slice %arg4[%add3A_162, %dma_start3A_163, %dma_start3A_164] : memref<2560x2x128xi32, #tpu.memory_space<hbm>> -> memref<1x2x128xi32, #tpu.memory_space<hbm>>
          %dma_start3A_166 = tpu.memref_squeeze %dma_start3A_165 : memref<1x2x128xi32, #tpu.memory_space<hbm>> -> memref<2x128xi32, #tpu.memory_space<hbm>>
          %dma_start3A_167 = arith.constant 0 : i32
          %dma_start3A_168 = arith.constant 0 : i32
          %dma_start3A_169 = tpu.memref_slice %arg4[%add3A_162, %dma_start3A_167, %dma_start3A_168] : memref<2560x2x128xi32, #tpu.memory_space<hbm>> -> memref<1x2x128xi32, #tpu.memory_space<hbm>>
          %dma_start3A_170 = tpu.memref_squeeze %dma_start3A_169 : memref<1x2x128xi32, #tpu.memory_space<hbm>> -> memref<2x128xi32, #tpu.memory_space<hbm>>
          tpu.enqueue_dma source(%dma_start3A_170 : memref<2x128xi32, #tpu.memory_space<hbm>>) target(%arg10 : memref<2x128xi32, #tpu.memory_space<vmem>>) target_semaphore(%arg19 : memref<!tpu.dma_semaphore, #tpu.memory_space<semaphore_mem>>)
        } else {
        }
        %lt3A_155 = arith.constant 160 : i32
        %lt3A_156 = arith.cmpi slt, %add3A_139, %lt3A_155 : i32
        %convert_element_type3A_157 = arith.extui %lt3A_156 : i1 to i32
        %cond3A_158 = arith.constant 0 : i32
        %cond3A_159 = arith.cmpi ne, %convert_element_type3A_157, %cond3A_158 : i32
        scf.if %cond3A_159 {
          %mul3A_160 = arith.constant 16 : i32
          %mul3A_161 = arith.muli %add3A_139, %mul3A_160 : i32
          %add3A_162 = arith.addi %mul3A_161, %arg1 : i32
          %dma_wait3A_163 = arith.constant 0 : i32
          %dma_wait3A_164 = arith.constant 0 : i32
          %dma_wait3A_165 = tpu.memref_slice %arg4[%add3A_162, %dma_wait3A_163, %dma_wait3A_164] : memref<2560x2x128xi32, #tpu.memory_space<hbm>> -> memref<1x2x128xi32, #tpu.memory_space<hbm>>
          %dma_wait3A_166 = tpu.memref_squeeze %dma_wait3A_165 : memref<1x2x128xi32, #tpu.memory_space<hbm>> -> memref<2x128xi32, #tpu.memory_space<hbm>>
          %dma_wait3A_167 = arith.constant 0 : i32
          %dma_wait3A_168 = arith.constant 0 : i32
          %dma_wait3A_169 = tpu.memref_slice %arg4[%add3A_162, %dma_wait3A_167, %dma_wait3A_168] : memref<2560x2x128xi32, #tpu.memory_space<hbm>> -> memref<1x2x128xi32, #tpu.memory_space<hbm>>
          %dma_wait3A_170 = tpu.memref_squeeze %dma_wait3A_169 : memref<1x2x128xi32, #tpu.memory_space<hbm>> -> memref<2x128xi32, #tpu.memory_space<hbm>>
          tpu.wait_dma2 semaphore(%arg18 : memref<!tpu.dma_semaphore, #tpu.memory_space<semaphore_mem>>) src(%dma_wait3A_170 : memref<2x128xi32, #tpu.memory_space<hbm>>) dst(%arg9 : memref<2x128xi32, #tpu.memory_space<vmem>>)
          %dma_start3A_171 = arith.constant 0 : i32
          %dma_start3A_172 = arith.constant 0 : i32
          %dma_start3A_173 = tpu.memref_slice %arg9[%dma_start3A_171, %dma_start3A_172] : memref<2x128xi32, #tpu.memory_space<vmem>> -> memref<1x128xi32, #tpu.memory_space<vmem>>
          %dma_start3A_174 = tpu.memref_squeeze %dma_start3A_173 : memref<1x128xi32, #tpu.memory_space<vmem>> -> memref<128xi32, #tpu.memory_space<vmem>>
          %dma_start3A_175 = arith.constant 0 : i32
          %dma_start3A_176 = arith.constant 0 : i32
          %dma_start3A_177 = tpu.memref_slice %arg2[%dma_start3A_175, %dma_start3A_176] : memref<10240x128xf32, #tpu.memory_space<hbm>> -> memref<10240x128xf32, #tpu.memory_space<hbm>>
          tpu.enqueue_indirect_dma source(%dma_start3A_177 : memref<10240x128xf32, #tpu.memory_space<hbm>>) target(%arg12 : memref<128x128xf32, #tpu.memory_space<vmem>>) offsets(%dma_start3A_174 : memref<128xi32, #tpu.memory_space<vmem>>) semaphore(%arg15 : memref<!tpu.dma_semaphore, #tpu.memory_space<semaphore_mem>>)
        } else {
        }
      }
      %scan3A_48 = arith.constant 40 : i32
      %barrier3A_49 = arith.constant 0 : index
      tpu.barrier barrier_id(%barrier3A_49)
      "tpu.region"() ({
        %run_scoped3A = tpu.sem_alloc : memref<!tpu.dma_semaphore, #tpu.memory_space<semaphore_mem>>
        %dma_start3A_50 = arith.constant 0 : i32
        %dma_start3A_51 = tpu.memref_slice %arg5[%mul3A_0, %dma_start3A_50] : memref<10240x128xf32, #tpu.memory_space<hbm>> -> memref<640x128xf32, #tpu.memory_space<hbm>>
        %dma_start3A_52 = arith.constant 0 : i32
        %dma_start3A_53 = tpu.memref_slice %arg13[%mul3A_0, %dma_start3A_52] : memref<10240x128xf32, #tpu.memory_space<vmem_shared>> -> memref<640x128xf32, #tpu.memory_space<vmem_shared>>
        tpu.enqueue_dma source(%dma_start3A_53 : memref<640x128xf32, #tpu.memory_space<vmem_shared>>) target(%dma_start3A_51 : memref<640x128xf32, #tpu.memory_space<hbm>>) target_semaphore(%run_scoped3A : memref<!tpu.dma_semaphore, #tpu.memory_space<semaphore_mem>>)
        %dma_wait3A = arith.constant 0 : i32
        %dma_wait3A_54 = tpu.memref_slice %arg5[%mul3A_0, %dma_wait3A] : memref<10240x128xf32, #tpu.memory_space<hbm>> -> memref<640x128xf32, #tpu.memory_space<hbm>>
        %dma_wait3A_55 = arith.constant 0 : i32
        %dma_wait3A_56 = tpu.memref_slice %arg13[%mul3A_0, %dma_wait3A_55] : memref<10240x128xf32, #tpu.memory_space<vmem_shared>> -> memref<640x128xf32, #tpu.memory_space<vmem_shared>>
        tpu.wait_dma2 semaphore(%run_scoped3A : memref<!tpu.dma_semaphore, #tpu.memory_space<semaphore_mem>>) src(%dma_wait3A_56 : memref<640x128xf32, #tpu.memory_space<vmem_shared>>) dst(%dma_wait3A_54 : memref<640x128xf32, #tpu.memory_space<hbm>>)
        tpu.yield
      }) : () -> ()
    } else {
    }
    %eq3A_3 = arith.constant 1 : i32
    %eq3A_4 = arith.cmpi eq, %arg0, %eq3A_3 : i32
    %convert_element_type3A_5 = arith.extui %eq3A_4 : i1 to i32
    %cond3A_6 = arith.constant 0 : i32
    %cond3A_7 = arith.cmpi ne, %convert_element_type3A_5, %cond3A_6 : i32
    scf.if %cond3A_7 {
      "tpu.region"() ({
        %run_scoped3A = tpu.sem_alloc : memref<!tpu.dma_semaphore, #tpu.memory_space<semaphore_mem>>
        %dma_start3A_50 = arith.constant 0 : i32
        %dma_start3A_51 = tpu.memref_slice %arg13[%mul3A_0, %dma_start3A_50] : memref<10240x128xf32, #tpu.memory_space<vmem_shared>> -> memref<640x128xf32, #tpu.memory_space<vmem_shared>>
        %dma_start3A_52 = arith.constant 0 : i32
        %dma_start3A_53 = tpu.memref_slice %arg3[%mul3A_0, %dma_start3A_52] : memref<10240x128xf32, #tpu.memory_space<hbm>> -> memref<640x128xf32, #tpu.memory_space<hbm>>
        tpu.enqueue_dma source(%dma_start3A_53 : memref<640x128xf32, #tpu.memory_space<hbm>>) target(%dma_start3A_51 : memref<640x128xf32, #tpu.memory_space<vmem_shared>>) target_semaphore(%run_scoped3A : memref<!tpu.dma_semaphore, #tpu.memory_space<semaphore_mem>>)
        %dma_wait3A = arith.constant 0 : i32
        %dma_wait3A_54 = tpu.memref_slice %arg13[%mul3A_0, %dma_wait3A] : memref<10240x128xf32, #tpu.memory_space<vmem_shared>> -> memref<640x128xf32, #tpu.memory_space<vmem_shared>>
        %dma_wait3A_55 = arith.constant 0 : i32
        %dma_wait3A_56 = tpu.memref_slice %arg3[%mul3A_0, %dma_wait3A_55] : memref<10240x128xf32, #tpu.memory_space<hbm>> -> memref<640x128xf32, #tpu.memory_space<hbm>>
        tpu.wait_dma2 semaphore(%run_scoped3A : memref<!tpu.dma_semaphore, #tpu.memory_space<semaphore_mem>>) src(%dma_wait3A_56 : memref<640x128xf32, #tpu.memory_space<hbm>>) dst(%dma_wait3A_54 : memref<640x128xf32, #tpu.memory_space<vmem_shared>>)
        tpu.yield
      }) : () -> ()
      %barrier3A = arith.constant 0 : index
      tpu.barrier barrier_id(%barrier3A)
      %add3A = arith.constant 0 : i32
      %add3A_8 = arith.addi %add3A, %arg1 : i32
      "tpu.region"() ({
        %run_scoped3A = tpu.sem_alloc : memref<!tpu.dma_semaphore, #tpu.memory_space<semaphore_mem>>
        %dma_start3A_50 = arith.constant 0 : i32
        %dma_start3A_51 = arith.constant 0 : i32
        %dma_start3A_52 = tpu.memref_slice %arg4[%add3A_8, %dma_start3A_50, %dma_start3A_51] : memref<2560x2x128xi32, #tpu.memory_space<hbm>> -> memref<1x2x128xi32, #tpu.memory_space<hbm>>
        %dma_start3A_53 = tpu.memref_squeeze %dma_start3A_52 : memref<1x2x128xi32, #tpu.memory_space<hbm>> -> memref<2x128xi32, #tpu.memory_space<hbm>>
        %dma_start3A_54 = arith.constant 0 : i32
        %dma_start3A_55 = arith.constant 0 : i32
        %dma_start3A_56 = tpu.memref_slice %arg4[%add3A_8, %dma_start3A_54, %dma_start3A_55] : memref<2560x2x128xi32, #tpu.memory_space<hbm>> -> memref<1x2x128xi32, #tpu.memory_space<hbm>>
        %dma_start3A_57 = tpu.memref_squeeze %dma_start3A_56 : memref<1x2x128xi32, #tpu.memory_space<hbm>> -> memref<2x128xi32, #tpu.memory_space<hbm>>
        tpu.enqueue_dma source(%dma_start3A_57 : memref<2x128xi32, #tpu.memory_space<hbm>>) target(%arg7 : memref<2x128xi32, #tpu.memory_space<vmem>>) target_semaphore(%run_scoped3A : memref<!tpu.dma_semaphore, #tpu.memory_space<semaphore_mem>>)
        %dma_wait3A = arith.constant 0 : i32
        %dma_wait3A_58 = arith.constant 0 : i32
        %dma_wait3A_59 = tpu.memref_slice %arg4[%add3A_8, %dma_wait3A, %dma_wait3A_58] : memref<2560x2x128xi32, #tpu.memory_space<hbm>> -> memref<1x2x128xi32, #tpu.memory_space<hbm>>
        %dma_wait3A_60 = tpu.memref_squeeze %dma_wait3A_59 : memref<1x2x128xi32, #tpu.memory_space<hbm>> -> memref<2x128xi32, #tpu.memory_space<hbm>>
        %dma_wait3A_61 = arith.constant 0 : i32
        %dma_wait3A_62 = arith.constant 0 : i32
        %dma_wait3A_63 = tpu.memref_slice %arg4[%add3A_8, %dma_wait3A_61, %dma_wait3A_62] : memref<2560x2x128xi32, #tpu.memory_space<hbm>> -> memref<1x2x128xi32, #tpu.memory_space<hbm>>
        %dma_wait3A_64 = tpu.memref_squeeze %dma_wait3A_63 : memref<1x2x128xi32, #tpu.memory_space<hbm>> -> memref<2x128xi32, #tpu.memory_space<hbm>>
        tpu.wait_dma2 semaphore(%run_scoped3A : memref<!tpu.dma_semaphore, #tpu.memory_space<semaphore_mem>>) src(%dma_wait3A_64 : memref<2x128xi32, #tpu.memory_space<hbm>>) dst(%arg7 : memref<2x128xi32, #tpu.memory_space<vmem>>)
        tpu.yield
      }) : () -> ()
      %dma_start3A = arith.constant 0 : i32
      %dma_start3A_9 = arith.constant 0 : i32
      %dma_start3A_10 = tpu.memref_slice %arg7[%dma_start3A, %dma_start3A_9] : memref<2x128xi32, #tpu.memory_space<vmem>> -> memref<1x128xi32, #tpu.memory_space<vmem>>
      %dma_start3A_11 = tpu.memref_squeeze %dma_start3A_10 : memref<1x128xi32, #tpu.memory_space<vmem>> -> memref<128xi32, #tpu.memory_space<vmem>>
      %dma_start3A_12 = arith.constant 0 : i32
      %dma_start3A_13 = arith.constant 0 : i32
      %dma_start3A_14 = tpu.memref_slice %arg3[%dma_start3A_12, %dma_start3A_13] : memref<10240x128xf32, #tpu.memory_space<hbm>> -> memref<10240x128xf32, #tpu.memory_space<hbm>>
      tpu.enqueue_indirect_dma source(%dma_start3A_14 : memref<10240x128xf32, #tpu.memory_space<hbm>>) target(%arg11 : memref<128x128xf32, #tpu.memory_space<vmem>>) offsets(%dma_start3A_11 : memref<128xi32, #tpu.memory_space<vmem>>) semaphore(%arg14 : memref<!tpu.dma_semaphore, #tpu.memory_space<semaphore_mem>>)
      %add3A_15 = arith.constant 16 : i32
      %add3A_16 = arith.addi %add3A_15, %arg1 : i32
      "tpu.region"() ({
        %run_scoped3A = tpu.sem_alloc : memref<!tpu.dma_semaphore, #tpu.memory_space<semaphore_mem>>
        %dma_start3A_50 = arith.constant 0 : i32
        %dma_start3A_51 = arith.constant 0 : i32
        %dma_start3A_52 = tpu.memref_slice %arg4[%add3A_16, %dma_start3A_50, %dma_start3A_51] : memref<2560x2x128xi32, #tpu.memory_space<hbm>> -> memref<1x2x128xi32, #tpu.memory_space<hbm>>
        %dma_start3A_53 = tpu.memref_squeeze %dma_start3A_52 : memref<1x2x128xi32, #tpu.memory_space<hbm>> -> memref<2x128xi32, #tpu.memory_space<hbm>>
        %dma_start3A_54 = arith.constant 0 : i32
        %dma_start3A_55 = arith.constant 0 : i32
        %dma_start3A_56 = tpu.memref_slice %arg4[%add3A_16, %dma_start3A_54, %dma_start3A_55] : memref<2560x2x128xi32, #tpu.memory_space<hbm>> -> memref<1x2x128xi32, #tpu.memory_space<hbm>>
        %dma_start3A_57 = tpu.memref_squeeze %dma_start3A_56 : memref<1x2x128xi32, #tpu.memory_space<hbm>> -> memref<2x128xi32, #tpu.memory_space<hbm>>
        tpu.enqueue_dma source(%dma_start3A_57 : memref<2x128xi32, #tpu.memory_space<hbm>>) target(%arg9 : memref<2x128xi32, #tpu.memory_space<vmem>>) target_semaphore(%run_scoped3A : memref<!tpu.dma_semaphore, #tpu.memory_space<semaphore_mem>>)
        %dma_wait3A = arith.constant 0 : i32
        %dma_wait3A_58 = arith.constant 0 : i32
        %dma_wait3A_59 = tpu.memref_slice %arg4[%add3A_16, %dma_wait3A, %dma_wait3A_58] : memref<2560x2x128xi32, #tpu.memory_space<hbm>> -> memref<1x2x128xi32, #tpu.memory_space<hbm>>
        %dma_wait3A_60 = tpu.memref_squeeze %dma_wait3A_59 : memref<1x2x128xi32, #tpu.memory_space<hbm>> -> memref<2x128xi32, #tpu.memory_space<hbm>>
        %dma_wait3A_61 = arith.constant 0 : i32
        %dma_wait3A_62 = arith.constant 0 : i32
        %dma_wait3A_63 = tpu.memref_slice %arg4[%add3A_16, %dma_wait3A_61, %dma_wait3A_62] : memref<2560x2x128xi32, #tpu.memory_space<hbm>> -> memref<1x2x128xi32, #tpu.memory_space<hbm>>
        %dma_wait3A_64 = tpu.memref_squeeze %dma_wait3A_63 : memref<1x2x128xi32, #tpu.memory_space<hbm>> -> memref<2x128xi32, #tpu.memory_space<hbm>>
        tpu.wait_dma2 semaphore(%run_scoped3A : memref<!tpu.dma_semaphore, #tpu.memory_space<semaphore_mem>>) src(%dma_wait3A_64 : memref<2x128xi32, #tpu.memory_space<hbm>>) dst(%arg9 : memref<2x128xi32, #tpu.memory_space<vmem>>)
        tpu.yield
      }) : () -> ()
      %dma_start3A_17 = arith.constant 0 : i32
      %dma_start3A_18 = arith.constant 0 : i32
      %dma_start3A_19 = tpu.memref_slice %arg9[%dma_start3A_17, %dma_start3A_18] : memref<2x128xi32, #tpu.memory_space<vmem>> -> memref<1x128xi32, #tpu.memory_space<vmem>>
      %dma_start3A_20 = tpu.memref_squeeze %dma_start3A_19 : memref<1x128xi32, #tpu.memory_space<vmem>> -> memref<128xi32, #tpu.memory_space<vmem>>
      %dma_start3A_21 = arith.constant 0 : i32
      %dma_start3A_22 = arith.constant 0 : i32
      %dma_start3A_23 = tpu.memref_slice %arg3[%dma_start3A_21, %dma_start3A_22] : memref<10240x128xf32, #tpu.memory_space<hbm>> -> memref<10240x128xf32, #tpu.memory_space<hbm>>
      tpu.enqueue_indirect_dma source(%dma_start3A_23 : memref<10240x128xf32, #tpu.memory_space<hbm>>) target(%arg12 : memref<128x128xf32, #tpu.memory_space<vmem>>) offsets(%dma_start3A_20 : memref<128xi32, #tpu.memory_space<vmem>>) semaphore(%arg15 : memref<!tpu.dma_semaphore, #tpu.memory_space<semaphore_mem>>)
      %add3A_24 = arith.constant 32 : i32
      %add3A_25 = arith.addi %add3A_24, %arg1 : i32
      %dma_start3A_26 = arith.constant 0 : i32
      %dma_start3A_27 = arith.constant 0 : i32
      %dma_start3A_28 = tpu.memref_slice %arg4[%add3A_25, %dma_start3A_26, %dma_start3A_27] : memref<2560x2x128xi32, #tpu.memory_space<hbm>> -> memref<1x2x128xi32, #tpu.memory_space<hbm>>
      %dma_start3A_29 = tpu.memref_squeeze %dma_start3A_28 : memref<1x2x128xi32, #tpu.memory_space<hbm>> -> memref<2x128xi32, #tpu.memory_space<hbm>>
      %dma_start3A_30 = arith.constant 0 : i32
      %dma_start3A_31 = arith.constant 0 : i32
      %dma_start3A_32 = tpu.memref_slice %arg4[%add3A_25, %dma_start3A_30, %dma_start3A_31] : memref<2560x2x128xi32, #tpu.memory_space<hbm>> -> memref<1x2x128xi32, #tpu.memory_space<hbm>>
      %dma_start3A_33 = tpu.memref_squeeze %dma_start3A_32 : memref<1x2x128xi32, #tpu.memory_space<hbm>> -> memref<2x128xi32, #tpu.memory_space<hbm>>
      tpu.enqueue_dma source(%dma_start3A_33 : memref<2x128xi32, #tpu.memory_space<hbm>>) target(%arg8 : memref<2x128xi32, #tpu.memory_space<vmem>>) target_semaphore(%arg17 : memref<!tpu.dma_semaphore, #tpu.memory_space<semaphore_mem>>)
      %add3A_34 = arith.constant 48 : i32
      %add3A_35 = arith.addi %add3A_34, %arg1 : i32
      %dma_start3A_36 = arith.constant 0 : i32
      %dma_start3A_37 = arith.constant 0 : i32
      %dma_start3A_38 = tpu.memref_slice %arg4[%add3A_35, %dma_start3A_36, %dma_start3A_37] : memref<2560x2x128xi32, #tpu.memory_space<hbm>> -> memref<1x2x128xi32, #tpu.memory_space<hbm>>
      %dma_start3A_39 = tpu.memref_squeeze %dma_start3A_38 : memref<1x2x128xi32, #tpu.memory_space<hbm>> -> memref<2x128xi32, #tpu.memory_space<hbm>>
      %dma_start3A_40 = arith.constant 0 : i32
      %dma_start3A_41 = arith.constant 0 : i32
      %dma_start3A_42 = tpu.memref_slice %arg4[%add3A_35, %dma_start3A_40, %dma_start3A_41] : memref<2560x2x128xi32, #tpu.memory_space<hbm>> -> memref<1x2x128xi32, #tpu.memory_space<hbm>>
      %dma_start3A_43 = tpu.memref_squeeze %dma_start3A_42 : memref<1x2x128xi32, #tpu.memory_space<hbm>> -> memref<2x128xi32, #tpu.memory_space<hbm>>
      tpu.enqueue_dma source(%dma_start3A_43 : memref<2x128xi32, #tpu.memory_space<hbm>>) target(%arg10 : memref<2x128xi32, #tpu.memory_space<vmem>>) target_semaphore(%arg19 : memref<!tpu.dma_semaphore, #tpu.memory_space<semaphore_mem>>)
      %scan3A = arith.constant 0 : i32
      %scan3A_44 = arith.constant 0 : i32
      %scan3A_45 = arith.constant 40 : i32
      %scan3A_46 = arith.addi %scan3A_44, %scan3A_45 : i32
      %scan3A_47 = arith.constant 1 : i32
      scf.for %scan3A_50 = %scan3A_44 to %scan3A_46 step %scan3A_47  : i32 {
        %mul3A_51 = arith.constant 4 : i32
        %mul3A_52 = arith.muli %mul3A_51, %scan3A_50 : i32
        %add3A_53 = arith.constant 0 : i32
        %add3A_54 = arith.addi %mul3A_52, %add3A_53 : i32
        %add3A_55 = arith.constant 0 : i32
        %add3A_56 = arith.addi %add3A_54, %add3A_55 : i32
        %add3A_57 = arith.constant 2 : i32
        %add3A_58 = arith.addi %add3A_56, %add3A_57 : i32
        %add3A_59 = arith.constant 4 : i32
        %add3A_60 = arith.addi %add3A_56, %add3A_59 : i32
        %dma_wait3A = arith.constant 0 : i32
        %dma_wait3A_61 = arith.constant 0 : i32
        %dma_wait3A_62 = tpu.memref_slice %arg7[%dma_wait3A, %dma_wait3A_61] : memref<2x128xi32, #tpu.memory_space<vmem>> -> memref<1x128xi32, #tpu.memory_space<vmem>>
        %dma_wait3A_63 = tpu.memref_squeeze %dma_wait3A_62 : memref<1x128xi32, #tpu.memory_space<vmem>> -> memref<128xi32, #tpu.memory_space<vmem>>
        %dma_wait3A_64 = arith.constant 0 : i32
        %dma_wait3A_65 = arith.constant 0 : i32
        %dma_wait3A_66 = tpu.memref_slice %arg3[%dma_wait3A_64, %dma_wait3A_65] : memref<10240x128xf32, #tpu.memory_space<hbm>> -> memref<10240x128xf32, #tpu.memory_space<hbm>>
        tpu.wait_indirect_dma semaphore(%arg14 : memref<!tpu.dma_semaphore, #tpu.memory_space<semaphore_mem>>) src(%dma_wait3A_66 : memref<10240x128xf32, #tpu.memory_space<hbm>>) dst(%arg11 : memref<128x128xf32, #tpu.memory_space<vmem>>)
        %run_scoped3A = arith.constant 1 : i32
        "tpu.region"() ({
          %run_scoped3A_160 = tpu.sem_alloc : memref<!tpu.dma_semaphore, #tpu.memory_space<semaphore_mem>>
          %dma_start3A_161 = arith.constant 0 : i32
          %dma_start3A_162 = tpu.memref_slice %arg7[%run_scoped3A, %dma_start3A_161] : memref<2x128xi32, #tpu.memory_space<vmem>> -> memref<1x128xi32, #tpu.memory_space<vmem>>
          %dma_start3A_163 = tpu.memref_squeeze %dma_start3A_162 : memref<1x128xi32, #tpu.memory_space<vmem>> -> memref<128xi32, #tpu.memory_space<vmem>>
          %dma_start3A_164 = arith.constant 0 : i32
          %dma_start3A_165 = arith.constant 0 : i32
          %dma_start3A_166 = tpu.memref_slice %arg13[%dma_start3A_164, %dma_start3A_165] : memref<10240x128xf32, #tpu.memory_space<vmem_shared>> -> memref<10240x128xf32, #tpu.memory_space<vmem_shared>>
          tpu.enqueue_indirect_dma source(%arg11 : memref<128x128xf32, #tpu.memory_space<vmem>>) target(%dma_start3A_166 : memref<10240x128xf32, #tpu.memory_space<vmem_shared>>) offsets(%dma_start3A_163 : memref<128xi32, #tpu.memory_space<vmem>>) semaphore(%run_scoped3A_160 : memref<!tpu.dma_semaphore, #tpu.memory_space<semaphore_mem>>) {add = true}
          %dma_wait3A_167 = arith.constant 0 : i32
          %dma_wait3A_168 = tpu.memref_slice %arg7[%run_scoped3A, %dma_wait3A_167] : memref<2x128xi32, #tpu.memory_space<vmem>> -> memref<1x128xi32, #tpu.memory_space<vmem>>
          %dma_wait3A_169 = tpu.memref_squeeze %dma_wait3A_168 : memref<1x128xi32, #tpu.memory_space<vmem>> -> memref<128xi32, #tpu.memory_space<vmem>>
          %dma_wait3A_170 = arith.constant 0 : i32
          %dma_wait3A_171 = arith.constant 0 : i32
          %dma_wait3A_172 = tpu.memref_slice %arg13[%dma_wait3A_170, %dma_wait3A_171] : memref<10240x128xf32, #tpu.memory_space<vmem_shared>> -> memref<10240x128xf32, #tpu.memory_space<vmem_shared>>
          tpu.wait_indirect_dma semaphore(%run_scoped3A_160 : memref<!tpu.dma_semaphore, #tpu.memory_space<semaphore_mem>>) src(%arg11 : memref<128x128xf32, #tpu.memory_space<vmem>>) dst(%dma_wait3A_172 : memref<10240x128xf32, #tpu.memory_space<vmem_shared>>)
          tpu.yield
        }) : () -> ()
        %lt3A = arith.constant 160 : i32
        %lt3A_67 = arith.cmpi slt, %add3A_60, %lt3A : i32
        %convert_element_type3A_68 = arith.extui %lt3A_67 : i1 to i32
        %cond3A_69 = arith.constant 0 : i32
        %cond3A_70 = arith.cmpi ne, %convert_element_type3A_68, %cond3A_69 : i32
        scf.if %cond3A_70 {
          %mul3A_160 = arith.constant 16 : i32
          %mul3A_161 = arith.muli %add3A_60, %mul3A_160 : i32
          %add3A_162 = arith.addi %mul3A_161, %arg1 : i32
          %dma_start3A_163 = arith.constant 0 : i32
          %dma_start3A_164 = arith.constant 0 : i32
          %dma_start3A_165 = tpu.memref_slice %arg4[%add3A_162, %dma_start3A_163, %dma_start3A_164] : memref<2560x2x128xi32, #tpu.memory_space<hbm>> -> memref<1x2x128xi32, #tpu.memory_space<hbm>>
          %dma_start3A_166 = tpu.memref_squeeze %dma_start3A_165 : memref<1x2x128xi32, #tpu.memory_space<hbm>> -> memref<2x128xi32, #tpu.memory_space<hbm>>
          %dma_start3A_167 = arith.constant 0 : i32
          %dma_start3A_168 = arith.constant 0 : i32
          %dma_start3A_169 = tpu.memref_slice %arg4[%add3A_162, %dma_start3A_167, %dma_start3A_168] : memref<2560x2x128xi32, #tpu.memory_space<hbm>> -> memref<1x2x128xi32, #tpu.memory_space<hbm>>
          %dma_start3A_170 = tpu.memref_squeeze %dma_start3A_169 : memref<1x2x128xi32, #tpu.memory_space<hbm>> -> memref<2x128xi32, #tpu.memory_space<hbm>>
          tpu.enqueue_dma source(%dma_start3A_170 : memref<2x128xi32, #tpu.memory_space<hbm>>) target(%arg7 : memref<2x128xi32, #tpu.memory_space<vmem>>) target_semaphore(%arg16 : memref<!tpu.dma_semaphore, #tpu.memory_space<semaphore_mem>>)
        } else {
        }
        %lt3A_71 = arith.constant 160 : i32
        %lt3A_72 = arith.cmpi slt, %add3A_58, %lt3A_71 : i32
        %convert_element_type3A_73 = arith.extui %lt3A_72 : i1 to i32
        %cond3A_74 = arith.constant 0 : i32
        %cond3A_75 = arith.cmpi ne, %convert_element_type3A_73, %cond3A_74 : i32
        scf.if %cond3A_75 {
          %mul3A_160 = arith.constant 16 : i32
          %mul3A_161 = arith.muli %add3A_58, %mul3A_160 : i32
          %add3A_162 = arith.addi %mul3A_161, %arg1 : i32
          %dma_wait3A_163 = arith.constant 0 : i32
          %dma_wait3A_164 = arith.constant 0 : i32
          %dma_wait3A_165 = tpu.memref_slice %arg4[%add3A_162, %dma_wait3A_163, %dma_wait3A_164] : memref<2560x2x128xi32, #tpu.memory_space<hbm>> -> memref<1x2x128xi32, #tpu.memory_space<hbm>>
          %dma_wait3A_166 = tpu.memref_squeeze %dma_wait3A_165 : memref<1x2x128xi32, #tpu.memory_space<hbm>> -> memref<2x128xi32, #tpu.memory_space<hbm>>
          %dma_wait3A_167 = arith.constant 0 : i32
          %dma_wait3A_168 = arith.constant 0 : i32
          %dma_wait3A_169 = tpu.memref_slice %arg4[%add3A_162, %dma_wait3A_167, %dma_wait3A_168] : memref<2560x2x128xi32, #tpu.memory_space<hbm>> -> memref<1x2x128xi32, #tpu.memory_space<hbm>>
          %dma_wait3A_170 = tpu.memref_squeeze %dma_wait3A_169 : memref<1x2x128xi32, #tpu.memory_space<hbm>> -> memref<2x128xi32, #tpu.memory_space<hbm>>
          tpu.wait_dma2 semaphore(%arg17 : memref<!tpu.dma_semaphore, #tpu.memory_space<semaphore_mem>>) src(%dma_wait3A_170 : memref<2x128xi32, #tpu.memory_space<hbm>>) dst(%arg8 : memref<2x128xi32, #tpu.memory_space<vmem>>)
          %dma_start3A_171 = arith.constant 0 : i32
          %dma_start3A_172 = arith.constant 0 : i32
          %dma_start3A_173 = tpu.memref_slice %arg8[%dma_start3A_171, %dma_start3A_172] : memref<2x128xi32, #tpu.memory_space<vmem>> -> memref<1x128xi32, #tpu.memory_space<vmem>>
          %dma_start3A_174 = tpu.memref_squeeze %dma_start3A_173 : memref<1x128xi32, #tpu.memory_space<vmem>> -> memref<128xi32, #tpu.memory_space<vmem>>
          %dma_start3A_175 = arith.constant 0 : i32
          %dma_start3A_176 = arith.constant 0 : i32
          %dma_start3A_177 = tpu.memref_slice %arg3[%dma_start3A_175, %dma_start3A_176] : memref<10240x128xf32, #tpu.memory_space<hbm>> -> memref<10240x128xf32, #tpu.memory_space<hbm>>
          tpu.enqueue_indirect_dma source(%dma_start3A_177 : memref<10240x128xf32, #tpu.memory_space<hbm>>) target(%arg11 : memref<128x128xf32, #tpu.memory_space<vmem>>) offsets(%dma_start3A_174 : memref<128xi32, #tpu.memory_space<vmem>>) semaphore(%arg14 : memref<!tpu.dma_semaphore, #tpu.memory_space<semaphore_mem>>)
        } else {
        }
        %mul3A_76 = arith.constant 4 : i32
        %mul3A_77 = arith.muli %mul3A_76, %scan3A_50 : i32
        %add3A_78 = arith.constant 0 : i32
        %add3A_79 = arith.addi %mul3A_77, %add3A_78 : i32
        %add3A_80 = arith.constant 1 : i32
        %add3A_81 = arith.addi %add3A_79, %add3A_80 : i32
        %add3A_82 = arith.constant 2 : i32
        %add3A_83 = arith.addi %add3A_81, %add3A_82 : i32
        %add3A_84 = arith.constant 4 : i32
        %add3A_85 = arith.addi %add3A_81, %add3A_84 : i32
        %dma_wait3A_86 = arith.constant 0 : i32
        %dma_wait3A_87 = arith.constant 0 : i32
        %dma_wait3A_88 = tpu.memref_slice %arg9[%dma_wait3A_86, %dma_wait3A_87] : memref<2x128xi32, #tpu.memory_space<vmem>> -> memref<1x128xi32, #tpu.memory_space<vmem>>
        %dma_wait3A_89 = tpu.memref_squeeze %dma_wait3A_88 : memref<1x128xi32, #tpu.memory_space<vmem>> -> memref<128xi32, #tpu.memory_space<vmem>>
        %dma_wait3A_90 = arith.constant 0 : i32
        %dma_wait3A_91 = arith.constant 0 : i32
        %dma_wait3A_92 = tpu.memref_slice %arg3[%dma_wait3A_90, %dma_wait3A_91] : memref<10240x128xf32, #tpu.memory_space<hbm>> -> memref<10240x128xf32, #tpu.memory_space<hbm>>
        tpu.wait_indirect_dma semaphore(%arg15 : memref<!tpu.dma_semaphore, #tpu.memory_space<semaphore_mem>>) src(%dma_wait3A_92 : memref<10240x128xf32, #tpu.memory_space<hbm>>) dst(%arg12 : memref<128x128xf32, #tpu.memory_space<vmem>>)
        %run_scoped3A_93 = arith.constant 1 : i32
        "tpu.region"() ({
          %run_scoped3A_160 = tpu.sem_alloc : memref<!tpu.dma_semaphore, #tpu.memory_space<semaphore_mem>>
          %dma_start3A_161 = arith.constant 0 : i32
          %dma_start3A_162 = tpu.memref_slice %arg9[%run_scoped3A_93, %dma_start3A_161] : memref<2x128xi32, #tpu.memory_space<vmem>> -> memref<1x128xi32, #tpu.memory_space<vmem>>
          %dma_start3A_163 = tpu.memref_squeeze %dma_start3A_162 : memref<1x128xi32, #tpu.memory_space<vmem>> -> memref<128xi32, #tpu.memory_space<vmem>>
          %dma_start3A_164 = arith.constant 0 : i32
          %dma_start3A_165 = arith.constant 0 : i32
          %dma_start3A_166 = tpu.memref_slice %arg13[%dma_start3A_164, %dma_start3A_165] : memref<10240x128xf32, #tpu.memory_space<vmem_shared>> -> memref<10240x128xf32, #tpu.memory_space<vmem_shared>>
          tpu.enqueue_indirect_dma source(%arg12 : memref<128x128xf32, #tpu.memory_space<vmem>>) target(%dma_start3A_166 : memref<10240x128xf32, #tpu.memory_space<vmem_shared>>) offsets(%dma_start3A_163 : memref<128xi32, #tpu.memory_space<vmem>>) semaphore(%run_scoped3A_160 : memref<!tpu.dma_semaphore, #tpu.memory_space<semaphore_mem>>) {add = true}
          %dma_wait3A_167 = arith.constant 0 : i32
          %dma_wait3A_168 = tpu.memref_slice %arg9[%run_scoped3A_93, %dma_wait3A_167] : memref<2x128xi32, #tpu.memory_space<vmem>> -> memref<1x128xi32, #tpu.memory_space<vmem>>
          %dma_wait3A_169 = tpu.memref_squeeze %dma_wait3A_168 : memref<1x128xi32, #tpu.memory_space<vmem>> -> memref<128xi32, #tpu.memory_space<vmem>>
          %dma_wait3A_170 = arith.constant 0 : i32
          %dma_wait3A_171 = arith.constant 0 : i32
          %dma_wait3A_172 = tpu.memref_slice %arg13[%dma_wait3A_170, %dma_wait3A_171] : memref<10240x128xf32, #tpu.memory_space<vmem_shared>> -> memref<10240x128xf32, #tpu.memory_space<vmem_shared>>
          tpu.wait_indirect_dma semaphore(%run_scoped3A_160 : memref<!tpu.dma_semaphore, #tpu.memory_space<semaphore_mem>>) src(%arg12 : memref<128x128xf32, #tpu.memory_space<vmem>>) dst(%dma_wait3A_172 : memref<10240x128xf32, #tpu.memory_space<vmem_shared>>)
          tpu.yield
        }) : () -> ()
        %lt3A_94 = arith.constant 160 : i32
        %lt3A_95 = arith.cmpi slt, %add3A_85, %lt3A_94 : i32
        %convert_element_type3A_96 = arith.extui %lt3A_95 : i1 to i32
        %cond3A_97 = arith.constant 0 : i32
        %cond3A_98 = arith.cmpi ne, %convert_element_type3A_96, %cond3A_97 : i32
        scf.if %cond3A_98 {
          %mul3A_160 = arith.constant 16 : i32
          %mul3A_161 = arith.muli %add3A_85, %mul3A_160 : i32
          %add3A_162 = arith.addi %mul3A_161, %arg1 : i32
          %dma_start3A_163 = arith.constant 0 : i32
          %dma_start3A_164 = arith.constant 0 : i32
          %dma_start3A_165 = tpu.memref_slice %arg4[%add3A_162, %dma_start3A_163, %dma_start3A_164] : memref<2560x2x128xi32, #tpu.memory_space<hbm>> -> memref<1x2x128xi32, #tpu.memory_space<hbm>>
          %dma_start3A_166 = tpu.memref_squeeze %dma_start3A_165 : memref<1x2x128xi32, #tpu.memory_space<hbm>> -> memref<2x128xi32, #tpu.memory_space<hbm>>
          %dma_start3A_167 = arith.constant 0 : i32
          %dma_start3A_168 = arith.constant 0 : i32
          %dma_start3A_169 = tpu.memref_slice %arg4[%add3A_162, %dma_start3A_167, %dma_start3A_168] : memref<2560x2x128xi32, #tpu.memory_space<hbm>> -> memref<1x2x128xi32, #tpu.memory_space<hbm>>
          %dma_start3A_170 = tpu.memref_squeeze %dma_start3A_169 : memref<1x2x128xi32, #tpu.memory_space<hbm>> -> memref<2x128xi32, #tpu.memory_space<hbm>>
          tpu.enqueue_dma source(%dma_start3A_170 : memref<2x128xi32, #tpu.memory_space<hbm>>) target(%arg9 : memref<2x128xi32, #tpu.memory_space<vmem>>) target_semaphore(%arg18 : memref<!tpu.dma_semaphore, #tpu.memory_space<semaphore_mem>>)
        } else {
        }
        %lt3A_99 = arith.constant 160 : i32
        %lt3A_100 = arith.cmpi slt, %add3A_83, %lt3A_99 : i32
        %convert_element_type3A_101 = arith.extui %lt3A_100 : i1 to i32
        %cond3A_102 = arith.constant 0 : i32
        %cond3A_103 = arith.cmpi ne, %convert_element_type3A_101, %cond3A_102 : i32
        scf.if %cond3A_103 {
          %mul3A_160 = arith.constant 16 : i32
          %mul3A_161 = arith.muli %add3A_83, %mul3A_160 : i32
          %add3A_162 = arith.addi %mul3A_161, %arg1 : i32
          %dma_wait3A_163 = arith.constant 0 : i32
          %dma_wait3A_164 = arith.constant 0 : i32
          %dma_wait3A_165 = tpu.memref_slice %arg4[%add3A_162, %dma_wait3A_163, %dma_wait3A_164] : memref<2560x2x128xi32, #tpu.memory_space<hbm>> -> memref<1x2x128xi32, #tpu.memory_space<hbm>>
          %dma_wait3A_166 = tpu.memref_squeeze %dma_wait3A_165 : memref<1x2x128xi32, #tpu.memory_space<hbm>> -> memref<2x128xi32, #tpu.memory_space<hbm>>
          %dma_wait3A_167 = arith.constant 0 : i32
          %dma_wait3A_168 = arith.constant 0 : i32
          %dma_wait3A_169 = tpu.memref_slice %arg4[%add3A_162, %dma_wait3A_167, %dma_wait3A_168] : memref<2560x2x128xi32, #tpu.memory_space<hbm>> -> memref<1x2x128xi32, #tpu.memory_space<hbm>>
          %dma_wait3A_170 = tpu.memref_squeeze %dma_wait3A_169 : memref<1x2x128xi32, #tpu.memory_space<hbm>> -> memref<2x128xi32, #tpu.memory_space<hbm>>
          tpu.wait_dma2 semaphore(%arg19 : memref<!tpu.dma_semaphore, #tpu.memory_space<semaphore_mem>>) src(%dma_wait3A_170 : memref<2x128xi32, #tpu.memory_space<hbm>>) dst(%arg10 : memref<2x128xi32, #tpu.memory_space<vmem>>)
          %dma_start3A_171 = arith.constant 0 : i32
          %dma_start3A_172 = arith.constant 0 : i32
          %dma_start3A_173 = tpu.memref_slice %arg10[%dma_start3A_171, %dma_start3A_172] : memref<2x128xi32, #tpu.memory_space<vmem>> -> memref<1x128xi32, #tpu.memory_space<vmem>>
          %dma_start3A_174 = tpu.memref_squeeze %dma_start3A_173 : memref<1x128xi32, #tpu.memory_space<vmem>> -> memref<128xi32, #tpu.memory_space<vmem>>
          %dma_start3A_175 = arith.constant 0 : i32
          %dma_start3A_176 = arith.constant 0 : i32
          %dma_start3A_177 = tpu.memref_slice %arg3[%dma_start3A_175, %dma_start3A_176] : memref<10240x128xf32, #tpu.memory_space<hbm>> -> memref<10240x128xf32, #tpu.memory_space<hbm>>
          tpu.enqueue_indirect_dma source(%dma_start3A_177 : memref<10240x128xf32, #tpu.memory_space<hbm>>) target(%arg12 : memref<128x128xf32, #tpu.memory_space<vmem>>) offsets(%dma_start3A_174 : memref<128xi32, #tpu.memory_space<vmem>>) semaphore(%arg15 : memref<!tpu.dma_semaphore, #tpu.memory_space<semaphore_mem>>)
        } else {
        }
        %mul3A_104 = arith.constant 4 : i32
        %mul3A_105 = arith.muli %mul3A_104, %scan3A_50 : i32
        %add3A_106 = arith.constant 2 : i32
        %add3A_107 = arith.addi %mul3A_105, %add3A_106 : i32
        %add3A_108 = arith.constant 0 : i32
        %add3A_109 = arith.addi %add3A_107, %add3A_108 : i32
        %add3A_110 = arith.constant 2 : i32
        %add3A_111 = arith.addi %add3A_109, %add3A_110 : i32
        %add3A_112 = arith.constant 4 : i32
        %add3A_113 = arith.addi %add3A_109, %add3A_112 : i32
        %dma_wait3A_114 = arith.constant 0 : i32
        %dma_wait3A_115 = arith.constant 0 : i32
        %dma_wait3A_116 = tpu.memref_slice %arg8[%dma_wait3A_114, %dma_wait3A_115] : memref<2x128xi32, #tpu.memory_space<vmem>> -> memref<1x128xi32, #tpu.memory_space<vmem>>
        %dma_wait3A_117 = tpu.memref_squeeze %dma_wait3A_116 : memref<1x128xi32, #tpu.memory_space<vmem>> -> memref<128xi32, #tpu.memory_space<vmem>>
        %dma_wait3A_118 = arith.constant 0 : i32
        %dma_wait3A_119 = arith.constant 0 : i32
        %dma_wait3A_120 = tpu.memref_slice %arg3[%dma_wait3A_118, %dma_wait3A_119] : memref<10240x128xf32, #tpu.memory_space<hbm>> -> memref<10240x128xf32, #tpu.memory_space<hbm>>
        tpu.wait_indirect_dma semaphore(%arg14 : memref<!tpu.dma_semaphore, #tpu.memory_space<semaphore_mem>>) src(%dma_wait3A_120 : memref<10240x128xf32, #tpu.memory_space<hbm>>) dst(%arg11 : memref<128x128xf32, #tpu.memory_space<vmem>>)
        %run_scoped3A_121 = arith.constant 1 : i32
        "tpu.region"() ({
          %run_scoped3A_160 = tpu.sem_alloc : memref<!tpu.dma_semaphore, #tpu.memory_space<semaphore_mem>>
          %dma_start3A_161 = arith.constant 0 : i32
          %dma_start3A_162 = tpu.memref_slice %arg8[%run_scoped3A_121, %dma_start3A_161] : memref<2x128xi32, #tpu.memory_space<vmem>> -> memref<1x128xi32, #tpu.memory_space<vmem>>
          %dma_start3A_163 = tpu.memref_squeeze %dma_start3A_162 : memref<1x128xi32, #tpu.memory_space<vmem>> -> memref<128xi32, #tpu.memory_space<vmem>>
          %dma_start3A_164 = arith.constant 0 : i32
          %dma_start3A_165 = arith.constant 0 : i32
          %dma_start3A_166 = tpu.memref_slice %arg13[%dma_start3A_164, %dma_start3A_165] : memref<10240x128xf32, #tpu.memory_space<vmem_shared>> -> memref<10240x128xf32, #tpu.memory_space<vmem_shared>>
          tpu.enqueue_indirect_dma source(%arg11 : memref<128x128xf32, #tpu.memory_space<vmem>>) target(%dma_start3A_166 : memref<10240x128xf32, #tpu.memory_space<vmem_shared>>) offsets(%dma_start3A_163 : memref<128xi32, #tpu.memory_space<vmem>>) semaphore(%run_scoped3A_160 : memref<!tpu.dma_semaphore, #tpu.memory_space<semaphore_mem>>) {add = true}
          %dma_wait3A_167 = arith.constant 0 : i32
          %dma_wait3A_168 = tpu.memref_slice %arg8[%run_scoped3A_121, %dma_wait3A_167] : memref<2x128xi32, #tpu.memory_space<vmem>> -> memref<1x128xi32, #tpu.memory_space<vmem>>
          %dma_wait3A_169 = tpu.memref_squeeze %dma_wait3A_168 : memref<1x128xi32, #tpu.memory_space<vmem>> -> memref<128xi32, #tpu.memory_space<vmem>>
          %dma_wait3A_170 = arith.constant 0 : i32
          %dma_wait3A_171 = arith.constant 0 : i32
          %dma_wait3A_172 = tpu.memref_slice %arg13[%dma_wait3A_170, %dma_wait3A_171] : memref<10240x128xf32, #tpu.memory_space<vmem_shared>> -> memref<10240x128xf32, #tpu.memory_space<vmem_shared>>
          tpu.wait_indirect_dma semaphore(%run_scoped3A_160 : memref<!tpu.dma_semaphore, #tpu.memory_space<semaphore_mem>>) src(%arg11 : memref<128x128xf32, #tpu.memory_space<vmem>>) dst(%dma_wait3A_172 : memref<10240x128xf32, #tpu.memory_space<vmem_shared>>)
          tpu.yield
        }) : () -> ()
        %lt3A_122 = arith.constant 160 : i32
        %lt3A_123 = arith.cmpi slt, %add3A_113, %lt3A_122 : i32
        %convert_element_type3A_124 = arith.extui %lt3A_123 : i1 to i32
        %cond3A_125 = arith.constant 0 : i32
        %cond3A_126 = arith.cmpi ne, %convert_element_type3A_124, %cond3A_125 : i32
        scf.if %cond3A_126 {
          %mul3A_160 = arith.constant 16 : i32
          %mul3A_161 = arith.muli %add3A_113, %mul3A_160 : i32
          %add3A_162 = arith.addi %mul3A_161, %arg1 : i32
          %dma_start3A_163 = arith.constant 0 : i32
          %dma_start3A_164 = arith.constant 0 : i32
          %dma_start3A_165 = tpu.memref_slice %arg4[%add3A_162, %dma_start3A_163, %dma_start3A_164] : memref<2560x2x128xi32, #tpu.memory_space<hbm>> -> memref<1x2x128xi32, #tpu.memory_space<hbm>>
          %dma_start3A_166 = tpu.memref_squeeze %dma_start3A_165 : memref<1x2x128xi32, #tpu.memory_space<hbm>> -> memref<2x128xi32, #tpu.memory_space<hbm>>
          %dma_start3A_167 = arith.constant 0 : i32
          %dma_start3A_168 = arith.constant 0 : i32
          %dma_start3A_169 = tpu.memref_slice %arg4[%add3A_162, %dma_start3A_167, %dma_start3A_168] : memref<2560x2x128xi32, #tpu.memory_space<hbm>> -> memref<1x2x128xi32, #tpu.memory_space<hbm>>
          %dma_start3A_170 = tpu.memref_squeeze %dma_start3A_169 : memref<1x2x128xi32, #tpu.memory_space<hbm>> -> memref<2x128xi32, #tpu.memory_space<hbm>>
          tpu.enqueue_dma source(%dma_start3A_170 : memref<2x128xi32, #tpu.memory_space<hbm>>) target(%arg8 : memref<2x128xi32, #tpu.memory_space<vmem>>) target_semaphore(%arg17 : memref<!tpu.dma_semaphore, #tpu.memory_space<semaphore_mem>>)
        } else {
        }
        %lt3A_127 = arith.constant 160 : i32
        %lt3A_128 = arith.cmpi slt, %add3A_111, %lt3A_127 : i32
        %convert_element_type3A_129 = arith.extui %lt3A_128 : i1 to i32
        %cond3A_130 = arith.constant 0 : i32
        %cond3A_131 = arith.cmpi ne, %convert_element_type3A_129, %cond3A_130 : i32
        scf.if %cond3A_131 {
          %mul3A_160 = arith.constant 16 : i32
          %mul3A_161 = arith.muli %add3A_111, %mul3A_160 : i32
          %add3A_162 = arith.addi %mul3A_161, %arg1 : i32
          %dma_wait3A_163 = arith.constant 0 : i32
          %dma_wait3A_164 = arith.constant 0 : i32
          %dma_wait3A_165 = tpu.memref_slice %arg4[%add3A_162, %dma_wait3A_163, %dma_wait3A_164] : memref<2560x2x128xi32, #tpu.memory_space<hbm>> -> memref<1x2x128xi32, #tpu.memory_space<hbm>>
          %dma_wait3A_166 = tpu.memref_squeeze %dma_wait3A_165 : memref<1x2x128xi32, #tpu.memory_space<hbm>> -> memref<2x128xi32, #tpu.memory_space<hbm>>
          %dma_wait3A_167 = arith.constant 0 : i32
          %dma_wait3A_168 = arith.constant 0 : i32
          %dma_wait3A_169 = tpu.memref_slice %arg4[%add3A_162, %dma_wait3A_167, %dma_wait3A_168] : memref<2560x2x128xi32, #tpu.memory_space<hbm>> -> memref<1x2x128xi32, #tpu.memory_space<hbm>>
          %dma_wait3A_170 = tpu.memref_squeeze %dma_wait3A_169 : memref<1x2x128xi32, #tpu.memory_space<hbm>> -> memref<2x128xi32, #tpu.memory_space<hbm>>
          tpu.wait_dma2 semaphore(%arg16 : memref<!tpu.dma_semaphore, #tpu.memory_space<semaphore_mem>>) src(%dma_wait3A_170 : memref<2x128xi32, #tpu.memory_space<hbm>>) dst(%arg7 : memref<2x128xi32, #tpu.memory_space<vmem>>)
          %dma_start3A_171 = arith.constant 0 : i32
          %dma_start3A_172 = arith.constant 0 : i32
          %dma_start3A_173 = tpu.memref_slice %arg7[%dma_start3A_171, %dma_start3A_172] : memref<2x128xi32, #tpu.memory_space<vmem>> -> memref<1x128xi32, #tpu.memory_space<vmem>>
          %dma_start3A_174 = tpu.memref_squeeze %dma_start3A_173 : memref<1x128xi32, #tpu.memory_space<vmem>> -> memref<128xi32, #tpu.memory_space<vmem>>
          %dma_start3A_175 = arith.constant 0 : i32
          %dma_start3A_176 = arith.constant 0 : i32
          %dma_start3A_177 = tpu.memref_slice %arg3[%dma_start3A_175, %dma_start3A_176] : memref<10240x128xf32, #tpu.memory_space<hbm>> -> memref<10240x128xf32, #tpu.memory_space<hbm>>
          tpu.enqueue_indirect_dma source(%dma_start3A_177 : memref<10240x128xf32, #tpu.memory_space<hbm>>) target(%arg11 : memref<128x128xf32, #tpu.memory_space<vmem>>) offsets(%dma_start3A_174 : memref<128xi32, #tpu.memory_space<vmem>>) semaphore(%arg14 : memref<!tpu.dma_semaphore, #tpu.memory_space<semaphore_mem>>)
        } else {
        }
        %mul3A_132 = arith.constant 4 : i32
        %mul3A_133 = arith.muli %mul3A_132, %scan3A_50 : i32
        %add3A_134 = arith.constant 2 : i32
        %add3A_135 = arith.addi %mul3A_133, %add3A_134 : i32
        %add3A_136 = arith.constant 1 : i32
        %add3A_137 = arith.addi %add3A_135, %add3A_136 : i32
        %add3A_138 = arith.constant 2 : i32
        %add3A_139 = arith.addi %add3A_137, %add3A_138 : i32
        %add3A_140 = arith.constant 4 : i32
        %add3A_141 = arith.addi %add3A_137, %add3A_140 : i32
        %dma_wait3A_142 = arith.constant 0 : i32
        %dma_wait3A_143 = arith.constant 0 : i32
        %dma_wait3A_144 = tpu.memref_slice %arg10[%dma_wait3A_142, %dma_wait3A_143] : memref<2x128xi32, #tpu.memory_space<vmem>> -> memref<1x128xi32, #tpu.memory_space<vmem>>
        %dma_wait3A_145 = tpu.memref_squeeze %dma_wait3A_144 : memref<1x128xi32, #tpu.memory_space<vmem>> -> memref<128xi32, #tpu.memory_space<vmem>>
        %dma_wait3A_146 = arith.constant 0 : i32
        %dma_wait3A_147 = arith.constant 0 : i32
        %dma_wait3A_148 = tpu.memref_slice %arg3[%dma_wait3A_146, %dma_wait3A_147] : memref<10240x128xf32, #tpu.memory_space<hbm>> -> memref<10240x128xf32, #tpu.memory_space<hbm>>
        tpu.wait_indirect_dma semaphore(%arg15 : memref<!tpu.dma_semaphore, #tpu.memory_space<semaphore_mem>>) src(%dma_wait3A_148 : memref<10240x128xf32, #tpu.memory_space<hbm>>) dst(%arg12 : memref<128x128xf32, #tpu.memory_space<vmem>>)
        %run_scoped3A_149 = arith.constant 1 : i32
        "tpu.region"() ({
          %run_scoped3A_160 = tpu.sem_alloc : memref<!tpu.dma_semaphore, #tpu.memory_space<semaphore_mem>>
          %dma_start3A_161 = arith.constant 0 : i32
          %dma_start3A_162 = tpu.memref_slice %arg10[%run_scoped3A_149, %dma_start3A_161] : memref<2x128xi32, #tpu.memory_space<vmem>> -> memref<1x128xi32, #tpu.memory_space<vmem>>
          %dma_start3A_163 = tpu.memref_squeeze %dma_start3A_162 : memref<1x128xi32, #tpu.memory_space<vmem>> -> memref<128xi32, #tpu.memory_space<vmem>>
          %dma_start3A_164 = arith.constant 0 : i32
          %dma_start3A_165 = arith.constant 0 : i32
          %dma_start3A_166 = tpu.memref_slice %arg13[%dma_start3A_164, %dma_start3A_165] : memref<10240x128xf32, #tpu.memory_space<vmem_shared>> -> memref<10240x128xf32, #tpu.memory_space<vmem_shared>>
          tpu.enqueue_indirect_dma source(%arg12 : memref<128x128xf32, #tpu.memory_space<vmem>>) target(%dma_start3A_166 : memref<10240x128xf32, #tpu.memory_space<vmem_shared>>) offsets(%dma_start3A_163 : memref<128xi32, #tpu.memory_space<vmem>>) semaphore(%run_scoped3A_160 : memref<!tpu.dma_semaphore, #tpu.memory_space<semaphore_mem>>) {add = true}
          %dma_wait3A_167 = arith.constant 0 : i32
          %dma_wait3A_168 = tpu.memref_slice %arg10[%run_scoped3A_149, %dma_wait3A_167] : memref<2x128xi32, #tpu.memory_space<vmem>> -> memref<1x128xi32, #tpu.memory_space<vmem>>
          %dma_wait3A_169 = tpu.memref_squeeze %dma_wait3A_168 : memref<1x128xi32, #tpu.memory_space<vmem>> -> memref<128xi32, #tpu.memory_space<vmem>>
          %dma_wait3A_170 = arith.constant 0 : i32
          %dma_wait3A_171 = arith.constant 0 : i32
          %dma_wait3A_172 = tpu.memref_slice %arg13[%dma_wait3A_170, %dma_wait3A_171] : memref<10240x128xf32, #tpu.memory_space<vmem_shared>> -> memref<10240x128xf32, #tpu.memory_space<vmem_shared>>
          tpu.wait_indirect_dma semaphore(%run_scoped3A_160 : memref<!tpu.dma_semaphore, #tpu.memory_space<semaphore_mem>>) src(%arg12 : memref<128x128xf32, #tpu.memory_space<vmem>>) dst(%dma_wait3A_172 : memref<10240x128xf32, #tpu.memory_space<vmem_shared>>)
          tpu.yield
        }) : () -> ()
        %lt3A_150 = arith.constant 160 : i32
        %lt3A_151 = arith.cmpi slt, %add3A_141, %lt3A_150 : i32
        %convert_element_type3A_152 = arith.extui %lt3A_151 : i1 to i32
        %cond3A_153 = arith.constant 0 : i32
        %cond3A_154 = arith.cmpi ne, %convert_element_type3A_152, %cond3A_153 : i32
        scf.if %cond3A_154 {
          %mul3A_160 = arith.constant 16 : i32
          %mul3A_161 = arith.muli %add3A_141, %mul3A_160 : i32
          %add3A_162 = arith.addi %mul3A_161, %arg1 : i32
          %dma_start3A_163 = arith.constant 0 : i32
          %dma_start3A_164 = arith.constant 0 : i32
          %dma_start3A_165 = tpu.memref_slice %arg4[%add3A_162, %dma_start3A_163, %dma_start3A_164] : memref<2560x2x128xi32, #tpu.memory_space<hbm>> -> memref<1x2x128xi32, #tpu.memory_space<hbm>>
          %dma_start3A_166 = tpu.memref_squeeze %dma_start3A_165 : memref<1x2x128xi32, #tpu.memory_space<hbm>> -> memref<2x128xi32, #tpu.memory_space<hbm>>
          %dma_start3A_167 = arith.constant 0 : i32
          %dma_start3A_168 = arith.constant 0 : i32
          %dma_start3A_169 = tpu.memref_slice %arg4[%add3A_162, %dma_start3A_167, %dma_start3A_168] : memref<2560x2x128xi32, #tpu.memory_space<hbm>> -> memref<1x2x128xi32, #tpu.memory_space<hbm>>
          %dma_start3A_170 = tpu.memref_squeeze %dma_start3A_169 : memref<1x2x128xi32, #tpu.memory_space<hbm>> -> memref<2x128xi32, #tpu.memory_space<hbm>>
          tpu.enqueue_dma source(%dma_start3A_170 : memref<2x128xi32, #tpu.memory_space<hbm>>) target(%arg10 : memref<2x128xi32, #tpu.memory_space<vmem>>) target_semaphore(%arg19 : memref<!tpu.dma_semaphore, #tpu.memory_space<semaphore_mem>>)
        } else {
        }
        %lt3A_155 = arith.constant 160 : i32
        %lt3A_156 = arith.cmpi slt, %add3A_139, %lt3A_155 : i32
        %convert_element_type3A_157 = arith.extui %lt3A_156 : i1 to i32
        %cond3A_158 = arith.constant 0 : i32
        %cond3A_159 = arith.cmpi ne, %convert_element_type3A_157, %cond3A_158 : i32
        scf.if %cond3A_159 {
          %mul3A_160 = arith.constant 16 : i32
          %mul3A_161 = arith.muli %add3A_139, %mul3A_160 : i32
          %add3A_162 = arith.addi %mul3A_161, %arg1 : i32
          %dma_wait3A_163 = arith.constant 0 : i32
          %dma_wait3A_164 = arith.constant 0 : i32
          %dma_wait3A_165 = tpu.memref_slice %arg4[%add3A_162, %dma_wait3A_163, %dma_wait3A_164] : memref<2560x2x128xi32, #tpu.memory_space<hbm>> -> memref<1x2x128xi32, #tpu.memory_space<hbm>>
          %dma_wait3A_166 = tpu.memref_squeeze %dma_wait3A_165 : memref<1x2x128xi32, #tpu.memory_space<hbm>> -> memref<2x128xi32, #tpu.memory_space<hbm>>
          %dma_wait3A_167 = arith.constant 0 : i32
          %dma_wait3A_168 = arith.constant 0 : i32
          %dma_wait3A_169 = tpu.memref_slice %arg4[%add3A_162, %dma_wait3A_167, %dma_wait3A_168] : memref<2560x2x128xi32, #tpu.memory_space<hbm>> -> memref<1x2x128xi32, #tpu.memory_space<hbm>>
          %dma_wait3A_170 = tpu.memref_squeeze %dma_wait3A_169 : memref<1x2x128xi32, #tpu.memory_space<hbm>> -> memref<2x128xi32, #tpu.memory_space<hbm>>
          tpu.wait_dma2 semaphore(%arg18 : memref<!tpu.dma_semaphore, #tpu.memory_space<semaphore_mem>>) src(%dma_wait3A_170 : memref<2x128xi32, #tpu.memory_space<hbm>>) dst(%arg9 : memref<2x128xi32, #tpu.memory_space<vmem>>)
          %dma_start3A_171 = arith.constant 0 : i32
          %dma_start3A_172 = arith.constant 0 : i32
          %dma_start3A_173 = tpu.memref_slice %arg9[%dma_start3A_171, %dma_start3A_172] : memref<2x128xi32, #tpu.memory_space<vmem>> -> memref<1x128xi32, #tpu.memory_space<vmem>>
          %dma_start3A_174 = tpu.memref_squeeze %dma_start3A_173 : memref<1x128xi32, #tpu.memory_space<vmem>> -> memref<128xi32, #tpu.memory_space<vmem>>
          %dma_start3A_175 = arith.constant 0 : i32
          %dma_start3A_176 = arith.constant 0 : i32
          %dma_start3A_177 = tpu.memref_slice %arg3[%dma_start3A_175, %dma_start3A_176] : memref<10240x128xf32, #tpu.memory_space<hbm>> -> memref<10240x128xf32, #tpu.memory_space<hbm>>
          tpu.enqueue_indirect_dma source(%dma_start3A_177 : memref<10240x128xf32, #tpu.memory_space<hbm>>) target(%arg12 : memref<128x128xf32, #tpu.memory_space<vmem>>) offsets(%dma_start3A_174 : memref<128xi32, #tpu.memory_space<vmem>>) semaphore(%arg15 : memref<!tpu.dma_semaphore, #tpu.memory_space<semaphore_mem>>)
        } else {
        }
      }
      %scan3A_48 = arith.constant 40 : i32
      %barrier3A_49 = arith.constant 0 : index
      tpu.barrier barrier_id(%barrier3A_49)
      "tpu.region"() ({
        %run_scoped3A = tpu.sem_alloc : memref<!tpu.dma_semaphore, #tpu.memory_space<semaphore_mem>>
        %dma_start3A_50 = arith.constant 0 : i32
        %dma_start3A_51 = tpu.memref_slice %arg6[%mul3A_0, %dma_start3A_50] : memref<10240x128xf32, #tpu.memory_space<hbm>> -> memref<640x128xf32, #tpu.memory_space<hbm>>
        %dma_start3A_52 = arith.constant 0 : i32
        %dma_start3A_53 = tpu.memref_slice %arg13[%mul3A_0, %dma_start3A_52] : memref<10240x128xf32, #tpu.memory_space<vmem_shared>> -> memref<640x128xf32, #tpu.memory_space<vmem_shared>>
        tpu.enqueue_dma source(%dma_start3A_53 : memref<640x128xf32, #tpu.memory_space<vmem_shared>>) target(%dma_start3A_51 : memref<640x128xf32, #tpu.memory_space<hbm>>) target_semaphore(%run_scoped3A : memref<!tpu.dma_semaphore, #tpu.memory_space<semaphore_mem>>)
        %dma_wait3A = arith.constant 0 : i32
        %dma_wait3A_54 = tpu.memref_slice %arg6[%mul3A_0, %dma_wait3A] : memref<10240x128xf32, #tpu.memory_space<hbm>> -> memref<640x128xf32, #tpu.memory_space<hbm>>
        %dma_wait3A_55 = arith.constant 0 : i32
        %dma_wait3A_56 = tpu.memref_slice %arg13[%mul3A_0, %dma_wait3A_55] : memref<10240x128xf32, #tpu.memory_space<vmem_shared>> -> memref<640x128xf32, #tpu.memory_space<vmem_shared>>
        tpu.wait_dma2 semaphore(%run_scoped3A : memref<!tpu.dma_semaphore, #tpu.memory_space<semaphore_mem>>) src(%dma_wait3A_56 : memref<640x128xf32, #tpu.memory_space<vmem_shared>>) dst(%dma_wait3A_54 : memref<640x128xf32, #tpu.memory_space<hbm>>)
        tpu.yield
      }) : () -> ()
    } else {
    }
    return
  }
}

#map = affine_map<(d0, d1) -> (0, 0)>
#map1 = affine_map<(d0, d1) -> (0, 0, 0)>
module attributes {stable_mosaic.version = 14 : i64} {
  func.func @_agg_body(%arg0: i32, %arg1: i32, %arg2: memref<10240x128xf32, #tpu.memory_space<hbm>>, %arg3: memref<10240x128xf32, #tpu.memory_space<hbm>>, %arg4: memref<2560x2x128xi32, #tpu.memory_space<hbm>>, %arg5: memref<10240x128xf32, #tpu.memory_space<hbm>>, %arg6: memref<10240x128xf32, #tpu.memory_space<hbm>>, %arg7: memref<2x128xi32, #tpu.memory_space<vmem>>, %arg8: memref<2x128xi32, #tpu.memory_space<vmem>>, %arg9: memref<2x128xi32, #tpu.memory_space<vmem>>, %arg10: memref<2x128xi32, #tpu.memory_space<vmem>>, %arg11: memref<128x128xf32, #tpu.memory_space<vmem>>, %arg12: memref<128x128xf32, #tpu.memory_space<vmem>>, %arg13: memref<10240x128xf32, #tpu.memory_space<vmem_shared>>, %arg14: memref<!tpu.dma_semaphore, #tpu.memory_space<semaphore_mem>>, %arg15: memref<!tpu.dma_semaphore, #tpu.memory_space<semaphore_mem>>, %arg16: memref<!tpu.dma_semaphore, #tpu.memory_space<semaphore_mem>>, %arg17: memref<!tpu.dma_semaphore, #tpu.memory_space<semaphore_mem>>, %arg18: memref<!tpu.dma_semaphore, #tpu.memory_space<semaphore_mem>>, %arg19: memref<!tpu.dma_semaphore, #tpu.memory_space<semaphore_mem>>) attributes {dimension_semantics = [#tpu.dimension_semantics<core_parallel>, #tpu.dimension_semantics<subcore_parallel>], iteration_bounds = array<i64: 2, 16>, scalar_prefetch = 0 : i64, scratch_operands = 13 : i64, tpu.core_type = #tpu.core_type<sc_vector_subcore>, window_params = [{transform_indices = #map}, {transform_indices = #map}, {transform_indices = #map1}, {transform_indices = #map}, {transform_indices = #map}]} {
    %mul3A = arith.constant 640 : i32
    %mul3A_0 = arith.muli %arg1, %mul3A : i32
    %eq3A = arith.constant 0 : i32
    %eq3A_1 = arith.cmpi eq, %arg0, %eq3A : i32
    %convert_element_type3A = arith.extui %eq3A_1 : i1 to i32
    %cond3A = arith.constant 0 : i32
    %cond3A_2 = arith.cmpi ne, %convert_element_type3A, %cond3A : i32
    scf.if %cond3A_2 {
      "tpu.region"() ({
        %run_scoped3A = tpu.sem_alloc : memref<!tpu.dma_semaphore, #tpu.memory_space<semaphore_mem>>
        %dma_start3A_50 = arith.constant 0 : i32
        %dma_start3A_51 = tpu.memref_slice %arg13[%mul3A_0, %dma_start3A_50] : memref<10240x128xf32, #tpu.memory_space<vmem_shared>> -> memref<640x128xf32, #tpu.memory_space<vmem_shared>>
        %dma_start3A_52 = arith.constant 0 : i32
        %dma_start3A_53 = tpu.memref_slice %arg2[%mul3A_0, %dma_start3A_52] : memref<10240x128xf32, #tpu.memory_space<hbm>> -> memref<640x128xf32, #tpu.memory_space<hbm>>
        tpu.enqueue_dma source(%dma_start3A_53 : memref<640x128xf32, #tpu.memory_space<hbm>>) target(%dma_start3A_51 : memref<640x128xf32, #tpu.memory_space<vmem_shared>>) target_semaphore(%run_scoped3A : memref<!tpu.dma_semaphore, #tpu.memory_space<semaphore_mem>>)
        %dma_wait3A = arith.constant 0 : i32
        %dma_wait3A_54 = tpu.memref_slice %arg13[%mul3A_0, %dma_wait3A] : memref<10240x128xf32, #tpu.memory_space<vmem_shared>> -> memref<640x128xf32, #tpu.memory_space<vmem_shared>>
        %dma_wait3A_55 = arith.constant 0 : i32
        %dma_wait3A_56 = tpu.memref_slice %arg2[%mul3A_0, %dma_wait3A_55] : memref<10240x128xf32, #tpu.memory_space<hbm>> -> memref<640x128xf32, #tpu.memory_space<hbm>>
        tpu.wait_dma2 semaphore(%run_scoped3A : memref<!tpu.dma_semaphore, #tpu.memory_space<semaphore_mem>>) src(%dma_wait3A_56 : memref<640x128xf32, #tpu.memory_space<hbm>>) dst(%dma_wait3A_54 : memref<640x128xf32, #tpu.memory_space<vmem_shared>>)
        tpu.yield
      }) : () -> ()
      %barrier3A = arith.constant 0 : index
      tpu.barrier barrier_id(%barrier3A)
      %add3A = arith.constant 0 : i32
      %add3A_8 = arith.addi %add3A, %arg1 : i32
      "tpu.region"() ({
        %run_scoped3A = tpu.sem_alloc : memref<!tpu.dma_semaphore, #tpu.memory_space<semaphore_mem>>
        %dma_start3A_50 = arith.constant 0 : i32
        %dma_start3A_51 = arith.constant 0 : i32
        %dma_start3A_52 = tpu.memref_slice %arg4[%add3A_8, %dma_start3A_50, %dma_start3A_51] : memref<2560x2x128xi32, #tpu.memory_space<hbm>> -> memref<1x2x128xi32, #tpu.memory_space<hbm>>
        %dma_start3A_53 = tpu.memref_squeeze %dma_start3A_52 : memref<1x2x128xi32, #tpu.memory_space<hbm>> -> memref<2x128xi32, #tpu.memory_space<hbm>>
        %dma_start3A_54 = arith.constant 0 : i32
        %dma_start3A_55 = arith.constant 0 : i32
        %dma_start3A_56 = tpu.memref_slice %arg4[%add3A_8, %dma_start3A_54, %dma_start3A_55] : memref<2560x2x128xi32, #tpu.memory_space<hbm>> -> memref<1x2x128xi32, #tpu.memory_space<hbm>>
        %dma_start3A_57 = tpu.memref_squeeze %dma_start3A_56 : memref<1x2x128xi32, #tpu.memory_space<hbm>> -> memref<2x128xi32, #tpu.memory_space<hbm>>
        tpu.enqueue_dma source(%dma_start3A_57 : memref<2x128xi32, #tpu.memory_space<hbm>>) target(%arg7 : memref<2x128xi32, #tpu.memory_space<vmem>>) target_semaphore(%run_scoped3A : memref<!tpu.dma_semaphore, #tpu.memory_space<semaphore_mem>>)
        %dma_wait3A = arith.constant 0 : i32
        %dma_wait3A_58 = arith.constant 0 : i32
        %dma_wait3A_59 = tpu.memref_slice %arg4[%add3A_8, %dma_wait3A, %dma_wait3A_58] : memref<2560x2x128xi32, #tpu.memory_space<hbm>> -> memref<1x2x128xi32, #tpu.memory_space<hbm>>
        %dma_wait3A_60 = tpu.memref_squeeze %dma_wait3A_59 : memref<1x2x128xi32, #tpu.memory_space<hbm>> -> memref<2x128xi32, #tpu.memory_space<hbm>>
        %dma_wait3A_61 = arith.constant 0 : i32
        %dma_wait3A_62 = arith.constant 0 : i32
        %dma_wait3A_63 = tpu.memref_slice %arg4[%add3A_8, %dma_wait3A_61, %dma_wait3A_62] : memref<2560x2x128xi32, #tpu.memory_space<hbm>> -> memref<1x2x128xi32, #tpu.memory_space<hbm>>
        %dma_wait3A_64 = tpu.memref_squeeze %dma_wait3A_63 : memref<1x2x128xi32, #tpu.memory_space<hbm>> -> memref<2x128xi32, #tpu.memory_space<hbm>>
        tpu.wait_dma2 semaphore(%run_scoped3A : memref<!tpu.dma_semaphore, #tpu.memory_space<semaphore_mem>>) src(%dma_wait3A_64 : memref<2x128xi32, #tpu.memory_space<hbm>>) dst(%arg7 : memref<2x128xi32, #tpu.memory_space<vmem>>)
        tpu.yield
      }) : () -> ()
      %dma_start3A = arith.constant 0 : i32
      %dma_start3A_9 = arith.constant 0 : i32
      %dma_start3A_10 = tpu.memref_slice %arg7[%dma_start3A, %dma_start3A_9] : memref<2x128xi32, #tpu.memory_space<vmem>> -> memref<1x128xi32, #tpu.memory_space<vmem>>
      %dma_start3A_11 = tpu.memref_squeeze %dma_start3A_10 : memref<1x128xi32, #tpu.memory_space<vmem>> -> memref<128xi32, #tpu.memory_space<vmem>>
      %dma_start3A_12 = arith.constant 0 : i32
      %dma_start3A_13 = arith.constant 0 : i32
      %dma_start3A_14 = tpu.memref_slice %arg2[%dma_start3A_12, %dma_start3A_13] : memref<10240x128xf32, #tpu.memory_space<hbm>> -> memref<10240x128xf32, #tpu.memory_space<hbm>>
      tpu.enqueue_indirect_dma source(%dma_start3A_14 : memref<10240x128xf32, #tpu.memory_space<hbm>>) target(%arg11 : memref<128x128xf32, #tpu.memory_space<vmem>>) offsets(%dma_start3A_11 : memref<128xi32, #tpu.memory_space<vmem>>) semaphore(%arg14 : memref<!tpu.dma_semaphore, #tpu.memory_space<semaphore_mem>>)
      %add3A_15 = arith.constant 16 : i32
      %add3A_16 = arith.addi %add3A_15, %arg1 : i32
      "tpu.region"() ({
        %run_scoped3A = tpu.sem_alloc : memref<!tpu.dma_semaphore, #tpu.memory_space<semaphore_mem>>
        %dma_start3A_50 = arith.constant 0 : i32
        %dma_start3A_51 = arith.constant 0 : i32
        %dma_start3A_52 = tpu.memref_slice %arg4[%add3A_16, %dma_start3A_50, %dma_start3A_51] : memref<2560x2x128xi32, #tpu.memory_space<hbm>> -> memref<1x2x128xi32, #tpu.memory_space<hbm>>
        %dma_start3A_53 = tpu.memref_squeeze %dma_start3A_52 : memref<1x2x128xi32, #tpu.memory_space<hbm>> -> memref<2x128xi32, #tpu.memory_space<hbm>>
        %dma_start3A_54 = arith.constant 0 : i32
        %dma_start3A_55 = arith.constant 0 : i32
        %dma_start3A_56 = tpu.memref_slice %arg4[%add3A_16, %dma_start3A_54, %dma_start3A_55] : memref<2560x2x128xi32, #tpu.memory_space<hbm>> -> memref<1x2x128xi32, #tpu.memory_space<hbm>>
        %dma_start3A_57 = tpu.memref_squeeze %dma_start3A_56 : memref<1x2x128xi32, #tpu.memory_space<hbm>> -> memref<2x128xi32, #tpu.memory_space<hbm>>
        tpu.enqueue_dma source(%dma_start3A_57 : memref<2x128xi32, #tpu.memory_space<hbm>>) target(%arg9 : memref<2x128xi32, #tpu.memory_space<vmem>>) target_semaphore(%run_scoped3A : memref<!tpu.dma_semaphore, #tpu.memory_space<semaphore_mem>>)
        %dma_wait3A = arith.constant 0 : i32
        %dma_wait3A_58 = arith.constant 0 : i32
        %dma_wait3A_59 = tpu.memref_slice %arg4[%add3A_16, %dma_wait3A, %dma_wait3A_58] : memref<2560x2x128xi32, #tpu.memory_space<hbm>> -> memref<1x2x128xi32, #tpu.memory_space<hbm>>
        %dma_wait3A_60 = tpu.memref_squeeze %dma_wait3A_59 : memref<1x2x128xi32, #tpu.memory_space<hbm>> -> memref<2x128xi32, #tpu.memory_space<hbm>>
        %dma_wait3A_61 = arith.constant 0 : i32
        %dma_wait3A_62 = arith.constant 0 : i32
        %dma_wait3A_63 = tpu.memref_slice %arg4[%add3A_16, %dma_wait3A_61, %dma_wait3A_62] : memref<2560x2x128xi32, #tpu.memory_space<hbm>> -> memref<1x2x128xi32, #tpu.memory_space<hbm>>
        %dma_wait3A_64 = tpu.memref_squeeze %dma_wait3A_63 : memref<1x2x128xi32, #tpu.memory_space<hbm>> -> memref<2x128xi32, #tpu.memory_space<hbm>>
        tpu.wait_dma2 semaphore(%run_scoped3A : memref<!tpu.dma_semaphore, #tpu.memory_space<semaphore_mem>>) src(%dma_wait3A_64 : memref<2x128xi32, #tpu.memory_space<hbm>>) dst(%arg9 : memref<2x128xi32, #tpu.memory_space<vmem>>)
        tpu.yield
      }) : () -> ()
      %dma_start3A_17 = arith.constant 0 : i32
      %dma_start3A_18 = arith.constant 0 : i32
      %dma_start3A_19 = tpu.memref_slice %arg9[%dma_start3A_17, %dma_start3A_18] : memref<2x128xi32, #tpu.memory_space<vmem>> -> memref<1x128xi32, #tpu.memory_space<vmem>>
      %dma_start3A_20 = tpu.memref_squeeze %dma_start3A_19 : memref<1x128xi32, #tpu.memory_space<vmem>> -> memref<128xi32, #tpu.memory_space<vmem>>
      %dma_start3A_21 = arith.constant 0 : i32
      %dma_start3A_22 = arith.constant 0 : i32
      %dma_start3A_23 = tpu.memref_slice %arg2[%dma_start3A_21, %dma_start3A_22] : memref<10240x128xf32, #tpu.memory_space<hbm>> -> memref<10240x128xf32, #tpu.memory_space<hbm>>
      tpu.enqueue_indirect_dma source(%dma_start3A_23 : memref<10240x128xf32, #tpu.memory_space<hbm>>) target(%arg12 : memref<128x128xf32, #tpu.memory_space<vmem>>) offsets(%dma_start3A_20 : memref<128xi32, #tpu.memory_space<vmem>>) semaphore(%arg15 : memref<!tpu.dma_semaphore, #tpu.memory_space<semaphore_mem>>)
      %add3A_24 = arith.constant 32 : i32
      %add3A_25 = arith.addi %add3A_24, %arg1 : i32
      %dma_start3A_26 = arith.constant 0 : i32
      %dma_start3A_27 = arith.constant 0 : i32
      %dma_start3A_28 = tpu.memref_slice %arg4[%add3A_25, %dma_start3A_26, %dma_start3A_27] : memref<2560x2x128xi32, #tpu.memory_space<hbm>> -> memref<1x2x128xi32, #tpu.memory_space<hbm>>
      %dma_start3A_29 = tpu.memref_squeeze %dma_start3A_28 : memref<1x2x128xi32, #tpu.memory_space<hbm>> -> memref<2x128xi32, #tpu.memory_space<hbm>>
      %dma_start3A_30 = arith.constant 0 : i32
      %dma_start3A_31 = arith.constant 0 : i32
      %dma_start3A_32 = tpu.memref_slice %arg4[%add3A_25, %dma_start3A_30, %dma_start3A_31] : memref<2560x2x128xi32, #tpu.memory_space<hbm>> -> memref<1x2x128xi32, #tpu.memory_space<hbm>>
      %dma_start3A_33 = tpu.memref_squeeze %dma_start3A_32 : memref<1x2x128xi32, #tpu.memory_space<hbm>> -> memref<2x128xi32, #tpu.memory_space<hbm>>
      tpu.enqueue_dma source(%dma_start3A_33 : memref<2x128xi32, #tpu.memory_space<hbm>>) target(%arg8 : memref<2x128xi32, #tpu.memory_space<vmem>>) target_semaphore(%arg17 : memref<!tpu.dma_semaphore, #tpu.memory_space<semaphore_mem>>)
      %add3A_34 = arith.constant 48 : i32
      %add3A_35 = arith.addi %add3A_34, %arg1 : i32
      %dma_start3A_36 = arith.constant 0 : i32
      %dma_start3A_37 = arith.constant 0 : i32
      %dma_start3A_38 = tpu.memref_slice %arg4[%add3A_35, %dma_start3A_36, %dma_start3A_37] : memref<2560x2x128xi32, #tpu.memory_space<hbm>> -> memref<1x2x128xi32, #tpu.memory_space<hbm>>
      %dma_start3A_39 = tpu.memref_squeeze %dma_start3A_38 : memref<1x2x128xi32, #tpu.memory_space<hbm>> -> memref<2x128xi32, #tpu.memory_space<hbm>>
      %dma_start3A_40 = arith.constant 0 : i32
      %dma_start3A_41 = arith.constant 0 : i32
      %dma_start3A_42 = tpu.memref_slice %arg4[%add3A_35, %dma_start3A_40, %dma_start3A_41] : memref<2560x2x128xi32, #tpu.memory_space<hbm>> -> memref<1x2x128xi32, #tpu.memory_space<hbm>>
      %dma_start3A_43 = tpu.memref_squeeze %dma_start3A_42 : memref<1x2x128xi32, #tpu.memory_space<hbm>> -> memref<2x128xi32, #tpu.memory_space<hbm>>
      tpu.enqueue_dma source(%dma_start3A_43 : memref<2x128xi32, #tpu.memory_space<hbm>>) target(%arg10 : memref<2x128xi32, #tpu.memory_space<vmem>>) target_semaphore(%arg19 : memref<!tpu.dma_semaphore, #tpu.memory_space<semaphore_mem>>)
      %scan3A = arith.constant 0 : i32
      %scan3A_44 = arith.constant 0 : i32
      %scan3A_45 = arith.constant 40 : i32
      %scan3A_46 = arith.addi %scan3A_44, %scan3A_45 : i32
      %scan3A_47 = arith.constant 1 : i32
      scf.for %scan3A_50 = %scan3A_44 to %scan3A_46 step %scan3A_47  : i32 {
        %mul3A_51 = arith.constant 4 : i32
        %mul3A_52 = arith.muli %mul3A_51, %scan3A_50 : i32
        %add3A_53 = arith.constant 0 : i32
        %add3A_54 = arith.addi %mul3A_52, %add3A_53 : i32
        %add3A_55 = arith.constant 0 : i32
        %add3A_56 = arith.addi %add3A_54, %add3A_55 : i32
        %add3A_57 = arith.constant 2 : i32
        %add3A_58 = arith.addi %add3A_56, %add3A_57 : i32
        %add3A_59 = arith.constant 4 : i32
        %add3A_60 = arith.addi %add3A_56, %add3A_59 : i32
        %dma_wait3A = arith.constant 0 : i32
        %dma_wait3A_61 = arith.constant 0 : i32
        %dma_wait3A_62 = tpu.memref_slice %arg7[%dma_wait3A, %dma_wait3A_61] : memref<2x128xi32, #tpu.memory_space<vmem>> -> memref<1x128xi32, #tpu.memory_space<vmem>>
        %dma_wait3A_63 = tpu.memref_squeeze %dma_wait3A_62 : memref<1x128xi32, #tpu.memory_space<vmem>> -> memref<128xi32, #tpu.memory_space<vmem>>
        %dma_wait3A_64 = arith.constant 0 : i32
        %dma_wait3A_65 = arith.constant 0 : i32
        %dma_wait3A_66 = tpu.memref_slice %arg2[%dma_wait3A_64, %dma_wait3A_65] : memref<10240x128xf32, #tpu.memory_space<hbm>> -> memref<10240x128xf32, #tpu.memory_space<hbm>>
        tpu.wait_indirect_dma semaphore(%arg14 : memref<!tpu.dma_semaphore, #tpu.memory_space<semaphore_mem>>) src(%dma_wait3A_66 : memref<10240x128xf32, #tpu.memory_space<hbm>>) dst(%arg11 : memref<128x128xf32, #tpu.memory_space<vmem>>)
        %run_scoped3A = arith.constant 1 : i32
        "tpu.region"() ({
          %run_scoped3A_160 = tpu.sem_alloc : memref<!tpu.dma_semaphore, #tpu.memory_space<semaphore_mem>>
          %dma_start3A_161 = arith.constant 0 : i32
          %dma_start3A_162 = tpu.memref_slice %arg7[%run_scoped3A, %dma_start3A_161] : memref<2x128xi32, #tpu.memory_space<vmem>> -> memref<1x128xi32, #tpu.memory_space<vmem>>
          %dma_start3A_163 = tpu.memref_squeeze %dma_start3A_162 : memref<1x128xi32, #tpu.memory_space<vmem>> -> memref<128xi32, #tpu.memory_space<vmem>>
          %dma_start3A_164 = arith.constant 0 : i32
          %dma_start3A_165 = arith.constant 0 : i32
          %dma_start3A_166 = tpu.memref_slice %arg13[%dma_start3A_164, %dma_start3A_165] : memref<10240x128xf32, #tpu.memory_space<vmem_shared>> -> memref<10240x128xf32, #tpu.memory_space<vmem_shared>>
          tpu.enqueue_indirect_dma source(%arg11 : memref<128x128xf32, #tpu.memory_space<vmem>>) target(%dma_start3A_166 : memref<10240x128xf32, #tpu.memory_space<vmem_shared>>) offsets(%dma_start3A_163 : memref<128xi32, #tpu.memory_space<vmem>>) semaphore(%run_scoped3A_160 : memref<!tpu.dma_semaphore, #tpu.memory_space<semaphore_mem>>) {add = true}
          %dma_wait3A_167 = arith.constant 0 : i32
          %dma_wait3A_168 = tpu.memref_slice %arg7[%run_scoped3A, %dma_wait3A_167] : memref<2x128xi32, #tpu.memory_space<vmem>> -> memref<1x128xi32, #tpu.memory_space<vmem>>
          %dma_wait3A_169 = tpu.memref_squeeze %dma_wait3A_168 : memref<1x128xi32, #tpu.memory_space<vmem>> -> memref<128xi32, #tpu.memory_space<vmem>>
          %dma_wait3A_170 = arith.constant 0 : i32
          %dma_wait3A_171 = arith.constant 0 : i32
          %dma_wait3A_172 = tpu.memref_slice %arg13[%dma_wait3A_170, %dma_wait3A_171] : memref<10240x128xf32, #tpu.memory_space<vmem_shared>> -> memref<10240x128xf32, #tpu.memory_space<vmem_shared>>
          tpu.wait_indirect_dma semaphore(%run_scoped3A_160 : memref<!tpu.dma_semaphore, #tpu.memory_space<semaphore_mem>>) src(%arg11 : memref<128x128xf32, #tpu.memory_space<vmem>>) dst(%dma_wait3A_172 : memref<10240x128xf32, #tpu.memory_space<vmem_shared>>)
          tpu.yield
        }) : () -> ()
        %lt3A = arith.constant 160 : i32
        %lt3A_67 = arith.cmpi slt, %add3A_60, %lt3A : i32
        %convert_element_type3A_68 = arith.extui %lt3A_67 : i1 to i32
        %cond3A_69 = arith.constant 0 : i32
        %cond3A_70 = arith.cmpi ne, %convert_element_type3A_68, %cond3A_69 : i32
        scf.if %cond3A_70 {
          %mul3A_160 = arith.constant 16 : i32
          %mul3A_161 = arith.muli %add3A_60, %mul3A_160 : i32
          %add3A_162 = arith.addi %mul3A_161, %arg1 : i32
          %dma_start3A_163 = arith.constant 0 : i32
          %dma_start3A_164 = arith.constant 0 : i32
          %dma_start3A_165 = tpu.memref_slice %arg4[%add3A_162, %dma_start3A_163, %dma_start3A_164] : memref<2560x2x128xi32, #tpu.memory_space<hbm>> -> memref<1x2x128xi32, #tpu.memory_space<hbm>>
          %dma_start3A_166 = tpu.memref_squeeze %dma_start3A_165 : memref<1x2x128xi32, #tpu.memory_space<hbm>> -> memref<2x128xi32, #tpu.memory_space<hbm>>
          %dma_start3A_167 = arith.constant 0 : i32
          %dma_start3A_168 = arith.constant 0 : i32
          %dma_start3A_169 = tpu.memref_slice %arg4[%add3A_162, %dma_start3A_167, %dma_start3A_168] : memref<2560x2x128xi32, #tpu.memory_space<hbm>> -> memref<1x2x128xi32, #tpu.memory_space<hbm>>
          %dma_start3A_170 = tpu.memref_squeeze %dma_start3A_169 : memref<1x2x128xi32, #tpu.memory_space<hbm>> -> memref<2x128xi32, #tpu.memory_space<hbm>>
          tpu.enqueue_dma source(%dma_start3A_170 : memref<2x128xi32, #tpu.memory_space<hbm>>) target(%arg7 : memref<2x128xi32, #tpu.memory_space<vmem>>) target_semaphore(%arg16 : memref<!tpu.dma_semaphore, #tpu.memory_space<semaphore_mem>>)
        } else {
        }
        %lt3A_71 = arith.constant 160 : i32
        %lt3A_72 = arith.cmpi slt, %add3A_58, %lt3A_71 : i32
        %convert_element_type3A_73 = arith.extui %lt3A_72 : i1 to i32
        %cond3A_74 = arith.constant 0 : i32
        %cond3A_75 = arith.cmpi ne, %convert_element_type3A_73, %cond3A_74 : i32
        scf.if %cond3A_75 {
          %mul3A_160 = arith.constant 16 : i32
          %mul3A_161 = arith.muli %add3A_58, %mul3A_160 : i32
          %add3A_162 = arith.addi %mul3A_161, %arg1 : i32
          %dma_wait3A_163 = arith.constant 0 : i32
          %dma_wait3A_164 = arith.constant 0 : i32
          %dma_wait3A_165 = tpu.memref_slice %arg4[%add3A_162, %dma_wait3A_163, %dma_wait3A_164] : memref<2560x2x128xi32, #tpu.memory_space<hbm>> -> memref<1x2x128xi32, #tpu.memory_space<hbm>>
          %dma_wait3A_166 = tpu.memref_squeeze %dma_wait3A_165 : memref<1x2x128xi32, #tpu.memory_space<hbm>> -> memref<2x128xi32, #tpu.memory_space<hbm>>
          %dma_wait3A_167 = arith.constant 0 : i32
          %dma_wait3A_168 = arith.constant 0 : i32
          %dma_wait3A_169 = tpu.memref_slice %arg4[%add3A_162, %dma_wait3A_167, %dma_wait3A_168] : memref<2560x2x128xi32, #tpu.memory_space<hbm>> -> memref<1x2x128xi32, #tpu.memory_space<hbm>>
          %dma_wait3A_170 = tpu.memref_squeeze %dma_wait3A_169 : memref<1x2x128xi32, #tpu.memory_space<hbm>> -> memref<2x128xi32, #tpu.memory_space<hbm>>
          tpu.wait_dma2 semaphore(%arg17 : memref<!tpu.dma_semaphore, #tpu.memory_space<semaphore_mem>>) src(%dma_wait3A_170 : memref<2x128xi32, #tpu.memory_space<hbm>>) dst(%arg8 : memref<2x128xi32, #tpu.memory_space<vmem>>)
          %dma_start3A_171 = arith.constant 0 : i32
          %dma_start3A_172 = arith.constant 0 : i32
          %dma_start3A_173 = tpu.memref_slice %arg8[%dma_start3A_171, %dma_start3A_172] : memref<2x128xi32, #tpu.memory_space<vmem>> -> memref<1x128xi32, #tpu.memory_space<vmem>>
          %dma_start3A_174 = tpu.memref_squeeze %dma_start3A_173 : memref<1x128xi32, #tpu.memory_space<vmem>> -> memref<128xi32, #tpu.memory_space<vmem>>
          %dma_start3A_175 = arith.constant 0 : i32
          %dma_start3A_176 = arith.constant 0 : i32
          %dma_start3A_177 = tpu.memref_slice %arg2[%dma_start3A_175, %dma_start3A_176] : memref<10240x128xf32, #tpu.memory_space<hbm>> -> memref<10240x128xf32, #tpu.memory_space<hbm>>
          tpu.enqueue_indirect_dma source(%dma_start3A_177 : memref<10240x128xf32, #tpu.memory_space<hbm>>) target(%arg11 : memref<128x128xf32, #tpu.memory_space<vmem>>) offsets(%dma_start3A_174 : memref<128xi32, #tpu.memory_space<vmem>>) semaphore(%arg14 : memref<!tpu.dma_semaphore, #tpu.memory_space<semaphore_mem>>)
        } else {
        }
        %mul3A_76 = arith.constant 4 : i32
        %mul3A_77 = arith.muli %mul3A_76, %scan3A_50 : i32
        %add3A_78 = arith.constant 0 : i32
        %add3A_79 = arith.addi %mul3A_77, %add3A_78 : i32
        %add3A_80 = arith.constant 1 : i32
        %add3A_81 = arith.addi %add3A_79, %add3A_80 : i32
        %add3A_82 = arith.constant 2 : i32
        %add3A_83 = arith.addi %add3A_81, %add3A_82 : i32
        %add3A_84 = arith.constant 4 : i32
        %add3A_85 = arith.addi %add3A_81, %add3A_84 : i32
        %dma_wait3A_86 = arith.constant 0 : i32
        %dma_wait3A_87 = arith.constant 0 : i32
        %dma_wait3A_88 = tpu.memref_slice %arg9[%dma_wait3A_86, %dma_wait3A_87] : memref<2x128xi32, #tpu.memory_space<vmem>> -> memref<1x128xi32, #tpu.memory_space<vmem>>
        %dma_wait3A_89 = tpu.memref_squeeze %dma_wait3A_88 : memref<1x128xi32, #tpu.memory_space<vmem>> -> memref<128xi32, #tpu.memory_space<vmem>>
        %dma_wait3A_90 = arith.constant 0 : i32
        %dma_wait3A_91 = arith.constant 0 : i32
        %dma_wait3A_92 = tpu.memref_slice %arg2[%dma_wait3A_90, %dma_wait3A_91] : memref<10240x128xf32, #tpu.memory_space<hbm>> -> memref<10240x128xf32, #tpu.memory_space<hbm>>
        tpu.wait_indirect_dma semaphore(%arg15 : memref<!tpu.dma_semaphore, #tpu.memory_space<semaphore_mem>>) src(%dma_wait3A_92 : memref<10240x128xf32, #tpu.memory_space<hbm>>) dst(%arg12 : memref<128x128xf32, #tpu.memory_space<vmem>>)
        %run_scoped3A_93 = arith.constant 1 : i32
        "tpu.region"() ({
          %run_scoped3A_160 = tpu.sem_alloc : memref<!tpu.dma_semaphore, #tpu.memory_space<semaphore_mem>>
          %dma_start3A_161 = arith.constant 0 : i32
          %dma_start3A_162 = tpu.memref_slice %arg9[%run_scoped3A_93, %dma_start3A_161] : memref<2x128xi32, #tpu.memory_space<vmem>> -> memref<1x128xi32, #tpu.memory_space<vmem>>
          %dma_start3A_163 = tpu.memref_squeeze %dma_start3A_162 : memref<1x128xi32, #tpu.memory_space<vmem>> -> memref<128xi32, #tpu.memory_space<vmem>>
          %dma_start3A_164 = arith.constant 0 : i32
          %dma_start3A_165 = arith.constant 0 : i32
          %dma_start3A_166 = tpu.memref_slice %arg13[%dma_start3A_164, %dma_start3A_165] : memref<10240x128xf32, #tpu.memory_space<vmem_shared>> -> memref<10240x128xf32, #tpu.memory_space<vmem_shared>>
          tpu.enqueue_indirect_dma source(%arg12 : memref<128x128xf32, #tpu.memory_space<vmem>>) target(%dma_start3A_166 : memref<10240x128xf32, #tpu.memory_space<vmem_shared>>) offsets(%dma_start3A_163 : memref<128xi32, #tpu.memory_space<vmem>>) semaphore(%run_scoped3A_160 : memref<!tpu.dma_semaphore, #tpu.memory_space<semaphore_mem>>) {add = true}
          %dma_wait3A_167 = arith.constant 0 : i32
          %dma_wait3A_168 = tpu.memref_slice %arg9[%run_scoped3A_93, %dma_wait3A_167] : memref<2x128xi32, #tpu.memory_space<vmem>> -> memref<1x128xi32, #tpu.memory_space<vmem>>
          %dma_wait3A_169 = tpu.memref_squeeze %dma_wait3A_168 : memref<1x128xi32, #tpu.memory_space<vmem>> -> memref<128xi32, #tpu.memory_space<vmem>>
          %dma_wait3A_170 = arith.constant 0 : i32
          %dma_wait3A_171 = arith.constant 0 : i32
          %dma_wait3A_172 = tpu.memref_slice %arg13[%dma_wait3A_170, %dma_wait3A_171] : memref<10240x128xf32, #tpu.memory_space<vmem_shared>> -> memref<10240x128xf32, #tpu.memory_space<vmem_shared>>
          tpu.wait_indirect_dma semaphore(%run_scoped3A_160 : memref<!tpu.dma_semaphore, #tpu.memory_space<semaphore_mem>>) src(%arg12 : memref<128x128xf32, #tpu.memory_space<vmem>>) dst(%dma_wait3A_172 : memref<10240x128xf32, #tpu.memory_space<vmem_shared>>)
          tpu.yield
        }) : () -> ()
        %lt3A_94 = arith.constant 160 : i32
        %lt3A_95 = arith.cmpi slt, %add3A_85, %lt3A_94 : i32
        %convert_element_type3A_96 = arith.extui %lt3A_95 : i1 to i32
        %cond3A_97 = arith.constant 0 : i32
        %cond3A_98 = arith.cmpi ne, %convert_element_type3A_96, %cond3A_97 : i32
        scf.if %cond3A_98 {
          %mul3A_160 = arith.constant 16 : i32
          %mul3A_161 = arith.muli %add3A_85, %mul3A_160 : i32
          %add3A_162 = arith.addi %mul3A_161, %arg1 : i32
          %dma_start3A_163 = arith.constant 0 : i32
          %dma_start3A_164 = arith.constant 0 : i32
          %dma_start3A_165 = tpu.memref_slice %arg4[%add3A_162, %dma_start3A_163, %dma_start3A_164] : memref<2560x2x128xi32, #tpu.memory_space<hbm>> -> memref<1x2x128xi32, #tpu.memory_space<hbm>>
          %dma_start3A_166 = tpu.memref_squeeze %dma_start3A_165 : memref<1x2x128xi32, #tpu.memory_space<hbm>> -> memref<2x128xi32, #tpu.memory_space<hbm>>
          %dma_start3A_167 = arith.constant 0 : i32
          %dma_start3A_168 = arith.constant 0 : i32
          %dma_start3A_169 = tpu.memref_slice %arg4[%add3A_162, %dma_start3A_167, %dma_start3A_168] : memref<2560x2x128xi32, #tpu.memory_space<hbm>> -> memref<1x2x128xi32, #tpu.memory_space<hbm>>
          %dma_start3A_170 = tpu.memref_squeeze %dma_start3A_169 : memref<1x2x128xi32, #tpu.memory_space<hbm>> -> memref<2x128xi32, #tpu.memory_space<hbm>>
          tpu.enqueue_dma source(%dma_start3A_170 : memref<2x128xi32, #tpu.memory_space<hbm>>) target(%arg9 : memref<2x128xi32, #tpu.memory_space<vmem>>) target_semaphore(%arg18 : memref<!tpu.dma_semaphore, #tpu.memory_space<semaphore_mem>>)
        } else {
        }
        %lt3A_99 = arith.constant 160 : i32
        %lt3A_100 = arith.cmpi slt, %add3A_83, %lt3A_99 : i32
        %convert_element_type3A_101 = arith.extui %lt3A_100 : i1 to i32
        %cond3A_102 = arith.constant 0 : i32
        %cond3A_103 = arith.cmpi ne, %convert_element_type3A_101, %cond3A_102 : i32
        scf.if %cond3A_103 {
          %mul3A_160 = arith.constant 16 : i32
          %mul3A_161 = arith.muli %add3A_83, %mul3A_160 : i32
          %add3A_162 = arith.addi %mul3A_161, %arg1 : i32
          %dma_wait3A_163 = arith.constant 0 : i32
          %dma_wait3A_164 = arith.constant 0 : i32
          %dma_wait3A_165 = tpu.memref_slice %arg4[%add3A_162, %dma_wait3A_163, %dma_wait3A_164] : memref<2560x2x128xi32, #tpu.memory_space<hbm>> -> memref<1x2x128xi32, #tpu.memory_space<hbm>>
          %dma_wait3A_166 = tpu.memref_squeeze %dma_wait3A_165 : memref<1x2x128xi32, #tpu.memory_space<hbm>> -> memref<2x128xi32, #tpu.memory_space<hbm>>
          %dma_wait3A_167 = arith.constant 0 : i32
          %dma_wait3A_168 = arith.constant 0 : i32
          %dma_wait3A_169 = tpu.memref_slice %arg4[%add3A_162, %dma_wait3A_167, %dma_wait3A_168] : memref<2560x2x128xi32, #tpu.memory_space<hbm>> -> memref<1x2x128xi32, #tpu.memory_space<hbm>>
          %dma_wait3A_170 = tpu.memref_squeeze %dma_wait3A_169 : memref<1x2x128xi32, #tpu.memory_space<hbm>> -> memref<2x128xi32, #tpu.memory_space<hbm>>
          tpu.wait_dma2 semaphore(%arg19 : memref<!tpu.dma_semaphore, #tpu.memory_space<semaphore_mem>>) src(%dma_wait3A_170 : memref<2x128xi32, #tpu.memory_space<hbm>>) dst(%arg10 : memref<2x128xi32, #tpu.memory_space<vmem>>)
          %dma_start3A_171 = arith.constant 0 : i32
          %dma_start3A_172 = arith.constant 0 : i32
          %dma_start3A_173 = tpu.memref_slice %arg10[%dma_start3A_171, %dma_start3A_172] : memref<2x128xi32, #tpu.memory_space<vmem>> -> memref<1x128xi32, #tpu.memory_space<vmem>>
          %dma_start3A_174 = tpu.memref_squeeze %dma_start3A_173 : memref<1x128xi32, #tpu.memory_space<vmem>> -> memref<128xi32, #tpu.memory_space<vmem>>
          %dma_start3A_175 = arith.constant 0 : i32
          %dma_start3A_176 = arith.constant 0 : i32
          %dma_start3A_177 = tpu.memref_slice %arg2[%dma_start3A_175, %dma_start3A_176] : memref<10240x128xf32, #tpu.memory_space<hbm>> -> memref<10240x128xf32, #tpu.memory_space<hbm>>
          tpu.enqueue_indirect_dma source(%dma_start3A_177 : memref<10240x128xf32, #tpu.memory_space<hbm>>) target(%arg12 : memref<128x128xf32, #tpu.memory_space<vmem>>) offsets(%dma_start3A_174 : memref<128xi32, #tpu.memory_space<vmem>>) semaphore(%arg15 : memref<!tpu.dma_semaphore, #tpu.memory_space<semaphore_mem>>)
        } else {
        }
        %mul3A_104 = arith.constant 4 : i32
        %mul3A_105 = arith.muli %mul3A_104, %scan3A_50 : i32
        %add3A_106 = arith.constant 2 : i32
        %add3A_107 = arith.addi %mul3A_105, %add3A_106 : i32
        %add3A_108 = arith.constant 0 : i32
        %add3A_109 = arith.addi %add3A_107, %add3A_108 : i32
        %add3A_110 = arith.constant 2 : i32
        %add3A_111 = arith.addi %add3A_109, %add3A_110 : i32
        %add3A_112 = arith.constant 4 : i32
        %add3A_113 = arith.addi %add3A_109, %add3A_112 : i32
        %dma_wait3A_114 = arith.constant 0 : i32
        %dma_wait3A_115 = arith.constant 0 : i32
        %dma_wait3A_116 = tpu.memref_slice %arg8[%dma_wait3A_114, %dma_wait3A_115] : memref<2x128xi32, #tpu.memory_space<vmem>> -> memref<1x128xi32, #tpu.memory_space<vmem>>
        %dma_wait3A_117 = tpu.memref_squeeze %dma_wait3A_116 : memref<1x128xi32, #tpu.memory_space<vmem>> -> memref<128xi32, #tpu.memory_space<vmem>>
        %dma_wait3A_118 = arith.constant 0 : i32
        %dma_wait3A_119 = arith.constant 0 : i32
        %dma_wait3A_120 = tpu.memref_slice %arg2[%dma_wait3A_118, %dma_wait3A_119] : memref<10240x128xf32, #tpu.memory_space<hbm>> -> memref<10240x128xf32, #tpu.memory_space<hbm>>
        tpu.wait_indirect_dma semaphore(%arg14 : memref<!tpu.dma_semaphore, #tpu.memory_space<semaphore_mem>>) src(%dma_wait3A_120 : memref<10240x128xf32, #tpu.memory_space<hbm>>) dst(%arg11 : memref<128x128xf32, #tpu.memory_space<vmem>>)
        %run_scoped3A_121 = arith.constant 1 : i32
        "tpu.region"() ({
          %run_scoped3A_160 = tpu.sem_alloc : memref<!tpu.dma_semaphore, #tpu.memory_space<semaphore_mem>>
          %dma_start3A_161 = arith.constant 0 : i32
          %dma_start3A_162 = tpu.memref_slice %arg8[%run_scoped3A_121, %dma_start3A_161] : memref<2x128xi32, #tpu.memory_space<vmem>> -> memref<1x128xi32, #tpu.memory_space<vmem>>
          %dma_start3A_163 = tpu.memref_squeeze %dma_start3A_162 : memref<1x128xi32, #tpu.memory_space<vmem>> -> memref<128xi32, #tpu.memory_space<vmem>>
          %dma_start3A_164 = arith.constant 0 : i32
          %dma_start3A_165 = arith.constant 0 : i32
          %dma_start3A_166 = tpu.memref_slice %arg13[%dma_start3A_164, %dma_start3A_165] : memref<10240x128xf32, #tpu.memory_space<vmem_shared>> -> memref<10240x128xf32, #tpu.memory_space<vmem_shared>>
          tpu.enqueue_indirect_dma source(%arg11 : memref<128x128xf32, #tpu.memory_space<vmem>>) target(%dma_start3A_166 : memref<10240x128xf32, #tpu.memory_space<vmem_shared>>) offsets(%dma_start3A_163 : memref<128xi32, #tpu.memory_space<vmem>>) semaphore(%run_scoped3A_160 : memref<!tpu.dma_semaphore, #tpu.memory_space<semaphore_mem>>) {add = true}
          %dma_wait3A_167 = arith.constant 0 : i32
          %dma_wait3A_168 = tpu.memref_slice %arg8[%run_scoped3A_121, %dma_wait3A_167] : memref<2x128xi32, #tpu.memory_space<vmem>> -> memref<1x128xi32, #tpu.memory_space<vmem>>
          %dma_wait3A_169 = tpu.memref_squeeze %dma_wait3A_168 : memref<1x128xi32, #tpu.memory_space<vmem>> -> memref<128xi32, #tpu.memory_space<vmem>>
          %dma_wait3A_170 = arith.constant 0 : i32
          %dma_wait3A_171 = arith.constant 0 : i32
          %dma_wait3A_172 = tpu.memref_slice %arg13[%dma_wait3A_170, %dma_wait3A_171] : memref<10240x128xf32, #tpu.memory_space<vmem_shared>> -> memref<10240x128xf32, #tpu.memory_space<vmem_shared>>
          tpu.wait_indirect_dma semaphore(%run_scoped3A_160 : memref<!tpu.dma_semaphore, #tpu.memory_space<semaphore_mem>>) src(%arg11 : memref<128x128xf32, #tpu.memory_space<vmem>>) dst(%dma_wait3A_172 : memref<10240x128xf32, #tpu.memory_space<vmem_shared>>)
          tpu.yield
        }) : () -> ()
        %lt3A_122 = arith.constant 160 : i32
        %lt3A_123 = arith.cmpi slt, %add3A_113, %lt3A_122 : i32
        %convert_element_type3A_124 = arith.extui %lt3A_123 : i1 to i32
        %cond3A_125 = arith.constant 0 : i32
        %cond3A_126 = arith.cmpi ne, %convert_element_type3A_124, %cond3A_125 : i32
        scf.if %cond3A_126 {
          %mul3A_160 = arith.constant 16 : i32
          %mul3A_161 = arith.muli %add3A_113, %mul3A_160 : i32
          %add3A_162 = arith.addi %mul3A_161, %arg1 : i32
          %dma_start3A_163 = arith.constant 0 : i32
          %dma_start3A_164 = arith.constant 0 : i32
          %dma_start3A_165 = tpu.memref_slice %arg4[%add3A_162, %dma_start3A_163, %dma_start3A_164] : memref<2560x2x128xi32, #tpu.memory_space<hbm>> -> memref<1x2x128xi32, #tpu.memory_space<hbm>>
          %dma_start3A_166 = tpu.memref_squeeze %dma_start3A_165 : memref<1x2x128xi32, #tpu.memory_space<hbm>> -> memref<2x128xi32, #tpu.memory_space<hbm>>
          %dma_start3A_167 = arith.constant 0 : i32
          %dma_start3A_168 = arith.constant 0 : i32
          %dma_start3A_169 = tpu.memref_slice %arg4[%add3A_162, %dma_start3A_167, %dma_start3A_168] : memref<2560x2x128xi32, #tpu.memory_space<hbm>> -> memref<1x2x128xi32, #tpu.memory_space<hbm>>
          %dma_start3A_170 = tpu.memref_squeeze %dma_start3A_169 : memref<1x2x128xi32, #tpu.memory_space<hbm>> -> memref<2x128xi32, #tpu.memory_space<hbm>>
          tpu.enqueue_dma source(%dma_start3A_170 : memref<2x128xi32, #tpu.memory_space<hbm>>) target(%arg8 : memref<2x128xi32, #tpu.memory_space<vmem>>) target_semaphore(%arg17 : memref<!tpu.dma_semaphore, #tpu.memory_space<semaphore_mem>>)
        } else {
        }
        %lt3A_127 = arith.constant 160 : i32
        %lt3A_128 = arith.cmpi slt, %add3A_111, %lt3A_127 : i32
        %convert_element_type3A_129 = arith.extui %lt3A_128 : i1 to i32
        %cond3A_130 = arith.constant 0 : i32
        %cond3A_131 = arith.cmpi ne, %convert_element_type3A_129, %cond3A_130 : i32
        scf.if %cond3A_131 {
          %mul3A_160 = arith.constant 16 : i32
          %mul3A_161 = arith.muli %add3A_111, %mul3A_160 : i32
          %add3A_162 = arith.addi %mul3A_161, %arg1 : i32
          %dma_wait3A_163 = arith.constant 0 : i32
          %dma_wait3A_164 = arith.constant 0 : i32
          %dma_wait3A_165 = tpu.memref_slice %arg4[%add3A_162, %dma_wait3A_163, %dma_wait3A_164] : memref<2560x2x128xi32, #tpu.memory_space<hbm>> -> memref<1x2x128xi32, #tpu.memory_space<hbm>>
          %dma_wait3A_166 = tpu.memref_squeeze %dma_wait3A_165 : memref<1x2x128xi32, #tpu.memory_space<hbm>> -> memref<2x128xi32, #tpu.memory_space<hbm>>
          %dma_wait3A_167 = arith.constant 0 : i32
          %dma_wait3A_168 = arith.constant 0 : i32
          %dma_wait3A_169 = tpu.memref_slice %arg4[%add3A_162, %dma_wait3A_167, %dma_wait3A_168] : memref<2560x2x128xi32, #tpu.memory_space<hbm>> -> memref<1x2x128xi32, #tpu.memory_space<hbm>>
          %dma_wait3A_170 = tpu.memref_squeeze %dma_wait3A_169 : memref<1x2x128xi32, #tpu.memory_space<hbm>> -> memref<2x128xi32, #tpu.memory_space<hbm>>
          tpu.wait_dma2 semaphore(%arg16 : memref<!tpu.dma_semaphore, #tpu.memory_space<semaphore_mem>>) src(%dma_wait3A_170 : memref<2x128xi32, #tpu.memory_space<hbm>>) dst(%arg7 : memref<2x128xi32, #tpu.memory_space<vmem>>)
          %dma_start3A_171 = arith.constant 0 : i32
          %dma_start3A_172 = arith.constant 0 : i32
          %dma_start3A_173 = tpu.memref_slice %arg7[%dma_start3A_171, %dma_start3A_172] : memref<2x128xi32, #tpu.memory_space<vmem>> -> memref<1x128xi32, #tpu.memory_space<vmem>>
          %dma_start3A_174 = tpu.memref_squeeze %dma_start3A_173 : memref<1x128xi32, #tpu.memory_space<vmem>> -> memref<128xi32, #tpu.memory_space<vmem>>
          %dma_start3A_175 = arith.constant 0 : i32
          %dma_start3A_176 = arith.constant 0 : i32
          %dma_start3A_177 = tpu.memref_slice %arg2[%dma_start3A_175, %dma_start3A_176] : memref<10240x128xf32, #tpu.memory_space<hbm>> -> memref<10240x128xf32, #tpu.memory_space<hbm>>
          tpu.enqueue_indirect_dma source(%dma_start3A_177 : memref<10240x128xf32, #tpu.memory_space<hbm>>) target(%arg11 : memref<128x128xf32, #tpu.memory_space<vmem>>) offsets(%dma_start3A_174 : memref<128xi32, #tpu.memory_space<vmem>>) semaphore(%arg14 : memref<!tpu.dma_semaphore, #tpu.memory_space<semaphore_mem>>)
        } else {
        }
        %mul3A_132 = arith.constant 4 : i32
        %mul3A_133 = arith.muli %mul3A_132, %scan3A_50 : i32
        %add3A_134 = arith.constant 2 : i32
        %add3A_135 = arith.addi %mul3A_133, %add3A_134 : i32
        %add3A_136 = arith.constant 1 : i32
        %add3A_137 = arith.addi %add3A_135, %add3A_136 : i32
        %add3A_138 = arith.constant 2 : i32
        %add3A_139 = arith.addi %add3A_137, %add3A_138 : i32
        %add3A_140 = arith.constant 4 : i32
        %add3A_141 = arith.addi %add3A_137, %add3A_140 : i32
        %dma_wait3A_142 = arith.constant 0 : i32
        %dma_wait3A_143 = arith.constant 0 : i32
        %dma_wait3A_144 = tpu.memref_slice %arg10[%dma_wait3A_142, %dma_wait3A_143] : memref<2x128xi32, #tpu.memory_space<vmem>> -> memref<1x128xi32, #tpu.memory_space<vmem>>
        %dma_wait3A_145 = tpu.memref_squeeze %dma_wait3A_144 : memref<1x128xi32, #tpu.memory_space<vmem>> -> memref<128xi32, #tpu.memory_space<vmem>>
        %dma_wait3A_146 = arith.constant 0 : i32
        %dma_wait3A_147 = arith.constant 0 : i32
        %dma_wait3A_148 = tpu.memref_slice %arg2[%dma_wait3A_146, %dma_wait3A_147] : memref<10240x128xf32, #tpu.memory_space<hbm>> -> memref<10240x128xf32, #tpu.memory_space<hbm>>
        tpu.wait_indirect_dma semaphore(%arg15 : memref<!tpu.dma_semaphore, #tpu.memory_space<semaphore_mem>>) src(%dma_wait3A_148 : memref<10240x128xf32, #tpu.memory_space<hbm>>) dst(%arg12 : memref<128x128xf32, #tpu.memory_space<vmem>>)
        %run_scoped3A_149 = arith.constant 1 : i32
        "tpu.region"() ({
          %run_scoped3A_160 = tpu.sem_alloc : memref<!tpu.dma_semaphore, #tpu.memory_space<semaphore_mem>>
          %dma_start3A_161 = arith.constant 0 : i32
          %dma_start3A_162 = tpu.memref_slice %arg10[%run_scoped3A_149, %dma_start3A_161] : memref<2x128xi32, #tpu.memory_space<vmem>> -> memref<1x128xi32, #tpu.memory_space<vmem>>
          %dma_start3A_163 = tpu.memref_squeeze %dma_start3A_162 : memref<1x128xi32, #tpu.memory_space<vmem>> -> memref<128xi32, #tpu.memory_space<vmem>>
          %dma_start3A_164 = arith.constant 0 : i32
          %dma_start3A_165 = arith.constant 0 : i32
          %dma_start3A_166 = tpu.memref_slice %arg13[%dma_start3A_164, %dma_start3A_165] : memref<10240x128xf32, #tpu.memory_space<vmem_shared>> -> memref<10240x128xf32, #tpu.memory_space<vmem_shared>>
          tpu.enqueue_indirect_dma source(%arg12 : memref<128x128xf32, #tpu.memory_space<vmem>>) target(%dma_start3A_166 : memref<10240x128xf32, #tpu.memory_space<vmem_shared>>) offsets(%dma_start3A_163 : memref<128xi32, #tpu.memory_space<vmem>>) semaphore(%run_scoped3A_160 : memref<!tpu.dma_semaphore, #tpu.memory_space<semaphore_mem>>) {add = true}
          %dma_wait3A_167 = arith.constant 0 : i32
          %dma_wait3A_168 = tpu.memref_slice %arg10[%run_scoped3A_149, %dma_wait3A_167] : memref<2x128xi32, #tpu.memory_space<vmem>> -> memref<1x128xi32, #tpu.memory_space<vmem>>
          %dma_wait3A_169 = tpu.memref_squeeze %dma_wait3A_168 : memref<1x128xi32, #tpu.memory_space<vmem>> -> memref<128xi32, #tpu.memory_space<vmem>>
          %dma_wait3A_170 = arith.constant 0 : i32
          %dma_wait3A_171 = arith.constant 0 : i32
          %dma_wait3A_172 = tpu.memref_slice %arg13[%dma_wait3A_170, %dma_wait3A_171] : memref<10240x128xf32, #tpu.memory_space<vmem_shared>> -> memref<10240x128xf32, #tpu.memory_space<vmem_shared>>
          tpu.wait_indirect_dma semaphore(%run_scoped3A_160 : memref<!tpu.dma_semaphore, #tpu.memory_space<semaphore_mem>>) src(%arg12 : memref<128x128xf32, #tpu.memory_space<vmem>>) dst(%dma_wait3A_172 : memref<10240x128xf32, #tpu.memory_space<vmem_shared>>)
          tpu.yield
        }) : () -> ()
        %lt3A_150 = arith.constant 160 : i32
        %lt3A_151 = arith.cmpi slt, %add3A_141, %lt3A_150 : i32
        %convert_element_type3A_152 = arith.extui %lt3A_151 : i1 to i32
        %cond3A_153 = arith.constant 0 : i32
        %cond3A_154 = arith.cmpi ne, %convert_element_type3A_152, %cond3A_153 : i32
        scf.if %cond3A_154 {
          %mul3A_160 = arith.constant 16 : i32
          %mul3A_161 = arith.muli %add3A_141, %mul3A_160 : i32
          %add3A_162 = arith.addi %mul3A_161, %arg1 : i32
          %dma_start3A_163 = arith.constant 0 : i32
          %dma_start3A_164 = arith.constant 0 : i32
          %dma_start3A_165 = tpu.memref_slice %arg4[%add3A_162, %dma_start3A_163, %dma_start3A_164] : memref<2560x2x128xi32, #tpu.memory_space<hbm>> -> memref<1x2x128xi32, #tpu.memory_space<hbm>>
          %dma_start3A_166 = tpu.memref_squeeze %dma_start3A_165 : memref<1x2x128xi32, #tpu.memory_space<hbm>> -> memref<2x128xi32, #tpu.memory_space<hbm>>
          %dma_start3A_167 = arith.constant 0 : i32
          %dma_start3A_168 = arith.constant 0 : i32
          %dma_start3A_169 = tpu.memref_slice %arg4[%add3A_162, %dma_start3A_167, %dma_start3A_168] : memref<2560x2x128xi32, #tpu.memory_space<hbm>> -> memref<1x2x128xi32, #tpu.memory_space<hbm>>
          %dma_start3A_170 = tpu.memref_squeeze %dma_start3A_169 : memref<1x2x128xi32, #tpu.memory_space<hbm>> -> memref<2x128xi32, #tpu.memory_space<hbm>>
          tpu.enqueue_dma source(%dma_start3A_170 : memref<2x128xi32, #tpu.memory_space<hbm>>) target(%arg10 : memref<2x128xi32, #tpu.memory_space<vmem>>) target_semaphore(%arg19 : memref<!tpu.dma_semaphore, #tpu.memory_space<semaphore_mem>>)
        } else {
        }
        %lt3A_155 = arith.constant 160 : i32
        %lt3A_156 = arith.cmpi slt, %add3A_139, %lt3A_155 : i32
        %convert_element_type3A_157 = arith.extui %lt3A_156 : i1 to i32
        %cond3A_158 = arith.constant 0 : i32
        %cond3A_159 = arith.cmpi ne, %convert_element_type3A_157, %cond3A_158 : i32
        scf.if %cond3A_159 {
          %mul3A_160 = arith.constant 16 : i32
          %mul3A_161 = arith.muli %add3A_139, %mul3A_160 : i32
          %add3A_162 = arith.addi %mul3A_161, %arg1 : i32
          %dma_wait3A_163 = arith.constant 0 : i32
          %dma_wait3A_164 = arith.constant 0 : i32
          %dma_wait3A_165 = tpu.memref_slice %arg4[%add3A_162, %dma_wait3A_163, %dma_wait3A_164] : memref<2560x2x128xi32, #tpu.memory_space<hbm>> -> memref<1x2x128xi32, #tpu.memory_space<hbm>>
          %dma_wait3A_166 = tpu.memref_squeeze %dma_wait3A_165 : memref<1x2x128xi32, #tpu.memory_space<hbm>> -> memref<2x128xi32, #tpu.memory_space<hbm>>
          %dma_wait3A_167 = arith.constant 0 : i32
          %dma_wait3A_168 = arith.constant 0 : i32
          %dma_wait3A_169 = tpu.memref_slice %arg4[%add3A_162, %dma_wait3A_167, %dma_wait3A_168] : memref<2560x2x128xi32, #tpu.memory_space<hbm>> -> memref<1x2x128xi32, #tpu.memory_space<hbm>>
          %dma_wait3A_170 = tpu.memref_squeeze %dma_wait3A_169 : memref<1x2x128xi32, #tpu.memory_space<hbm>> -> memref<2x128xi32, #tpu.memory_space<hbm>>
          tpu.wait_dma2 semaphore(%arg18 : memref<!tpu.dma_semaphore, #tpu.memory_space<semaphore_mem>>) src(%dma_wait3A_170 : memref<2x128xi32, #tpu.memory_space<hbm>>) dst(%arg9 : memref<2x128xi32, #tpu.memory_space<vmem>>)
          %dma_start3A_171 = arith.constant 0 : i32
          %dma_start3A_172 = arith.constant 0 : i32
          %dma_start3A_173 = tpu.memref_slice %arg9[%dma_start3A_171, %dma_start3A_172] : memref<2x128xi32, #tpu.memory_space<vmem>> -> memref<1x128xi32, #tpu.memory_space<vmem>>
          %dma_start3A_174 = tpu.memref_squeeze %dma_start3A_173 : memref<1x128xi32, #tpu.memory_space<vmem>> -> memref<128xi32, #tpu.memory_space<vmem>>
          %dma_start3A_175 = arith.constant 0 : i32
          %dma_start3A_176 = arith.constant 0 : i32
          %dma_start3A_177 = tpu.memref_slice %arg2[%dma_start3A_175, %dma_start3A_176] : memref<10240x128xf32, #tpu.memory_space<hbm>> -> memref<10240x128xf32, #tpu.memory_space<hbm>>
          tpu.enqueue_indirect_dma source(%dma_start3A_177 : memref<10240x128xf32, #tpu.memory_space<hbm>>) target(%arg12 : memref<128x128xf32, #tpu.memory_space<vmem>>) offsets(%dma_start3A_174 : memref<128xi32, #tpu.memory_space<vmem>>) semaphore(%arg15 : memref<!tpu.dma_semaphore, #tpu.memory_space<semaphore_mem>>)
        } else {
        }
      }
      %scan3A_48 = arith.constant 40 : i32
      %barrier3A_49 = arith.constant 0 : index
      tpu.barrier barrier_id(%barrier3A_49)
      "tpu.region"() ({
        %run_scoped3A = tpu.sem_alloc : memref<!tpu.dma_semaphore, #tpu.memory_space<semaphore_mem>>
        %dma_start3A_50 = arith.constant 0 : i32
        %dma_start3A_51 = tpu.memref_slice %arg5[%mul3A_0, %dma_start3A_50] : memref<10240x128xf32, #tpu.memory_space<hbm>> -> memref<640x128xf32, #tpu.memory_space<hbm>>
        %dma_start3A_52 = arith.constant 0 : i32
        %dma_start3A_53 = tpu.memref_slice %arg13[%mul3A_0, %dma_start3A_52] : memref<10240x128xf32, #tpu.memory_space<vmem_shared>> -> memref<640x128xf32, #tpu.memory_space<vmem_shared>>
        tpu.enqueue_dma source(%dma_start3A_53 : memref<640x128xf32, #tpu.memory_space<vmem_shared>>) target(%dma_start3A_51 : memref<640x128xf32, #tpu.memory_space<hbm>>) target_semaphore(%run_scoped3A : memref<!tpu.dma_semaphore, #tpu.memory_space<semaphore_mem>>)
        %dma_wait3A = arith.constant 0 : i32
        %dma_wait3A_54 = tpu.memref_slice %arg5[%mul3A_0, %dma_wait3A] : memref<10240x128xf32, #tpu.memory_space<hbm>> -> memref<640x128xf32, #tpu.memory_space<hbm>>
        %dma_wait3A_55 = arith.constant 0 : i32
        %dma_wait3A_56 = tpu.memref_slice %arg13[%mul3A_0, %dma_wait3A_55] : memref<10240x128xf32, #tpu.memory_space<vmem_shared>> -> memref<640x128xf32, #tpu.memory_space<vmem_shared>>
        tpu.wait_dma2 semaphore(%run_scoped3A : memref<!tpu.dma_semaphore, #tpu.memory_space<semaphore_mem>>) src(%dma_wait3A_56 : memref<640x128xf32, #tpu.memory_space<vmem_shared>>) dst(%dma_wait3A_54 : memref<640x128xf32, #tpu.memory_space<hbm>>)
        tpu.yield
      }) : () -> ()
    } else {
    }
    %eq3A_3 = arith.constant 1 : i32
    %eq3A_4 = arith.cmpi eq, %arg0, %eq3A_3 : i32
    %convert_element_type3A_5 = arith.extui %eq3A_4 : i1 to i32
    %cond3A_6 = arith.constant 0 : i32
    %cond3A_7 = arith.cmpi ne, %convert_element_type3A_5, %cond3A_6 : i32
    scf.if %cond3A_7 {
      "tpu.region"() ({
        %run_scoped3A = tpu.sem_alloc : memref<!tpu.dma_semaphore, #tpu.memory_space<semaphore_mem>>
        %dma_start3A_50 = arith.constant 0 : i32
        %dma_start3A_51 = tpu.memref_slice %arg13[%mul3A_0, %dma_start3A_50] : memref<10240x128xf32, #tpu.memory_space<vmem_shared>> -> memref<640x128xf32, #tpu.memory_space<vmem_shared>>
        %dma_start3A_52 = arith.constant 0 : i32
        %dma_start3A_53 = tpu.memref_slice %arg3[%mul3A_0, %dma_start3A_52] : memref<10240x128xf32, #tpu.memory_space<hbm>> -> memref<640x128xf32, #tpu.memory_space<hbm>>
        tpu.enqueue_dma source(%dma_start3A_53 : memref<640x128xf32, #tpu.memory_space<hbm>>) target(%dma_start3A_51 : memref<640x128xf32, #tpu.memory_space<vmem_shared>>) target_semaphore(%run_scoped3A : memref<!tpu.dma_semaphore, #tpu.memory_space<semaphore_mem>>)
        %dma_wait3A = arith.constant 0 : i32
        %dma_wait3A_54 = tpu.memref_slice %arg13[%mul3A_0, %dma_wait3A] : memref<10240x128xf32, #tpu.memory_space<vmem_shared>> -> memref<640x128xf32, #tpu.memory_space<vmem_shared>>
        %dma_wait3A_55 = arith.constant 0 : i32
        %dma_wait3A_56 = tpu.memref_slice %arg3[%mul3A_0, %dma_wait3A_55] : memref<10240x128xf32, #tpu.memory_space<hbm>> -> memref<640x128xf32, #tpu.memory_space<hbm>>
        tpu.wait_dma2 semaphore(%run_scoped3A : memref<!tpu.dma_semaphore, #tpu.memory_space<semaphore_mem>>) src(%dma_wait3A_56 : memref<640x128xf32, #tpu.memory_space<hbm>>) dst(%dma_wait3A_54 : memref<640x128xf32, #tpu.memory_space<vmem_shared>>)
        tpu.yield
      }) : () -> ()
      %barrier3A = arith.constant 0 : index
      tpu.barrier barrier_id(%barrier3A)
      %add3A = arith.constant 0 : i32
      %add3A_8 = arith.addi %add3A, %arg1 : i32
      "tpu.region"() ({
        %run_scoped3A = tpu.sem_alloc : memref<!tpu.dma_semaphore, #tpu.memory_space<semaphore_mem>>
        %dma_start3A_50 = arith.constant 0 : i32
        %dma_start3A_51 = arith.constant 0 : i32
        %dma_start3A_52 = tpu.memref_slice %arg4[%add3A_8, %dma_start3A_50, %dma_start3A_51] : memref<2560x2x128xi32, #tpu.memory_space<hbm>> -> memref<1x2x128xi32, #tpu.memory_space<hbm>>
        %dma_start3A_53 = tpu.memref_squeeze %dma_start3A_52 : memref<1x2x128xi32, #tpu.memory_space<hbm>> -> memref<2x128xi32, #tpu.memory_space<hbm>>
        %dma_start3A_54 = arith.constant 0 : i32
        %dma_start3A_55 = arith.constant 0 : i32
        %dma_start3A_56 = tpu.memref_slice %arg4[%add3A_8, %dma_start3A_54, %dma_start3A_55] : memref<2560x2x128xi32, #tpu.memory_space<hbm>> -> memref<1x2x128xi32, #tpu.memory_space<hbm>>
        %dma_start3A_57 = tpu.memref_squeeze %dma_start3A_56 : memref<1x2x128xi32, #tpu.memory_space<hbm>> -> memref<2x128xi32, #tpu.memory_space<hbm>>
        tpu.enqueue_dma source(%dma_start3A_57 : memref<2x128xi32, #tpu.memory_space<hbm>>) target(%arg7 : memref<2x128xi32, #tpu.memory_space<vmem>>) target_semaphore(%run_scoped3A : memref<!tpu.dma_semaphore, #tpu.memory_space<semaphore_mem>>)
        %dma_wait3A = arith.constant 0 : i32
        %dma_wait3A_58 = arith.constant 0 : i32
        %dma_wait3A_59 = tpu.memref_slice %arg4[%add3A_8, %dma_wait3A, %dma_wait3A_58] : memref<2560x2x128xi32, #tpu.memory_space<hbm>> -> memref<1x2x128xi32, #tpu.memory_space<hbm>>
        %dma_wait3A_60 = tpu.memref_squeeze %dma_wait3A_59 : memref<1x2x128xi32, #tpu.memory_space<hbm>> -> memref<2x128xi32, #tpu.memory_space<hbm>>
        %dma_wait3A_61 = arith.constant 0 : i32
        %dma_wait3A_62 = arith.constant 0 : i32
        %dma_wait3A_63 = tpu.memref_slice %arg4[%add3A_8, %dma_wait3A_61, %dma_wait3A_62] : memref<2560x2x128xi32, #tpu.memory_space<hbm>> -> memref<1x2x128xi32, #tpu.memory_space<hbm>>
        %dma_wait3A_64 = tpu.memref_squeeze %dma_wait3A_63 : memref<1x2x128xi32, #tpu.memory_space<hbm>> -> memref<2x128xi32, #tpu.memory_space<hbm>>
        tpu.wait_dma2 semaphore(%run_scoped3A : memref<!tpu.dma_semaphore, #tpu.memory_space<semaphore_mem>>) src(%dma_wait3A_64 : memref<2x128xi32, #tpu.memory_space<hbm>>) dst(%arg7 : memref<2x128xi32, #tpu.memory_space<vmem>>)
        tpu.yield
      }) : () -> ()
      %dma_start3A = arith.constant 0 : i32
      %dma_start3A_9 = arith.constant 0 : i32
      %dma_start3A_10 = tpu.memref_slice %arg7[%dma_start3A, %dma_start3A_9] : memref<2x128xi32, #tpu.memory_space<vmem>> -> memref<1x128xi32, #tpu.memory_space<vmem>>
      %dma_start3A_11 = tpu.memref_squeeze %dma_start3A_10 : memref<1x128xi32, #tpu.memory_space<vmem>> -> memref<128xi32, #tpu.memory_space<vmem>>
      %dma_start3A_12 = arith.constant 0 : i32
      %dma_start3A_13 = arith.constant 0 : i32
      %dma_start3A_14 = tpu.memref_slice %arg3[%dma_start3A_12, %dma_start3A_13] : memref<10240x128xf32, #tpu.memory_space<hbm>> -> memref<10240x128xf32, #tpu.memory_space<hbm>>
      tpu.enqueue_indirect_dma source(%dma_start3A_14 : memref<10240x128xf32, #tpu.memory_space<hbm>>) target(%arg11 : memref<128x128xf32, #tpu.memory_space<vmem>>) offsets(%dma_start3A_11 : memref<128xi32, #tpu.memory_space<vmem>>) semaphore(%arg14 : memref<!tpu.dma_semaphore, #tpu.memory_space<semaphore_mem>>)
      %add3A_15 = arith.constant 16 : i32
      %add3A_16 = arith.addi %add3A_15, %arg1 : i32
      "tpu.region"() ({
        %run_scoped3A = tpu.sem_alloc : memref<!tpu.dma_semaphore, #tpu.memory_space<semaphore_mem>>
        %dma_start3A_50 = arith.constant 0 : i32
        %dma_start3A_51 = arith.constant 0 : i32
        %dma_start3A_52 = tpu.memref_slice %arg4[%add3A_16, %dma_start3A_50, %dma_start3A_51] : memref<2560x2x128xi32, #tpu.memory_space<hbm>> -> memref<1x2x128xi32, #tpu.memory_space<hbm>>
        %dma_start3A_53 = tpu.memref_squeeze %dma_start3A_52 : memref<1x2x128xi32, #tpu.memory_space<hbm>> -> memref<2x128xi32, #tpu.memory_space<hbm>>
        %dma_start3A_54 = arith.constant 0 : i32
        %dma_start3A_55 = arith.constant 0 : i32
        %dma_start3A_56 = tpu.memref_slice %arg4[%add3A_16, %dma_start3A_54, %dma_start3A_55] : memref<2560x2x128xi32, #tpu.memory_space<hbm>> -> memref<1x2x128xi32, #tpu.memory_space<hbm>>
        %dma_start3A_57 = tpu.memref_squeeze %dma_start3A_56 : memref<1x2x128xi32, #tpu.memory_space<hbm>> -> memref<2x128xi32, #tpu.memory_space<hbm>>
        tpu.enqueue_dma source(%dma_start3A_57 : memref<2x128xi32, #tpu.memory_space<hbm>>) target(%arg9 : memref<2x128xi32, #tpu.memory_space<vmem>>) target_semaphore(%run_scoped3A : memref<!tpu.dma_semaphore, #tpu.memory_space<semaphore_mem>>)
        %dma_wait3A = arith.constant 0 : i32
        %dma_wait3A_58 = arith.constant 0 : i32
        %dma_wait3A_59 = tpu.memref_slice %arg4[%add3A_16, %dma_wait3A, %dma_wait3A_58] : memref<2560x2x128xi32, #tpu.memory_space<hbm>> -> memref<1x2x128xi32, #tpu.memory_space<hbm>>
        %dma_wait3A_60 = tpu.memref_squeeze %dma_wait3A_59 : memref<1x2x128xi32, #tpu.memory_space<hbm>> -> memref<2x128xi32, #tpu.memory_space<hbm>>
        %dma_wait3A_61 = arith.constant 0 : i32
        %dma_wait3A_62 = arith.constant 0 : i32
        %dma_wait3A_63 = tpu.memref_slice %arg4[%add3A_16, %dma_wait3A_61, %dma_wait3A_62] : memref<2560x2x128xi32, #tpu.memory_space<hbm>> -> memref<1x2x128xi32, #tpu.memory_space<hbm>>
        %dma_wait3A_64 = tpu.memref_squeeze %dma_wait3A_63 : memref<1x2x128xi32, #tpu.memory_space<hbm>> -> memref<2x128xi32, #tpu.memory_space<hbm>>
        tpu.wait_dma2 semaphore(%run_scoped3A : memref<!tpu.dma_semaphore, #tpu.memory_space<semaphore_mem>>) src(%dma_wait3A_64 : memref<2x128xi32, #tpu.memory_space<hbm>>) dst(%arg9 : memref<2x128xi32, #tpu.memory_space<vmem>>)
        tpu.yield
      }) : () -> ()
      %dma_start3A_17 = arith.constant 0 : i32
      %dma_start3A_18 = arith.constant 0 : i32
      %dma_start3A_19 = tpu.memref_slice %arg9[%dma_start3A_17, %dma_start3A_18] : memref<2x128xi32, #tpu.memory_space<vmem>> -> memref<1x128xi32, #tpu.memory_space<vmem>>
      %dma_start3A_20 = tpu.memref_squeeze %dma_start3A_19 : memref<1x128xi32, #tpu.memory_space<vmem>> -> memref<128xi32, #tpu.memory_space<vmem>>
      %dma_start3A_21 = arith.constant 0 : i32
      %dma_start3A_22 = arith.constant 0 : i32
      %dma_start3A_23 = tpu.memref_slice %arg3[%dma_start3A_21, %dma_start3A_22] : memref<10240x128xf32, #tpu.memory_space<hbm>> -> memref<10240x128xf32, #tpu.memory_space<hbm>>
      tpu.enqueue_indirect_dma source(%dma_start3A_23 : memref<10240x128xf32, #tpu.memory_space<hbm>>) target(%arg12 : memref<128x128xf32, #tpu.memory_space<vmem>>) offsets(%dma_start3A_20 : memref<128xi32, #tpu.memory_space<vmem>>) semaphore(%arg15 : memref<!tpu.dma_semaphore, #tpu.memory_space<semaphore_mem>>)
      %add3A_24 = arith.constant 32 : i32
      %add3A_25 = arith.addi %add3A_24, %arg1 : i32
      %dma_start3A_26 = arith.constant 0 : i32
      %dma_start3A_27 = arith.constant 0 : i32
      %dma_start3A_28 = tpu.memref_slice %arg4[%add3A_25, %dma_start3A_26, %dma_start3A_27] : memref<2560x2x128xi32, #tpu.memory_space<hbm>> -> memref<1x2x128xi32, #tpu.memory_space<hbm>>
      %dma_start3A_29 = tpu.memref_squeeze %dma_start3A_28 : memref<1x2x128xi32, #tpu.memory_space<hbm>> -> memref<2x128xi32, #tpu.memory_space<hbm>>
      %dma_start3A_30 = arith.constant 0 : i32
      %dma_start3A_31 = arith.constant 0 : i32
      %dma_start3A_32 = tpu.memref_slice %arg4[%add3A_25, %dma_start3A_30, %dma_start3A_31] : memref<2560x2x128xi32, #tpu.memory_space<hbm>> -> memref<1x2x128xi32, #tpu.memory_space<hbm>>
      %dma_start3A_33 = tpu.memref_squeeze %dma_start3A_32 : memref<1x2x128xi32, #tpu.memory_space<hbm>> -> memref<2x128xi32, #tpu.memory_space<hbm>>
      tpu.enqueue_dma source(%dma_start3A_33 : memref<2x128xi32, #tpu.memory_space<hbm>>) target(%arg8 : memref<2x128xi32, #tpu.memory_space<vmem>>) target_semaphore(%arg17 : memref<!tpu.dma_semaphore, #tpu.memory_space<semaphore_mem>>)
      %add3A_34 = arith.constant 48 : i32
      %add3A_35 = arith.addi %add3A_34, %arg1 : i32
      %dma_start3A_36 = arith.constant 0 : i32
      %dma_start3A_37 = arith.constant 0 : i32
      %dma_start3A_38 = tpu.memref_slice %arg4[%add3A_35, %dma_start3A_36, %dma_start3A_37] : memref<2560x2x128xi32, #tpu.memory_space<hbm>> -> memref<1x2x128xi32, #tpu.memory_space<hbm>>
      %dma_start3A_39 = tpu.memref_squeeze %dma_start3A_38 : memref<1x2x128xi32, #tpu.memory_space<hbm>> -> memref<2x128xi32, #tpu.memory_space<hbm>>
      %dma_start3A_40 = arith.constant 0 : i32
      %dma_start3A_41 = arith.constant 0 : i32
      %dma_start3A_42 = tpu.memref_slice %arg4[%add3A_35, %dma_start3A_40, %dma_start3A_41] : memref<2560x2x128xi32, #tpu.memory_space<hbm>> -> memref<1x2x128xi32, #tpu.memory_space<hbm>>
      %dma_start3A_43 = tpu.memref_squeeze %dma_start3A_42 : memref<1x2x128xi32, #tpu.memory_space<hbm>> -> memref<2x128xi32, #tpu.memory_space<hbm>>
      tpu.enqueue_dma source(%dma_start3A_43 : memref<2x128xi32, #tpu.memory_space<hbm>>) target(%arg10 : memref<2x128xi32, #tpu.memory_space<vmem>>) target_semaphore(%arg19 : memref<!tpu.dma_semaphore, #tpu.memory_space<semaphore_mem>>)
      %scan3A = arith.constant 0 : i32
      %scan3A_44 = arith.constant 0 : i32
      %scan3A_45 = arith.constant 40 : i32
      %scan3A_46 = arith.addi %scan3A_44, %scan3A_45 : i32
      %scan3A_47 = arith.constant 1 : i32
      scf.for %scan3A_50 = %scan3A_44 to %scan3A_46 step %scan3A_47  : i32 {
        %mul3A_51 = arith.constant 4 : i32
        %mul3A_52 = arith.muli %mul3A_51, %scan3A_50 : i32
        %add3A_53 = arith.constant 0 : i32
        %add3A_54 = arith.addi %mul3A_52, %add3A_53 : i32
        %add3A_55 = arith.constant 0 : i32
        %add3A_56 = arith.addi %add3A_54, %add3A_55 : i32
        %add3A_57 = arith.constant 2 : i32
        %add3A_58 = arith.addi %add3A_56, %add3A_57 : i32
        %add3A_59 = arith.constant 4 : i32
        %add3A_60 = arith.addi %add3A_56, %add3A_59 : i32
        %dma_wait3A = arith.constant 0 : i32
        %dma_wait3A_61 = arith.constant 0 : i32
        %dma_wait3A_62 = tpu.memref_slice %arg7[%dma_wait3A, %dma_wait3A_61] : memref<2x128xi32, #tpu.memory_space<vmem>> -> memref<1x128xi32, #tpu.memory_space<vmem>>
        %dma_wait3A_63 = tpu.memref_squeeze %dma_wait3A_62 : memref<1x128xi32, #tpu.memory_space<vmem>> -> memref<128xi32, #tpu.memory_space<vmem>>
        %dma_wait3A_64 = arith.constant 0 : i32
        %dma_wait3A_65 = arith.constant 0 : i32
        %dma_wait3A_66 = tpu.memref_slice %arg3[%dma_wait3A_64, %dma_wait3A_65] : memref<10240x128xf32, #tpu.memory_space<hbm>> -> memref<10240x128xf32, #tpu.memory_space<hbm>>
        tpu.wait_indirect_dma semaphore(%arg14 : memref<!tpu.dma_semaphore, #tpu.memory_space<semaphore_mem>>) src(%dma_wait3A_66 : memref<10240x128xf32, #tpu.memory_space<hbm>>) dst(%arg11 : memref<128x128xf32, #tpu.memory_space<vmem>>)
        %run_scoped3A = arith.constant 1 : i32
        "tpu.region"() ({
          %run_scoped3A_160 = tpu.sem_alloc : memref<!tpu.dma_semaphore, #tpu.memory_space<semaphore_mem>>
          %dma_start3A_161 = arith.constant 0 : i32
          %dma_start3A_162 = tpu.memref_slice %arg7[%run_scoped3A, %dma_start3A_161] : memref<2x128xi32, #tpu.memory_space<vmem>> -> memref<1x128xi32, #tpu.memory_space<vmem>>
          %dma_start3A_163 = tpu.memref_squeeze %dma_start3A_162 : memref<1x128xi32, #tpu.memory_space<vmem>> -> memref<128xi32, #tpu.memory_space<vmem>>
          %dma_start3A_164 = arith.constant 0 : i32
          %dma_start3A_165 = arith.constant 0 : i32
          %dma_start3A_166 = tpu.memref_slice %arg13[%dma_start3A_164, %dma_start3A_165] : memref<10240x128xf32, #tpu.memory_space<vmem_shared>> -> memref<10240x128xf32, #tpu.memory_space<vmem_shared>>
          tpu.enqueue_indirect_dma source(%arg11 : memref<128x128xf32, #tpu.memory_space<vmem>>) target(%dma_start3A_166 : memref<10240x128xf32, #tpu.memory_space<vmem_shared>>) offsets(%dma_start3A_163 : memref<128xi32, #tpu.memory_space<vmem>>) semaphore(%run_scoped3A_160 : memref<!tpu.dma_semaphore, #tpu.memory_space<semaphore_mem>>) {add = true}
          %dma_wait3A_167 = arith.constant 0 : i32
          %dma_wait3A_168 = tpu.memref_slice %arg7[%run_scoped3A, %dma_wait3A_167] : memref<2x128xi32, #tpu.memory_space<vmem>> -> memref<1x128xi32, #tpu.memory_space<vmem>>
          %dma_wait3A_169 = tpu.memref_squeeze %dma_wait3A_168 : memref<1x128xi32, #tpu.memory_space<vmem>> -> memref<128xi32, #tpu.memory_space<vmem>>
          %dma_wait3A_170 = arith.constant 0 : i32
          %dma_wait3A_171 = arith.constant 0 : i32
          %dma_wait3A_172 = tpu.memref_slice %arg13[%dma_wait3A_170, %dma_wait3A_171] : memref<10240x128xf32, #tpu.memory_space<vmem_shared>> -> memref<10240x128xf32, #tpu.memory_space<vmem_shared>>
          tpu.wait_indirect_dma semaphore(%run_scoped3A_160 : memref<!tpu.dma_semaphore, #tpu.memory_space<semaphore_mem>>) src(%arg11 : memref<128x128xf32, #tpu.memory_space<vmem>>) dst(%dma_wait3A_172 : memref<10240x128xf32, #tpu.memory_space<vmem_shared>>)
          tpu.yield
        }) : () -> ()
        %lt3A = arith.constant 160 : i32
        %lt3A_67 = arith.cmpi slt, %add3A_60, %lt3A : i32
        %convert_element_type3A_68 = arith.extui %lt3A_67 : i1 to i32
        %cond3A_69 = arith.constant 0 : i32
        %cond3A_70 = arith.cmpi ne, %convert_element_type3A_68, %cond3A_69 : i32
        scf.if %cond3A_70 {
          %mul3A_160 = arith.constant 16 : i32
          %mul3A_161 = arith.muli %add3A_60, %mul3A_160 : i32
          %add3A_162 = arith.addi %mul3A_161, %arg1 : i32
          %dma_start3A_163 = arith.constant 0 : i32
          %dma_start3A_164 = arith.constant 0 : i32
          %dma_start3A_165 = tpu.memref_slice %arg4[%add3A_162, %dma_start3A_163, %dma_start3A_164] : memref<2560x2x128xi32, #tpu.memory_space<hbm>> -> memref<1x2x128xi32, #tpu.memory_space<hbm>>
          %dma_start3A_166 = tpu.memref_squeeze %dma_start3A_165 : memref<1x2x128xi32, #tpu.memory_space<hbm>> -> memref<2x128xi32, #tpu.memory_space<hbm>>
          %dma_start3A_167 = arith.constant 0 : i32
          %dma_start3A_168 = arith.constant 0 : i32
          %dma_start3A_169 = tpu.memref_slice %arg4[%add3A_162, %dma_start3A_167, %dma_start3A_168] : memref<2560x2x128xi32, #tpu.memory_space<hbm>> -> memref<1x2x128xi32, #tpu.memory_space<hbm>>
          %dma_start3A_170 = tpu.memref_squeeze %dma_start3A_169 : memref<1x2x128xi32, #tpu.memory_space<hbm>> -> memref<2x128xi32, #tpu.memory_space<hbm>>
          tpu.enqueue_dma source(%dma_start3A_170 : memref<2x128xi32, #tpu.memory_space<hbm>>) target(%arg7 : memref<2x128xi32, #tpu.memory_space<vmem>>) target_semaphore(%arg16 : memref<!tpu.dma_semaphore, #tpu.memory_space<semaphore_mem>>)
        } else {
        }
        %lt3A_71 = arith.constant 160 : i32
        %lt3A_72 = arith.cmpi slt, %add3A_58, %lt3A_71 : i32
        %convert_element_type3A_73 = arith.extui %lt3A_72 : i1 to i32
        %cond3A_74 = arith.constant 0 : i32
        %cond3A_75 = arith.cmpi ne, %convert_element_type3A_73, %cond3A_74 : i32
        scf.if %cond3A_75 {
          %mul3A_160 = arith.constant 16 : i32
          %mul3A_161 = arith.muli %add3A_58, %mul3A_160 : i32
          %add3A_162 = arith.addi %mul3A_161, %arg1 : i32
          %dma_wait3A_163 = arith.constant 0 : i32
          %dma_wait3A_164 = arith.constant 0 : i32
          %dma_wait3A_165 = tpu.memref_slice %arg4[%add3A_162, %dma_wait3A_163, %dma_wait3A_164] : memref<2560x2x128xi32, #tpu.memory_space<hbm>> -> memref<1x2x128xi32, #tpu.memory_space<hbm>>
          %dma_wait3A_166 = tpu.memref_squeeze %dma_wait3A_165 : memref<1x2x128xi32, #tpu.memory_space<hbm>> -> memref<2x128xi32, #tpu.memory_space<hbm>>
          %dma_wait3A_167 = arith.constant 0 : i32
          %dma_wait3A_168 = arith.constant 0 : i32
          %dma_wait3A_169 = tpu.memref_slice %arg4[%add3A_162, %dma_wait3A_167, %dma_wait3A_168] : memref<2560x2x128xi32, #tpu.memory_space<hbm>> -> memref<1x2x128xi32, #tpu.memory_space<hbm>>
          %dma_wait3A_170 = tpu.memref_squeeze %dma_wait3A_169 : memref<1x2x128xi32, #tpu.memory_space<hbm>> -> memref<2x128xi32, #tpu.memory_space<hbm>>
          tpu.wait_dma2 semaphore(%arg17 : memref<!tpu.dma_semaphore, #tpu.memory_space<semaphore_mem>>) src(%dma_wait3A_170 : memref<2x128xi32, #tpu.memory_space<hbm>>) dst(%arg8 : memref<2x128xi32, #tpu.memory_space<vmem>>)
          %dma_start3A_171 = arith.constant 0 : i32
          %dma_start3A_172 = arith.constant 0 : i32
          %dma_start3A_173 = tpu.memref_slice %arg8[%dma_start3A_171, %dma_start3A_172] : memref<2x128xi32, #tpu.memory_space<vmem>> -> memref<1x128xi32, #tpu.memory_space<vmem>>
          %dma_start3A_174 = tpu.memref_squeeze %dma_start3A_173 : memref<1x128xi32, #tpu.memory_space<vmem>> -> memref<128xi32, #tpu.memory_space<vmem>>
          %dma_start3A_175 = arith.constant 0 : i32
          %dma_start3A_176 = arith.constant 0 : i32
          %dma_start3A_177 = tpu.memref_slice %arg3[%dma_start3A_175, %dma_start3A_176] : memref<10240x128xf32, #tpu.memory_space<hbm>> -> memref<10240x128xf32, #tpu.memory_space<hbm>>
          tpu.enqueue_indirect_dma source(%dma_start3A_177 : memref<10240x128xf32, #tpu.memory_space<hbm>>) target(%arg11 : memref<128x128xf32, #tpu.memory_space<vmem>>) offsets(%dma_start3A_174 : memref<128xi32, #tpu.memory_space<vmem>>) semaphore(%arg14 : memref<!tpu.dma_semaphore, #tpu.memory_space<semaphore_mem>>)
        } else {
        }
        %mul3A_76 = arith.constant 4 : i32
        %mul3A_77 = arith.muli %mul3A_76, %scan3A_50 : i32
        %add3A_78 = arith.constant 0 : i32
        %add3A_79 = arith.addi %mul3A_77, %add3A_78 : i32
        %add3A_80 = arith.constant 1 : i32
        %add3A_81 = arith.addi %add3A_79, %add3A_80 : i32
        %add3A_82 = arith.constant 2 : i32
        %add3A_83 = arith.addi %add3A_81, %add3A_82 : i32
        %add3A_84 = arith.constant 4 : i32
        %add3A_85 = arith.addi %add3A_81, %add3A_84 : i32
        %dma_wait3A_86 = arith.constant 0 : i32
        %dma_wait3A_87 = arith.constant 0 : i32
        %dma_wait3A_88 = tpu.memref_slice %arg9[%dma_wait3A_86, %dma_wait3A_87] : memref<2x128xi32, #tpu.memory_space<vmem>> -> memref<1x128xi32, #tpu.memory_space<vmem>>
        %dma_wait3A_89 = tpu.memref_squeeze %dma_wait3A_88 : memref<1x128xi32, #tpu.memory_space<vmem>> -> memref<128xi32, #tpu.memory_space<vmem>>
        %dma_wait3A_90 = arith.constant 0 : i32
        %dma_wait3A_91 = arith.constant 0 : i32
        %dma_wait3A_92 = tpu.memref_slice %arg3[%dma_wait3A_90, %dma_wait3A_91] : memref<10240x128xf32, #tpu.memory_space<hbm>> -> memref<10240x128xf32, #tpu.memory_space<hbm>>
        tpu.wait_indirect_dma semaphore(%arg15 : memref<!tpu.dma_semaphore, #tpu.memory_space<semaphore_mem>>) src(%dma_wait3A_92 : memref<10240x128xf32, #tpu.memory_space<hbm>>) dst(%arg12 : memref<128x128xf32, #tpu.memory_space<vmem>>)
        %run_scoped3A_93 = arith.constant 1 : i32
        "tpu.region"() ({
          %run_scoped3A_160 = tpu.sem_alloc : memref<!tpu.dma_semaphore, #tpu.memory_space<semaphore_mem>>
          %dma_start3A_161 = arith.constant 0 : i32
          %dma_start3A_162 = tpu.memref_slice %arg9[%run_scoped3A_93, %dma_start3A_161] : memref<2x128xi32, #tpu.memory_space<vmem>> -> memref<1x128xi32, #tpu.memory_space<vmem>>
          %dma_start3A_163 = tpu.memref_squeeze %dma_start3A_162 : memref<1x128xi32, #tpu.memory_space<vmem>> -> memref<128xi32, #tpu.memory_space<vmem>>
          %dma_start3A_164 = arith.constant 0 : i32
          %dma_start3A_165 = arith.constant 0 : i32
          %dma_start3A_166 = tpu.memref_slice %arg13[%dma_start3A_164, %dma_start3A_165] : memref<10240x128xf32, #tpu.memory_space<vmem_shared>> -> memref<10240x128xf32, #tpu.memory_space<vmem_shared>>
          tpu.enqueue_indirect_dma source(%arg12 : memref<128x128xf32, #tpu.memory_space<vmem>>) target(%dma_start3A_166 : memref<10240x128xf32, #tpu.memory_space<vmem_shared>>) offsets(%dma_start3A_163 : memref<128xi32, #tpu.memory_space<vmem>>) semaphore(%run_scoped3A_160 : memref<!tpu.dma_semaphore, #tpu.memory_space<semaphore_mem>>) {add = true}
          %dma_wait3A_167 = arith.constant 0 : i32
          %dma_wait3A_168 = tpu.memref_slice %arg9[%run_scoped3A_93, %dma_wait3A_167] : memref<2x128xi32, #tpu.memory_space<vmem>> -> memref<1x128xi32, #tpu.memory_space<vmem>>
          %dma_wait3A_169 = tpu.memref_squeeze %dma_wait3A_168 : memref<1x128xi32, #tpu.memory_space<vmem>> -> memref<128xi32, #tpu.memory_space<vmem>>
          %dma_wait3A_170 = arith.constant 0 : i32
          %dma_wait3A_171 = arith.constant 0 : i32
          %dma_wait3A_172 = tpu.memref_slice %arg13[%dma_wait3A_170, %dma_wait3A_171] : memref<10240x128xf32, #tpu.memory_space<vmem_shared>> -> memref<10240x128xf32, #tpu.memory_space<vmem_shared>>
          tpu.wait_indirect_dma semaphore(%run_scoped3A_160 : memref<!tpu.dma_semaphore, #tpu.memory_space<semaphore_mem>>) src(%arg12 : memref<128x128xf32, #tpu.memory_space<vmem>>) dst(%dma_wait3A_172 : memref<10240x128xf32, #tpu.memory_space<vmem_shared>>)
          tpu.yield
        }) : () -> ()
        %lt3A_94 = arith.constant 160 : i32
        %lt3A_95 = arith.cmpi slt, %add3A_85, %lt3A_94 : i32
        %convert_element_type3A_96 = arith.extui %lt3A_95 : i1 to i32
        %cond3A_97 = arith.constant 0 : i32
        %cond3A_98 = arith.cmpi ne, %convert_element_type3A_96, %cond3A_97 : i32
        scf.if %cond3A_98 {
          %mul3A_160 = arith.constant 16 : i32
          %mul3A_161 = arith.muli %add3A_85, %mul3A_160 : i32
          %add3A_162 = arith.addi %mul3A_161, %arg1 : i32
          %dma_start3A_163 = arith.constant 0 : i32
          %dma_start3A_164 = arith.constant 0 : i32
          %dma_start3A_165 = tpu.memref_slice %arg4[%add3A_162, %dma_start3A_163, %dma_start3A_164] : memref<2560x2x128xi32, #tpu.memory_space<hbm>> -> memref<1x2x128xi32, #tpu.memory_space<hbm>>
          %dma_start3A_166 = tpu.memref_squeeze %dma_start3A_165 : memref<1x2x128xi32, #tpu.memory_space<hbm>> -> memref<2x128xi32, #tpu.memory_space<hbm>>
          %dma_start3A_167 = arith.constant 0 : i32
          %dma_start3A_168 = arith.constant 0 : i32
          %dma_start3A_169 = tpu.memref_slice %arg4[%add3A_162, %dma_start3A_167, %dma_start3A_168] : memref<2560x2x128xi32, #tpu.memory_space<hbm>> -> memref<1x2x128xi32, #tpu.memory_space<hbm>>
          %dma_start3A_170 = tpu.memref_squeeze %dma_start3A_169 : memref<1x2x128xi32, #tpu.memory_space<hbm>> -> memref<2x128xi32, #tpu.memory_space<hbm>>
          tpu.enqueue_dma source(%dma_start3A_170 : memref<2x128xi32, #tpu.memory_space<hbm>>) target(%arg9 : memref<2x128xi32, #tpu.memory_space<vmem>>) target_semaphore(%arg18 : memref<!tpu.dma_semaphore, #tpu.memory_space<semaphore_mem>>)
        } else {
        }
        %lt3A_99 = arith.constant 160 : i32
        %lt3A_100 = arith.cmpi slt, %add3A_83, %lt3A_99 : i32
        %convert_element_type3A_101 = arith.extui %lt3A_100 : i1 to i32
        %cond3A_102 = arith.constant 0 : i32
        %cond3A_103 = arith.cmpi ne, %convert_element_type3A_101, %cond3A_102 : i32
        scf.if %cond3A_103 {
          %mul3A_160 = arith.constant 16 : i32
          %mul3A_161 = arith.muli %add3A_83, %mul3A_160 : i32
          %add3A_162 = arith.addi %mul3A_161, %arg1 : i32
          %dma_wait3A_163 = arith.constant 0 : i32
          %dma_wait3A_164 = arith.constant 0 : i32
          %dma_wait3A_165 = tpu.memref_slice %arg4[%add3A_162, %dma_wait3A_163, %dma_wait3A_164] : memref<2560x2x128xi32, #tpu.memory_space<hbm>> -> memref<1x2x128xi32, #tpu.memory_space<hbm>>
          %dma_wait3A_166 = tpu.memref_squeeze %dma_wait3A_165 : memref<1x2x128xi32, #tpu.memory_space<hbm>> -> memref<2x128xi32, #tpu.memory_space<hbm>>
          %dma_wait3A_167 = arith.constant 0 : i32
          %dma_wait3A_168 = arith.constant 0 : i32
          %dma_wait3A_169 = tpu.memref_slice %arg4[%add3A_162, %dma_wait3A_167, %dma_wait3A_168] : memref<2560x2x128xi32, #tpu.memory_space<hbm>> -> memref<1x2x128xi32, #tpu.memory_space<hbm>>
          %dma_wait3A_170 = tpu.memref_squeeze %dma_wait3A_169 : memref<1x2x128xi32, #tpu.memory_space<hbm>> -> memref<2x128xi32, #tpu.memory_space<hbm>>
          tpu.wait_dma2 semaphore(%arg19 : memref<!tpu.dma_semaphore, #tpu.memory_space<semaphore_mem>>) src(%dma_wait3A_170 : memref<2x128xi32, #tpu.memory_space<hbm>>) dst(%arg10 : memref<2x128xi32, #tpu.memory_space<vmem>>)
          %dma_start3A_171 = arith.constant 0 : i32
          %dma_start3A_172 = arith.constant 0 : i32
          %dma_start3A_173 = tpu.memref_slice %arg10[%dma_start3A_171, %dma_start3A_172] : memref<2x128xi32, #tpu.memory_space<vmem>> -> memref<1x128xi32, #tpu.memory_space<vmem>>
          %dma_start3A_174 = tpu.memref_squeeze %dma_start3A_173 : memref<1x128xi32, #tpu.memory_space<vmem>> -> memref<128xi32, #tpu.memory_space<vmem>>
          %dma_start3A_175 = arith.constant 0 : i32
          %dma_start3A_176 = arith.constant 0 : i32
          %dma_start3A_177 = tpu.memref_slice %arg3[%dma_start3A_175, %dma_start3A_176] : memref<10240x128xf32, #tpu.memory_space<hbm>> -> memref<10240x128xf32, #tpu.memory_space<hbm>>
          tpu.enqueue_indirect_dma source(%dma_start3A_177 : memref<10240x128xf32, #tpu.memory_space<hbm>>) target(%arg12 : memref<128x128xf32, #tpu.memory_space<vmem>>) offsets(%dma_start3A_174 : memref<128xi32, #tpu.memory_space<vmem>>) semaphore(%arg15 : memref<!tpu.dma_semaphore, #tpu.memory_space<semaphore_mem>>)
        } else {
        }
        %mul3A_104 = arith.constant 4 : i32
        %mul3A_105 = arith.muli %mul3A_104, %scan3A_50 : i32
        %add3A_106 = arith.constant 2 : i32
        %add3A_107 = arith.addi %mul3A_105, %add3A_106 : i32
        %add3A_108 = arith.constant 0 : i32
        %add3A_109 = arith.addi %add3A_107, %add3A_108 : i32
        %add3A_110 = arith.constant 2 : i32
        %add3A_111 = arith.addi %add3A_109, %add3A_110 : i32
        %add3A_112 = arith.constant 4 : i32
        %add3A_113 = arith.addi %add3A_109, %add3A_112 : i32
        %dma_wait3A_114 = arith.constant 0 : i32
        %dma_wait3A_115 = arith.constant 0 : i32
        %dma_wait3A_116 = tpu.memref_slice %arg8[%dma_wait3A_114, %dma_wait3A_115] : memref<2x128xi32, #tpu.memory_space<vmem>> -> memref<1x128xi32, #tpu.memory_space<vmem>>
        %dma_wait3A_117 = tpu.memref_squeeze %dma_wait3A_116 : memref<1x128xi32, #tpu.memory_space<vmem>> -> memref<128xi32, #tpu.memory_space<vmem>>
        %dma_wait3A_118 = arith.constant 0 : i32
        %dma_wait3A_119 = arith.constant 0 : i32
        %dma_wait3A_120 = tpu.memref_slice %arg3[%dma_wait3A_118, %dma_wait3A_119] : memref<10240x128xf32, #tpu.memory_space<hbm>> -> memref<10240x128xf32, #tpu.memory_space<hbm>>
        tpu.wait_indirect_dma semaphore(%arg14 : memref<!tpu.dma_semaphore, #tpu.memory_space<semaphore_mem>>) src(%dma_wait3A_120 : memref<10240x128xf32, #tpu.memory_space<hbm>>) dst(%arg11 : memref<128x128xf32, #tpu.memory_space<vmem>>)
        %run_scoped3A_121 = arith.constant 1 : i32
        "tpu.region"() ({
          %run_scoped3A_160 = tpu.sem_alloc : memref<!tpu.dma_semaphore, #tpu.memory_space<semaphore_mem>>
          %dma_start3A_161 = arith.constant 0 : i32
          %dma_start3A_162 = tpu.memref_slice %arg8[%run_scoped3A_121, %dma_start3A_161] : memref<2x128xi32, #tpu.memory_space<vmem>> -> memref<1x128xi32, #tpu.memory_space<vmem>>
          %dma_start3A_163 = tpu.memref_squeeze %dma_start3A_162 : memref<1x128xi32, #tpu.memory_space<vmem>> -> memref<128xi32, #tpu.memory_space<vmem>>
          %dma_start3A_164 = arith.constant 0 : i32
          %dma_start3A_165 = arith.constant 0 : i32
          %dma_start3A_166 = tpu.memref_slice %arg13[%dma_start3A_164, %dma_start3A_165] : memref<10240x128xf32, #tpu.memory_space<vmem_shared>> -> memref<10240x128xf32, #tpu.memory_space<vmem_shared>>
          tpu.enqueue_indirect_dma source(%arg11 : memref<128x128xf32, #tpu.memory_space<vmem>>) target(%dma_start3A_166 : memref<10240x128xf32, #tpu.memory_space<vmem_shared>>) offsets(%dma_start3A_163 : memref<128xi32, #tpu.memory_space<vmem>>) semaphore(%run_scoped3A_160 : memref<!tpu.dma_semaphore, #tpu.memory_space<semaphore_mem>>) {add = true}
          %dma_wait3A_167 = arith.constant 0 : i32
          %dma_wait3A_168 = tpu.memref_slice %arg8[%run_scoped3A_121, %dma_wait3A_167] : memref<2x128xi32, #tpu.memory_space<vmem>> -> memref<1x128xi32, #tpu.memory_space<vmem>>
          %dma_wait3A_169 = tpu.memref_squeeze %dma_wait3A_168 : memref<1x128xi32, #tpu.memory_space<vmem>> -> memref<128xi32, #tpu.memory_space<vmem>>
          %dma_wait3A_170 = arith.constant 0 : i32
          %dma_wait3A_171 = arith.constant 0 : i32
          %dma_wait3A_172 = tpu.memref_slice %arg13[%dma_wait3A_170, %dma_wait3A_171] : memref<10240x128xf32, #tpu.memory_space<vmem_shared>> -> memref<10240x128xf32, #tpu.memory_space<vmem_shared>>
          tpu.wait_indirect_dma semaphore(%run_scoped3A_160 : memref<!tpu.dma_semaphore, #tpu.memory_space<semaphore_mem>>) src(%arg11 : memref<128x128xf32, #tpu.memory_space<vmem>>) dst(%dma_wait3A_172 : memref<10240x128xf32, #tpu.memory_space<vmem_shared>>)
          tpu.yield
        }) : () -> ()
        %lt3A_122 = arith.constant 160 : i32
        %lt3A_123 = arith.cmpi slt, %add3A_113, %lt3A_122 : i32
        %convert_element_type3A_124 = arith.extui %lt3A_123 : i1 to i32
        %cond3A_125 = arith.constant 0 : i32
        %cond3A_126 = arith.cmpi ne, %convert_element_type3A_124, %cond3A_125 : i32
        scf.if %cond3A_126 {
          %mul3A_160 = arith.constant 16 : i32
          %mul3A_161 = arith.muli %add3A_113, %mul3A_160 : i32
          %add3A_162 = arith.addi %mul3A_161, %arg1 : i32
          %dma_start3A_163 = arith.constant 0 : i32
          %dma_start3A_164 = arith.constant 0 : i32
          %dma_start3A_165 = tpu.memref_slice %arg4[%add3A_162, %dma_start3A_163, %dma_start3A_164] : memref<2560x2x128xi32, #tpu.memory_space<hbm>> -> memref<1x2x128xi32, #tpu.memory_space<hbm>>
          %dma_start3A_166 = tpu.memref_squeeze %dma_start3A_165 : memref<1x2x128xi32, #tpu.memory_space<hbm>> -> memref<2x128xi32, #tpu.memory_space<hbm>>
          %dma_start3A_167 = arith.constant 0 : i32
          %dma_start3A_168 = arith.constant 0 : i32
          %dma_start3A_169 = tpu.memref_slice %arg4[%add3A_162, %dma_start3A_167, %dma_start3A_168] : memref<2560x2x128xi32, #tpu.memory_space<hbm>> -> memref<1x2x128xi32, #tpu.memory_space<hbm>>
          %dma_start3A_170 = tpu.memref_squeeze %dma_start3A_169 : memref<1x2x128xi32, #tpu.memory_space<hbm>> -> memref<2x128xi32, #tpu.memory_space<hbm>>
          tpu.enqueue_dma source(%dma_start3A_170 : memref<2x128xi32, #tpu.memory_space<hbm>>) target(%arg8 : memref<2x128xi32, #tpu.memory_space<vmem>>) target_semaphore(%arg17 : memref<!tpu.dma_semaphore, #tpu.memory_space<semaphore_mem>>)
        } else {
        }
        %lt3A_127 = arith.constant 160 : i32
        %lt3A_128 = arith.cmpi slt, %add3A_111, %lt3A_127 : i32
        %convert_element_type3A_129 = arith.extui %lt3A_128 : i1 to i32
        %cond3A_130 = arith.constant 0 : i32
        %cond3A_131 = arith.cmpi ne, %convert_element_type3A_129, %cond3A_130 : i32
        scf.if %cond3A_131 {
          %mul3A_160 = arith.constant 16 : i32
          %mul3A_161 = arith.muli %add3A_111, %mul3A_160 : i32
          %add3A_162 = arith.addi %mul3A_161, %arg1 : i32
          %dma_wait3A_163 = arith.constant 0 : i32
          %dma_wait3A_164 = arith.constant 0 : i32
          %dma_wait3A_165 = tpu.memref_slice %arg4[%add3A_162, %dma_wait3A_163, %dma_wait3A_164] : memref<2560x2x128xi32, #tpu.memory_space<hbm>> -> memref<1x2x128xi32, #tpu.memory_space<hbm>>
          %dma_wait3A_166 = tpu.memref_squeeze %dma_wait3A_165 : memref<1x2x128xi32, #tpu.memory_space<hbm>> -> memref<2x128xi32, #tpu.memory_space<hbm>>
          %dma_wait3A_167 = arith.constant 0 : i32
          %dma_wait3A_168 = arith.constant 0 : i32
          %dma_wait3A_169 = tpu.memref_slice %arg4[%add3A_162, %dma_wait3A_167, %dma_wait3A_168] : memref<2560x2x128xi32, #tpu.memory_space<hbm>> -> memref<1x2x128xi32, #tpu.memory_space<hbm>>
          %dma_wait3A_170 = tpu.memref_squeeze %dma_wait3A_169 : memref<1x2x128xi32, #tpu.memory_space<hbm>> -> memref<2x128xi32, #tpu.memory_space<hbm>>
          tpu.wait_dma2 semaphore(%arg16 : memref<!tpu.dma_semaphore, #tpu.memory_space<semaphore_mem>>) src(%dma_wait3A_170 : memref<2x128xi32, #tpu.memory_space<hbm>>) dst(%arg7 : memref<2x128xi32, #tpu.memory_space<vmem>>)
          %dma_start3A_171 = arith.constant 0 : i32
          %dma_start3A_172 = arith.constant 0 : i32
          %dma_start3A_173 = tpu.memref_slice %arg7[%dma_start3A_171, %dma_start3A_172] : memref<2x128xi32, #tpu.memory_space<vmem>> -> memref<1x128xi32, #tpu.memory_space<vmem>>
          %dma_start3A_174 = tpu.memref_squeeze %dma_start3A_173 : memref<1x128xi32, #tpu.memory_space<vmem>> -> memref<128xi32, #tpu.memory_space<vmem>>
          %dma_start3A_175 = arith.constant 0 : i32
          %dma_start3A_176 = arith.constant 0 : i32
          %dma_start3A_177 = tpu.memref_slice %arg3[%dma_start3A_175, %dma_start3A_176] : memref<10240x128xf32, #tpu.memory_space<hbm>> -> memref<10240x128xf32, #tpu.memory_space<hbm>>
          tpu.enqueue_indirect_dma source(%dma_start3A_177 : memref<10240x128xf32, #tpu.memory_space<hbm>>) target(%arg11 : memref<128x128xf32, #tpu.memory_space<vmem>>) offsets(%dma_start3A_174 : memref<128xi32, #tpu.memory_space<vmem>>) semaphore(%arg14 : memref<!tpu.dma_semaphore, #tpu.memory_space<semaphore_mem>>)
        } else {
        }
        %mul3A_132 = arith.constant 4 : i32
        %mul3A_133 = arith.muli %mul3A_132, %scan3A_50 : i32
        %add3A_134 = arith.constant 2 : i32
        %add3A_135 = arith.addi %mul3A_133, %add3A_134 : i32
        %add3A_136 = arith.constant 1 : i32
        %add3A_137 = arith.addi %add3A_135, %add3A_136 : i32
        %add3A_138 = arith.constant 2 : i32
        %add3A_139 = arith.addi %add3A_137, %add3A_138 : i32
        %add3A_140 = arith.constant 4 : i32
        %add3A_141 = arith.addi %add3A_137, %add3A_140 : i32
        %dma_wait3A_142 = arith.constant 0 : i32
        %dma_wait3A_143 = arith.constant 0 : i32
        %dma_wait3A_144 = tpu.memref_slice %arg10[%dma_wait3A_142, %dma_wait3A_143] : memref<2x128xi32, #tpu.memory_space<vmem>> -> memref<1x128xi32, #tpu.memory_space<vmem>>
        %dma_wait3A_145 = tpu.memref_squeeze %dma_wait3A_144 : memref<1x128xi32, #tpu.memory_space<vmem>> -> memref<128xi32, #tpu.memory_space<vmem>>
        %dma_wait3A_146 = arith.constant 0 : i32
        %dma_wait3A_147 = arith.constant 0 : i32
        %dma_wait3A_148 = tpu.memref_slice %arg3[%dma_wait3A_146, %dma_wait3A_147] : memref<10240x128xf32, #tpu.memory_space<hbm>> -> memref<10240x128xf32, #tpu.memory_space<hbm>>
        tpu.wait_indirect_dma semaphore(%arg15 : memref<!tpu.dma_semaphore, #tpu.memory_space<semaphore_mem>>) src(%dma_wait3A_148 : memref<10240x128xf32, #tpu.memory_space<hbm>>) dst(%arg12 : memref<128x128xf32, #tpu.memory_space<vmem>>)
        %run_scoped3A_149 = arith.constant 1 : i32
        "tpu.region"() ({
          %run_scoped3A_160 = tpu.sem_alloc : memref<!tpu.dma_semaphore, #tpu.memory_space<semaphore_mem>>
          %dma_start3A_161 = arith.constant 0 : i32
          %dma_start3A_162 = tpu.memref_slice %arg10[%run_scoped3A_149, %dma_start3A_161] : memref<2x128xi32, #tpu.memory_space<vmem>> -> memref<1x128xi32, #tpu.memory_space<vmem>>
          %dma_start3A_163 = tpu.memref_squeeze %dma_start3A_162 : memref<1x128xi32, #tpu.memory_space<vmem>> -> memref<128xi32, #tpu.memory_space<vmem>>
          %dma_start3A_164 = arith.constant 0 : i32
          %dma_start3A_165 = arith.constant 0 : i32
          %dma_start3A_166 = tpu.memref_slice %arg13[%dma_start3A_164, %dma_start3A_165] : memref<10240x128xf32, #tpu.memory_space<vmem_shared>> -> memref<10240x128xf32, #tpu.memory_space<vmem_shared>>
          tpu.enqueue_indirect_dma source(%arg12 : memref<128x128xf32, #tpu.memory_space<vmem>>) target(%dma_start3A_166 : memref<10240x128xf32, #tpu.memory_space<vmem_shared>>) offsets(%dma_start3A_163 : memref<128xi32, #tpu.memory_space<vmem>>) semaphore(%run_scoped3A_160 : memref<!tpu.dma_semaphore, #tpu.memory_space<semaphore_mem>>) {add = true}
          %dma_wait3A_167 = arith.constant 0 : i32
          %dma_wait3A_168 = tpu.memref_slice %arg10[%run_scoped3A_149, %dma_wait3A_167] : memref<2x128xi32, #tpu.memory_space<vmem>> -> memref<1x128xi32, #tpu.memory_space<vmem>>
          %dma_wait3A_169 = tpu.memref_squeeze %dma_wait3A_168 : memref<1x128xi32, #tpu.memory_space<vmem>> -> memref<128xi32, #tpu.memory_space<vmem>>
          %dma_wait3A_170 = arith.constant 0 : i32
          %dma_wait3A_171 = arith.constant 0 : i32
          %dma_wait3A_172 = tpu.memref_slice %arg13[%dma_wait3A_170, %dma_wait3A_171] : memref<10240x128xf32, #tpu.memory_space<vmem_shared>> -> memref<10240x128xf32, #tpu.memory_space<vmem_shared>>
          tpu.wait_indirect_dma semaphore(%run_scoped3A_160 : memref<!tpu.dma_semaphore, #tpu.memory_space<semaphore_mem>>) src(%arg12 : memref<128x128xf32, #tpu.memory_space<vmem>>) dst(%dma_wait3A_172 : memref<10240x128xf32, #tpu.memory_space<vmem_shared>>)
          tpu.yield
        }) : () -> ()
        %lt3A_150 = arith.constant 160 : i32
        %lt3A_151 = arith.cmpi slt, %add3A_141, %lt3A_150 : i32
        %convert_element_type3A_152 = arith.extui %lt3A_151 : i1 to i32
        %cond3A_153 = arith.constant 0 : i32
        %cond3A_154 = arith.cmpi ne, %convert_element_type3A_152, %cond3A_153 : i32
        scf.if %cond3A_154 {
          %mul3A_160 = arith.constant 16 : i32
          %mul3A_161 = arith.muli %add3A_141, %mul3A_160 : i32
          %add3A_162 = arith.addi %mul3A_161, %arg1 : i32
          %dma_start3A_163 = arith.constant 0 : i32
          %dma_start3A_164 = arith.constant 0 : i32
          %dma_start3A_165 = tpu.memref_slice %arg4[%add3A_162, %dma_start3A_163, %dma_start3A_164] : memref<2560x2x128xi32, #tpu.memory_space<hbm>> -> memref<1x2x128xi32, #tpu.memory_space<hbm>>
          %dma_start3A_166 = tpu.memref_squeeze %dma_start3A_165 : memref<1x2x128xi32, #tpu.memory_space<hbm>> -> memref<2x128xi32, #tpu.memory_space<hbm>>
          %dma_start3A_167 = arith.constant 0 : i32
          %dma_start3A_168 = arith.constant 0 : i32
          %dma_start3A_169 = tpu.memref_slice %arg4[%add3A_162, %dma_start3A_167, %dma_start3A_168] : memref<2560x2x128xi32, #tpu.memory_space<hbm>> -> memref<1x2x128xi32, #tpu.memory_space<hbm>>
          %dma_start3A_170 = tpu.memref_squeeze %dma_start3A_169 : memref<1x2x128xi32, #tpu.memory_space<hbm>> -> memref<2x128xi32, #tpu.memory_space<hbm>>
          tpu.enqueue_dma source(%dma_start3A_170 : memref<2x128xi32, #tpu.memory_space<hbm>>) target(%arg10 : memref<2x128xi32, #tpu.memory_space<vmem>>) target_semaphore(%arg19 : memref<!tpu.dma_semaphore, #tpu.memory_space<semaphore_mem>>)
        } else {
        }
        %lt3A_155 = arith.constant 160 : i32
        %lt3A_156 = arith.cmpi slt, %add3A_139, %lt3A_155 : i32
        %convert_element_type3A_157 = arith.extui %lt3A_156 : i1 to i32
        %cond3A_158 = arith.constant 0 : i32
        %cond3A_159 = arith.cmpi ne, %convert_element_type3A_157, %cond3A_158 : i32
        scf.if %cond3A_159 {
          %mul3A_160 = arith.constant 16 : i32
          %mul3A_161 = arith.muli %add3A_139, %mul3A_160 : i32
          %add3A_162 = arith.addi %mul3A_161, %arg1 : i32
          %dma_wait3A_163 = arith.constant 0 : i32
          %dma_wait3A_164 = arith.constant 0 : i32
          %dma_wait3A_165 = tpu.memref_slice %arg4[%add3A_162, %dma_wait3A_163, %dma_wait3A_164] : memref<2560x2x128xi32, #tpu.memory_space<hbm>> -> memref<1x2x128xi32, #tpu.memory_space<hbm>>
          %dma_wait3A_166 = tpu.memref_squeeze %dma_wait3A_165 : memref<1x2x128xi32, #tpu.memory_space<hbm>> -> memref<2x128xi32, #tpu.memory_space<hbm>>
          %dma_wait3A_167 = arith.constant 0 : i32
          %dma_wait3A_168 = arith.constant 0 : i32
          %dma_wait3A_169 = tpu.memref_slice %arg4[%add3A_162, %dma_wait3A_167, %dma_wait3A_168] : memref<2560x2x128xi32, #tpu.memory_space<hbm>> -> memref<1x2x128xi32, #tpu.memory_space<hbm>>
          %dma_wait3A_170 = tpu.memref_squeeze %dma_wait3A_169 : memref<1x2x128xi32, #tpu.memory_space<hbm>> -> memref<2x128xi32, #tpu.memory_space<hbm>>
          tpu.wait_dma2 semaphore(%arg18 : memref<!tpu.dma_semaphore, #tpu.memory_space<semaphore_mem>>) src(%dma_wait3A_170 : memref<2x128xi32, #tpu.memory_space<hbm>>) dst(%arg9 : memref<2x128xi32, #tpu.memory_space<vmem>>)
          %dma_start3A_171 = arith.constant 0 : i32
          %dma_start3A_172 = arith.constant 0 : i32
          %dma_start3A_173 = tpu.memref_slice %arg9[%dma_start3A_171, %dma_start3A_172] : memref<2x128xi32, #tpu.memory_space<vmem>> -> memref<1x128xi32, #tpu.memory_space<vmem>>
          %dma_start3A_174 = tpu.memref_squeeze %dma_start3A_173 : memref<1x128xi32, #tpu.memory_space<vmem>> -> memref<128xi32, #tpu.memory_space<vmem>>
          %dma_start3A_175 = arith.constant 0 : i32
          %dma_start3A_176 = arith.constant 0 : i32
          %dma_start3A_177 = tpu.memref_slice %arg3[%dma_start3A_175, %dma_start3A_176] : memref<10240x128xf32, #tpu.memory_space<hbm>> -> memref<10240x128xf32, #tpu.memory_space<hbm>>
          tpu.enqueue_indirect_dma source(%dma_start3A_177 : memref<10240x128xf32, #tpu.memory_space<hbm>>) target(%arg12 : memref<128x128xf32, #tpu.memory_space<vmem>>) offsets(%dma_start3A_174 : memref<128xi32, #tpu.memory_space<vmem>>) semaphore(%arg15 : memref<!tpu.dma_semaphore, #tpu.memory_space<semaphore_mem>>)
        } else {
        }
      }
      %scan3A_48 = arith.constant 40 : i32
      %barrier3A_49 = arith.constant 0 : index
      tpu.barrier barrier_id(%barrier3A_49)
      "tpu.region"() ({
        %run_scoped3A = tpu.sem_alloc : memref<!tpu.dma_semaphore, #tpu.memory_space<semaphore_mem>>
        %dma_start3A_50 = arith.constant 0 : i32
        %dma_start3A_51 = tpu.memref_slice %arg6[%mul3A_0, %dma_start3A_50] : memref<10240x128xf32, #tpu.memory_space<hbm>> -> memref<640x128xf32, #tpu.memory_space<hbm>>
        %dma_start3A_52 = arith.constant 0 : i32
        %dma_start3A_53 = tpu.memref_slice %arg13[%mul3A_0, %dma_start3A_52] : memref<10240x128xf32, #tpu.memory_space<vmem_shared>> -> memref<640x128xf32, #tpu.memory_space<vmem_shared>>
        tpu.enqueue_dma source(%dma_start3A_53 : memref<640x128xf32, #tpu.memory_space<vmem_shared>>) target(%dma_start3A_51 : memref<640x128xf32, #tpu.memory_space<hbm>>) target_semaphore(%run_scoped3A : memref<!tpu.dma_semaphore, #tpu.memory_space<semaphore_mem>>)
        %dma_wait3A = arith.constant 0 : i32
        %dma_wait3A_54 = tpu.memref_slice %arg6[%mul3A_0, %dma_wait3A] : memref<10240x128xf32, #tpu.memory_space<hbm>> -> memref<640x128xf32, #tpu.memory_space<hbm>>
        %dma_wait3A_55 = arith.constant 0 : i32
        %dma_wait3A_56 = tpu.memref_slice %arg13[%mul3A_0, %dma_wait3A_55] : memref<10240x128xf32, #tpu.memory_space<vmem_shared>> -> memref<640x128xf32, #tpu.memory_space<vmem_shared>>
        tpu.wait_dma2 semaphore(%run_scoped3A : memref<!tpu.dma_semaphore, #tpu.memory_space<semaphore_mem>>) src(%dma_wait3A_56 : memref<640x128xf32, #tpu.memory_space<vmem_shared>>) dst(%dma_wait3A_54 : memref<640x128xf32, #tpu.memory_space<hbm>>)
        tpu.yield
      }) : () -> ()
    } else {
    }
    return
  }
}

module attributes {stable_mosaic.version = 14 : i64} {
  func.func @_tc1_body(%arg0: i32, %arg1: memref<2048x128xf32, #tpu.memory_space<vmem>>, %arg2: memref<2048x128xf32, #tpu.memory_space<vmem>>, %arg3: memref<2048x128xf32, #tpu.memory_space<vmem>>, %arg4: memref<128x256xf32, #tpu.memory_space<vmem>>, %arg5: memref<2048x128xf32, #tpu.memory_space<vmem>>, %arg6: memref<2048x128xf32, #tpu.memory_space<vmem>>, %arg7: memref<2048x1xf32, #tpu.memory_space<vmem>>) attributes {dimension_semantics = [#tpu.dimension_semantics<parallel>], iteration_bounds = array<i64: 5>, scalar_prefetch = 0 : i64, scratch_operands = 0 : i64, tpu.core_type = #tpu.core_type<tc>, window_params = [{transform_indices = @transform_0, window_bounds = array<i64: 2048, 128>}, {transform_indices = @transform_1, window_bounds = array<i64: 2048, 128>}, {transform_indices = @transform_2, window_bounds = array<i64: 2048, 128>}, {pipeline_mode = #tpu.pipeline_mode<synchronous>, transform_indices = @transform_3, window_bounds = array<i64: 128, 256>}, {transform_indices = @transform_4, window_bounds = array<i64: 2048, 128>}, {transform_indices = @transform_5, window_bounds = array<i64: 2048, 128>}, {transform_indices = @transform_6, window_bounds = array<i64: 2048, 1>}]} {
    %get3A = arith.constant 0 : index
    %get3A_0 = arith.constant 0 : index
    %get3A_1 = vector.load %arg2[%get3A, %get3A_0] : memref<2048x128xf32, #tpu.memory_space<vmem>>, vector<2048x1xf32>
    %get3A_2 = arith.constant 0 : index
    %get3A_3 = arith.constant 0 : index
    %get3A_4 = vector.load %arg3[%get3A_2, %get3A_3] : memref<2048x128xf32, #tpu.memory_space<vmem>>, vector<2048x1xf32>
    %add3A = arith.addf %get3A_1, %get3A_4 : vector<2048x1xf32>
    %add3A_5 = arith.constant 1.000000e+00 : f32
    %add3A_6 = vector.broadcast %add3A_5 : f32 to vector<2048x1xf32>
    %add3A_7 = arith.addf %add3A, %add3A_6 : vector<2048x1xf32>
    %rsqrt3A = math.rsqrt %add3A_7 : vector<2048x1xf32>
    %get3A_8 = arith.constant 0 : index
    %get3A_9 = arith.constant 0 : index
    %get3A_10 = vector.load %arg1[%get3A_8, %get3A_9] : memref<2048x128xf32, #tpu.memory_space<vmem>>, vector<2048x128xf32>
    %get3A_11 = arith.constant 0 : index
    %get3A_12 = arith.constant 0 : index
    %get3A_13 = vector.load %arg4[%get3A_11, %get3A_12] : memref<128x256xf32, #tpu.memory_space<vmem>>, vector<128x256xf32>
    %dot_general3A = arith.constant dense<0.000000e+00> : vector<2048x256xf32>
    %dot_general3A_14 = tpu.matmul %get3A_10, %get3A_13, %dot_general3A {dimension_numbers = #tpu.dot_dimension_numbers<[1], [0], [0], [1], [0, 0, 1, 1], [], []>, transpose_lhs_hint = false} : vector<2048x128xf32>, vector<128x256xf32>, vector<2048x256xf32> -> vector<2048x256xf32>
    %mul3A = vector.broadcast %rsqrt3A : vector<2048x1xf32> to vector<2048x256xf32>
    %mul3A_15 = arith.mulf %dot_general3A_14, %mul3A : vector<2048x256xf32>
    %slice3A = vector.extract_strided_slice %mul3A_15 {offsets = [0, 0], sizes = [2048, 128], strides = [1, 1]} : vector<2048x256xf32> to vector<2048x128xf32>
    %swap3A = arith.constant 0 : index
    %swap3A_16 = arith.constant 0 : index
    %swap3A_17 = vector.load %arg5[%swap3A, %swap3A_16] : memref<2048x128xf32, #tpu.memory_space<vmem>>, vector<2048x128xf32>
    tpu.vector_store %arg5[%swap3A, %swap3A_16], %slice3A {strides = array<i32>} : memref<2048x128xf32, #tpu.memory_space<vmem>>, vector<2048x128xf32>,
    %slice3A_18 = vector.extract_strided_slice %mul3A_15 {offsets = [0, 128], sizes = [2048, 128], strides = [1, 1]} : vector<2048x256xf32> to vector<2048x128xf32>
    %swap3A_19 = arith.constant 0 : index
    %swap3A_20 = arith.constant 0 : index
    %swap3A_21 = vector.load %arg6[%swap3A_19, %swap3A_20] : memref<2048x128xf32, #tpu.memory_space<vmem>>, vector<2048x128xf32>
    tpu.vector_store %arg6[%swap3A_19, %swap3A_20], %slice3A_18 {strides = array<i32>} : memref<2048x128xf32, #tpu.memory_space<vmem>>, vector<2048x128xf32>,
    %swap3A_22 = arith.constant 0 : index
    %swap3A_23 = arith.constant 0 : index
    %swap3A_24 = vector.load %arg7[%swap3A_22, %swap3A_23] : memref<2048x1xf32, #tpu.memory_space<vmem>>, vector<2048x1xf32>
    tpu.vector_store %arg7[%swap3A_22, %swap3A_23], %rsqrt3A {strides = array<i32>} : memref<2048x1xf32, #tpu.memory_space<vmem>>, vector<2048x1xf32>,
    return
  }
  func.func @transform_0(%arg0: i32) -> (i32, i32) {
    %c0_i32 = arith.constant 0 : i32
    %c0_i32_0 = arith.constant 0 : i32
    return %arg0, %c0_i32 : i32, i32
  }
  func.func @transform_1(%arg0: i32) -> (i32, i32) {
    %c0_i32 = arith.constant 0 : i32
    %c0_i32_0 = arith.constant 0 : i32
    return %arg0, %c0_i32 : i32, i32
  }
  func.func @transform_2(%arg0: i32) -> (i32, i32) {
    %c0_i32 = arith.constant 0 : i32
    %c0_i32_0 = arith.constant 0 : i32
    return %arg0, %c0_i32 : i32, i32
  }
  func.func @transform_3(%arg0: i32) -> (i32, i32) {
    %c0_i32 = arith.constant 0 : i32
    %c0_i32_0 = arith.constant 0 : i32
    %c0_i32_1 = arith.constant 0 : i32
    return %c0_i32, %c0_i32_0 : i32, i32
  }
  func.func @transform_4(%arg0: i32) -> (i32, i32) {
    %c0_i32 = arith.constant 0 : i32
    %c0_i32_0 = arith.constant 0 : i32
    return %arg0, %c0_i32 : i32, i32
  }
  func.func @transform_5(%arg0: i32) -> (i32, i32) {
    %c0_i32 = arith.constant 0 : i32
    %c0_i32_0 = arith.constant 0 : i32
    return %arg0, %c0_i32 : i32, i32
  }
  func.func @transform_6(%arg0: i32) -> (i32, i32) {
    %c0_i32 = arith.constant 0 : i32
    %c0_i32_0 = arith.constant 0 : i32
    return %arg0, %c0_i32 : i32, i32
  }
}

module attributes {stable_mosaic.version = 14 : i64} {
  func.func @_tcmid_body(%arg0: i32, %arg1: memref<2048x128xf32, #tpu.memory_space<vmem>>, %arg2: memref<2048x128xf32, #tpu.memory_space<vmem>>, %arg3: memref<2048x1xf32, #tpu.memory_space<vmem>>, %arg4: memref<1x256xf32, #tpu.memory_space<vmem>>, %arg5: memref<256x256xf32, #tpu.memory_space<vmem>>, %arg6: memref<2048x128xf32, #tpu.memory_space<vmem>>, %arg7: memref<2048x128xf32, #tpu.memory_space<vmem>>) attributes {dimension_semantics = [#tpu.dimension_semantics<parallel>], iteration_bounds = array<i64: 5>, scalar_prefetch = 0 : i64, scratch_operands = 0 : i64, tpu.core_type = #tpu.core_type<tc>, window_params = [{transform_indices = @transform_0, window_bounds = array<i64: 2048, 128>}, {transform_indices = @transform_1, window_bounds = array<i64: 2048, 128>}, {transform_indices = @transform_2, window_bounds = array<i64: 2048, 1>}, {pipeline_mode = #tpu.pipeline_mode<synchronous>, transform_indices = @transform_3, window_bounds = array<i64: 1, 256>}, {pipeline_mode = #tpu.pipeline_mode<synchronous>, transform_indices = @transform_4, window_bounds = array<i64: 256, 256>}, {transform_indices = @transform_5, window_bounds = array<i64: 2048, 128>}, {transform_indices = @transform_6, window_bounds = array<i64: 2048, 128>}]} {
    %get3A = arith.constant 0 : index
    %get3A_0 = arith.constant 0 : index
    %get3A_1 = vector.load %arg3[%get3A, %get3A_0] : memref<2048x1xf32, #tpu.memory_space<vmem>>, vector<2048x1xf32>
    %get3A_2 = arith.constant 0 : index
    %get3A_3 = arith.constant 0 : index
    %get3A_4 = vector.load %arg4[%get3A_2, %get3A_3] : memref<1x256xf32, #tpu.memory_space<vmem>>, vector<1x256xf32>
    %get3A_5 = arith.constant 0 : index
    %get3A_6 = arith.constant 0 : index
    %get3A_7 = vector.load %arg1[%get3A_5, %get3A_6] : memref<2048x128xf32, #tpu.memory_space<vmem>>, vector<2048x128xf32>
    %mul3A = vector.broadcast %get3A_1 : vector<2048x1xf32> to vector<2048x128xf32>
    %mul3A_8 = arith.mulf %mul3A, %get3A_7 : vector<2048x128xf32>
    %slice3A = vector.extract_strided_slice %get3A_4 {offsets = [0, 0], sizes = [1, 128], strides = [1, 1]} : vector<1x256xf32> to vector<1x128xf32>
    %add3A = vector.broadcast %slice3A : vector<1x128xf32> to vector<2048x128xf32>
    %add3A_9 = arith.addf %mul3A_8, %add3A : vector<2048x128xf32>
    %max3A = arith.constant 0.000000e+00 : f32
    %max3A_10 = vector.broadcast %max3A : f32 to vector<2048x128xf32>
    %max3A_11 = arith.maximumf %add3A_9, %max3A_10 : vector<2048x128xf32>
    %get3A_12 = arith.constant 0 : index
    %get3A_13 = arith.constant 0 : index
    %get3A_14 = vector.load %arg2[%get3A_12, %get3A_13] : memref<2048x128xf32, #tpu.memory_space<vmem>>, vector<2048x128xf32>
    %mul3A_15 = vector.broadcast %get3A_1 : vector<2048x1xf32> to vector<2048x128xf32>
    %mul3A_16 = arith.mulf %mul3A_15, %get3A_14 : vector<2048x128xf32>
    %slice3A_17 = vector.extract_strided_slice %get3A_4 {offsets = [0, 128], sizes = [1, 128], strides = [1, 1]} : vector<1x256xf32> to vector<1x128xf32>
    %add3A_18 = vector.broadcast %slice3A_17 : vector<1x128xf32> to vector<2048x128xf32>
    %add3A_19 = arith.addf %mul3A_16, %add3A_18 : vector<2048x128xf32>
    %max3A_20 = arith.constant 0.000000e+00 : f32
    %max3A_21 = vector.broadcast %max3A_20 : f32 to vector<2048x128xf32>
    %max3A_22 = arith.maximumf %add3A_19, %max3A_21 : vector<2048x128xf32>
    %get3A_23 = arith.constant 0 : index
    %get3A_24 = arith.constant 0 : index
    %get3A_25 = vector.load %arg5[%get3A_23, %get3A_24] : memref<256x256xf32, #tpu.memory_space<vmem>>, vector<128x256xf32>
    %dot_general3A = arith.constant dense<0.000000e+00> : vector<2048x256xf32>
    %dot_general3A_26 = tpu.matmul %max3A_11, %get3A_25, %dot_general3A {dimension_numbers = #tpu.dot_dimension_numbers<[1], [0], [0], [1], [0, 0, 1, 1], [], []>, transpose_lhs_hint = false} : vector<2048x128xf32>, vector<128x256xf32>, vector<2048x256xf32> -> vector<2048x256xf32>
    %get3A_27 = arith.constant 128 : index
    %get3A_28 = arith.constant 0 : index
    %get3A_29 = vector.load %arg5[%get3A_27, %get3A_28] : memref<256x256xf32, #tpu.memory_space<vmem>>, vector<128x256xf32>
    %dot_general3A_30 = arith.constant dense<0.000000e+00> : vector<2048x256xf32>
    %dot_general3A_31 = tpu.matmul %max3A_22, %get3A_29, %dot_general3A_30 {dimension_numbers = #tpu.dot_dimension_numbers<[1], [0], [0], [1], [0, 0, 1, 1], [], []>, transpose_lhs_hint = false} : vector<2048x128xf32>, vector<128x256xf32>, vector<2048x256xf32> -> vector<2048x256xf32>
    %add3A_32 = arith.addf %dot_general3A_26, %dot_general3A_31 : vector<2048x256xf32>
    %mul3A_33 = vector.broadcast %get3A_1 : vector<2048x1xf32> to vector<2048x256xf32>
    %mul3A_34 = arith.mulf %add3A_32, %mul3A_33 : vector<2048x256xf32>
    %slice3A_35 = vector.extract_strided_slice %mul3A_34 {offsets = [0, 0], sizes = [2048, 128], strides = [1, 1]} : vector<2048x256xf32> to vector<2048x128xf32>
    %swap3A = arith.constant 0 : index
    %swap3A_36 = arith.constant 0 : index
    %swap3A_37 = vector.load %arg6[%swap3A, %swap3A_36] : memref<2048x128xf32, #tpu.memory_space<vmem>>, vector<2048x128xf32>
    tpu.vector_store %arg6[%swap3A, %swap3A_36], %slice3A_35 {strides = array<i32>} : memref<2048x128xf32, #tpu.memory_space<vmem>>, vector<2048x128xf32>,
    %slice3A_38 = vector.extract_strided_slice %mul3A_34 {offsets = [0, 128], sizes = [2048, 128], strides = [1, 1]} : vector<2048x256xf32> to vector<2048x128xf32>
    %swap3A_39 = arith.constant 0 : index
    %swap3A_40 = arith.constant 0 : index
    %swap3A_41 = vector.load %arg7[%swap3A_39, %swap3A_40] : memref<2048x128xf32, #tpu.memory_space<vmem>>, vector<2048x128xf32>
    tpu.vector_store %arg7[%swap3A_39, %swap3A_40], %slice3A_38 {strides = array<i32>} : memref<2048x128xf32, #tpu.memory_space<vmem>>, vector<2048x128xf32>,
    return
  }
  func.func @transform_0(%arg0: i32) -> (i32, i32) {
    %c0_i32 = arith.constant 0 : i32
    %c0_i32_0 = arith.constant 0 : i32
    return %arg0, %c0_i32 : i32, i32
  }
  func.func @transform_1(%arg0: i32) -> (i32, i32) {
    %c0_i32 = arith.constant 0 : i32
    %c0_i32_0 = arith.constant 0 : i32
    return %arg0, %c0_i32 : i32, i32
  }
  func.func @transform_2(%arg0: i32) -> (i32, i32) {
    %c0_i32 = arith.constant 0 : i32
    %c0_i32_0 = arith.constant 0 : i32
    return %arg0, %c0_i32 : i32, i32
  }
  func.func @transform_3(%arg0: i32) -> (i32, i32) {
    %c0_i32 = arith.constant 0 : i32
    %c0_i32_0 = arith.constant 0 : i32
    %c0_i32_1 = arith.constant 0 : i32
    return %c0_i32, %c0_i32_0 : i32, i32
  }
  func.func @transform_4(%arg0: i32) -> (i32, i32) {
    %c0_i32 = arith.constant 0 : i32
    %c0_i32_0 = arith.constant 0 : i32
    %c0_i32_1 = arith.constant 0 : i32
    return %c0_i32, %c0_i32_0 : i32, i32
  }
  func.func @transform_5(%arg0: i32) -> (i32, i32) {
    %c0_i32 = arith.constant 0 : i32
    %c0_i32_0 = arith.constant 0 : i32
    return %arg0, %c0_i32 : i32, i32
  }
  func.func @transform_6(%arg0: i32) -> (i32, i32) {
    %c0_i32 = arith.constant 0 : i32
    %c0_i32_0 = arith.constant 0 : i32
    return %arg0, %c0_i32 : i32, i32
  }
}

module attributes {stable_mosaic.version = 14 : i64} {
  func.func @_tcfin_body(%arg0: i32, %arg1: memref<2000x128xf32, #tpu.memory_space<vmem>>, %arg2: memref<2000x128xf32, #tpu.memory_space<vmem>>, %arg3: memref<2000x1xf32, #tpu.memory_space<vmem>>, %arg4: memref<1x256xf32, #tpu.memory_space<vmem>>, %arg5: memref<1x1x2000xi32, #tpu.memory_space<vmem>>, %arg6: memref<256x1xf32, #tpu.memory_space<vmem>>, %arg7: memref<1x1xf32, #tpu.memory_space<vmem>>, %arg8: memref<64x1xf32, #tpu.memory_space<vmem>>) attributes {dimension_semantics = [#tpu.dimension_semantics<arbitrary>], iteration_bounds = array<i64: 5>, scalar_prefetch = 0 : i64, scratch_operands = 0 : i64, tpu.core_type = #tpu.core_type<tc>, window_params = [{transform_indices = @transform_0, window_bounds = array<i64: 2000, 128>}, {transform_indices = @transform_1, window_bounds = array<i64: 2000, 128>}, {transform_indices = @transform_2, window_bounds = array<i64: 2000, 1>}, {pipeline_mode = #tpu.pipeline_mode<synchronous>, transform_indices = @transform_3, window_bounds = array<i64: 1, 256>}, {transform_indices = @transform_4, window_bounds = array<i64: 1, 1, 2000>}, {pipeline_mode = #tpu.pipeline_mode<synchronous>, transform_indices = @transform_5, window_bounds = array<i64: 256, 1>}, {pipeline_mode = #tpu.pipeline_mode<synchronous>, transform_indices = @transform_6, window_bounds = array<i64: 1, 1>}, {pipeline_mode = #tpu.pipeline_mode<synchronous>, transform_indices = @transform_7, window_bounds = array<i64: 64, 1>}]} {
    %get3A = arith.constant 0 : index
    %get3A_0 = arith.constant 0 : index
    %get3A_1 = vector.load %arg3[%get3A, %get3A_0] : memref<2000x1xf32, #tpu.memory_space<vmem>>, vector<2000x1xf32>
    %get3A_2 = arith.constant 0 : index
    %get3A_3 = arith.constant 0 : index
    %get3A_4 = vector.load %arg4[%get3A_2, %get3A_3] : memref<1x256xf32, #tpu.memory_space<vmem>>, vector<1x256xf32>
    %get3A_5 = arith.constant 0 : index
    %get3A_6 = arith.constant 0 : index
    %get3A_7 = vector.load %arg1[%get3A_5, %get3A_6] : memref<2000x128xf32, #tpu.memory_space<vmem>>, vector<2000x128xf32>
    %mul3A = vector.broadcast %get3A_1 : vector<2000x1xf32> to vector<2000x128xf32>
    %mul3A_8 = arith.mulf %mul3A, %get3A_7 : vector<2000x128xf32>
    %slice3A = vector.extract_strided_slice %get3A_4 {offsets = [0, 0], sizes = [1, 128], strides = [1, 1]} : vector<1x256xf32> to vector<1x128xf32>
    %add3A = vector.broadcast %slice3A : vector<1x128xf32> to vector<2000x128xf32>
    %add3A_9 = arith.addf %mul3A_8, %add3A : vector<2000x128xf32>
    %max3A = arith.constant 0.000000e+00 : f32
    %max3A_10 = vector.broadcast %max3A : f32 to vector<2000x128xf32>
    %max3A_11 = arith.maximumf %add3A_9, %max3A_10 : vector<2000x128xf32>
    %get3A_12 = arith.constant 0 : index
    %get3A_13 = arith.constant 0 : index
    %get3A_14 = vector.load %arg2[%get3A_12, %get3A_13] : memref<2000x128xf32, #tpu.memory_space<vmem>>, vector<2000x128xf32>
    %mul3A_15 = vector.broadcast %get3A_1 : vector<2000x1xf32> to vector<2000x128xf32>
    %mul3A_16 = arith.mulf %mul3A_15, %get3A_14 : vector<2000x128xf32>
    %slice3A_17 = vector.extract_strided_slice %get3A_4 {offsets = [0, 128], sizes = [1, 128], strides = [1, 1]} : vector<1x256xf32> to vector<1x128xf32>
    %add3A_18 = vector.broadcast %slice3A_17 : vector<1x128xf32> to vector<2000x128xf32>
    %add3A_19 = arith.addf %mul3A_16, %add3A_18 : vector<2000x128xf32>
    %max3A_20 = arith.constant 0.000000e+00 : f32
    %max3A_21 = vector.broadcast %max3A_20 : f32 to vector<2000x128xf32>
    %max3A_22 = arith.maximumf %add3A_19, %max3A_21 : vector<2000x128xf32>
    %get3A_23 = arith.constant 0 : index
    %get3A_24 = arith.constant 0 : index
    %get3A_25 = vector.load %arg6[%get3A_23, %get3A_24] : memref<256x1xf32, #tpu.memory_space<vmem>>, vector<128x1xf32>
    %dot_general3A = arith.constant dense<0.000000e+00> : vector<2000x1xf32>
    %dot_general3A_26 = tpu.matmul %max3A_11, %get3A_25, %dot_general3A {dimension_numbers = #tpu.dot_dimension_numbers<[1], [0], [0], [1], [0, 0, 1, 1], [], []>, transpose_lhs_hint = false} : vector<2000x128xf32>, vector<128x1xf32>, vector<2000x1xf32> -> vector<2000x1xf32>
    %get3A_27 = arith.constant 128 : index
    %get3A_28 = arith.constant 0 : index
    %get3A_29 = vector.load %arg6[%get3A_27, %get3A_28] : memref<256x1xf32, #tpu.memory_space<vmem>>, vector<128x1xf32>
    %dot_general3A_30 = arith.constant dense<0.000000e+00> : vector<2000x1xf32>
    %dot_general3A_31 = tpu.matmul %max3A_22, %get3A_29, %dot_general3A_30 {dimension_numbers = #tpu.dot_dimension_numbers<[1], [0], [0], [1], [0, 0, 1, 1], [], []>, transpose_lhs_hint = false} : vector<2000x128xf32>, vector<128x1xf32>, vector<2000x1xf32> -> vector<2000x1xf32>
    %add3A_32 = arith.addf %dot_general3A_26, %dot_general3A_31 : vector<2000x1xf32>
    %get3A_33 = arith.constant 0 : index
    %get3A_34 = arith.constant 0 : index
    %get3A_35 = arith.constant 0 : index
    %get3A_36 = vector.load %arg5[%get3A_33, %get3A_34, %get3A_35] : memref<1x1x2000xi32, #tpu.memory_space<vmem>>, vector<1x1x2000xi32>
    %get3A_37 = vector.shape_cast %get3A_36 : vector<1x1x2000xi32> to vector<1x2000xi32>
    %iota3A = tpu.iota {dimensions = array<i32: 0>} : vector<64x2000xi32>
    %eq3A = vector.broadcast %get3A_37 : vector<1x2000xi32> to vector<64x2000xi32>
    %eq3A_38 = arith.cmpi eq, %iota3A, %eq3A : vector<64x2000xi32>
    %convert_element_type3A = arith.extui %eq3A_38 : vector<64x2000xi1> to vector<64x2000xi32>
    %convert_element_type3A_39 = arith.sitofp %convert_element_type3A : vector<64x2000xi32> to vector<64x2000xf32>
    %dot_general3A_40 = arith.constant dense<0.000000e+00> : vector<64x1xf32>
    %dot_general3A_41 = tpu.matmul %convert_element_type3A_39, %add3A_32, %dot_general3A_40 {dimension_numbers = #tpu.dot_dimension_numbers<[1], [0], [0], [1], [0, 0, 1, 1], [], []>, transpose_lhs_hint = false} : vector<64x2000xf32>, vector<2000x1xf32>, vector<64x1xf32> -> vector<64x1xf32>
    %eq3A_42 = arith.constant 0 : i32
    %eq3A_43 = arith.cmpi eq, %arg0, %eq3A_42 : i32
    %convert_element_type3A_44 = arith.extui %eq3A_43 : i1 to i32
    %cond3A = arith.constant 0 : i32
    %cond3A_45 = arith.cmpi ne, %convert_element_type3A_44, %cond3A : i32
    scf.if %cond3A_45 {
      %get3A_52 = arith.constant 0 : index
      %get3A_53 = arith.constant 0 : index
      %get3A_54 = vector.load %arg7[%get3A_52, %get3A_53] : memref<1x1xf32, #tpu.memory_space<vmem>>, vector<1x1xf32>
      %broadcast_in_dim3A = vector.shape_cast %get3A_54 : vector<1x1xf32> to vector<1x1xf32>
      %broadcast_in_dim3A_55 = vector.broadcast %broadcast_in_dim3A : vector<1x1xf32> to vector<64x1xf32>
      %swap3A_56 = arith.constant 0 : index
      %swap3A_57 = arith.constant 0 : index
      %swap3A_58 = vector.load %arg8[%swap3A_56, %swap3A_57] : memref<64x1xf32, #tpu.memory_space<vmem>>, vector<64x1xf32>
      tpu.vector_store %arg8[%swap3A_56, %swap3A_57], %broadcast_in_dim3A_55 {strides = array<i32>} : memref<64x1xf32, #tpu.memory_space<vmem>>, vector<64x1xf32>,
    } else {
    }
    %get3A_46 = arith.constant 0 : index
    %get3A_47 = arith.constant 0 : index
    %get3A_48 = vector.load %arg8[%get3A_46, %get3A_47] : memref<64x1xf32, #tpu.memory_space<vmem>>, vector<64x1xf32>
    %add3A_49 = arith.addf %get3A_48, %dot_general3A_41 : vector<64x1xf32>
    %swap3A = arith.constant 0 : index
    %swap3A_50 = arith.constant 0 : index
    %swap3A_51 = vector.load %arg8[%swap3A, %swap3A_50] : memref<64x1xf32, #tpu.memory_space<vmem>>, vector<64x1xf32>
    tpu.vector_store %arg8[%swap3A, %swap3A_50], %add3A_49 {strides = array<i32>} : memref<64x1xf32, #tpu.memory_space<vmem>>, vector<64x1xf32>,
    return
  }
  func.func @transform_0(%arg0: i32) -> (i32, i32) {
    %c0_i32 = arith.constant 0 : i32
    %c0_i32_0 = arith.constant 0 : i32
    return %arg0, %c0_i32 : i32, i32
  }
  func.func @transform_1(%arg0: i32) -> (i32, i32) {
    %c0_i32 = arith.constant 0 : i32
    %c0_i32_0 = arith.constant 0 : i32
    return %arg0, %c0_i32 : i32, i32
  }
  func.func @transform_2(%arg0: i32) -> (i32, i32) {
    %c0_i32 = arith.constant 0 : i32
    %c0_i32_0 = arith.constant 0 : i32
    return %arg0, %c0_i32 : i32, i32
  }
  func.func @transform_3(%arg0: i32) -> (i32, i32) {
    %c0_i32 = arith.constant 0 : i32
    %c0_i32_0 = arith.constant 0 : i32
    %c0_i32_1 = arith.constant 0 : i32
    return %c0_i32, %c0_i32_0 : i32, i32
  }
  func.func @transform_4(%arg0: i32) -> (i32, i32, i32) {
    %c0_i32 = arith.constant 0 : i32
    %c0_i32_0 = arith.constant 0 : i32
    %c0_i32_1 = arith.constant 0 : i32
    return %arg0, %c0_i32, %c0_i32_0 : i32, i32, i32
  }
  func.func @transform_5(%arg0: i32) -> (i32, i32) {
    %c0_i32 = arith.constant 0 : i32
    %c0_i32_0 = arith.constant 0 : i32
    %c0_i32_1 = arith.constant 0 : i32
    return %c0_i32, %c0_i32_0 : i32, i32
  }
  func.func @transform_6(%arg0: i32) -> (i32, i32) {
    %c0_i32 = arith.constant 0 : i32
    %c0_i32_0 = arith.constant 0 : i32
    %c0_i32_1 = arith.constant 0 : i32
    return %c0_i32, %c0_i32_0 : i32, i32
  }
  func.func @transform_7(%arg0: i32) -> (i32, i32) {
    %c0_i32 = arith.constant 0 : i32
    %c0_i32_0 = arith.constant 0 : i32
    %c0_i32_1 = arith.constant 0 : i32
    return %c0_i32, %c0_i32_0 : i32, i32
  }
}

</mosaic_0001>

<sc_bundles>
// kernel: kernel.12.cloned.1.call-start
scs
__scs_entry_jumppad:
0x0: {  	(pc) =	sbr.rel $0x88, $3  }
0x1: {  	(tag) =	ssettag $0x0;
	lr =	simm.s32 $0x1  }
0x2: {  	[smem:$0x3F94] =	sst lr;
	_ =	strace $0xD0000000  }
0x3: {  	_ = 	snop  }
0x4: {  	_ = 	snop  }
0x5: {  	_ = 	snop  }
0x6: {  	_ = 	snop  }
0x7: {  	_ = 	snop  }
__scs_overlays_trampoline_lowered:
0x8: {  	[smem:$0x3FA3] =	sst s0  }
0x9: {  	[smem:$0x3FA4] =	sst s1  }
0xa: {  	[smem:$0x3FA5] =	sst s2  }
0xb: {  	[smem:$0x3FA6] =	sst s3  }
0xc: {  	[smem:$0x3FA7] =	sst s4  }
0xd: {  	[smem:$0x3FA8] =	sst s5  }
0xe: {  	[smem:$0x3FA9] =	sst s6  }
0xf: {  	[smem:$0x3FAA] =	sst s7  }
0x10: {  	[smem:$0x3FAB] =	sst s8  }
0x11: {  	[smem:$0x3FAC] =	sst s9;
	s0 =	simm.s32 @!p0 $0x0  }
0x12: {  	s1 =	sld [smem:$0x3F92];
	s0 =	simm.s32 @p0 $0x1  }
0x13: {  	[smem:$0x3FAD] =	sst s0;
	s0 =	simm.s32 @!p1 $0x0  }
0x14: {  	s2 =	sld [smem:$0x3F91];
	s0 =	simm.s32 @p1 $0x1  }
0x15: {  	[smem:$0x3FAE] =	sst s0;
	s0 =	simm.s32 @!p2 $0x0  }
0x16: {  	s3 =	sld [smem:$0x3FDB];
	s0 =	simm.s32 @p2 $0x1  }
0x17: {  	s4 =	simm.s32 $0x1BF5;
	[smem:$0x3FB0] =	sst s0  }
0x18: {  	s0 =	sld [smem:$0x3F93];
	_ =	swait.ge [sflag:s4], $0x0  }
0x19: {  	s7 =	sld [smem:$0x3F94]  }
0x1a: {  	s8 =	sadd.s32 $0xFFFFE003, lr  }
0x1b: {  	s9 =	sadd.s32 $0xFFFFFEF7, lr;
	s5 =	simm.s32 $0xFFFFFFFF;
	p2 =	slt.u32 s8, $0xFFFFF086  }
0x1c: {  	p1 =	slt.u32 s9, $0xF7A;
	s5 =	simm.s32 @!p2 $0x0  }
0x1d: {  	s5 =	simm.s32 @p1 $0x1;
	p0 =	seq.s32 s7, s2  }
0x1e: {  	s7 =	smul.u32 @!p0 $0xF7A, s2;
	p2 =	seq.s32 @!p0 s5, $0x0  }
0x1f: {  	s9 =	smul.u32 $0xF7A, s1;
	s8 =	simm.s32 @!p0 $0x1BF5;
	p2 =	por !p2, p0  }
0x20: {  	[sflag:s8] =	ssyncset.s32 @!p0 $0xFFFFF086;
	s6 =	sadd.s32 @!p0 s3, s7;
	s7 =	simm.s32 @!p0 $0x108  }
0x21: {  	s3 =	sadd.s32 s3, s9;
	s6 =	sadd.s32 @!p0 $0x88, s6;
	s7 =	simm.s32 @p2 $0x1082  }
0x22: {  	[simem:s7], [sflag:s8] =	dma.local @!p0 [hbm:s6], $0xF7A  }
0x23: {  	s9 =	sor.u32 $0xD0000000, s2;
	s6 =	simm.s32 $0x108;
	_ =	swait.ge @!p0 [sflag:s8], $0x0  }
0x24: {  	s3 =	sadd.s32 $0x88, s3;
	s6 =	simm.s32 @!p1 $0x1082;
	[sflag:s4] =	ssyncset.s32 $0xFFFFF086  }
0x25: {  	[simem:s6], [sflag:s4] =	dma.local [hbm:s3], $0xF7A  }
0x26: {  	[smem:$0x3F94] =	sst s1;
	(tag) =	ssettag s2;
	_ =	strace s9  }
0x27: {  	s1 =	sld [smem:$0x3FA4]  }
0x28: {  	s2 =	sld [smem:$0x3FA5]  }
0x29: {  	s4 =	sld [smem:$0x3FA7]  }
0x2a: {  	p0 =	seq.s32 s5, $0x0;
	s5 =	sld [smem:$0x3FA8]  }
0x2b: {  	s6 =	sld [smem:$0x3FA9]  }
0x2c: {  	s7 =	sld [smem:$0x3FAA]  }
0x2d: {  	s3 =	simm.s32 $0x108;
	s8 =	sld [smem:$0x3FAB]  }
0x2e: {  	s3 =	simm.s32 @!p0 $0x1082;
	s9 =	sld [smem:$0x3FAC]  }
0x2f: {  	lr =	sadd.s32 s0, s3;
	s0 =	sld [smem:$0x3FA3]  }
0x30: {  	s3 =	sld [smem:$0x3FA6]  }
0x31: {  	[smem:$0x3FAF] =	sst s10  }
0x32: {  	s10 =	sld [smem:$0x3FAD];
	_ =	sdelay $0x3  }
0x33: {  	p0 =	seq.s32 s10, $0x1;
	s10 =	sld [smem:$0x3FAF];
	_ =	sdelay $0x3  }
0x34: {  	[smem:$0x3FAF] =	sst s10  }
0x35: {  	s10 =	sld [smem:$0x3FAE];
	_ =	sdelay $0x3  }
0x36: {  	p1 =	seq.s32 s10, $0x1;
	s10 =	sld [smem:$0x3FAF];
	_ =	sdelay $0x3  }
0x37: {  	[smem:$0x3FAF] =	sst s10  }
0x38: {  	s10 =	sld [smem:$0x3FB0]  }
0x39: {  	_ = 	snop;
	(pc) =	sbr.ind lr, $3  }
0x3a: {  	_ = 	snop  }
0x3b: {  	_ = 	snop  }
0x3c: {  	p2 =	seq.s32 s10, $0x1;
	s10 =	sld [smem:$0x3FAF]  }
0x3d: {  	_ =	shalt  }
0x3e: {  	_ =	shalt  }
0x3f: {  	_ =	shalt  }
0x40: {  	_ =	shalt  }
0x41: {  	_ =	shalt  }
0x42: {  	_ =	shalt  }
0x43: {  	_ =	shalt  }
0x44: {  	_ =	shalt  }
0x45: {  	_ =	shalt  }
0x46: {  	_ =	shalt  }
0x47: {  	_ =	shalt  }
0x48: {  	_ =	shalt  }
0x49: {  	_ =	shalt  }
0x4a: {  	_ =	shalt  }
0x4b: {  	_ =	shalt  }
0x4c: {  	_ =	shalt  }
0x4d: {  	_ =	shalt  }
0x4e: {  	_ =	shalt  }
0x4f: {  	_ =	shalt  }
0x50: {  	_ =	shalt  }
0x51: {  	_ =	shalt  }
0x52: {  	_ =	shalt  }
0x53: {  	_ =	shalt  }
0x54: {  	_ =	shalt  }
0x55: {  	_ =	shalt  }
0x56: {  	_ =	shalt  }
0x57: {  	_ =	shalt  }
0x58: {  	_ =	shalt  }
0x59: {  	_ =	shalt  }
0x5a: {  	_ =	shalt  }
0x5b: {  	_ =	shalt  }
0x5c: {  	_ =	shalt  }
0x5d: {  	_ =	shalt  }
0x5e: {  	_ =	shalt  }
0x5f: {  	_ =	shalt  }
0x60: {  	_ =	shalt  }
0x61: {  	_ =	shalt  }
0x62: {  	_ =	shalt  }
0x63: {  	_ =	shalt  }
0x64: {  	_ =	shalt  }
0x65: {  	_ =	shalt  }
0x66: {  	_ =	shalt  }
0x67: {  	_ =	shalt  }
0x68: {  	_ =	shalt  }
0x69: {  	_ =	shalt  }
0x6a: {  	_ =	shalt  }
0x6b: {  	_ =	shalt  }
0x6c: {  	_ =	shalt  }
0x6d: {  	_ =	shalt  }
0x6e: {  	_ =	shalt  }
0x6f: {  	_ =	shalt  }
0x70: {  	_ =	shalt  }
0x71: {  	_ =	shalt  }
0x72: {  	_ =	shalt  }
0x73: {  	_ =	shalt  }
0x74: {  	_ =	shalt  }
0x75: {  	_ =	shalt  }
0x76: {  	_ =	shalt  }
0x77: {  	_ =	shalt  }
0x78: {  	_ =	shalt  }
0x79: {  	_ =	shalt  }
0x7a: {  	_ =	shalt  }
0x7b: {  	_ =	shalt  }
0x7c: {  	_ =	shalt  }
0x7d: {  	_ =	shalt  }
0x7e: {  	_ =	shalt  }
0x7f: {  	_ =	shalt  }
0x80: {  	_ =	shalt  }
0x81: {  	_ =	shalt  }
0x82: {  	_ =	shalt  }
0x83: {  	_ =	shalt  }
0x84: {  	_ =	shalt  }
0x85: {  	_ =	shalt  }
0x86: {  	_ =	shalt  }
0x87: {  	_ =	shalt  }
.Lfunc_end0:
.L_simem_size_0:
called_computation_lowered:
.L_overlay_start_0:
0x88: {  	s2 =	sld [smem:$0x3FD9]  }
0x89: {  	s3 =	sld [smem:$0x3FFE];
	_ =	sdelay $0x1  }
0x8a: {  	s1 =	srdreg.scid  }
0x8b: {  	s0 =	sand.u32 $0x1, s1  }
0x8c: {  	s16 =	sshll.u32 s0, $0xA;
	s2 =	sadd.s32 s3, s2  }
0x8d: {  	s2 =	sadd.s32 s2, s16  }
0x8e: {  	[smem:$0x3FBB] =	sst s2  }
0x8f: {  	_ = 	snop  }
0x90: {  	(tm) =	ssettm $0x1  }
0x91: {  	s17 =	sld [smem:$0x3FFB];
	_ =	sdelay $0x3  }
0x92: {  	_ =	strace s17  }
0x93: {  	s2 =	sld [smem:$0x3FFC];
	_ =	sdelay $0x3  }
0x94: {  	_ =	strace s2  }
0x95: {  	s2 =	sld [smem:$0x3FFD];
	_ =	sdelay $0x3  }
0x96: {  	_ =	strace s2  }
0x97: {  	_ =	strace $0x8FFFFFFF  }
0x98: {  	s18 =	sld [smem:$0x3FDB];
	_ =	sdelay $0x1  }
0x99: {  	s19 =	simm.s32 $_scs_section_size  }
0x9a: {  	s4 =	simm.s32 $_size__tile_overlayer_lowered;
	s5 =	simm.s32 $_tile_overlayer_lowered  }
0x9b: {  	s22 =	simm.s32 $0x1BFF;
	s21 =	sshll.u32 s5, $0x1;
	s2 =	sadd.s32 s19, s18  }
0x9c: {  	s6 =	simm.s32 $0x0;
	s20 =	sshll.u32 s4, $0x1;
	s4 =	sadd.s32 s21, s2  }
0x9d: {  	[timem:s6], [sflag:s22] =	dma.local [hbm:s4], s20  }
0x9e: {  	_ =	swait.ge [sflag:s22], s20  }
0x9f: {  	s3 =	ssub.s32 $0x0, s20;
	[sflag:s22] =	ssyncset.done $0x0  }
0xa0: {  	[sflag:s22] =	ssyncadd.s32 s3;
	_ =	sdelay $0x1  }
0xa1: {  	s23 =	simm.s32 $0x1B8B  }
0xa2: {  	_ =	swait.ge [sflag:s23], $0x1  }
0xa3: {  	[sflag:s23] =	ssyncset.done $0x0  }
0xa4: {  	s25 =	simm.s32 $0x1B8E;
	s24 =	sld [smem:$0x3FFE];
	[sflag:s23] =	ssyncadd.s32 $0xFFFFFFFF  }
0xa5: {  	s26 =	simm.s32 $execute0_lowered;
	[smem:$0x3FD2] =	sst s25  }
0xa6: {  	s4 =	sshll.u32 s26, $0x1;
	_ =	strace $0x80000046;
	[dreg:$0x1] =	wrdreg $0xFFFFFFFF  }
0xa7: {  	s28 =	simm.s32 $_size_execute0_lowered;
	s2 =	sadd.s32 s2, s4;
	[dreg:$0x0] =	wrdreg $0x0  }
0xa8: {  	s4 =	sshll.u32 s28, $0x1;
	[dreg:$0x2] =	wrdreg s2  }
0xa9: {  	[dreg:$0x3] =	wrdreg s4  }
0xaa: {  	[dreg:$0x4] =	wrdreg $0xC0  }
0xab: {  	_ =	task [dreg:s6], $0x5FFFF  }
0xac: {  	[dreg:$0x1] =	wrdreg $0xFFFFFFFF  }
0xad: {  	[dreg:$0x0] =	wrdreg $0x60  }
0xae: {  	[dreg:$0x2] =	wrdreg s24  }
0xaf: {  	[dreg:$0x3] =	wrdreg $0x68000  }
0xb0: {  	[dreg:$0x4] =	wrdreg $0x9  }
0xb1: {  	_ =	task.clear_ibuf [dreg:s6], $0x5FFFF;
	_ =	strace $0x90000046  }
0xb2: {  	s29 =	simm.s32 $0x9;
	_ =	strace $0x80000048  }
0xb3: {  	_ =	swait.ge [sflag:s29], $0x1  }
0xb4: {  	[sflag:s29] =	ssyncadd.s32 $0xFFFFFFFF  }
0xb5: {  	_ =	strace $0x90000048  }
0xb6: {  	_ =	sfence  }
0xb7: {  	s30 =	sld [smem:$0x0];
	_ =	sdelay $0x2  }
0xb8: {  	s31 =	sshll.u32 s1, $0xD;
	s1 =	sshrl.u32 s1, $0x2  }
0xb9: {  	s3 =	sand.u32 $0x4000, s31;
	s1 =	sadd.s32 s1, s30  }
0xba: {  	s0 =	sor.u32 s3, s0;
	s1 =	sshll.u32 s1, $0x11  }
0xbb: {  	s0 =	sor.u32 s1, s0  }
0xbc: {  	s0 =	sadd.s32 $0x8F2B, s0  }
0xbd: {  	[sflag:s0] =	ssyncadd.remote.s32 $0x1  }
0xbe: {  	_ =	sfence.sel $0xFFFF  }
0xbf: {  	[dreg:$0x0] =	wrdreg $0xFFFFFFFF;
	(pc) =	sbr.abs _section_cstart, $3  }
0xc0: {  	[dreg:$0x1] =	wrdreg $0xFFFFFFFF  }
0xc1: {  	_ =	task.clear_ibuf [dreg:s6], $0x2FFFF;
	_ =	strace $0x9FFFFFFF  }
0xc2: {  	(tm) =	ssettm $0x7FFFFFFF  }
0xc3: {  	_ =	shalt  }
tec
execute0_lowered:
.L_overlay_start_1:
0x0: {  	(tag) =	ssettag $0x1  }
0x1: {  	s7 =	rddreg [dreg:$0x0]  }
0x2: {  	s0 =	srdreg.scid;
	s2 =	rddreg [dreg:$0x1]  }
0x3: {  	s1 =	stileid.u32;
	s3 =	simm.s32 $0x0;
	s14 =	simm.s32 $0x0  }
0x4: {  	s6 =	sand.u32 $0x1, s0;
	s0 =	rddreg [dreg:$0x2];
	s11 =	smul.u32 $0x50000, s1  }
0x5: {  	[smem:$0x7FF] =	sst s3;
	s5 =	sadd.s32 $0x11200, s7;
	s12 =	smul.u32 $0x2800, s1  }
0x6: {  	s31 =	sshll.u32 s1, $0x6;
	s4 =	sshll.u32 s6, $0x4;
	_ =	strace $0x80000047  }
0x7: {  	s9 =	ssub.s32 $0x2, s6;
	p0 =	seq.s32 s6, $0x1;
	s4 =	sor.u32 s1, s4  }
0x8: {  	s10 =	sshrl.u32 s9, $0x1;
	s11 =	sshrl.u32 s11, $0x2;
	s4 =	smul.u32 $0x500, s4  }
0x9: {  	s9 =	ssub.s32 s9, s10;
	s10 =	simm.s32 $0x3C200;
	s13 =	sadd.s32 s11, s2  }
0xa: {  	s11 =	sor.u32 $0x1C01, s31;
	s10 =	simm.s32 @!p0 $0x14200;
	s8 =	sadd.s32 s4, s7  }
0xb: {  	s4 =	sadd.s32 $0x13A00, s7;
	s30 =	sadd.s32 s10, s7;
	s7 =	smax.u32 s9, $0x1  }
0xc: {  	s9 =	simm.s32 $0x2800;
	s10 =	simm.s32 $0x1;
	s6 =	sadd.s32 $0x7200, s8  }
0xd: {  	s8 =	sadd.s32 s30, s12;
	s12 =	sshrl.u32 s13, $0x3;
	s13 =	simm.s32 $0x80  }
.LBB2_1:
0xe: {  	[tilespmem:s9], [sflag:$0x1] =	stream.linear.gather [hbm4b:s4+s3], $0x4000, $0x38;
	[tilespmem:$0x1A800] =	vst v63  }
0xf: {  	_ =	swait.ge [sflag:s10], $0x4000  }
0x10: {  	[sflag:s10] =	ssyncset.done $0x0  }
0x11: {  	[sflag:s10] =	ssyncadd.s32 $0xFFFFC000  }
0x12: {  	[tilespmem:s3], [sflag:$0x1] =	stream.linear.gather [hbm4b:s6+s3], $0x2800, $0x38;
	[tilespmem:$0x1A800] =	vst v63  }
0x13: {  	_ =	swait.ge [sflag:s10], $0x2800  }
0x14: {  	[sflag:s10] =	ssyncset.done $0x0  }
0x15: {  	[sflag:s10] =	ssyncadd.s32 $0xFFFFD800  }
0x16: {  	[spmem:s12], [sflag:s11] =	dma.local [hbm:s5], $0x2800  }
0x17: {  	_ =	swait.ge [sflag:s10], $0x2800  }
0x18: {  	[sflag:s10] =	ssyncset.done $0x0  }
0x19: {  	[sflag:s10] =	ssyncadd.s32 $0xFFFFD800  }
0x1a: {  	s15 =	simm.s32 $0x0;
	[bflag:$0x0] =	sbarrier.arrive $0xFFFF  }
0x1b: {  	[spmem:s2] =	stream.indirect.scatter.add.f32 [tilespmem:s9], [sflag:$0x1], $0x80, s15, s13, $0xb8;
	[tilespmem:$0x1A800] =	vst v63  }
0x1c: {  	_ =	swait.ge [sflag:s10], $0x4000  }
0x1d: {  	s15 =	simm.s32 $0x200;
	[sflag:s10] =	ssyncset.done $0x0  }
.LBB2_2:
0x1e: {  	s16 =	sshra.s32 s15, $0x2;
	[sflag:s10] =	ssyncadd.s32 $0xFFFFC000;
	p0 =	sne.s32 s15, $0x9E00  }
0x1f: {  	[spmem:s2] =	stream.indirect.scatter.add.f32 [tilespmem:s9], [sflag:$0x1], $0x80, s16, s13, $0xb8;
	[tilespmem:$0x1A800] =	vst v63  }
.Ltmp0:
0x20: {  	_ = 	snop;
	(pc) =	sbr.rel @p0 .LBB2_2-.Ltmp0, $4  }
0x21: {  	_ = 	snop  }
0x22: {  	s15 =	sadd.s32 $0x200, s15  }
0x23: {  	_ =	swait.ge [sflag:s10], $0x4000  }
0x24: {  	[sflag:s10] =	ssyncset.done $0x0  }
0x25: {  	s14 =	sadd.s32 $0x1, s14  }
0x26: {  	[sflag:s10] =	ssyncadd.s32 $0xFFFFC000;
	p0 =	sne.s32 s14, s7  }
.Ltmp1:
0x27: {  	[bflag:$0x0] =	sbarrier.arrive $0xFFFF;
	(pc) =	sbr.rel @p0 .LBB2_1-.Ltmp1, $4  }
0x28: {  	[hbm:s8], [sflag:s11] =	dma.local [spmem:s12], $0x2800  }
0x29: {  	_ =	swait.ge [sflag:s10], $0x2800  }
0x2a: {  	[sflag:s10] =	ssyncset.done $0x0  }
0x2b: {  	[sflag:s10] =	ssyncadd.s32 $0xFFFFD800  }
0x2c: {  	_ =	sfence.sel $0x180000  }
0x2d: {  	[bflag:$0x0] =	sbarrier.arrive $0xFFFF  }
0x2e: {  	p0 =	sne.s32 s1, $0x0;
	_ =	strace $0x90000047  }
0x2f: {  	s0 =	sadd.s32 @!p0 $0x100000, s0;
	[bflag:$0x2] =	sbarrier.arrive $0xFFFF  }
0x30: {  	[sflag:s0] =	ssyncadd.tile.s32 @!p0 $0x1;
	_ =	shalt  }
.Lfunc_end2:
_tile_overlayer_lowered:
.L_overlay_start_2:
0x31: {  	(tag) =	ssettag $0x2  }
0x32: {  	s0 =	rddreg [dreg:$0x0];
	s2 =	stileid.u32  }
0x33: {  	s1 =	rddreg [dreg:$0x1];
	p0 =	sne.s32 s2, $0x0  }
0x34: {  	s3 =	rddreg [dreg:$0x2];
	[bflag:$0x3] =	sbarrier.arrive $0xFFFF;
	s2 =	simm.s32 @!p0 $0x1C01  }
0x35: {  	[timem:s3], [sflag:s2] =	dma.local @!p0 [hbm:s0], s1  }
0x36: {  	s0 =	simm.s32 @!p0 $0x1  }
0x37: {  	_ =	swait.ge @!p0 [sflag:s0], s1  }
0x38: {  	s1 =	ssub.s32 @!p0 $0x0, s1;
	[sflag:s0] =	ssyncset.done @!p0 $0x0  }
0x39: {  	[sflag:s0] =	ssyncadd.s32 @!p0 s1  }
0x3a: {  	[bflag:$0x3] =	sbarrier.arrive $0xFFFF  }
0x3b: {  	_ =	shalt  }

// kernel: kernel.15.cloned.1.call-start
scs
__scs_entry_jumppad:
0x0: {  	(pc) =	sbr.rel $0x88, $3  }
0x1: {  	(tag) =	ssettag $0x0;
	lr =	simm.s32 $0x1  }
0x2: {  	[smem:$0x3F94] =	sst lr;
	_ =	strace $0xD0000000  }
0x3: {  	_ = 	snop  }
0x4: {  	_ = 	snop  }
0x5: {  	_ = 	snop  }
0x6: {  	_ = 	snop  }
0x7: {  	_ = 	snop  }
__scs_overlays_trampoline_lowered:
0x8: {  	[smem:$0x3FA3] =	sst s0  }
0x9: {  	[smem:$0x3FA4] =	sst s1  }
0xa: {  	[smem:$0x3FA5] =	sst s2  }
0xb: {  	[smem:$0x3FA6] =	sst s3  }
0xc: {  	[smem:$0x3FA7] =	sst s4  }
0xd: {  	[smem:$0x3FA8] =	sst s5  }
0xe: {  	[smem:$0x3FA9] =	sst s6  }
0xf: {  	[smem:$0x3FAA] =	sst s7  }
0x10: {  	[smem:$0x3FAB] =	sst s8  }
0x11: {  	[smem:$0x3FAC] =	sst s9;
	s0 =	simm.s32 @!p0 $0x0  }
0x12: {  	s1 =	sld [smem:$0x3F92];
	s0 =	simm.s32 @p0 $0x1  }
0x13: {  	[smem:$0x3FAD] =	sst s0;
	s0 =	simm.s32 @!p1 $0x0  }
0x14: {  	s2 =	sld [smem:$0x3F91];
	s0 =	simm.s32 @p1 $0x1  }
0x15: {  	[smem:$0x3FAE] =	sst s0;
	s0 =	simm.s32 @!p2 $0x0  }
0x16: {  	s3 =	sld [smem:$0x3FDB];
	s0 =	simm.s32 @p2 $0x1  }
0x17: {  	s4 =	simm.s32 $0x1BF5;
	[smem:$0x3FB0] =	sst s0  }
0x18: {  	s0 =	sld [smem:$0x3F93];
	_ =	swait.ge [sflag:s4], $0x0  }
0x19: {  	s7 =	sld [smem:$0x3F94]  }
0x1a: {  	s8 =	sadd.s32 $0xFFFFE003, lr  }
0x1b: {  	s9 =	sadd.s32 $0xFFFFFEF7, lr;
	s5 =	simm.s32 $0xFFFFFFFF;
	p2 =	slt.u32 s8, $0xFFFFF086  }
0x1c: {  	p1 =	slt.u32 s9, $0xF7A;
	s5 =	simm.s32 @!p2 $0x0  }
0x1d: {  	s5 =	simm.s32 @p1 $0x1;
	p0 =	seq.s32 s7, s2  }
0x1e: {  	s7 =	smul.u32 @!p0 $0xF7A, s2;
	p2 =	seq.s32 @!p0 s5, $0x0  }
0x1f: {  	s9 =	smul.u32 $0xF7A, s1;
	s8 =	simm.s32 @!p0 $0x1BF5;
	p2 =	por !p2, p0  }
0x20: {  	[sflag:s8] =	ssyncset.s32 @!p0 $0xFFFFF086;
	s6 =	sadd.s32 @!p0 s3, s7;
	s7 =	simm.s32 @!p0 $0x108  }
0x21: {  	s3 =	sadd.s32 s3, s9;
	s6 =	sadd.s32 @!p0 $0x88, s6;
	s7 =	simm.s32 @p2 $0x1082  }
0x22: {  	[simem:s7], [sflag:s8] =	dma.local @!p0 [hbm:s6], $0xF7A  }
0x23: {  	s9 =	sor.u32 $0xD0000000, s2;
	s6 =	simm.s32 $0x108;
	_ =	swait.ge @!p0 [sflag:s8], $0x0  }
0x24: {  	s3 =	sadd.s32 $0x88, s3;
	s6 =	simm.s32 @!p1 $0x1082;
	[sflag:s4] =	ssyncset.s32 $0xFFFFF086  }
0x25: {  	[simem:s6], [sflag:s4] =	dma.local [hbm:s3], $0xF7A  }
0x26: {  	[smem:$0x3F94] =	sst s1;
	(tag) =	ssettag s2;
	_ =	strace s9  }
0x27: {  	s1 =	sld [smem:$0x3FA4]  }
0x28: {  	s2 =	sld [smem:$0x3FA5]  }
0x29: {  	s4 =	sld [smem:$0x3FA7]  }
0x2a: {  	p0 =	seq.s32 s5, $0x0;
	s5 =	sld [smem:$0x3FA8]  }
0x2b: {  	s6 =	sld [smem:$0x3FA9]  }
0x2c: {  	s7 =	sld [smem:$0x3FAA]  }
0x2d: {  	s3 =	simm.s32 $0x108;
	s8 =	sld [smem:$0x3FAB]  }
0x2e: {  	s3 =	simm.s32 @!p0 $0x1082;
	s9 =	sld [smem:$0x3FAC]  }
0x2f: {  	lr =	sadd.s32 s0, s3;
	s0 =	sld [smem:$0x3FA3]  }
0x30: {  	s3 =	sld [smem:$0x3FA6]  }
0x31: {  	[smem:$0x3FAF] =	sst s10  }
0x32: {  	s10 =	sld [smem:$0x3FAD];
	_ =	sdelay $0x3  }
0x33: {  	p0 =	seq.s32 s10, $0x1;
	s10 =	sld [smem:$0x3FAF];
	_ =	sdelay $0x3  }
0x34: {  	[smem:$0x3FAF] =	sst s10  }
0x35: {  	s10 =	sld [smem:$0x3FAE];
	_ =	sdelay $0x3  }
0x36: {  	p1 =	seq.s32 s10, $0x1;
	s10 =	sld [smem:$0x3FAF];
	_ =	sdelay $0x3  }
0x37: {  	[smem:$0x3FAF] =	sst s10  }
0x38: {  	s10 =	sld [smem:$0x3FB0]  }
0x39: {  	_ = 	snop;
	(pc) =	sbr.ind lr, $3  }
0x3a: {  	_ = 	snop  }
0x3b: {  	_ = 	snop  }
0x3c: {  	p2 =	seq.s32 s10, $0x1;
	s10 =	sld [smem:$0x3FAF]  }
0x3d: {  	_ =	shalt  }
0x3e: {  	_ =	shalt  }
0x3f: {  	_ =	shalt  }
0x40: {  	_ =	shalt  }
0x41: {  	_ =	shalt  }
0x42: {  	_ =	shalt  }
0x43: {  	_ =	shalt  }
0x44: {  	_ =	shalt  }
0x45: {  	_ =	shalt  }
0x46: {  	_ =	shalt  }
0x47: {  	_ =	shalt  }
0x48: {  	_ =	shalt  }
0x49: {  	_ =	shalt  }
0x4a: {  	_ =	shalt  }
0x4b: {  	_ =	shalt  }
0x4c: {  	_ =	shalt  }
0x4d: {  	_ =	shalt  }
0x4e: {  	_ =	shalt  }
0x4f: {  	_ =	shalt  }
0x50: {  	_ =	shalt  }
0x51: {  	_ =	shalt  }
0x52: {  	_ =	shalt  }
0x53: {  	_ =	shalt  }
0x54: {  	_ =	shalt  }
0x55: {  	_ =	shalt  }
0x56: {  	_ =	shalt  }
0x57: {  	_ =	shalt  }
0x58: {  	_ =	shalt  }
0x59: {  	_ =	shalt  }
0x5a: {  	_ =	shalt  }
0x5b: {  	_ =	shalt  }
0x5c: {  	_ =	shalt  }
0x5d: {  	_ =	shalt  }
0x5e: {  	_ =	shalt  }
0x5f: {  	_ =	shalt  }
0x60: {  	_ =	shalt  }
0x61: {  	_ =	shalt  }
0x62: {  	_ =	shalt  }
0x63: {  	_ =	shalt  }
0x64: {  	_ =	shalt  }
0x65: {  	_ =	shalt  }
0x66: {  	_ =	shalt  }
0x67: {  	_ =	shalt  }
0x68: {  	_ =	shalt  }
0x69: {  	_ =	shalt  }
0x6a: {  	_ =	shalt  }
0x6b: {  	_ =	shalt  }
0x6c: {  	_ =	shalt  }
0x6d: {  	_ =	shalt  }
0x6e: {  	_ =	shalt  }
0x6f: {  	_ =	shalt  }
0x70: {  	_ =	shalt  }
0x71: {  	_ =	shalt  }
0x72: {  	_ =	shalt  }
0x73: {  	_ =	shalt  }
0x74: {  	_ =	shalt  }
0x75: {  	_ =	shalt  }
0x76: {  	_ =	shalt  }
0x77: {  	_ =	shalt  }
0x78: {  	_ =	shalt  }
0x79: {  	_ =	shalt  }
0x7a: {  	_ =	shalt  }
0x7b: {  	_ =	shalt  }
0x7c: {  	_ =	shalt  }
0x7d: {  	_ =	shalt  }
0x7e: {  	_ =	shalt  }
0x7f: {  	_ =	shalt  }
0x80: {  	_ =	shalt  }
0x81: {  	_ =	shalt  }
0x82: {  	_ =	shalt  }
0x83: {  	_ =	shalt  }
0x84: {  	_ =	shalt  }
0x85: {  	_ =	shalt  }
0x86: {  	_ =	shalt  }
0x87: {  	_ =	shalt  }
.Lfunc_end0:
.L_simem_size_0:
called_computation.1_lowered:
.L_overlay_start_0:
0x88: {  	s2 =	sld [smem:$0x3FD9]  }
0x89: {  	s3 =	sld [smem:$0x3FFE];
	_ =	sdelay $0x1  }
0x8a: {  	s1 =	srdreg.scid  }
0x8b: {  	s0 =	sand.u32 $0x1, s1  }
0x8c: {  	s16 =	sshll.u32 s0, $0xA;
	s2 =	sadd.s32 s3, s2  }
0x8d: {  	s2 =	sadd.s32 s2, s16  }
0x8e: {  	[smem:$0x3FBB] =	sst s2  }
0x8f: {  	_ = 	snop  }
0x90: {  	(tm) =	ssettm $0x1  }
0x91: {  	s17 =	sld [smem:$0x3FFB];
	_ =	sdelay $0x3  }
0x92: {  	_ =	strace s17  }
0x93: {  	s2 =	sld [smem:$0x3FFC];
	_ =	sdelay $0x3  }
0x94: {  	_ =	strace s2  }
0x95: {  	s2 =	sld [smem:$0x3FFD];
	_ =	sdelay $0x3  }
0x96: {  	_ =	strace s2  }
0x97: {  	_ =	strace $0x8FFFFFFF  }
0x98: {  	s18 =	sld [smem:$0x3FDB];
	_ =	sdelay $0x1  }
0x99: {  	s19 =	simm.s32 $_scs_section_size  }
0x9a: {  	s4 =	simm.s32 $_size__tile_overlayer_lowered;
	s5 =	simm.s32 $_tile_overlayer_lowered  }
0x9b: {  	s22 =	simm.s32 $0x1BFF;
	s21 =	sshll.u32 s5, $0x1;
	s2 =	sadd.s32 s19, s18  }
0x9c: {  	s6 =	simm.s32 $0x0;
	s20 =	sshll.u32 s4, $0x1;
	s4 =	sadd.s32 s21, s2  }
0x9d: {  	[timem:s6], [sflag:s22] =	dma.local [hbm:s4], s20  }
0x9e: {  	_ =	swait.ge [sflag:s22], s20  }
0x9f: {  	s3 =	ssub.s32 $0x0, s20;
	[sflag:s22] =	ssyncset.done $0x0  }
0xa0: {  	[sflag:s22] =	ssyncadd.s32 s3;
	_ =	sdelay $0x1  }
0xa1: {  	s23 =	simm.s32 $0x1B8B  }
0xa2: {  	_ =	swait.ge [sflag:s23], $0x1  }
0xa3: {  	[sflag:s23] =	ssyncset.done $0x0  }
0xa4: {  	s25 =	simm.s32 $0x1B8E;
	s24 =	sld [smem:$0x3FFE];
	[sflag:s23] =	ssyncadd.s32 $0xFFFFFFFF  }
0xa5: {  	s26 =	simm.s32 $execute0_lowered;
	[smem:$0x3FD2] =	sst s25  }
0xa6: {  	s4 =	sshll.u32 s26, $0x1;
	_ =	strace $0x80000049;
	[dreg:$0x1] =	wrdreg $0xFFFFFFFF  }
0xa7: {  	s28 =	simm.s32 $_size_execute0_lowered;
	s2 =	sadd.s32 s2, s4;
	[dreg:$0x0] =	wrdreg $0x0  }
0xa8: {  	s4 =	sshll.u32 s28, $0x1;
	[dreg:$0x2] =	wrdreg s2  }
0xa9: {  	[dreg:$0x3] =	wrdreg s4  }
0xaa: {  	[dreg:$0x4] =	wrdreg $0xC0  }
0xab: {  	_ =	task [dreg:s6], $0x5FFFF  }
0xac: {  	[dreg:$0x1] =	wrdreg $0xFFFFFFFF  }
0xad: {  	[dreg:$0x0] =	wrdreg $0x60  }
0xae: {  	[dreg:$0x2] =	wrdreg s24  }
0xaf: {  	[dreg:$0x3] =	wrdreg $0x84000  }
0xb0: {  	[dreg:$0x4] =	wrdreg $0x9  }
0xb1: {  	_ =	task.clear_ibuf [dreg:s6], $0x5FFFF;
	_ =	strace $0x90000049  }
0xb2: {  	s29 =	simm.s32 $0x9;
	_ =	strace $0x8000004B  }
0xb3: {  	_ =	swait.ge [sflag:s29], $0x1  }
0xb4: {  	[sflag:s29] =	ssyncadd.s32 $0xFFFFFFFF  }
0xb5: {  	_ =	strace $0x9000004B  }
0xb6: {  	_ =	sfence  }
0xb7: {  	s30 =	sld [smem:$0x0];
	_ =	sdelay $0x2  }
0xb8: {  	s31 =	sshll.u32 s1, $0xD;
	s1 =	sshrl.u32 s1, $0x2  }
0xb9: {  	s3 =	sand.u32 $0x4000, s31;
	s1 =	sadd.s32 s1, s30  }
0xba: {  	s0 =	sor.u32 s3, s0;
	s1 =	sshll.u32 s1, $0x11  }
0xbb: {  	s0 =	sor.u32 s1, s0  }
0xbc: {  	s0 =	sadd.s32 $0x8F2B, s0  }
0xbd: {  	[sflag:s0] =	ssyncadd.remote.s32 $0x1  }
0xbe: {  	_ =	sfence.sel $0xFFFF  }
0xbf: {  	[dreg:$0x0] =	wrdreg $0xFFFFFFFF;
	(pc) =	sbr.abs _section_cstart, $3  }
0xc0: {  	[dreg:$0x1] =	wrdreg $0xFFFFFFFF  }
0xc1: {  	_ =	task.clear_ibuf [dreg:s6], $0x2FFFF;
	_ =	strace $0x9FFFFFFF  }
0xc2: {  	(tm) =	ssettm $0x7FFFFFFF  }
0xc3: {  	_ =	shalt  }
tec
execute0_lowered:
.L_overlay_start_1:
0x0: {  	(tag) =	ssettag $0x1  }
0x1: {  	s0 =	rddreg [dreg:$0x0]  }
0x2: {  	s1 =	rddreg [dreg:$0x1];
	s3 =	simm.s32 $0x0;
	s11 =	stileid.u32  }
0x3: {  	s6 =	srdreg.scid;
	s19 =	simm.s32 $0x7;
	s28 =	simm.s32 $0x4  }
0x4: {  	s29 =	simm.s32 $0x2;
	s30 =	simm.s32 $0x280;
	s31 =	simm.s32 $0x6  }
0x5: {  	[smem:$0x7FF] =	sst s3;
	s4 =	sadd.s32 $0x7200, s0;
	s5 =	sadd.s32 $0x2F200, s0  }
0x6: {  	s2 =	sshll.u32 s11, $0x5;
	s6 =	sand.u32 $0x1, s6;
	s7 =	smul.u32 $0x50000, s11  }
0x7: {  	s8 =	sadd.s32 $0xA0200, s0;
	s25 =	sshll.u32 s11, $0x6;
	_ =	strace $0x8000004A  }
0x8: {  	s2 =	sadd.s32 s2, s0;
	[dreg:$0x3] =	wrdreg s8;
	s0 =	sadd.s32 $0xC8200, s0  }
0x9: {  	s20 =	ssub.s32 $0x2, s6;
	s8 =	smul.u32 $0x2800, s11;
	p0 =	seq.s32 s6, $0x1  }
0xa: {  	[dreg:$0x9] =	wrdreg s25;
	s15 =	sor.u32 $0x1C07, s25;
	s25 =	simm.s32 $0x300  }
0xb: {  	s6 =	simm.s32 $0x380;
	[dreg:$0x4] =	wrdreg s0;
	s9 =	sshrl.u32 s20, $0x1  }
0xc: {  	s7 =	sshrl.u32 s7, $0x2;
	s10 =	sadd.s32 $0x64200, s2;
	s23 =	sadd.s32 $0x64400, s2  }
0xd: {  	s24 =	sadd.s32 $0x64600, s2;
	s2 =	sadd.s32 $0x64800, s2;
	[dreg:$0x6] =	wrdreg s23  }
0xe: {  	s0 =	ssub.s32 s20, s9;
	s21 =	sadd.s32 s7, s1;
	[dreg:$0x7] =	wrdreg s24  }
0xf: {  	s22 =	sadd.s32 s4, s8;
	[dreg:$0x8] =	wrdreg s2;
	s26 =	sadd.s32 s5, s8  }
.Ltmp0:
0x10: {  	s20 =	simm.s32 $0x80;
	s23 =	simm.s32 $0x4400;
	(pc) =	sbr.rel .LBB2_1-.Ltmp0, $4  }
0x11: {  	s24 =	simm.s32 $0x100;
	s2 =	simm.s32 $0x3;
	[dreg:$0x5] =	wrdreg s22  }
0x12: {  	s7 =	simm.s32 $0x5;
	s9 =	simm.s32 $0x0;
	[dreg:$0xa] =	wrdreg s26  }
0x13: {  	s16 =	smax.u32 s0, $0x1;
	s18 =	sshrl.u32 s21, $0x3;
	s21 =	simm.s32 $0x400  }
0x14: {  	s22 =	simm.s32 $0x200;
	s26 =	simm.s32 $0x1;
	s0 =	simm.s32 $0x180  }
.LBB2_8:
0x15: {  	s14 =	rddreg [dreg:$0x4];
	s17 =	smov.u32 s15  }
.LBB2_9:
0x16: {  	_ =	swait.ge [sflag:s29], $0x4000  }
0x17: {  	[sflag:s29] =	ssyncset.done $0x0  }
0x18: {  	[sflag:s29] =	ssyncadd.s32 $0xFFFFC000  }
0x19: {  	[spmem:s1] =	stream.indirect.scatter.add.f32 [tilespmem:s23], [sflag:$0x7], $0x80, s6, s20, $0xb8;
	[tilespmem:$0x1C400] =	vst v63  }
0x1a: {  	_ =	swait.ge [sflag:s19], $0x4000  }
0x1b: {  	s9 =	sadd.s32 $0x1, s9;
	[sflag:s19] =	ssyncset.done $0x0  }
0x1c: {  	p1 =	sne.s32 s9, s16;
	[sflag:s19] =	ssyncadd.s32 $0xFFFFC000  }
.Ltmp1:
0x1d: {  	s11 =	sadd.s32 s14, s8;
	[bflag:$0x0] =	sbarrier.arrive $0xFFFF;
	(pc) =	sbr.rel @!p1 .LBB2_10-.Ltmp1, $4  }
0x1e: {  	[hbm:s11], [sflag:s17] =	dma.local [spmem:s18], $0x2800  }
0x1f: {  	_ =	swait.ge [sflag:s19], $0x2800  }
0x20: {  	[sflag:s19] =	ssyncset.done $0x0  }
0x21: {  	[sflag:s19] =	ssyncadd.s32 $0xFFFFD800  }
.LBB2_1:
.Ltmp2:
0x22: {  	(pc) =	sbr.rel @!p0 .LBB2_2-.Ltmp2, $1  }
0x23: {  	_ =	sdelay $0x3  }
0x24: {  	s11 =	rddreg [dreg:$0xa]  }
0x25: {  	[spmem:s18], [sflag:s15] =	dma.local [hbm:s11], $0x2800  }
0x26: {  	_ =	swait.ge [sflag:s19], $0x2800  }
0x27: {  	[sflag:s19] =	ssyncset.done $0x0  }
0x28: {  	[sflag:s19] =	ssyncadd.s32 $0xFFFFD800  }
0x29: {  	[bflag:$0x0] =	sbarrier.arrive $0xFFFF  }
0x2a: {  	[tilespmem:s3], [sflag:$0x7] =	stream.linear.gather [hbm4b:s10+s3], $0x100, $0x38;
	[tilespmem:$0x1C400] =	vst v63  }
0x2b: {  	_ =	swait.ge [sflag:s19], $0x100  }
0x2c: {  	[sflag:s19] =	ssyncset.done $0x0  }
0x2d: {  	[sflag:s19] =	ssyncadd.s32 $0xFFFFFF00  }
0x2e: {  	[tilespmem:s21], [sflag:$0x1] =	stream.indirect.gather [hbm4b:s5+s20], $0x80, s3, s20, $0xb8;
	[tilespmem:$0x1C400] =	vst v63  }
0x2f: {  	s13 =	rddreg [dreg:$0x6]  }
0x30: {  	[tilespmem:s22], [sflag:$0x7] =	stream.linear.gather [hbm4b:s13+s3], $0x100, $0x38;
	[tilespmem:$0x1C400] =	vst v63  }
0x31: {  	_ =	swait.ge [sflag:s19], $0x100  }
0x32: {  	[sflag:s19] =	ssyncset.done $0x0  }
0x33: {  	[sflag:s19] =	ssyncadd.s32 $0xFFFFFF00  }
0x34: {  	[tilespmem:s23], [sflag:$0x2] =	stream.indirect.gather [hbm4b:s5+s20], $0x80, s22, s20, $0xb8;
	[tilespmem:$0x1C400] =	vst v63  }
0x35: {  	s14 =	rddreg [dreg:$0x7]  }
0x36: {  	[tilespmem:s24], [sflag:$0x4] =	stream.linear.gather [hbm4b:s14+s3], $0x100, $0x38;
	[tilespmem:$0x1C400] =	vst v63  }
0x37: {  	s17 =	rddreg [dreg:$0x8];
	s14 =	simm.s32 $0xFFFEC800  }
0x38: {  	[tilespmem:s25], [sflag:$0x6] =	stream.linear.gather [hbm4b:s17+s3], $0x100, $0x38;
	[tilespmem:$0x1C400] =	vst v63  }
.LBB2_7:
0x39: {  	_ =	swait.ge [sflag:s26], $0x4000  }
0x3a: {  	[sflag:s26] =	ssyncset.done $0x0  }
0x3b: {  	[sflag:s26] =	ssyncadd.s32 $0xFFFFC000  }
0x3c: {  	[spmem:s1] =	stream.indirect.scatter.add.f32 [tilespmem:s21], [sflag:$0x7], $0x80, s20, s20, $0xb8;
	[tilespmem:$0x1C400] =	vst v63  }
0x3d: {  	p1 =	seq.s32 s14, $0x0;
	_ =	swait.ge [sflag:s19], $0x4000  }
0x3e: {  	s11 =	sadd.s32 @!p1 s14, s10;
	[sflag:s19] =	ssyncset.done $0x0  }
0x3f: {  	s13 =	simm.s32 @!p1 $0x0;
	s12 =	sadd.s32 @!p1 $0x14000, s11;
	[sflag:s19] =	ssyncadd.s32 $0xFFFFC000  }
0x40: {  	[tilespmem:s13], [sflag:$0x3] =	stream.linear.gather @!p1 [hbm4b:s12+s13], $0x100, $0x38;
	[tilespmem:$0x1C400] =	vst v63  }
0x41: {  	_ =	swait.ge [sflag:s28], $0x100  }
0x42: {  	[sflag:s28] =	ssyncset.done $0x0  }
0x43: {  	[sflag:s28] =	ssyncadd.s32 $0xFFFFFF00  }
0x44: {  	[tilespmem:s21], [sflag:$0x1] =	stream.indirect.gather [hbm4b:s5+s20], $0x80, s24, s20, $0xb8;
	[tilespmem:$0x1C400] =	vst v63  }
0x45: {  	_ =	swait.ge [sflag:s29], $0x4000  }
0x46: {  	[sflag:s29] =	ssyncset.done $0x0  }
0x47: {  	[sflag:s29] =	ssyncadd.s32 $0xFFFFC000  }
0x48: {  	[spmem:s1] =	stream.indirect.scatter.add.f32 [tilespmem:s23], [sflag:$0x7], $0x80, s30, s20, $0xb8;
	[tilespmem:$0x1C400] =	vst v63  }
0x49: {  	_ =	swait.ge [sflag:s19], $0x4000  }
0x4a: {  	[sflag:s19] =	ssyncset.done $0x0  }
0x4b: {  	s11 =	sadd.s32 @!p1 $0x14200, s11;
	s12 =	simm.s32 @!p1 $0x200;
	[sflag:s19] =	ssyncadd.s32 $0xFFFFC000  }
0x4c: {  	[tilespmem:s12], [sflag:$0x5] =	stream.linear.gather @!p1 [hbm4b:s11+s13], $0x100, $0x38;
	[tilespmem:$0x1C400] =	vst v63  }
0x4d: {  	_ =	swait.ge [sflag:s31], $0x100  }
0x4e: {  	[sflag:s31] =	ssyncset.done $0x0  }
0x4f: {  	[sflag:s31] =	ssyncadd.s32 $0xFFFFFF00  }
0x50: {  	[tilespmem:s23], [sflag:$0x2] =	stream.indirect.gather [hbm4b:s5+s20], $0x80, s25, s20, $0xb8;
	[tilespmem:$0x1C400] =	vst v63  }
0x51: {  	_ =	swait.ge [sflag:s26], $0x4000  }
0x52: {  	[sflag:s26] =	ssyncset.done $0x0  }
.Ltmp3:
0x53: {  	[sflag:s26] =	ssyncadd.s32 $0xFFFFC000;
	(pc) =	sbr.rel @p1 .LBB2_8-.Ltmp3, $4  }
0x54: {  	[spmem:s1] =	stream.indirect.scatter.add.f32 [tilespmem:s21], [sflag:$0x7], $0x80, s0, s20, $0xb8;
	[tilespmem:$0x1C400] =	vst v63  }
0x55: {  	_ =	swait.ge [sflag:s19], $0x4000  }
0x56: {  	[sflag:s19] =	ssyncset.done $0x0  }
0x57: {  	[sflag:s19] =	ssyncadd.s32 $0xFFFFC000  }
0x58: {  	s11 =	sadd.s32 s14, s10  }
0x59: {  	s12 =	sadd.s32 $0x14400, s11  }
0x5a: {  	[tilespmem:s24], [sflag:$0x4] =	stream.linear.gather [hbm4b:s12+s3], $0x100, $0x38;
	[tilespmem:$0x1C400] =	vst v63  }
0x5b: {  	_ =	swait.ge [sflag:s2], $0x100  }
0x5c: {  	[sflag:s2] =	ssyncset.done $0x0  }
0x5d: {  	[sflag:s2] =	ssyncadd.s32 $0xFFFFFF00  }
0x5e: {  	[tilespmem:s21], [sflag:$0x1] =	stream.indirect.gather [hbm4b:s5+s20], $0x80, s3, s20, $0xb8;
	[tilespmem:$0x1C400] =	vst v63  }
0x5f: {  	_ =	swait.ge [sflag:s29], $0x4000  }
0x60: {  	[sflag:s29] =	ssyncset.done $0x0  }
0x61: {  	[sflag:s29] =	ssyncadd.s32 $0xFFFFC000  }
0x62: {  	[spmem:s1] =	stream.indirect.scatter.add.f32 [tilespmem:s23], [sflag:$0x7], $0x80, s6, s20, $0xb8;
	[tilespmem:$0x1C400] =	vst v63  }
0x63: {  	_ =	swait.ge [sflag:s19], $0x4000  }
0x64: {  	[sflag:s19] =	ssyncset.done $0x0  }
0x65: {  	s11 =	sadd.s32 $0x14600, s11;
	[sflag:s19] =	ssyncadd.s32 $0xFFFFC000  }
0x66: {  	[tilespmem:s25], [sflag:$0x6] =	stream.linear.gather [hbm4b:s11+s3], $0x100, $0x38;
	[tilespmem:$0x1C400] =	vst v63  }
.Ltmp4:
0x67: {  	_ = 	snop;
	(pc) =	sbr.rel .LBB2_7-.Ltmp4, $4  }
0x68: {  	_ =	swait.ge [sflag:s7], $0x100  }
0x69: {  	[sflag:s7] =	ssyncset.done $0x0  }
0x6a: {  	s14 =	sadd.s32 $0x800, s14;
	[sflag:s7] =	ssyncadd.s32 $0xFFFFFF00  }
0x6b: {  	[tilespmem:s23], [sflag:$0x2] =	stream.indirect.gather [hbm4b:s5+s20], $0x80, s22, s20, $0xb8;
	[tilespmem:$0x1C400] =	vst v63  }
.LBB2_2:
0x6c: {  	s11 =	rddreg [dreg:$0x9]  }
0x6d: {  	s14 =	rddreg [dreg:$0x5];
	s17 =	sor.u32 $0x1C07, s11  }
0x6e: {  	[spmem:s18], [sflag:s17] =	dma.local [hbm:s14], $0x2800  }
0x6f: {  	_ =	swait.ge [sflag:s19], $0x2800  }
0x70: {  	[sflag:s19] =	ssyncset.done $0x0  }
0x71: {  	[sflag:s19] =	ssyncadd.s32 $0xFFFFD800  }
0x72: {  	[bflag:$0x0] =	sbarrier.arrive $0xFFFF  }
0x73: {  	[tilespmem:s3], [sflag:$0x7] =	stream.linear.gather [hbm4b:s10+s3], $0x100, $0x38;
	[tilespmem:$0x1C400] =	vst v63  }
0x74: {  	_ =	swait.ge [sflag:s19], $0x100  }
0x75: {  	[sflag:s19] =	ssyncset.done $0x0  }
0x76: {  	[sflag:s19] =	ssyncadd.s32 $0xFFFFFF00  }
0x77: {  	[tilespmem:s21], [sflag:$0x1] =	stream.indirect.gather [hbm4b:s4+s20], $0x80, s3, s20, $0xb8;
	[tilespmem:$0x1C400] =	vst v63  }
0x78: {  	s12 =	rddreg [dreg:$0x6]  }
0x79: {  	[tilespmem:s22], [sflag:$0x7] =	stream.linear.gather [hbm4b:s12+s3], $0x100, $0x38;
	[tilespmem:$0x1C400] =	vst v63  }
0x7a: {  	_ =	swait.ge [sflag:s19], $0x100  }
0x7b: {  	[sflag:s19] =	ssyncset.done $0x0  }
0x7c: {  	[sflag:s19] =	ssyncadd.s32 $0xFFFFFF00  }
0x7d: {  	[tilespmem:s23], [sflag:$0x2] =	stream.indirect.gather [hbm4b:s4+s20], $0x80, s22, s20, $0xb8;
	[tilespmem:$0x1C400] =	vst v63  }
0x7e: {  	s13 =	rddreg [dreg:$0x7]  }
0x7f: {  	[tilespmem:s24], [sflag:$0x4] =	stream.linear.gather [hbm4b:s13+s3], $0x100, $0x38;
	[tilespmem:$0x1C400] =	vst v63  }
0x80: {  	s14 =	rddreg [dreg:$0x8]  }
0x81: {  	[tilespmem:s25], [sflag:$0x6] =	stream.linear.gather [hbm4b:s14+s3], $0x100, $0x38;
	[tilespmem:$0x1C400] =	vst v63  }
0x82: {  	s14 =	simm.s32 $0xFFFEC800  }
.LBB2_3:
0x83: {  	_ =	swait.ge [sflag:s26], $0x4000  }
0x84: {  	[sflag:s26] =	ssyncset.done $0x0  }
0x85: {  	[sflag:s26] =	ssyncadd.s32 $0xFFFFC000  }
0x86: {  	[spmem:s1] =	stream.indirect.scatter.add.f32 [tilespmem:s21], [sflag:$0x7], $0x80, s20, s20, $0xb8;
	[tilespmem:$0x1C400] =	vst v63  }
0x87: {  	p1 =	seq.s32 s14, $0x0;
	_ =	swait.ge [sflag:s19], $0x4000  }
0x88: {  	s11 =	sadd.s32 @!p1 s14, s10;
	[sflag:s19] =	ssyncset.done $0x0  }
0x89: {  	s13 =	simm.s32 @!p1 $0x0;
	s12 =	sadd.s32 @!p1 $0x14000, s11;
	[sflag:s19] =	ssyncadd.s32 $0xFFFFC000  }
0x8a: {  	[tilespmem:s13], [sflag:$0x3] =	stream.linear.gather @!p1 [hbm4b:s12+s13], $0x100, $0x38;
	[tilespmem:$0x1C400] =	vst v63  }
0x8b: {  	_ =	swait.ge [sflag:s28], $0x100  }
0x8c: {  	[sflag:s28] =	ssyncset.done $0x0  }
0x8d: {  	[sflag:s28] =	ssyncadd.s32 $0xFFFFFF00  }
0x8e: {  	[tilespmem:s21], [sflag:$0x1] =	stream.indirect.gather [hbm4b:s4+s20], $0x80, s24, s20, $0xb8;
	[tilespmem:$0x1C400] =	vst v63  }
0x8f: {  	_ =	swait.ge [sflag:s29], $0x4000  }
0x90: {  	[sflag:s29] =	ssyncset.done $0x0  }
0x91: {  	[sflag:s29] =	ssyncadd.s32 $0xFFFFC000  }
0x92: {  	[spmem:s1] =	stream.indirect.scatter.add.f32 [tilespmem:s23], [sflag:$0x7], $0x80, s30, s20, $0xb8;
	[tilespmem:$0x1C400] =	vst v63  }
0x93: {  	_ =	swait.ge [sflag:s19], $0x4000  }
0x94: {  	[sflag:s19] =	ssyncset.done $0x0  }
0x95: {  	s11 =	sadd.s32 @!p1 $0x14200, s11;
	s12 =	simm.s32 @!p1 $0x200;
	[sflag:s19] =	ssyncadd.s32 $0xFFFFC000  }
0x96: {  	[tilespmem:s12], [sflag:$0x5] =	stream.linear.gather @!p1 [hbm4b:s11+s13], $0x100, $0x38;
	[tilespmem:$0x1C400] =	vst v63  }
0x97: {  	_ =	swait.ge [sflag:s31], $0x100  }
0x98: {  	[sflag:s31] =	ssyncset.done $0x0  }
0x99: {  	[sflag:s31] =	ssyncadd.s32 $0xFFFFFF00  }
0x9a: {  	[tilespmem:s23], [sflag:$0x2] =	stream.indirect.gather [hbm4b:s4+s20], $0x80, s25, s20, $0xb8;
	[tilespmem:$0x1C400] =	vst v63  }
0x9b: {  	_ =	swait.ge [sflag:s26], $0x4000  }
0x9c: {  	[sflag:s26] =	ssyncset.done $0x0  }
.Ltmp5:
0x9d: {  	[sflag:s26] =	ssyncadd.s32 $0xFFFFC000;
	(pc) =	sbr.rel @p1 .LBB2_4-.Ltmp5, $4  }
0x9e: {  	[spmem:s1] =	stream.indirect.scatter.add.f32 [tilespmem:s21], [sflag:$0x7], $0x80, s0, s20, $0xb8;
	[tilespmem:$0x1C400] =	vst v63  }
0x9f: {  	_ =	swait.ge [sflag:s19], $0x4000  }
0xa0: {  	[sflag:s19] =	ssyncset.done $0x0  }
0xa1: {  	[sflag:s19] =	ssyncadd.s32 $0xFFFFC000  }
0xa2: {  	s11 =	sadd.s32 s14, s10  }
0xa3: {  	s12 =	sadd.s32 $0x14400, s11  }
0xa4: {  	[tilespmem:s24], [sflag:$0x4] =	stream.linear.gather [hbm4b:s12+s3], $0x100, $0x38;
	[tilespmem:$0x1C400] =	vst v63  }
0xa5: {  	_ =	swait.ge [sflag:s2], $0x100  }
0xa6: {  	[sflag:s2] =	ssyncset.done $0x0  }
0xa7: {  	[sflag:s2] =	ssyncadd.s32 $0xFFFFFF00  }
0xa8: {  	[tilespmem:s21], [sflag:$0x1] =	stream.indirect.gather [hbm4b:s4+s20], $0x80, s3, s20, $0xb8;
	[tilespmem:$0x1C400] =	vst v63  }
0xa9: {  	_ =	swait.ge [sflag:s29], $0x4000  }
0xaa: {  	[sflag:s29] =	ssyncset.done $0x0  }
0xab: {  	[sflag:s29] =	ssyncadd.s32 $0xFFFFC000  }
0xac: {  	[spmem:s1] =	stream.indirect.scatter.add.f32 [tilespmem:s23], [sflag:$0x7], $0x80, s6, s20, $0xb8;
	[tilespmem:$0x1C400] =	vst v63  }
0xad: {  	_ =	swait.ge [sflag:s19], $0x4000  }
0xae: {  	[sflag:s19] =	ssyncset.done $0x0  }
0xaf: {  	s11 =	sadd.s32 $0x14600, s11;
	[sflag:s19] =	ssyncadd.s32 $0xFFFFC000  }
0xb0: {  	[tilespmem:s25], [sflag:$0x6] =	stream.linear.gather [hbm4b:s11+s3], $0x100, $0x38;
	[tilespmem:$0x1C400] =	vst v63  }
.Ltmp6:
0xb1: {  	_ = 	snop;
	(pc) =	sbr.rel .LBB2_3-.Ltmp6, $4  }
0xb2: {  	_ =	swait.ge [sflag:s7], $0x100  }
0xb3: {  	[sflag:s7] =	ssyncset.done $0x0  }
0xb4: {  	s14 =	sadd.s32 $0x800, s14;
	[sflag:s7] =	ssyncadd.s32 $0xFFFFFF00  }
0xb5: {  	[tilespmem:s23], [sflag:$0x2] =	stream.indirect.gather [hbm4b:s4+s20], $0x80, s22, s20, $0xb8;
	[tilespmem:$0x1C400] =	vst v63  }
.LBB2_4:
.Ltmp7:
0xb6: {  	(pc) =	sbr.rel .LBB2_9-.Ltmp7, $2  }
0xb7: {  	_ =	sdelay $0x2  }
0xb8: {  	s14 =	rddreg [dreg:$0x3]  }
.LBB2_10:
0xb9: {  	_ =	sfence.sel $0x180000  }
0xba: {  	[bflag:$0x0] =	sbarrier.arrive $0xFFFF  }
0xbb: {  	_ =	strace $0x9000004A  }
0xbc: {  	s0 =	stileid.u32;
	[bflag:$0x2] =	sbarrier.arrive $0xFFFF  }
0xbd: {  	p0 =	sne.s32 s0, $0x0;
	s0 =	rddreg [dreg:$0x2]  }
0xbe: {  	s0 =	sadd.s32 @!p0 $0x100000, s0  }
0xbf: {  	[sflag:s0] =	ssyncadd.tile.s32 @!p0 $0x1;
	_ =	shalt  }
.Lfunc_end2:
_tile_overlayer_lowered:
.L_overlay_start_2:
0xc0: {  	(tag) =	ssettag $0x2  }
0xc1: {  	s0 =	rddreg [dreg:$0x0];
	s2 =	stileid.u32  }
0xc2: {  	s1 =	rddreg [dreg:$0x1];
	p0 =	sne.s32 s2, $0x0  }
0xc3: {  	s3 =	rddreg [dreg:$0x2];
	[bflag:$0x3] =	sbarrier.arrive $0xFFFF;
	s2 =	simm.s32 @!p0 $0x1C07  }
0xc4: {  	[timem:s3], [sflag:s2] =	dma.local @!p0 [hbm:s0], s1  }
0xc5: {  	s0 =	simm.s32 @!p0 $0x7  }
0xc6: {  	_ =	swait.ge @!p0 [sflag:s0], s1  }
0xc7: {  	s1 =	ssub.s32 @!p0 $0x0, s1;
	[sflag:s0] =	ssyncset.done @!p0 $0x0  }
0xc8: {  	[sflag:s0] =	ssyncadd.s32 @!p0 s1  }
0xc9: {  	[bflag:$0x3] =	sbarrier.arrive $0xFFFF  }
0xca: {  	_ =	shalt  }

// kernel: kernel.18.cloned.1.call-start
scs
__scs_entry_jumppad:
0x0: {  	(pc) =	sbr.rel $0x88, $3  }
0x1: {  	(tag) =	ssettag $0x0;
	lr =	simm.s32 $0x1  }
0x2: {  	[smem:$0x3F94] =	sst lr;
	_ =	strace $0xD0000000  }
0x3: {  	_ = 	snop  }
0x4: {  	_ = 	snop  }
0x5: {  	_ = 	snop  }
0x6: {  	_ = 	snop  }
0x7: {  	_ = 	snop  }
__scs_overlays_trampoline_lowered:
0x8: {  	[smem:$0x3FA3] =	sst s0  }
0x9: {  	[smem:$0x3FA4] =	sst s1  }
0xa: {  	[smem:$0x3FA5] =	sst s2  }
0xb: {  	[smem:$0x3FA6] =	sst s3  }
0xc: {  	[smem:$0x3FA7] =	sst s4  }
0xd: {  	[smem:$0x3FA8] =	sst s5  }
0xe: {  	[smem:$0x3FA9] =	sst s6  }
0xf: {  	[smem:$0x3FAA] =	sst s7  }
0x10: {  	[smem:$0x3FAB] =	sst s8  }
0x11: {  	[smem:$0x3FAC] =	sst s9;
	s0 =	simm.s32 @!p0 $0x0  }
0x12: {  	s1 =	sld [smem:$0x3F92];
	s0 =	simm.s32 @p0 $0x1  }
0x13: {  	[smem:$0x3FAD] =	sst s0;
	s0 =	simm.s32 @!p1 $0x0  }
0x14: {  	s2 =	sld [smem:$0x3F91];
	s0 =	simm.s32 @p1 $0x1  }
0x15: {  	[smem:$0x3FAE] =	sst s0;
	s0 =	simm.s32 @!p2 $0x0  }
0x16: {  	s3 =	sld [smem:$0x3FDB];
	s0 =	simm.s32 @p2 $0x1  }
0x17: {  	s4 =	simm.s32 $0x1BF5;
	[smem:$0x3FB0] =	sst s0  }
0x18: {  	s0 =	sld [smem:$0x3F93];
	_ =	swait.ge [sflag:s4], $0x0  }
0x19: {  	s7 =	sld [smem:$0x3F94]  }
0x1a: {  	s8 =	sadd.s32 $0xFFFFE003, lr  }
0x1b: {  	s9 =	sadd.s32 $0xFFFFFEF7, lr;
	s5 =	simm.s32 $0xFFFFFFFF;
	p2 =	slt.u32 s8, $0xFFFFF086  }
0x1c: {  	p1 =	slt.u32 s9, $0xF7A;
	s5 =	simm.s32 @!p2 $0x0  }
0x1d: {  	s5 =	simm.s32 @p1 $0x1;
	p0 =	seq.s32 s7, s2  }
0x1e: {  	s7 =	smul.u32 @!p0 $0xF7A, s2;
	p2 =	seq.s32 @!p0 s5, $0x0  }
0x1f: {  	s9 =	smul.u32 $0xF7A, s1;
	s8 =	simm.s32 @!p0 $0x1BF5;
	p2 =	por !p2, p0  }
0x20: {  	[sflag:s8] =	ssyncset.s32 @!p0 $0xFFFFF086;
	s6 =	sadd.s32 @!p0 s3, s7;
	s7 =	simm.s32 @!p0 $0x108  }
0x21: {  	s3 =	sadd.s32 s3, s9;
	s6 =	sadd.s32 @!p0 $0x88, s6;
	s7 =	simm.s32 @p2 $0x1082  }
0x22: {  	[simem:s7], [sflag:s8] =	dma.local @!p0 [hbm:s6], $0xF7A  }
0x23: {  	s9 =	sor.u32 $0xD0000000, s2;
	s6 =	simm.s32 $0x108;
	_ =	swait.ge @!p0 [sflag:s8], $0x0  }
0x24: {  	s3 =	sadd.s32 $0x88, s3;
	s6 =	simm.s32 @!p1 $0x1082;
	[sflag:s4] =	ssyncset.s32 $0xFFFFF086  }
0x25: {  	[simem:s6], [sflag:s4] =	dma.local [hbm:s3], $0xF7A  }
0x26: {  	[smem:$0x3F94] =	sst s1;
	(tag) =	ssettag s2;
	_ =	strace s9  }
0x27: {  	s1 =	sld [smem:$0x3FA4]  }
0x28: {  	s2 =	sld [smem:$0x3FA5]  }
0x29: {  	s4 =	sld [smem:$0x3FA7]  }
0x2a: {  	p0 =	seq.s32 s5, $0x0;
	s5 =	sld [smem:$0x3FA8]  }
0x2b: {  	s6 =	sld [smem:$0x3FA9]  }
0x2c: {  	s7 =	sld [smem:$0x3FAA]  }
0x2d: {  	s3 =	simm.s32 $0x108;
	s8 =	sld [smem:$0x3FAB]  }
0x2e: {  	s3 =	simm.s32 @!p0 $0x1082;
	s9 =	sld [smem:$0x3FAC]  }
0x2f: {  	lr =	sadd.s32 s0, s3;
	s0 =	sld [smem:$0x3FA3]  }
0x30: {  	s3 =	sld [smem:$0x3FA6]  }
0x31: {  	[smem:$0x3FAF] =	sst s10  }
0x32: {  	s10 =	sld [smem:$0x3FAD];
	_ =	sdelay $0x3  }
0x33: {  	p0 =	seq.s32 s10, $0x1;
	s10 =	sld [smem:$0x3FAF];
	_ =	sdelay $0x3  }
0x34: {  	[smem:$0x3FAF] =	sst s10  }
0x35: {  	s10 =	sld [smem:$0x3FAE];
	_ =	sdelay $0x3  }
0x36: {  	p1 =	seq.s32 s10, $0x1;
	s10 =	sld [smem:$0x3FAF];
	_ =	sdelay $0x3  }
0x37: {  	[smem:$0x3FAF] =	sst s10  }
0x38: {  	s10 =	sld [smem:$0x3FB0]  }
0x39: {  	_ = 	snop;
	(pc) =	sbr.ind lr, $3  }
0x3a: {  	_ = 	snop  }
0x3b: {  	_ = 	snop  }
0x3c: {  	p2 =	seq.s32 s10, $0x1;
	s10 =	sld [smem:$0x3FAF]  }
0x3d: {  	_ =	shalt  }
0x3e: {  	_ =	shalt  }
0x3f: {  	_ =	shalt  }
0x40: {  	_ =	shalt  }
0x41: {  	_ =	shalt  }
0x42: {  	_ =	shalt  }
0x43: {  	_ =	shalt  }
0x44: {  	_ =	shalt  }
0x45: {  	_ =	shalt  }
0x46: {  	_ =	shalt  }
0x47: {  	_ =	shalt  }
0x48: {  	_ =	shalt  }
0x49: {  	_ =	shalt  }
0x4a: {  	_ =	shalt  }
0x4b: {  	_ =	shalt  }
0x4c: {  	_ =	shalt  }
0x4d: {  	_ =	shalt  }
0x4e: {  	_ =	shalt  }
0x4f: {  	_ =	shalt  }
0x50: {  	_ =	shalt  }
0x51: {  	_ =	shalt  }
0x52: {  	_ =	shalt  }
0x53: {  	_ =	shalt  }
0x54: {  	_ =	shalt  }
0x55: {  	_ =	shalt  }
0x56: {  	_ =	shalt  }
0x57: {  	_ =	shalt  }
0x58: {  	_ =	shalt  }
0x59: {  	_ =	shalt  }
0x5a: {  	_ =	shalt  }
0x5b: {  	_ =	shalt  }
0x5c: {  	_ =	shalt  }
0x5d: {  	_ =	shalt  }
0x5e: {  	_ =	shalt  }
0x5f: {  	_ =	shalt  }
0x60: {  	_ =	shalt  }
0x61: {  	_ =	shalt  }
0x62: {  	_ =	shalt  }
0x63: {  	_ =	shalt  }
0x64: {  	_ =	shalt  }
0x65: {  	_ =	shalt  }
0x66: {  	_ =	shalt  }
0x67: {  	_ =	shalt  }
0x68: {  	_ =	shalt  }
0x69: {  	_ =	shalt  }
0x6a: {  	_ =	shalt  }
0x6b: {  	_ =	shalt  }
0x6c: {  	_ =	shalt  }
0x6d: {  	_ =	shalt  }
0x6e: {  	_ =	shalt  }
0x6f: {  	_ =	shalt  }
0x70: {  	_ =	shalt  }
0x71: {  	_ =	shalt  }
0x72: {  	_ =	shalt  }
0x73: {  	_ =	shalt  }
0x74: {  	_ =	shalt  }
0x75: {  	_ =	shalt  }
0x76: {  	_ =	shalt  }
0x77: {  	_ =	shalt  }
0x78: {  	_ =	shalt  }
0x79: {  	_ =	shalt  }
0x7a: {  	_ =	shalt  }
0x7b: {  	_ =	shalt  }
0x7c: {  	_ =	shalt  }
0x7d: {  	_ =	shalt  }
0x7e: {  	_ =	shalt  }
0x7f: {  	_ =	shalt  }
0x80: {  	_ =	shalt  }
0x81: {  	_ =	shalt  }
0x82: {  	_ =	shalt  }
0x83: {  	_ =	shalt  }
0x84: {  	_ =	shalt  }
0x85: {  	_ =	shalt  }
0x86: {  	_ =	shalt  }
0x87: {  	_ =	shalt  }
.Lfunc_end0:
.L_simem_size_0:
called_computation.2_lowered:
.L_overlay_start_0:
0x88: {  	s2 =	sld [smem:$0x3FD9]  }
0x89: {  	s3 =	sld [smem:$0x3FFE];
	_ =	sdelay $0x1  }
0x8a: {  	s1 =	srdreg.scid  }
0x8b: {  	s0 =	sand.u32 $0x1, s1  }
0x8c: {  	s16 =	sshll.u32 s0, $0xA;
	s2 =	sadd.s32 s3, s2  }
0x8d: {  	s2 =	sadd.s32 s2, s16  }
0x8e: {  	[smem:$0x3FBB] =	sst s2  }
0x8f: {  	_ = 	snop  }
0x90: {  	(tm) =	ssettm $0x1  }
0x91: {  	s17 =	sld [smem:$0x3FFB];
	_ =	sdelay $0x3  }
0x92: {  	_ =	strace s17  }
0x93: {  	s2 =	sld [smem:$0x3FFC];
	_ =	sdelay $0x3  }
0x94: {  	_ =	strace s2  }
0x95: {  	s2 =	sld [smem:$0x3FFD];
	_ =	sdelay $0x3  }
0x96: {  	_ =	strace s2  }
0x97: {  	_ =	strace $0x8FFFFFFF  }
0x98: {  	s18 =	sld [smem:$0x3FDB];
	_ =	sdelay $0x1  }
0x99: {  	s19 =	simm.s32 $_scs_section_size  }
0x9a: {  	s4 =	simm.s32 $_size__tile_overlayer_lowered;
	s5 =	simm.s32 $_tile_overlayer_lowered  }
0x9b: {  	s22 =	simm.s32 $0x1BFF;
	s21 =	sshll.u32 s5, $0x1;
	s2 =	sadd.s32 s19, s18  }
0x9c: {  	s6 =	simm.s32 $0x0;
	s20 =	sshll.u32 s4, $0x1;
	s4 =	sadd.s32 s21, s2  }
0x9d: {  	[timem:s6], [sflag:s22] =	dma.local [hbm:s4], s20  }
0x9e: {  	_ =	swait.ge [sflag:s22], s20  }
0x9f: {  	s3 =	ssub.s32 $0x0, s20;
	[sflag:s22] =	ssyncset.done $0x0  }
0xa0: {  	[sflag:s22] =	ssyncadd.s32 s3;
	_ =	sdelay $0x1  }
0xa1: {  	s23 =	simm.s32 $0x1B8B  }
0xa2: {  	_ =	swait.ge [sflag:s23], $0x1  }
0xa3: {  	[sflag:s23] =	ssyncset.done $0x0  }
0xa4: {  	s25 =	simm.s32 $0x1B8E;
	s24 =	sld [smem:$0x3FFE];
	[sflag:s23] =	ssyncadd.s32 $0xFFFFFFFF  }
0xa5: {  	s26 =	simm.s32 $execute0_lowered;
	[smem:$0x3FD2] =	sst s25  }
0xa6: {  	s4 =	sshll.u32 s26, $0x1;
	_ =	strace $0x8000004C;
	[dreg:$0x1] =	wrdreg $0xFFFFFFFF  }
0xa7: {  	s28 =	simm.s32 $_size_execute0_lowered;
	s2 =	sadd.s32 s2, s4;
	[dreg:$0x0] =	wrdreg $0x0  }
0xa8: {  	s4 =	sshll.u32 s28, $0x1;
	[dreg:$0x2] =	wrdreg s2  }
0xa9: {  	[dreg:$0x3] =	wrdreg s4  }
0xaa: {  	[dreg:$0x4] =	wrdreg $0xC0  }
0xab: {  	_ =	task [dreg:s6], $0x5FFFF  }
0xac: {  	[dreg:$0x1] =	wrdreg $0xFFFFFFFF  }
0xad: {  	[dreg:$0x0] =	wrdreg $0x60  }
0xae: {  	[dreg:$0x2] =	wrdreg s24  }
0xaf: {  	[dreg:$0x3] =	wrdreg $0x84000  }
0xb0: {  	[dreg:$0x4] =	wrdreg $0x9  }
0xb1: {  	_ =	task.clear_ibuf [dreg:s6], $0x5FFFF;
	_ =	strace $0x9000004C  }
0xb2: {  	s29 =	simm.s32 $0x9;
	_ =	strace $0x8000004E  }
0xb3: {  	_ =	swait.ge [sflag:s29], $0x1  }
0xb4: {  	[sflag:s29] =	ssyncadd.s32 $0xFFFFFFFF  }
0xb5: {  	_ =	strace $0x9000004E  }
0xb6: {  	_ =	sfence  }
0xb7: {  	s30 =	sld [smem:$0x0];
	_ =	sdelay $0x2  }
0xb8: {  	s31 =	sshll.u32 s1, $0xD;
	s1 =	sshrl.u32 s1, $0x2  }
0xb9: {  	s3 =	sand.u32 $0x4000, s31;
	s1 =	sadd.s32 s1, s30  }
0xba: {  	s0 =	sor.u32 s3, s0;
	s1 =	sshll.u32 s1, $0x11  }
0xbb: {  	s0 =	sor.u32 s1, s0  }
0xbc: {  	s0 =	sadd.s32 $0x8F2B, s0  }
0xbd: {  	[sflag:s0] =	ssyncadd.remote.s32 $0x1  }
0xbe: {  	_ =	sfence.sel $0xFFFF  }
0xbf: {  	[dreg:$0x0] =	wrdreg $0xFFFFFFFF;
	(pc) =	sbr.abs _section_cstart, $3  }
0xc0: {  	[dreg:$0x1] =	wrdreg $0xFFFFFFFF  }
0xc1: {  	_ =	task.clear_ibuf [dreg:s6], $0x2FFFF;
	_ =	strace $0x9FFFFFFF  }
0xc2: {  	(tm) =	ssettm $0x7FFFFFFF  }
0xc3: {  	_ =	shalt  }
tec
execute0_lowered:
.L_overlay_start_1:
0x0: {  	(tag) =	ssettag $0x1  }
0x1: {  	s0 =	rddreg [dreg:$0x0]  }
0x2: {  	s1 =	rddreg [dreg:$0x1];
	s3 =	simm.s32 $0x0;
	s11 =	stileid.u32  }
0x3: {  	s6 =	srdreg.scid;
	s19 =	simm.s32 $0x7;
	s28 =	simm.s32 $0x4  }
0x4: {  	s29 =	simm.s32 $0x2;
	s30 =	simm.s32 $0x280;
	s31 =	simm.s32 $0x6  }
0x5: {  	[smem:$0x7FF] =	sst s3;
	s4 =	sadd.s32 $0x7200, s0;
	s5 =	sadd.s32 $0x2F200, s0  }
0x6: {  	s2 =	sshll.u32 s11, $0x5;
	s6 =	sand.u32 $0x1, s6;
	s7 =	smul.u32 $0x50000, s11  }
0x7: {  	s8 =	sadd.s32 $0xA0200, s0;
	s25 =	sshll.u32 s11, $0x6;
	_ =	strace $0x8000004D  }
0x8: {  	s2 =	sadd.s32 s2, s0;
	[dreg:$0x3] =	wrdreg s8;
	s0 =	sadd.s32 $0xC8200, s0  }
0x9: {  	s20 =	ssub.s32 $0x2, s6;
	s8 =	smul.u32 $0x2800, s11;
	p0 =	seq.s32 s6, $0x1  }
0xa: {  	[dreg:$0x9] =	wrdreg s25;
	s15 =	sor.u32 $0x1C07, s25;
	s25 =	simm.s32 $0x300  }
0xb: {  	s6 =	simm.s32 $0x380;
	[dreg:$0x4] =	wrdreg s0;
	s9 =	sshrl.u32 s20, $0x1  }
0xc: {  	s7 =	sshrl.u32 s7, $0x2;
	s10 =	sadd.s32 $0x64200, s2;
	s23 =	sadd.s32 $0x64400, s2  }
0xd: {  	s24 =	sadd.s32 $0x64600, s2;
	s2 =	sadd.s32 $0x64800, s2;
	[dreg:$0x6] =	wrdreg s23  }
0xe: {  	s0 =	ssub.s32 s20, s9;
	s21 =	sadd.s32 s7, s1;
	[dreg:$0x7] =	wrdreg s24  }
0xf: {  	s22 =	sadd.s32 s4, s8;
	[dreg:$0x8] =	wrdreg s2;
	s26 =	sadd.s32 s5, s8  }
.Ltmp0:
0x10: {  	s20 =	simm.s32 $0x80;
	s23 =	simm.s32 $0x4400;
	(pc) =	sbr.rel .LBB2_1-.Ltmp0, $4  }
0x11: {  	s24 =	simm.s32 $0x100;
	s2 =	simm.s32 $0x3;
	[dreg:$0x5] =	wrdreg s22  }
0x12: {  	s7 =	simm.s32 $0x5;
	s9 =	simm.s32 $0x0;
	[dreg:$0xa] =	wrdreg s26  }
0x13: {  	s16 =	smax.u32 s0, $0x1;
	s18 =	sshrl.u32 s21, $0x3;
	s21 =	simm.s32 $0x400  }
0x14: {  	s22 =	simm.s32 $0x200;
	s26 =	simm.s32 $0x1;
	s0 =	simm.s32 $0x180  }
.LBB2_8:
0x15: {  	s14 =	rddreg [dreg:$0x4];
	s17 =	smov.u32 s15  }
.LBB2_9:
0x16: {  	_ =	swait.ge [sflag:s29], $0x4000  }
0x17: {  	[sflag:s29] =	ssyncset.done $0x0  }
0x18: {  	[sflag:s29] =	ssyncadd.s32 $0xFFFFC000  }
0x19: {  	[spmem:s1] =	stream.indirect.scatter.add.f32 [tilespmem:s23], [sflag:$0x7], $0x80, s6, s20, $0xb8;
	[tilespmem:$0x1C400] =	vst v63  }
0x1a: {  	_ =	swait.ge [sflag:s19], $0x4000  }
0x1b: {  	s9 =	sadd.s32 $0x1, s9;
	[sflag:s19] =	ssyncset.done $0x0  }
0x1c: {  	p1 =	sne.s32 s9, s16;
	[sflag:s19] =	ssyncadd.s32 $0xFFFFC000  }
.Ltmp1:
0x1d: {  	s11 =	sadd.s32 s14, s8;
	[bflag:$0x0] =	sbarrier.arrive $0xFFFF;
	(pc) =	sbr.rel @!p1 .LBB2_10-.Ltmp1, $4  }
0x1e: {  	[hbm:s11], [sflag:s17] =	dma.local [spmem:s18], $0x2800  }
0x1f: {  	_ =	swait.ge [sflag:s19], $0x2800  }
0x20: {  	[sflag:s19] =	ssyncset.done $0x0  }
0x21: {  	[sflag:s19] =	ssyncadd.s32 $0xFFFFD800  }
.LBB2_1:
.Ltmp2:
0x22: {  	(pc) =	sbr.rel @!p0 .LBB2_2-.Ltmp2, $1  }
0x23: {  	_ =	sdelay $0x3  }
0x24: {  	s11 =	rddreg [dreg:$0xa]  }
0x25: {  	[spmem:s18], [sflag:s15] =	dma.local [hbm:s11], $0x2800  }
0x26: {  	_ =	swait.ge [sflag:s19], $0x2800  }
0x27: {  	[sflag:s19] =	ssyncset.done $0x0  }
0x28: {  	[sflag:s19] =	ssyncadd.s32 $0xFFFFD800  }
0x29: {  	[bflag:$0x0] =	sbarrier.arrive $0xFFFF  }
0x2a: {  	[tilespmem:s3], [sflag:$0x7] =	stream.linear.gather [hbm4b:s10+s3], $0x100, $0x38;
	[tilespmem:$0x1C400] =	vst v63  }
0x2b: {  	_ =	swait.ge [sflag:s19], $0x100  }
0x2c: {  	[sflag:s19] =	ssyncset.done $0x0  }
0x2d: {  	[sflag:s19] =	ssyncadd.s32 $0xFFFFFF00  }
0x2e: {  	[tilespmem:s21], [sflag:$0x1] =	stream.indirect.gather [hbm4b:s5+s20], $0x80, s3, s20, $0xb8;
	[tilespmem:$0x1C400] =	vst v63  }
0x2f: {  	s13 =	rddreg [dreg:$0x6]  }
0x30: {  	[tilespmem:s22], [sflag:$0x7] =	stream.linear.gather [hbm4b:s13+s3], $0x100, $0x38;
	[tilespmem:$0x1C400] =	vst v63  }
0x31: {  	_ =	swait.ge [sflag:s19], $0x100  }
0x32: {  	[sflag:s19] =	ssyncset.done $0x0  }
0x33: {  	[sflag:s19] =	ssyncadd.s32 $0xFFFFFF00  }
0x34: {  	[tilespmem:s23], [sflag:$0x2] =	stream.indirect.gather [hbm4b:s5+s20], $0x80, s22, s20, $0xb8;
	[tilespmem:$0x1C400] =	vst v63  }
0x35: {  	s14 =	rddreg [dreg:$0x7]  }
0x36: {  	[tilespmem:s24], [sflag:$0x4] =	stream.linear.gather [hbm4b:s14+s3], $0x100, $0x38;
	[tilespmem:$0x1C400] =	vst v63  }
0x37: {  	s17 =	rddreg [dreg:$0x8];
	s14 =	simm.s32 $0xFFFEC800  }
0x38: {  	[tilespmem:s25], [sflag:$0x6] =	stream.linear.gather [hbm4b:s17+s3], $0x100, $0x38;
	[tilespmem:$0x1C400] =	vst v63  }
.LBB2_7:
0x39: {  	_ =	swait.ge [sflag:s26], $0x4000  }
0x3a: {  	[sflag:s26] =	ssyncset.done $0x0  }
0x3b: {  	[sflag:s26] =	ssyncadd.s32 $0xFFFFC000  }
0x3c: {  	[spmem:s1] =	stream.indirect.scatter.add.f32 [tilespmem:s21], [sflag:$0x7], $0x80, s20, s20, $0xb8;
	[tilespmem:$0x1C400] =	vst v63  }
0x3d: {  	p1 =	seq.s32 s14, $0x0;
	_ =	swait.ge [sflag:s19], $0x4000  }
0x3e: {  	s11 =	sadd.s32 @!p1 s14, s10;
	[sflag:s19] =	ssyncset.done $0x0  }
0x3f: {  	s13 =	simm.s32 @!p1 $0x0;
	s12 =	sadd.s32 @!p1 $0x14000, s11;
	[sflag:s19] =	ssyncadd.s32 $0xFFFFC000  }
0x40: {  	[tilespmem:s13], [sflag:$0x3] =	stream.linear.gather @!p1 [hbm4b:s12+s13], $0x100, $0x38;
	[tilespmem:$0x1C400] =	vst v63  }
0x41: {  	_ =	swait.ge [sflag:s28], $0x100  }
0x42: {  	[sflag:s28] =	ssyncset.done $0x0  }
0x43: {  	[sflag:s28] =	ssyncadd.s32 $0xFFFFFF00  }
0x44: {  	[tilespmem:s21], [sflag:$0x1] =	stream.indirect.gather [hbm4b:s5+s20], $0x80, s24, s20, $0xb8;
	[tilespmem:$0x1C400] =	vst v63  }
0x45: {  	_ =	swait.ge [sflag:s29], $0x4000  }
0x46: {  	[sflag:s29] =	ssyncset.done $0x0  }
0x47: {  	[sflag:s29] =	ssyncadd.s32 $0xFFFFC000  }
0x48: {  	[spmem:s1] =	stream.indirect.scatter.add.f32 [tilespmem:s23], [sflag:$0x7], $0x80, s30, s20, $0xb8;
	[tilespmem:$0x1C400] =	vst v63  }
0x49: {  	_ =	swait.ge [sflag:s19], $0x4000  }
0x4a: {  	[sflag:s19] =	ssyncset.done $0x0  }
0x4b: {  	s11 =	sadd.s32 @!p1 $0x14200, s11;
	s12 =	simm.s32 @!p1 $0x200;
	[sflag:s19] =	ssyncadd.s32 $0xFFFFC000  }
0x4c: {  	[tilespmem:s12], [sflag:$0x5] =	stream.linear.gather @!p1 [hbm4b:s11+s13], $0x100, $0x38;
	[tilespmem:$0x1C400] =	vst v63  }
0x4d: {  	_ =	swait.ge [sflag:s31], $0x100  }
0x4e: {  	[sflag:s31] =	ssyncset.done $0x0  }
0x4f: {  	[sflag:s31] =	ssyncadd.s32 $0xFFFFFF00  }
0x50: {  	[tilespmem:s23], [sflag:$0x2] =	stream.indirect.gather [hbm4b:s5+s20], $0x80, s25, s20, $0xb8;
	[tilespmem:$0x1C400] =	vst v63  }
0x51: {  	_ =	swait.ge [sflag:s26], $0x4000  }
0x52: {  	[sflag:s26] =	ssyncset.done $0x0  }
.Ltmp3:
0x53: {  	[sflag:s26] =	ssyncadd.s32 $0xFFFFC000;
	(pc) =	sbr.rel @p1 .LBB2_8-.Ltmp3, $4  }
0x54: {  	[spmem:s1] =	stream.indirect.scatter.add.f32 [tilespmem:s21], [sflag:$0x7], $0x80, s0, s20, $0xb8;
	[tilespmem:$0x1C400] =	vst v63  }
0x55: {  	_ =	swait.ge [sflag:s19], $0x4000  }
0x56: {  	[sflag:s19] =	ssyncset.done $0x0  }
0x57: {  	[sflag:s19] =	ssyncadd.s32 $0xFFFFC000  }
0x58: {  	s11 =	sadd.s32 s14, s10  }
0x59: {  	s12 =	sadd.s32 $0x14400, s11  }
0x5a: {  	[tilespmem:s24], [sflag:$0x4] =	stream.linear.gather [hbm4b:s12+s3], $0x100, $0x38;
	[tilespmem:$0x1C400] =	vst v63  }
0x5b: {  	_ =	swait.ge [sflag:s2], $0x100  }
0x5c: {  	[sflag:s2] =	ssyncset.done $0x0  }
0x5d: {  	[sflag:s2] =	ssyncadd.s32 $0xFFFFFF00  }
0x5e: {  	[tilespmem:s21], [sflag:$0x1] =	stream.indirect.gather [hbm4b:s5+s20], $0x80, s3, s20, $0xb8;
	[tilespmem:$0x1C400] =	vst v63  }
0x5f: {  	_ =	swait.ge [sflag:s29], $0x4000  }
0x60: {  	[sflag:s29] =	ssyncset.done $0x0  }
0x61: {  	[sflag:s29] =	ssyncadd.s32 $0xFFFFC000  }
0x62: {  	[spmem:s1] =	stream.indirect.scatter.add.f32 [tilespmem:s23], [sflag:$0x7], $0x80, s6, s20, $0xb8;
	[tilespmem:$0x1C400] =	vst v63  }
0x63: {  	_ =	swait.ge [sflag:s19], $0x4000  }
0x64: {  	[sflag:s19] =	ssyncset.done $0x0  }
0x65: {  	s11 =	sadd.s32 $0x14600, s11;
	[sflag:s19] =	ssyncadd.s32 $0xFFFFC000  }
0x66: {  	[tilespmem:s25], [sflag:$0x6] =	stream.linear.gather [hbm4b:s11+s3], $0x100, $0x38;
	[tilespmem:$0x1C400] =	vst v63  }
.Ltmp4:
0x67: {  	_ = 	snop;
	(pc) =	sbr.rel .LBB2_7-.Ltmp4, $4  }
0x68: {  	_ =	swait.ge [sflag:s7], $0x100  }
0x69: {  	[sflag:s7] =	ssyncset.done $0x0  }
0x6a: {  	s14 =	sadd.s32 $0x800, s14;
	[sflag:s7] =	ssyncadd.s32 $0xFFFFFF00  }
0x6b: {  	[tilespmem:s23], [sflag:$0x2] =	stream.indirect.gather [hbm4b:s5+s20], $0x80, s22, s20, $0xb8;
	[tilespmem:$0x1C400] =	vst v63  }
.LBB2_2:
0x6c: {  	s11 =	rddreg [dreg:$0x9]  }
0x6d: {  	s14 =	rddreg [dreg:$0x5];
	s17 =	sor.u32 $0x1C07, s11  }
0x6e: {  	[spmem:s18], [sflag:s17] =	dma.local [hbm:s14], $0x2800  }
0x6f: {  	_ =	swait.ge [sflag:s19], $0x2800  }
0x70: {  	[sflag:s19] =	ssyncset.done $0x0  }
0x71: {  	[sflag:s19] =	ssyncadd.s32 $0xFFFFD800  }
0x72: {  	[bflag:$0x0] =	sbarrier.arrive $0xFFFF  }
0x73: {  	[tilespmem:s3], [sflag:$0x7] =	stream.linear.gather [hbm4b:s10+s3], $0x100, $0x38;
	[tilespmem:$0x1C400] =	vst v63  }
0x74: {  	_ =	swait.ge [sflag:s19], $0x100  }
0x75: {  	[sflag:s19] =	ssyncset.done $0x0  }
0x76: {  	[sflag:s19] =	ssyncadd.s32 $0xFFFFFF00  }
0x77: {  	[tilespmem:s21], [sflag:$0x1] =	stream.indirect.gather [hbm4b:s4+s20], $0x80, s3, s20, $0xb8;
	[tilespmem:$0x1C400] =	vst v63  }
0x78: {  	s12 =	rddreg [dreg:$0x6]  }
0x79: {  	[tilespmem:s22], [sflag:$0x7] =	stream.linear.gather [hbm4b:s12+s3], $0x100, $0x38;
	[tilespmem:$0x1C400] =	vst v63  }
0x7a: {  	_ =	swait.ge [sflag:s19], $0x100  }
0x7b: {  	[sflag:s19] =	ssyncset.done $0x0  }
0x7c: {  	[sflag:s19] =	ssyncadd.s32 $0xFFFFFF00  }
0x7d: {  	[tilespmem:s23], [sflag:$0x2] =	stream.indirect.gather [hbm4b:s4+s20], $0x80, s22, s20, $0xb8;
	[tilespmem:$0x1C400] =	vst v63  }
0x7e: {  	s13 =	rddreg [dreg:$0x7]  }
0x7f: {  	[tilespmem:s24], [sflag:$0x4] =	stream.linear.gather [hbm4b:s13+s3], $0x100, $0x38;
	[tilespmem:$0x1C400] =	vst v63  }
0x80: {  	s14 =	rddreg [dreg:$0x8]  }
0x81: {  	[tilespmem:s25], [sflag:$0x6] =	stream.linear.gather [hbm4b:s14+s3], $0x100, $0x38;
	[tilespmem:$0x1C400] =	vst v63  }
0x82: {  	s14 =	simm.s32 $0xFFFEC800  }
.LBB2_3:
0x83: {  	_ =	swait.ge [sflag:s26], $0x4000  }
0x84: {  	[sflag:s26] =	ssyncset.done $0x0  }
0x85: {  	[sflag:s26] =	ssyncadd.s32 $0xFFFFC000  }
0x86: {  	[spmem:s1] =	stream.indirect.scatter.add.f32 [tilespmem:s21], [sflag:$0x7], $0x80, s20, s20, $0xb8;
	[tilespmem:$0x1C400] =	vst v63  }
0x87: {  	p1 =	seq.s32 s14, $0x0;
	_ =	swait.ge [sflag:s19], $0x4000  }
0x88: {  	s11 =	sadd.s32 @!p1 s14, s10;
	[sflag:s19] =	ssyncset.done $0x0  }
0x89: {  	s13 =	simm.s32 @!p1 $0x0;
	s12 =	sadd.s32 @!p1 $0x14000, s11;
	[sflag:s19] =	ssyncadd.s32 $0xFFFFC000  }
0x8a: {  	[tilespmem:s13], [sflag:$0x3] =	stream.linear.gather @!p1 [hbm4b:s12+s13], $0x100, $0x38;
	[tilespmem:$0x1C400] =	vst v63  }
0x8b: {  	_ =	swait.ge [sflag:s28], $0x100  }
0x8c: {  	[sflag:s28] =	ssyncset.done $0x0  }
0x8d: {  	[sflag:s28] =	ssyncadd.s32 $0xFFFFFF00  }
0x8e: {  	[tilespmem:s21], [sflag:$0x1] =	stream.indirect.gather [hbm4b:s4+s20], $0x80, s24, s20, $0xb8;
	[tilespmem:$0x1C400] =	vst v63  }
0x8f: {  	_ =	swait.ge [sflag:s29], $0x4000  }
0x90: {  	[sflag:s29] =	ssyncset.done $0x0  }
0x91: {  	[sflag:s29] =	ssyncadd.s32 $0xFFFFC000  }
0x92: {  	[spmem:s1] =	stream.indirect.scatter.add.f32 [tilespmem:s23], [sflag:$0x7], $0x80, s30, s20, $0xb8;
	[tilespmem:$0x1C400] =	vst v63  }
0x93: {  	_ =	swait.ge [sflag:s19], $0x4000  }
0x94: {  	[sflag:s19] =	ssyncset.done $0x0  }
0x95: {  	s11 =	sadd.s32 @!p1 $0x14200, s11;
	s12 =	simm.s32 @!p1 $0x200;
	[sflag:s19] =	ssyncadd.s32 $0xFFFFC000  }
0x96: {  	[tilespmem:s12], [sflag:$0x5] =	stream.linear.gather @!p1 [hbm4b:s11+s13], $0x100, $0x38;
	[tilespmem:$0x1C400] =	vst v63  }
0x97: {  	_ =	swait.ge [sflag:s31], $0x100  }
0x98: {  	[sflag:s31] =	ssyncset.done $0x0  }
0x99: {  	[sflag:s31] =	ssyncadd.s32 $0xFFFFFF00  }
0x9a: {  	[tilespmem:s23], [sflag:$0x2] =	stream.indirect.gather [hbm4b:s4+s20], $0x80, s25, s20, $0xb8;
	[tilespmem:$0x1C400] =	vst v63  }
0x9b: {  	_ =	swait.ge [sflag:s26], $0x4000  }
0x9c: {  	[sflag:s26] =	ssyncset.done $0x0  }
.Ltmp5:
0x9d: {  	[sflag:s26] =	ssyncadd.s32 $0xFFFFC000;
	(pc) =	sbr.rel @p1 .LBB2_4-.Ltmp5, $4  }
0x9e: {  	[spmem:s1] =	stream.indirect.scatter.add.f32 [tilespmem:s21], [sflag:$0x7], $0x80, s0, s20, $0xb8;
	[tilespmem:$0x1C400] =	vst v63  }
0x9f: {  	_ =	swait.ge [sflag:s19], $0x4000  }
0xa0: {  	[sflag:s19] =	ssyncset.done $0x0  }
0xa1: {  	[sflag:s19] =	ssyncadd.s32 $0xFFFFC000  }
0xa2: {  	s11 =	sadd.s32 s14, s10  }
0xa3: {  	s12 =	sadd.s32 $0x14400, s11  }
0xa4: {  	[tilespmem:s24], [sflag:$0x4] =	stream.linear.gather [hbm4b:s12+s3], $0x100, $0x38;
	[tilespmem:$0x1C400] =	vst v63  }
0xa5: {  	_ =	swait.ge [sflag:s2], $0x100  }
0xa6: {  	[sflag:s2] =	ssyncset.done $0x0  }
0xa7: {  	[sflag:s2] =	ssyncadd.s32 $0xFFFFFF00  }
0xa8: {  	[tilespmem:s21], [sflag:$0x1] =	stream.indirect.gather [hbm4b:s4+s20], $0x80, s3, s20, $0xb8;
	[tilespmem:$0x1C400] =	vst v63  }
0xa9: {  	_ =	swait.ge [sflag:s29], $0x4000  }
0xaa: {  	[sflag:s29] =	ssyncset.done $0x0  }
0xab: {  	[sflag:s29] =	ssyncadd.s32 $0xFFFFC000  }
0xac: {  	[spmem:s1] =	stream.indirect.scatter.add.f32 [tilespmem:s23], [sflag:$0x7], $0x80, s6, s20, $0xb8;
	[tilespmem:$0x1C400] =	vst v63  }
0xad: {  	_ =	swait.ge [sflag:s19], $0x4000  }
0xae: {  	[sflag:s19] =	ssyncset.done $0x0  }
0xaf: {  	s11 =	sadd.s32 $0x14600, s11;
	[sflag:s19] =	ssyncadd.s32 $0xFFFFC000  }
0xb0: {  	[tilespmem:s25], [sflag:$0x6] =	stream.linear.gather [hbm4b:s11+s3], $0x100, $0x38;
	[tilespmem:$0x1C400] =	vst v63  }
.Ltmp6:
0xb1: {  	_ = 	snop;
	(pc) =	sbr.rel .LBB2_3-.Ltmp6, $4  }
0xb2: {  	_ =	swait.ge [sflag:s7], $0x100  }
0xb3: {  	[sflag:s7] =	ssyncset.done $0x0  }
0xb4: {  	s14 =	sadd.s32 $0x800, s14;
	[sflag:s7] =	ssyncadd.s32 $0xFFFFFF00  }
0xb5: {  	[tilespmem:s23], [sflag:$0x2] =	stream.indirect.gather [hbm4b:s4+s20], $0x80, s22, s20, $0xb8;
	[tilespmem:$0x1C400] =	vst v63  }
.LBB2_4:
.Ltmp7:
0xb6: {  	(pc) =	sbr.rel .LBB2_9-.Ltmp7, $2  }
0xb7: {  	_ =	sdelay $0x2  }
0xb8: {  	s14 =	rddreg [dreg:$0x3]  }
.LBB2_10:
0xb9: {  	_ =	sfence.sel $0x180000  }
0xba: {  	[bflag:$0x0] =	sbarrier.arrive $0xFFFF  }
0xbb: {  	_ =	strace $0x9000004D  }
0xbc: {  	s0 =	stileid.u32;
	[bflag:$0x2] =	sbarrier.arrive $0xFFFF  }
0xbd: {  	p0 =	sne.s32 s0, $0x0;
	s0 =	rddreg [dreg:$0x2]  }
0xbe: {  	s0 =	sadd.s32 @!p0 $0x100000, s0  }
0xbf: {  	[sflag:s0] =	ssyncadd.tile.s32 @!p0 $0x1;
	_ =	shalt  }
.Lfunc_end2:
_tile_overlayer_lowered:
.L_overlay_start_2:
0xc0: {  	(tag) =	ssettag $0x2  }
0xc1: {  	s0 =	rddreg [dreg:$0x0];
	s2 =	stileid.u32  }
0xc2: {  	s1 =	rddreg [dreg:$0x1];
	p0 =	sne.s32 s2, $0x0  }
0xc3: {  	s3 =	rddreg [dreg:$0x2];
	[bflag:$0x3] =	sbarrier.arrive $0xFFFF;
	s2 =	simm.s32 @!p0 $0x1C07  }
0xc4: {  	[timem:s3], [sflag:s2] =	dma.local @!p0 [hbm:s0], s1  }
0xc5: {  	s0 =	simm.s32 @!p0 $0x7  }
0xc6: {  	_ =	swait.ge @!p0 [sflag:s0], s1  }
0xc7: {  	s1 =	ssub.s32 @!p0 $0x0, s1;
	[sflag:s0] =	ssyncset.done @!p0 $0x0  }
0xc8: {  	[sflag:s0] =	ssyncadd.s32 @!p0 s1  }
0xc9: {  	[bflag:$0x3] =	sbarrier.arrive $0xFFFF  }
0xca: {  	_ =	shalt  }

// kernel: kernel.21.cloned.1.call-start
scs
__scs_entry_jumppad:
0x0: {  	(pc) =	sbr.rel $0x88, $3  }
0x1: {  	(tag) =	ssettag $0x0;
	lr =	simm.s32 $0x1  }
0x2: {  	[smem:$0x3F94] =	sst lr;
	_ =	strace $0xD0000000  }
0x3: {  	_ = 	snop  }
0x4: {  	_ = 	snop  }
0x5: {  	_ = 	snop  }
0x6: {  	_ = 	snop  }
0x7: {  	_ = 	snop  }
__scs_overlays_trampoline_lowered:
0x8: {  	[smem:$0x3FA3] =	sst s0  }
0x9: {  	[smem:$0x3FA4] =	sst s1  }
0xa: {  	[smem:$0x3FA5] =	sst s2  }
0xb: {  	[smem:$0x3FA6] =	sst s3  }
0xc: {  	[smem:$0x3FA7] =	sst s4  }
0xd: {  	[smem:$0x3FA8] =	sst s5  }
0xe: {  	[smem:$0x3FA9] =	sst s6  }
0xf: {  	[smem:$0x3FAA] =	sst s7  }
0x10: {  	[smem:$0x3FAB] =	sst s8  }
0x11: {  	[smem:$0x3FAC] =	sst s9;
	s0 =	simm.s32 @!p0 $0x0  }
0x12: {  	s1 =	sld [smem:$0x3F92];
	s0 =	simm.s32 @p0 $0x1  }
0x13: {  	[smem:$0x3FAD] =	sst s0;
	s0 =	simm.s32 @!p1 $0x0  }
0x14: {  	s2 =	sld [smem:$0x3F91];
	s0 =	simm.s32 @p1 $0x1  }
0x15: {  	[smem:$0x3FAE] =	sst s0;
	s0 =	simm.s32 @!p2 $0x0  }
0x16: {  	s3 =	sld [smem:$0x3FDB];
	s0 =	simm.s32 @p2 $0x1  }
0x17: {  	s4 =	simm.s32 $0x1BF5;
	[smem:$0x3FB0] =	sst s0  }
0x18: {  	s0 =	sld [smem:$0x3F93];
	_ =	swait.ge [sflag:s4], $0x0  }
0x19: {  	s7 =	sld [smem:$0x3F94]  }
0x1a: {  	s8 =	sadd.s32 $0xFFFFE003, lr  }
0x1b: {  	s9 =	sadd.s32 $0xFFFFFEF7, lr;
	s5 =	simm.s32 $0xFFFFFFFF;
	p2 =	slt.u32 s8, $0xFFFFF086  }
0x1c: {  	p1 =	slt.u32 s9, $0xF7A;
	s5 =	simm.s32 @!p2 $0x0  }
0x1d: {  	s5 =	simm.s32 @p1 $0x1;
	p0 =	seq.s32 s7, s2  }
0x1e: {  	s7 =	smul.u32 @!p0 $0xF7A, s2;
	p2 =	seq.s32 @!p0 s5, $0x0  }
0x1f: {  	s9 =	smul.u32 $0xF7A, s1;
	s8 =	simm.s32 @!p0 $0x1BF5;
	p2 =	por !p2, p0  }
0x20: {  	[sflag:s8] =	ssyncset.s32 @!p0 $0xFFFFF086;
	s6 =	sadd.s32 @!p0 s3, s7;
	s7 =	simm.s32 @!p0 $0x108  }
0x21: {  	s3 =	sadd.s32 s3, s9;
	s6 =	sadd.s32 @!p0 $0x88, s6;
	s7 =	simm.s32 @p2 $0x1082  }
0x22: {  	[simem:s7], [sflag:s8] =	dma.local @!p0 [hbm:s6], $0xF7A  }
0x23: {  	s9 =	sor.u32 $0xD0000000, s2;
	s6 =	simm.s32 $0x108;
	_ =	swait.ge @!p0 [sflag:s8], $0x0  }
0x24: {  	s3 =	sadd.s32 $0x88, s3;
	s6 =	simm.s32 @!p1 $0x1082;
	[sflag:s4] =	ssyncset.s32 $0xFFFFF086  }
0x25: {  	[simem:s6], [sflag:s4] =	dma.local [hbm:s3], $0xF7A  }
0x26: {  	[smem:$0x3F94] =	sst s1;
	(tag) =	ssettag s2;
	_ =	strace s9  }
0x27: {  	s1 =	sld [smem:$0x3FA4]  }
0x28: {  	s2 =	sld [smem:$0x3FA5]  }
0x29: {  	s4 =	sld [smem:$0x3FA7]  }
0x2a: {  	p0 =	seq.s32 s5, $0x0;
	s5 =	sld [smem:$0x3FA8]  }
0x2b: {  	s6 =	sld [smem:$0x3FA9]  }
0x2c: {  	s7 =	sld [smem:$0x3FAA]  }
0x2d: {  	s3 =	simm.s32 $0x108;
	s8 =	sld [smem:$0x3FAB]  }
0x2e: {  	s3 =	simm.s32 @!p0 $0x1082;
	s9 =	sld [smem:$0x3FAC]  }
0x2f: {  	lr =	sadd.s32 s0, s3;
	s0 =	sld [smem:$0x3FA3]  }
0x30: {  	s3 =	sld [smem:$0x3FA6]  }
0x31: {  	[smem:$0x3FAF] =	sst s10  }
0x32: {  	s10 =	sld [smem:$0x3FAD];
	_ =	sdelay $0x3  }
0x33: {  	p0 =	seq.s32 s10, $0x1;
	s10 =	sld [smem:$0x3FAF];
	_ =	sdelay $0x3  }
0x34: {  	[smem:$0x3FAF] =	sst s10  }
0x35: {  	s10 =	sld [smem:$0x3FAE];
	_ =	sdelay $0x3  }
0x36: {  	p1 =	seq.s32 s10, $0x1;
	s10 =	sld [smem:$0x3FAF];
	_ =	sdelay $0x3  }
0x37: {  	[smem:$0x3FAF] =	sst s10  }
0x38: {  	s10 =	sld [smem:$0x3FB0]  }
0x39: {  	_ = 	snop;
	(pc) =	sbr.ind lr, $3  }
0x3a: {  	_ = 	snop  }
0x3b: {  	_ = 	snop  }
0x3c: {  	p2 =	seq.s32 s10, $0x1;
	s10 =	sld [smem:$0x3FAF]  }
0x3d: {  	_ =	shalt  }
0x3e: {  	_ =	shalt  }
0x3f: {  	_ =	shalt  }
0x40: {  	_ =	shalt  }
0x41: {  	_ =	shalt  }
0x42: {  	_ =	shalt  }
0x43: {  	_ =	shalt  }
0x44: {  	_ =	shalt  }
0x45: {  	_ =	shalt  }
0x46: {  	_ =	shalt  }
0x47: {  	_ =	shalt  }
0x48: {  	_ =	shalt  }
0x49: {  	_ =	shalt  }
0x4a: {  	_ =	shalt  }
0x4b: {  	_ =	shalt  }
0x4c: {  	_ =	shalt  }
0x4d: {  	_ =	shalt  }
0x4e: {  	_ =	shalt  }
0x4f: {  	_ =	shalt  }
0x50: {  	_ =	shalt  }
0x51: {  	_ =	shalt  }
0x52: {  	_ =	shalt  }
0x53: {  	_ =	shalt  }
0x54: {  	_ =	shalt  }
0x55: {  	_ =	shalt  }
0x56: {  	_ =	shalt  }
0x57: {  	_ =	shalt  }
0x58: {  	_ =	shalt  }
0x59: {  	_ =	shalt  }
0x5a: {  	_ =	shalt  }
0x5b: {  	_ =	shalt  }
0x5c: {  	_ =	shalt  }
0x5d: {  	_ =	shalt  }
0x5e: {  	_ =	shalt  }
0x5f: {  	_ =	shalt  }
0x60: {  	_ =	shalt  }
0x61: {  	_ =	shalt  }
0x62: {  	_ =	shalt  }
0x63: {  	_ =	shalt  }
0x64: {  	_ =	shalt  }
0x65: {  	_ =	shalt  }
0x66: {  	_ =	shalt  }
0x67: {  	_ =	shalt  }
0x68: {  	_ =	shalt  }
0x69: {  	_ =	shalt  }
0x6a: {  	_ =	shalt  }
0x6b: {  	_ =	shalt  }
0x6c: {  	_ =	shalt  }
0x6d: {  	_ =	shalt  }
0x6e: {  	_ =	shalt  }
0x6f: {  	_ =	shalt  }
0x70: {  	_ =	shalt  }
0x71: {  	_ =	shalt  }
0x72: {  	_ =	shalt  }
0x73: {  	_ =	shalt  }
0x74: {  	_ =	shalt  }
0x75: {  	_ =	shalt  }
0x76: {  	_ =	shalt  }
0x77: {  	_ =	shalt  }
0x78: {  	_ =	shalt  }
0x79: {  	_ =	shalt  }
0x7a: {  	_ =	shalt  }
0x7b: {  	_ =	shalt  }
0x7c: {  	_ =	shalt  }
0x7d: {  	_ =	shalt  }
0x7e: {  	_ =	shalt  }
0x7f: {  	_ =	shalt  }
0x80: {  	_ =	shalt  }
0x81: {  	_ =	shalt  }
0x82: {  	_ =	shalt  }
0x83: {  	_ =	shalt  }
0x84: {  	_ =	shalt  }
0x85: {  	_ =	shalt  }
0x86: {  	_ =	shalt  }
0x87: {  	_ =	shalt  }
.Lfunc_end0:
.L_simem_size_0:
called_computation.3_lowered:
.L_overlay_start_0:
0x88: {  	s2 =	sld [smem:$0x3FD9]  }
0x89: {  	s3 =	sld [smem:$0x3FFE];
	_ =	sdelay $0x1  }
0x8a: {  	s1 =	srdreg.scid  }
0x8b: {  	s0 =	sand.u32 $0x1, s1  }
0x8c: {  	s16 =	sshll.u32 s0, $0xA;
	s2 =	sadd.s32 s3, s2  }
0x8d: {  	s2 =	sadd.s32 s2, s16  }
0x8e: {  	[smem:$0x3FBB] =	sst s2  }
0x8f: {  	_ = 	snop  }
0x90: {  	(tm) =	ssettm $0x1  }
0x91: {  	s17 =	sld [smem:$0x3FFB];
	_ =	sdelay $0x3  }
0x92: {  	_ =	strace s17  }
0x93: {  	s2 =	sld [smem:$0x3FFC];
	_ =	sdelay $0x3  }
0x94: {  	_ =	strace s2  }
0x95: {  	s2 =	sld [smem:$0x3FFD];
	_ =	sdelay $0x3  }
0x96: {  	_ =	strace s2  }
0x97: {  	_ =	strace $0x8FFFFFFF  }
0x98: {  	s18 =	sld [smem:$0x3FDB];
	_ =	sdelay $0x1  }
0x99: {  	s19 =	simm.s32 $_scs_section_size  }
0x9a: {  	s4 =	simm.s32 $_size__tile_overlayer_lowered;
	s5 =	simm.s32 $_tile_overlayer_lowered  }
0x9b: {  	s22 =	simm.s32 $0x1BFF;
	s21 =	sshll.u32 s5, $0x1;
	s2 =	sadd.s32 s19, s18  }
0x9c: {  	s6 =	simm.s32 $0x0;
	s20 =	sshll.u32 s4, $0x1;
	s4 =	sadd.s32 s21, s2  }
0x9d: {  	[timem:s6], [sflag:s22] =	dma.local [hbm:s4], s20  }
0x9e: {  	_ =	swait.ge [sflag:s22], s20  }
0x9f: {  	s3 =	ssub.s32 $0x0, s20;
	[sflag:s22] =	ssyncset.done $0x0  }
0xa0: {  	[sflag:s22] =	ssyncadd.s32 s3;
	_ =	sdelay $0x1  }
0xa1: {  	s23 =	simm.s32 $0x1B8B  }
0xa2: {  	_ =	swait.ge [sflag:s23], $0x1  }
0xa3: {  	[sflag:s23] =	ssyncset.done $0x0  }
0xa4: {  	s25 =	simm.s32 $0x1B8E;
	s24 =	sld [smem:$0x3FFE];
	[sflag:s23] =	ssyncadd.s32 $0xFFFFFFFF  }
0xa5: {  	s26 =	simm.s32 $execute0_lowered;
	[smem:$0x3FD2] =	sst s25  }
0xa6: {  	s4 =	sshll.u32 s26, $0x1;
	_ =	strace $0x8000004F;
	[dreg:$0x1] =	wrdreg $0xFFFFFFFF  }
0xa7: {  	s28 =	simm.s32 $_size_execute0_lowered;
	s2 =	sadd.s32 s2, s4;
	[dreg:$0x0] =	wrdreg $0x0  }
0xa8: {  	s4 =	sshll.u32 s28, $0x1;
	[dreg:$0x2] =	wrdreg s2  }
0xa9: {  	[dreg:$0x3] =	wrdreg s4  }
0xaa: {  	[dreg:$0x4] =	wrdreg $0xC0  }
0xab: {  	_ =	task [dreg:s6], $0x5FFFF  }
0xac: {  	[dreg:$0x1] =	wrdreg $0xFFFFFFFF  }
0xad: {  	[dreg:$0x0] =	wrdreg $0x60  }
0xae: {  	[dreg:$0x2] =	wrdreg s24  }
0xaf: {  	[dreg:$0x3] =	wrdreg $0x84000  }
0xb0: {  	[dreg:$0x4] =	wrdreg $0x9  }
0xb1: {  	_ =	task.clear_ibuf [dreg:s6], $0x5FFFF;
	_ =	strace $0x9000004F  }
0xb2: {  	s29 =	simm.s32 $0x9;
	_ =	strace $0x80000051  }
0xb3: {  	_ =	swait.ge [sflag:s29], $0x1  }
0xb4: {  	[sflag:s29] =	ssyncadd.s32 $0xFFFFFFFF  }
0xb5: {  	_ =	strace $0x90000051  }
0xb6: {  	_ =	sfence  }
0xb7: {  	s30 =	sld [smem:$0x0];
	_ =	sdelay $0x2  }
0xb8: {  	s31 =	sshll.u32 s1, $0xD;
	s1 =	sshrl.u32 s1, $0x2  }
0xb9: {  	s3 =	sand.u32 $0x4000, s31;
	s1 =	sadd.s32 s1, s30  }
0xba: {  	s0 =	sor.u32 s3, s0;
	s1 =	sshll.u32 s1, $0x11  }
0xbb: {  	s0 =	sor.u32 s1, s0  }
0xbc: {  	s0 =	sadd.s32 $0x8F2B, s0  }
0xbd: {  	[sflag:s0] =	ssyncadd.remote.s32 $0x1  }
0xbe: {  	_ =	sfence.sel $0xFFFF  }
0xbf: {  	[dreg:$0x0] =	wrdreg $0xFFFFFFFF;
	(pc) =	sbr.abs _section_cstart, $3  }
0xc0: {  	[dreg:$0x1] =	wrdreg $0xFFFFFFFF  }
0xc1: {  	_ =	task.clear_ibuf [dreg:s6], $0x2FFFF;
	_ =	strace $0x9FFFFFFF  }
0xc2: {  	(tm) =	ssettm $0x7FFFFFFF  }
0xc3: {  	_ =	shalt  }
tec
execute0_lowered:
.L_overlay_start_1:
0x0: {  	(tag) =	ssettag $0x1  }
0x1: {  	s0 =	rddreg [dreg:$0x0]  }
0x2: {  	s1 =	rddreg [dreg:$0x1];
	s3 =	simm.s32 $0x0;
	s11 =	stileid.u32  }
0x3: {  	s6 =	srdreg.scid;
	s19 =	simm.s32 $0x7;
	s28 =	simm.s32 $0x4  }
0x4: {  	s29 =	simm.s32 $0x2;
	s30 =	simm.s32 $0x280;
	s31 =	simm.s32 $0x6  }
0x5: {  	[smem:$0x7FF] =	sst s3;
	s4 =	sadd.s32 $0x7200, s0;
	s5 =	sadd.s32 $0x2F200, s0  }
0x6: {  	s2 =	sshll.u32 s11, $0x5;
	s6 =	sand.u32 $0x1, s6;
	s7 =	smul.u32 $0x50000, s11  }
0x7: {  	s8 =	sadd.s32 $0xA0200, s0;
	s25 =	sshll.u32 s11, $0x6;
	_ =	strace $0x80000050  }
0x8: {  	s2 =	sadd.s32 s2, s0;
	[dreg:$0x3] =	wrdreg s8;
	s0 =	sadd.s32 $0xC8200, s0  }
0x9: {  	s20 =	ssub.s32 $0x2, s6;
	s8 =	smul.u32 $0x2800, s11;
	p0 =	seq.s32 s6, $0x1  }
0xa: {  	[dreg:$0x9] =	wrdreg s25;
	s15 =	sor.u32 $0x1C07, s25;
	s25 =	simm.s32 $0x300  }
0xb: {  	s6 =	simm.s32 $0x380;
	[dreg:$0x4] =	wrdreg s0;
	s9 =	sshrl.u32 s20, $0x1  }
0xc: {  	s7 =	sshrl.u32 s7, $0x2;
	s10 =	sadd.s32 $0x64200, s2;
	s23 =	sadd.s32 $0x64400, s2  }
0xd: {  	s24 =	sadd.s32 $0x64600, s2;
	s2 =	sadd.s32 $0x64800, s2;
	[dreg:$0x6] =	wrdreg s23  }
0xe: {  	s0 =	ssub.s32 s20, s9;
	s21 =	sadd.s32 s7, s1;
	[dreg:$0x7] =	wrdreg s24  }
0xf: {  	s22 =	sadd.s32 s4, s8;
	[dreg:$0x8] =	wrdreg s2;
	s26 =	sadd.s32 s5, s8  }
.Ltmp0:
0x10: {  	s20 =	simm.s32 $0x80;
	s23 =	simm.s32 $0x4400;
	(pc) =	sbr.rel .LBB2_1-.Ltmp0, $4  }
0x11: {  	s24 =	simm.s32 $0x100;
	s2 =	simm.s32 $0x3;
	[dreg:$0x5] =	wrdreg s22  }
0x12: {  	s7 =	simm.s32 $0x5;
	s9 =	simm.s32 $0x0;
	[dreg:$0xa] =	wrdreg s26  }
0x13: {  	s16 =	smax.u32 s0, $0x1;
	s18 =	sshrl.u32 s21, $0x3;
	s21 =	simm.s32 $0x400  }
0x14: {  	s22 =	simm.s32 $0x200;
	s26 =	simm.s32 $0x1;
	s0 =	simm.s32 $0x180  }
.LBB2_8:
0x15: {  	s14 =	rddreg [dreg:$0x4];
	s17 =	smov.u32 s15  }
.LBB2_9:
0x16: {  	_ =	swait.ge [sflag:s29], $0x4000  }
0x17: {  	[sflag:s29] =	ssyncset.done $0x0  }
0x18: {  	[sflag:s29] =	ssyncadd.s32 $0xFFFFC000  }
0x19: {  	[spmem:s1] =	stream.indirect.scatter.add.f32 [tilespmem:s23], [sflag:$0x7], $0x80, s6, s20, $0xb8;
	[tilespmem:$0x1C400] =	vst v63  }
0x1a: {  	_ =	swait.ge [sflag:s19], $0x4000  }
0x1b: {  	s9 =	sadd.s32 $0x1, s9;
	[sflag:s19] =	ssyncset.done $0x0  }
0x1c: {  	p1 =	sne.s32 s9, s16;
	[sflag:s19] =	ssyncadd.s32 $0xFFFFC000  }
.Ltmp1:
0x1d: {  	s11 =	sadd.s32 s14, s8;
	[bflag:$0x0] =	sbarrier.arrive $0xFFFF;
	(pc) =	sbr.rel @!p1 .LBB2_10-.Ltmp1, $4  }
0x1e: {  	[hbm:s11], [sflag:s17] =	dma.local [spmem:s18], $0x2800  }
0x1f: {  	_ =	swait.ge [sflag:s19], $0x2800  }
0x20: {  	[sflag:s19] =	ssyncset.done $0x0  }
0x21: {  	[sflag:s19] =	ssyncadd.s32 $0xFFFFD800  }
.LBB2_1:
.Ltmp2:
0x22: {  	(pc) =	sbr.rel @!p0 .LBB2_2-.Ltmp2, $1  }
0x23: {  	_ =	sdelay $0x3  }
0x24: {  	s11 =	rddreg [dreg:$0xa]  }
0x25: {  	[spmem:s18], [sflag:s15] =	dma.local [hbm:s11], $0x2800  }
0x26: {  	_ =	swait.ge [sflag:s19], $0x2800  }
0x27: {  	[sflag:s19] =	ssyncset.done $0x0  }
0x28: {  	[sflag:s19] =	ssyncadd.s32 $0xFFFFD800  }
0x29: {  	[bflag:$0x0] =	sbarrier.arrive $0xFFFF  }
0x2a: {  	[tilespmem:s3], [sflag:$0x7] =	stream.linear.gather [hbm4b:s10+s3], $0x100, $0x38;
	[tilespmem:$0x1C400] =	vst v63  }
0x2b: {  	_ =	swait.ge [sflag:s19], $0x100  }
0x2c: {  	[sflag:s19] =	ssyncset.done $0x0  }
0x2d: {  	[sflag:s19] =	ssyncadd.s32 $0xFFFFFF00  }
0x2e: {  	[tilespmem:s21], [sflag:$0x1] =	stream.indirect.gather [hbm4b:s5+s20], $0x80, s3, s20, $0xb8;
	[tilespmem:$0x1C400] =	vst v63  }
0x2f: {  	s13 =	rddreg [dreg:$0x6]  }
0x30: {  	[tilespmem:s22], [sflag:$0x7] =	stream.linear.gather [hbm4b:s13+s3], $0x100, $0x38;
	[tilespmem:$0x1C400] =	vst v63  }
0x31: {  	_ =	swait.ge [sflag:s19], $0x100  }
0x32: {  	[sflag:s19] =	ssyncset.done $0x0  }
0x33: {  	[sflag:s19] =	ssyncadd.s32 $0xFFFFFF00  }
0x34: {  	[tilespmem:s23], [sflag:$0x2] =	stream.indirect.gather [hbm4b:s5+s20], $0x80, s22, s20, $0xb8;
	[tilespmem:$0x1C400] =	vst v63  }
0x35: {  	s14 =	rddreg [dreg:$0x7]  }
0x36: {  	[tilespmem:s24], [sflag:$0x4] =	stream.linear.gather [hbm4b:s14+s3], $0x100, $0x38;
	[tilespmem:$0x1C400] =	vst v63  }
0x37: {  	s17 =	rddreg [dreg:$0x8];
	s14 =	simm.s32 $0xFFFEC800  }
0x38: {  	[tilespmem:s25], [sflag:$0x6] =	stream.linear.gather [hbm4b:s17+s3], $0x100, $0x38;
	[tilespmem:$0x1C400] =	vst v63  }
.LBB2_7:
0x39: {  	_ =	swait.ge [sflag:s26], $0x4000  }
0x3a: {  	[sflag:s26] =	ssyncset.done $0x0  }
0x3b: {  	[sflag:s26] =	ssyncadd.s32 $0xFFFFC000  }
0x3c: {  	[spmem:s1] =	stream.indirect.scatter.add.f32 [tilespmem:s21], [sflag:$0x7], $0x80, s20, s20, $0xb8;
	[tilespmem:$0x1C400] =	vst v63  }
0x3d: {  	p1 =	seq.s32 s14, $0x0;
	_ =	swait.ge [sflag:s19], $0x4000  }
0x3e: {  	s11 =	sadd.s32 @!p1 s14, s10;
	[sflag:s19] =	ssyncset.done $0x0  }
0x3f: {  	s13 =	simm.s32 @!p1 $0x0;
	s12 =	sadd.s32 @!p1 $0x14000, s11;
	[sflag:s19] =	ssyncadd.s32 $0xFFFFC000  }
0x40: {  	[tilespmem:s13], [sflag:$0x3] =	stream.linear.gather @!p1 [hbm4b:s12+s13], $0x100, $0x38;
	[tilespmem:$0x1C400] =	vst v63  }
0x41: {  	_ =	swait.ge [sflag:s28], $0x100  }
0x42: {  	[sflag:s28] =	ssyncset.done $0x0  }
0x43: {  	[sflag:s28] =	ssyncadd.s32 $0xFFFFFF00  }
0x44: {  	[tilespmem:s21], [sflag:$0x1] =	stream.indirect.gather [hbm4b:s5+s20], $0x80, s24, s20, $0xb8;
	[tilespmem:$0x1C400] =	vst v63  }
0x45: {  	_ =	swait.ge [sflag:s29], $0x4000  }
0x46: {  	[sflag:s29] =	ssyncset.done $0x0  }
0x47: {  	[sflag:s29] =	ssyncadd.s32 $0xFFFFC000  }
0x48: {  	[spmem:s1] =	stream.indirect.scatter.add.f32 [tilespmem:s23], [sflag:$0x7], $0x80, s30, s20, $0xb8;
	[tilespmem:$0x1C400] =	vst v63  }
0x49: {  	_ =	swait.ge [sflag:s19], $0x4000  }
0x4a: {  	[sflag:s19] =	ssyncset.done $0x0  }
0x4b: {  	s11 =	sadd.s32 @!p1 $0x14200, s11;
	s12 =	simm.s32 @!p1 $0x200;
	[sflag:s19] =	ssyncadd.s32 $0xFFFFC000  }
0x4c: {  	[tilespmem:s12], [sflag:$0x5] =	stream.linear.gather @!p1 [hbm4b:s11+s13], $0x100, $0x38;
	[tilespmem:$0x1C400] =	vst v63  }
0x4d: {  	_ =	swait.ge [sflag:s31], $0x100  }
0x4e: {  	[sflag:s31] =	ssyncset.done $0x0  }
0x4f: {  	[sflag:s31] =	ssyncadd.s32 $0xFFFFFF00  }
0x50: {  	[tilespmem:s23], [sflag:$0x2] =	stream.indirect.gather [hbm4b:s5+s20], $0x80, s25, s20, $0xb8;
	[tilespmem:$0x1C400] =	vst v63  }
0x51: {  	_ =	swait.ge [sflag:s26], $0x4000  }
0x52: {  	[sflag:s26] =	ssyncset.done $0x0  }
.Ltmp3:
0x53: {  	[sflag:s26] =	ssyncadd.s32 $0xFFFFC000;
	(pc) =	sbr.rel @p1 .LBB2_8-.Ltmp3, $4  }
0x54: {  	[spmem:s1] =	stream.indirect.scatter.add.f32 [tilespmem:s21], [sflag:$0x7], $0x80, s0, s20, $0xb8;
	[tilespmem:$0x1C400] =	vst v63  }
0x55: {  	_ =	swait.ge [sflag:s19], $0x4000  }
0x56: {  	[sflag:s19] =	ssyncset.done $0x0  }
0x57: {  	[sflag:s19] =	ssyncadd.s32 $0xFFFFC000  }
0x58: {  	s11 =	sadd.s32 s14, s10  }
0x59: {  	s12 =	sadd.s32 $0x14400, s11  }
0x5a: {  	[tilespmem:s24], [sflag:$0x4] =	stream.linear.gather [hbm4b:s12+s3], $0x100, $0x38;
	[tilespmem:$0x1C400] =	vst v63  }
0x5b: {  	_ =	swait.ge [sflag:s2], $0x100  }
0x5c: {  	[sflag:s2] =	ssyncset.done $0x0  }
0x5d: {  	[sflag:s2] =	ssyncadd.s32 $0xFFFFFF00  }
0x5e: {  	[tilespmem:s21], [sflag:$0x1] =	stream.indirect.gather [hbm4b:s5+s20], $0x80, s3, s20, $0xb8;
	[tilespmem:$0x1C400] =	vst v63  }
0x5f: {  	_ =	swait.ge [sflag:s29], $0x4000  }
0x60: {  	[sflag:s29] =	ssyncset.done $0x0  }
0x61: {  	[sflag:s29] =	ssyncadd.s32 $0xFFFFC000  }
0x62: {  	[spmem:s1] =	stream.indirect.scatter.add.f32 [tilespmem:s23], [sflag:$0x7], $0x80, s6, s20, $0xb8;
	[tilespmem:$0x1C400] =	vst v63  }
0x63: {  	_ =	swait.ge [sflag:s19], $0x4000  }
0x64: {  	[sflag:s19] =	ssyncset.done $0x0  }
0x65: {  	s11 =	sadd.s32 $0x14600, s11;
	[sflag:s19] =	ssyncadd.s32 $0xFFFFC000  }
0x66: {  	[tilespmem:s25], [sflag:$0x6] =	stream.linear.gather [hbm4b:s11+s3], $0x100, $0x38;
	[tilespmem:$0x1C400] =	vst v63  }
.Ltmp4:
0x67: {  	_ = 	snop;
	(pc) =	sbr.rel .LBB2_7-.Ltmp4, $4  }
0x68: {  	_ =	swait.ge [sflag:s7], $0x100  }
0x69: {  	[sflag:s7] =	ssyncset.done $0x0  }
0x6a: {  	s14 =	sadd.s32 $0x800, s14;
	[sflag:s7] =	ssyncadd.s32 $0xFFFFFF00  }
0x6b: {  	[tilespmem:s23], [sflag:$0x2] =	stream.indirect.gather [hbm4b:s5+s20], $0x80, s22, s20, $0xb8;
	[tilespmem:$0x1C400] =	vst v63  }
.LBB2_2:
0x6c: {  	s11 =	rddreg [dreg:$0x9]  }
0x6d: {  	s14 =	rddreg [dreg:$0x5];
	s17 =	sor.u32 $0x1C07, s11  }
0x6e: {  	[spmem:s18], [sflag:s17] =	dma.local [hbm:s14], $0x2800  }
0x6f: {  	_ =	swait.ge [sflag:s19], $0x2800  }
0x70: {  	[sflag:s19] =	ssyncset.done $0x0  }
0x71: {  	[sflag:s19] =	ssyncadd.s32 $0xFFFFD800  }
0x72: {  	[bflag:$0x0] =	sbarrier.arrive $0xFFFF  }
0x73: {  	[tilespmem:s3], [sflag:$0x7] =	stream.linear.gather [hbm4b:s10+s3], $0x100, $0x38;
	[tilespmem:$0x1C400] =	vst v63  }
0x74: {  	_ =	swait.ge [sflag:s19], $0x100  }
0x75: {  	[sflag:s19] =	ssyncset.done $0x0  }
0x76: {  	[sflag:s19] =	ssyncadd.s32 $0xFFFFFF00  }
0x77: {  	[tilespmem:s21], [sflag:$0x1] =	stream.indirect.gather [hbm4b:s4+s20], $0x80, s3, s20, $0xb8;
	[tilespmem:$0x1C400] =	vst v63  }
0x78: {  	s12 =	rddreg [dreg:$0x6]  }
0x79: {  	[tilespmem:s22], [sflag:$0x7] =	stream.linear.gather [hbm4b:s12+s3], $0x100, $0x38;
	[tilespmem:$0x1C400] =	vst v63  }
0x7a: {  	_ =	swait.ge [sflag:s19], $0x100  }
0x7b: {  	[sflag:s19] =	ssyncset.done $0x0  }
0x7c: {  	[sflag:s19] =	ssyncadd.s32 $0xFFFFFF00  }
0x7d: {  	[tilespmem:s23], [sflag:$0x2] =	stream.indirect.gather [hbm4b:s4+s20], $0x80, s22, s20, $0xb8;
	[tilespmem:$0x1C400] =	vst v63  }
0x7e: {  	s13 =	rddreg [dreg:$0x7]  }
0x7f: {  	[tilespmem:s24], [sflag:$0x4] =	stream.linear.gather [hbm4b:s13+s3], $0x100, $0x38;
	[tilespmem:$0x1C400] =	vst v63  }
0x80: {  	s14 =	rddreg [dreg:$0x8]  }
0x81: {  	[tilespmem:s25], [sflag:$0x6] =	stream.linear.gather [hbm4b:s14+s3], $0x100, $0x38;
	[tilespmem:$0x1C400] =	vst v63  }
0x82: {  	s14 =	simm.s32 $0xFFFEC800  }
.LBB2_3:
0x83: {  	_ =	swait.ge [sflag:s26], $0x4000  }
0x84: {  	[sflag:s26] =	ssyncset.done $0x0  }
0x85: {  	[sflag:s26] =	ssyncadd.s32 $0xFFFFC000  }
0x86: {  	[spmem:s1] =	stream.indirect.scatter.add.f32 [tilespmem:s21], [sflag:$0x7], $0x80, s20, s20, $0xb8;
	[tilespmem:$0x1C400] =	vst v63  }
0x87: {  	p1 =	seq.s32 s14, $0x0;
	_ =	swait.ge [sflag:s19], $0x4000  }
0x88: {  	s11 =	sadd.s32 @!p1 s14, s10;
	[sflag:s19] =	ssyncset.done $0x0  }
0x89: {  	s13 =	simm.s32 @!p1 $0x0;
	s12 =	sadd.s32 @!p1 $0x14000, s11;
	[sflag:s19] =	ssyncadd.s32 $0xFFFFC000  }
0x8a: {  	[tilespmem:s13], [sflag:$0x3] =	stream.linear.gather @!p1 [hbm4b:s12+s13], $0x100, $0x38;
	[tilespmem:$0x1C400] =	vst v63  }
0x8b: {  	_ =	swait.ge [sflag:s28], $0x100  }
0x8c: {  	[sflag:s28] =	ssyncset.done $0x0  }
0x8d: {  	[sflag:s28] =	ssyncadd.s32 $0xFFFFFF00  }
0x8e: {  	[tilespmem:s21], [sflag:$0x1] =	stream.indirect.gather [hbm4b:s4+s20], $0x80, s24, s20, $0xb8;
	[tilespmem:$0x1C400] =	vst v63  }
0x8f: {  	_ =	swait.ge [sflag:s29], $0x4000  }
0x90: {  	[sflag:s29] =	ssyncset.done $0x0  }
0x91: {  	[sflag:s29] =	ssyncadd.s32 $0xFFFFC000  }
0x92: {  	[spmem:s1] =	stream.indirect.scatter.add.f32 [tilespmem:s23], [sflag:$0x7], $0x80, s30, s20, $0xb8;
	[tilespmem:$0x1C400] =	vst v63  }
0x93: {  	_ =	swait.ge [sflag:s19], $0x4000  }
0x94: {  	[sflag:s19] =	ssyncset.done $0x0  }
0x95: {  	s11 =	sadd.s32 @!p1 $0x14200, s11;
	s12 =	simm.s32 @!p1 $0x200;
	[sflag:s19] =	ssyncadd.s32 $0xFFFFC000  }
0x96: {  	[tilespmem:s12], [sflag:$0x5] =	stream.linear.gather @!p1 [hbm4b:s11+s13], $0x100, $0x38;
	[tilespmem:$0x1C400] =	vst v63  }
0x97: {  	_ =	swait.ge [sflag:s31], $0x100  }
0x98: {  	[sflag:s31] =	ssyncset.done $0x0  }
0x99: {  	[sflag:s31] =	ssyncadd.s32 $0xFFFFFF00  }
0x9a: {  	[tilespmem:s23], [sflag:$0x2] =	stream.indirect.gather [hbm4b:s4+s20], $0x80, s25, s20, $0xb8;
	[tilespmem:$0x1C400] =	vst v63  }
0x9b: {  	_ =	swait.ge [sflag:s26], $0x4000  }
0x9c: {  	[sflag:s26] =	ssyncset.done $0x0  }
.Ltmp5:
0x9d: {  	[sflag:s26] =	ssyncadd.s32 $0xFFFFC000;
	(pc) =	sbr.rel @p1 .LBB2_4-.Ltmp5, $4  }
0x9e: {  	[spmem:s1] =	stream.indirect.scatter.add.f32 [tilespmem:s21], [sflag:$0x7], $0x80, s0, s20, $0xb8;
	[tilespmem:$0x1C400] =	vst v63  }
0x9f: {  	_ =	swait.ge [sflag:s19], $0x4000  }
0xa0: {  	[sflag:s19] =	ssyncset.done $0x0  }
0xa1: {  	[sflag:s19] =	ssyncadd.s32 $0xFFFFC000  }
0xa2: {  	s11 =	sadd.s32 s14, s10  }
0xa3: {  	s12 =	sadd.s32 $0x14400, s11  }
0xa4: {  	[tilespmem:s24], [sflag:$0x4] =	stream.linear.gather [hbm4b:s12+s3], $0x100, $0x38;
	[tilespmem:$0x1C400] =	vst v63  }
0xa5: {  	_ =	swait.ge [sflag:s2], $0x100  }
0xa6: {  	[sflag:s2] =	ssyncset.done $0x0  }
0xa7: {  	[sflag:s2] =	ssyncadd.s32 $0xFFFFFF00  }
0xa8: {  	[tilespmem:s21], [sflag:$0x1] =	stream.indirect.gather [hbm4b:s4+s20], $0x80, s3, s20, $0xb8;
	[tilespmem:$0x1C400] =	vst v63  }
0xa9: {  	_ =	swait.ge [sflag:s29], $0x4000  }
0xaa: {  	[sflag:s29] =	ssyncset.done $0x0  }
0xab: {  	[sflag:s29] =	ssyncadd.s32 $0xFFFFC000  }
0xac: {  	[spmem:s1] =	stream.indirect.scatter.add.f32 [tilespmem:s23], [sflag:$0x7], $0x80, s6, s20, $0xb8;
	[tilespmem:$0x1C400] =	vst v63  }
0xad: {  	_ =	swait.ge [sflag:s19], $0x4000  }
0xae: {  	[sflag:s19] =	ssyncset.done $0x0  }
0xaf: {  	s11 =	sadd.s32 $0x14600, s11;
	[sflag:s19] =	ssyncadd.s32 $0xFFFFC000  }
0xb0: {  	[tilespmem:s25], [sflag:$0x6] =	stream.linear.gather [hbm4b:s11+s3], $0x100, $0x38;
	[tilespmem:$0x1C400] =	vst v63  }
.Ltmp6:
0xb1: {  	_ = 	snop;
	(pc) =	sbr.rel .LBB2_3-.Ltmp6, $4  }
0xb2: {  	_ =	swait.ge [sflag:s7], $0x100  }
0xb3: {  	[sflag:s7] =	ssyncset.done $0x0  }
0xb4: {  	s14 =	sadd.s32 $0x800, s14;
	[sflag:s7] =	ssyncadd.s32 $0xFFFFFF00  }
0xb5: {  	[tilespmem:s23], [sflag:$0x2] =	stream.indirect.gather [hbm4b:s4+s20], $0x80, s22, s20, $0xb8;
	[tilespmem:$0x1C400] =	vst v63  }
.LBB2_4:
.Ltmp7:
0xb6: {  	(pc) =	sbr.rel .LBB2_9-.Ltmp7, $2  }
0xb7: {  	_ =	sdelay $0x2  }
0xb8: {  	s14 =	rddreg [dreg:$0x3]  }
.LBB2_10:
0xb9: {  	_ =	sfence.sel $0x180000  }
0xba: {  	[bflag:$0x0] =	sbarrier.arrive $0xFFFF  }
0xbb: {  	_ =	strace $0x90000050  }
0xbc: {  	s0 =	stileid.u32;
	[bflag:$0x2] =	sbarrier.arrive $0xFFFF  }
0xbd: {  	p0 =	sne.s32 s0, $0x0;
	s0 =	rddreg [dreg:$0x2]  }
0xbe: {  	s0 =	sadd.s32 @!p0 $0x100000, s0  }
0xbf: {  	[sflag:s0] =	ssyncadd.tile.s32 @!p0 $0x1;
	_ =	shalt  }
.Lfunc_end2:
_tile_overlayer_lowered:
.L_overlay_start_2:
0xc0: {  	(tag) =	ssettag $0x2  }
0xc1: {  	s0 =	rddreg [dreg:$0x0];
	s2 =	stileid.u32  }
0xc2: {  	s1 =	rddreg [dreg:$0x1];
	p0 =	sne.s32 s2, $0x0  }
0xc3: {  	s3 =	rddreg [dreg:$0x2];
	[bflag:$0x3] =	sbarrier.arrive $0xFFFF;
	s2 =	simm.s32 @!p0 $0x1C07  }
0xc4: {  	[timem:s3], [sflag:s2] =	dma.local @!p0 [hbm:s0], s1  }
0xc5: {  	s0 =	simm.s32 @!p0 $0x7  }
0xc6: {  	_ =	swait.ge @!p0 [sflag:s0], s1  }
0xc7: {  	s1 =	ssub.s32 @!p0 $0x0, s1;
	[sflag:s0] =	ssyncset.done @!p0 $0x0  }
0xc8: {  	[sflag:s0] =	ssyncadd.s32 @!p0 s1  }
0xc9: {  	[bflag:$0x3] =	sbarrier.arrive $0xFFFF  }
0xca: {  	_ =	shalt  }

// kernel: kernel.24.cloned.1.call-start
scs
__scs_entry_jumppad:
0x0: {  	(pc) =	sbr.rel $0x88, $3  }
0x1: {  	(tag) =	ssettag $0x0;
	lr =	simm.s32 $0x1  }
0x2: {  	[smem:$0x3F94] =	sst lr;
	_ =	strace $0xD0000000  }
0x3: {  	_ = 	snop  }
0x4: {  	_ = 	snop  }
0x5: {  	_ = 	snop  }
0x6: {  	_ = 	snop  }
0x7: {  	_ = 	snop  }
__scs_overlays_trampoline_lowered:
0x8: {  	[smem:$0x3FA3] =	sst s0  }
0x9: {  	[smem:$0x3FA4] =	sst s1  }
0xa: {  	[smem:$0x3FA5] =	sst s2  }
0xb: {  	[smem:$0x3FA6] =	sst s3  }
0xc: {  	[smem:$0x3FA7] =	sst s4  }
0xd: {  	[smem:$0x3FA8] =	sst s5  }
0xe: {  	[smem:$0x3FA9] =	sst s6  }
0xf: {  	[smem:$0x3FAA] =	sst s7  }
0x10: {  	[smem:$0x3FAB] =	sst s8  }
0x11: {  	[smem:$0x3FAC] =	sst s9;
	s0 =	simm.s32 @!p0 $0x0  }
0x12: {  	s1 =	sld [smem:$0x3F92];
	s0 =	simm.s32 @p0 $0x1  }
0x13: {  	[smem:$0x3FAD] =	sst s0;
	s0 =	simm.s32 @!p1 $0x0  }
0x14: {  	s2 =	sld [smem:$0x3F91];
	s0 =	simm.s32 @p1 $0x1  }
0x15: {  	[smem:$0x3FAE] =	sst s0;
	s0 =	simm.s32 @!p2 $0x0  }
0x16: {  	s3 =	sld [smem:$0x3FDB];
	s0 =	simm.s32 @p2 $0x1  }
0x17: {  	s4 =	simm.s32 $0x1BF5;
	[smem:$0x3FB0] =	sst s0  }
0x18: {  	s0 =	sld [smem:$0x3F93];
	_ =	swait.ge [sflag:s4], $0x0  }
0x19: {  	s7 =	sld [smem:$0x3F94]  }
0x1a: {  	s8 =	sadd.s32 $0xFFFFE003, lr  }
0x1b: {  	s9 =	sadd.s32 $0xFFFFFEF7, lr;
	s5 =	simm.s32 $0xFFFFFFFF;
	p2 =	slt.u32 s8, $0xFFFFF086  }
0x1c: {  	p1 =	slt.u32 s9, $0xF7A;
	s5 =	simm.s32 @!p2 $0x0  }
0x1d: {  	s5 =	simm.s32 @p1 $0x1;
	p0 =	seq.s32 s7, s2  }
0x1e: {  	s7 =	smul.u32 @!p0 $0xF7A, s2;
	p2 =	seq.s32 @!p0 s5, $0x0  }
0x1f: {  	s9 =	smul.u32 $0xF7A, s1;
	s8 =	simm.s32 @!p0 $0x1BF5;
	p2 =	por !p2, p0  }
0x20: {  	[sflag:s8] =	ssyncset.s32 @!p0 $0xFFFFF086;
	s6 =	sadd.s32 @!p0 s3, s7;
	s7 =	simm.s32 @!p0 $0x108  }
0x21: {  	s3 =	sadd.s32 s3, s9;
	s6 =	sadd.s32 @!p0 $0x88, s6;
	s7 =	simm.s32 @p2 $0x1082  }
0x22: {  	[simem:s7], [sflag:s8] =	dma.local @!p0 [hbm:s6], $0xF7A  }
0x23: {  	s9 =	sor.u32 $0xD0000000, s2;
	s6 =	simm.s32 $0x108;
	_ =	swait.ge @!p0 [sflag:s8], $0x0  }
0x24: {  	s3 =	sadd.s32 $0x88, s3;
	s6 =	simm.s32 @!p1 $0x1082;
	[sflag:s4] =	ssyncset.s32 $0xFFFFF086  }
0x25: {  	[simem:s6], [sflag:s4] =	dma.local [hbm:s3], $0xF7A  }
0x26: {  	[smem:$0x3F94] =	sst s1;
	(tag) =	ssettag s2;
	_ =	strace s9  }
0x27: {  	s1 =	sld [smem:$0x3FA4]  }
0x28: {  	s2 =	sld [smem:$0x3FA5]  }
0x29: {  	s4 =	sld [smem:$0x3FA7]  }
0x2a: {  	p0 =	seq.s32 s5, $0x0;
	s5 =	sld [smem:$0x3FA8]  }
0x2b: {  	s6 =	sld [smem:$0x3FA9]  }
0x2c: {  	s7 =	sld [smem:$0x3FAA]  }
0x2d: {  	s3 =	simm.s32 $0x108;
	s8 =	sld [smem:$0x3FAB]  }
0x2e: {  	s3 =	simm.s32 @!p0 $0x1082;
	s9 =	sld [smem:$0x3FAC]  }
0x2f: {  	lr =	sadd.s32 s0, s3;
	s0 =	sld [smem:$0x3FA3]  }
0x30: {  	s3 =	sld [smem:$0x3FA6]  }
0x31: {  	[smem:$0x3FAF] =	sst s10  }
0x32: {  	s10 =	sld [smem:$0x3FAD];
	_ =	sdelay $0x3  }
0x33: {  	p0 =	seq.s32 s10, $0x1;
	s10 =	sld [smem:$0x3FAF];
	_ =	sdelay $0x3  }
0x34: {  	[smem:$0x3FAF] =	sst s10  }
0x35: {  	s10 =	sld [smem:$0x3FAE];
	_ =	sdelay $0x3  }
0x36: {  	p1 =	seq.s32 s10, $0x1;
	s10 =	sld [smem:$0x3FAF];
	_ =	sdelay $0x3  }
0x37: {  	[smem:$0x3FAF] =	sst s10  }
0x38: {  	s10 =	sld [smem:$0x3FB0]  }
0x39: {  	_ = 	snop;
	(pc) =	sbr.ind lr, $3  }
0x3a: {  	_ = 	snop  }
0x3b: {  	_ = 	snop  }
0x3c: {  	p2 =	seq.s32 s10, $0x1;
	s10 =	sld [smem:$0x3FAF]  }
0x3d: {  	_ =	shalt  }
0x3e: {  	_ =	shalt  }
0x3f: {  	_ =	shalt  }
0x40: {  	_ =	shalt  }
0x41: {  	_ =	shalt  }
0x42: {  	_ =	shalt  }
0x43: {  	_ =	shalt  }
0x44: {  	_ =	shalt  }
0x45: {  	_ =	shalt  }
0x46: {  	_ =	shalt  }
0x47: {  	_ =	shalt  }
0x48: {  	_ =	shalt  }
0x49: {  	_ =	shalt  }
0x4a: {  	_ =	shalt  }
0x4b: {  	_ =	shalt  }
0x4c: {  	_ =	shalt  }
0x4d: {  	_ =	shalt  }
0x4e: {  	_ =	shalt  }
0x4f: {  	_ =	shalt  }
0x50: {  	_ =	shalt  }
0x51: {  	_ =	shalt  }
0x52: {  	_ =	shalt  }
0x53: {  	_ =	shalt  }
0x54: {  	_ =	shalt  }
0x55: {  	_ =	shalt  }
0x56: {  	_ =	shalt  }
0x57: {  	_ =	shalt  }
0x58: {  	_ =	shalt  }
0x59: {  	_ =	shalt  }
0x5a: {  	_ =	shalt  }
0x5b: {  	_ =	shalt  }
0x5c: {  	_ =	shalt  }
0x5d: {  	_ =	shalt  }
0x5e: {  	_ =	shalt  }
0x5f: {  	_ =	shalt  }
0x60: {  	_ =	shalt  }
0x61: {  	_ =	shalt  }
0x62: {  	_ =	shalt  }
0x63: {  	_ =	shalt  }
0x64: {  	_ =	shalt  }
0x65: {  	_ =	shalt  }
0x66: {  	_ =	shalt  }
0x67: {  	_ =	shalt  }
0x68: {  	_ =	shalt  }
0x69: {  	_ =	shalt  }
0x6a: {  	_ =	shalt  }
0x6b: {  	_ =	shalt  }
0x6c: {  	_ =	shalt  }
0x6d: {  	_ =	shalt  }
0x6e: {  	_ =	shalt  }
0x6f: {  	_ =	shalt  }
0x70: {  	_ =	shalt  }
0x71: {  	_ =	shalt  }
0x72: {  	_ =	shalt  }
0x73: {  	_ =	shalt  }
0x74: {  	_ =	shalt  }
0x75: {  	_ =	shalt  }
0x76: {  	_ =	shalt  }
0x77: {  	_ =	shalt  }
0x78: {  	_ =	shalt  }
0x79: {  	_ =	shalt  }
0x7a: {  	_ =	shalt  }
0x7b: {  	_ =	shalt  }
0x7c: {  	_ =	shalt  }
0x7d: {  	_ =	shalt  }
0x7e: {  	_ =	shalt  }
0x7f: {  	_ =	shalt  }
0x80: {  	_ =	shalt  }
0x81: {  	_ =	shalt  }
0x82: {  	_ =	shalt  }
0x83: {  	_ =	shalt  }
0x84: {  	_ =	shalt  }
0x85: {  	_ =	shalt  }
0x86: {  	_ =	shalt  }
0x87: {  	_ =	shalt  }
.Lfunc_end0:
.L_simem_size_0:
called_computation.4_lowered:
.L_overlay_start_0:
0x88: {  	s2 =	sld [smem:$0x3FD9]  }
0x89: {  	s3 =	sld [smem:$0x3FFE];
	_ =	sdelay $0x1  }
0x8a: {  	s1 =	srdreg.scid  }
0x8b: {  	s0 =	sand.u32 $0x1, s1  }
0x8c: {  	s16 =	sshll.u32 s0, $0xA;
	s2 =	sadd.s32 s3, s2  }
0x8d: {  	s2 =	sadd.s32 s2, s16  }
0x8e: {  	[smem:$0x3FBB] =	sst s2  }
0x8f: {  	_ = 	snop  }
0x90: {  	(tm) =	ssettm $0x1  }
0x91: {  	s17 =	sld [smem:$0x3FFB];
	_ =	sdelay $0x3  }
0x92: {  	_ =	strace s17  }
0x93: {  	s2 =	sld [smem:$0x3FFC];
	_ =	sdelay $0x3  }
0x94: {  	_ =	strace s2  }
0x95: {  	s2 =	sld [smem:$0x3FFD];
	_ =	sdelay $0x3  }
0x96: {  	_ =	strace s2  }
0x97: {  	_ =	strace $0x8FFFFFFF  }
0x98: {  	s18 =	sld [smem:$0x3FDB];
	_ =	sdelay $0x1  }
0x99: {  	s19 =	simm.s32 $_scs_section_size  }
0x9a: {  	s4 =	simm.s32 $_size__tile_overlayer_lowered;
	s5 =	simm.s32 $_tile_overlayer_lowered  }
0x9b: {  	s22 =	simm.s32 $0x1BFF;
	s21 =	sshll.u32 s5, $0x1;
	s2 =	sadd.s32 s19, s18  }
0x9c: {  	s6 =	simm.s32 $0x0;
	s20 =	sshll.u32 s4, $0x1;
	s4 =	sadd.s32 s21, s2  }
0x9d: {  	[timem:s6], [sflag:s22] =	dma.local [hbm:s4], s20  }
0x9e: {  	_ =	swait.ge [sflag:s22], s20  }
0x9f: {  	s3 =	ssub.s32 $0x0, s20;
	[sflag:s22] =	ssyncset.done $0x0  }
0xa0: {  	[sflag:s22] =	ssyncadd.s32 s3;
	_ =	sdelay $0x1  }
0xa1: {  	s23 =	simm.s32 $0x1B8B  }
0xa2: {  	_ =	swait.ge [sflag:s23], $0x1  }
0xa3: {  	[sflag:s23] =	ssyncset.done $0x0  }
0xa4: {  	s25 =	simm.s32 $0x1B8E;
	s24 =	sld [smem:$0x3FFE];
	[sflag:s23] =	ssyncadd.s32 $0xFFFFFFFF  }
0xa5: {  	s26 =	simm.s32 $execute0_lowered;
	[smem:$0x3FD2] =	sst s25  }
0xa6: {  	s4 =	sshll.u32 s26, $0x1;
	_ =	strace $0x80000052;
	[dreg:$0x1] =	wrdreg $0xFFFFFFFF  }
0xa7: {  	s28 =	simm.s32 $_size_execute0_lowered;
	s2 =	sadd.s32 s2, s4;
	[dreg:$0x0] =	wrdreg $0x0  }
0xa8: {  	s4 =	sshll.u32 s28, $0x1;
	[dreg:$0x2] =	wrdreg s2  }
0xa9: {  	[dreg:$0x3] =	wrdreg s4  }
0xaa: {  	[dreg:$0x4] =	wrdreg $0xC0  }
0xab: {  	_ =	task [dreg:s6], $0x5FFFF  }
0xac: {  	[dreg:$0x1] =	wrdreg $0xFFFFFFFF  }
0xad: {  	[dreg:$0x0] =	wrdreg $0x60  }
0xae: {  	[dreg:$0x2] =	wrdreg s24  }
0xaf: {  	[dreg:$0x3] =	wrdreg $0x84000  }
0xb0: {  	[dreg:$0x4] =	wrdreg $0x9  }
0xb1: {  	_ =	task.clear_ibuf [dreg:s6], $0x5FFFF;
	_ =	strace $0x90000052  }
0xb2: {  	s29 =	simm.s32 $0x9;
	_ =	strace $0x80000054  }
0xb3: {  	_ =	swait.ge [sflag:s29], $0x1  }
0xb4: {  	[sflag:s29] =	ssyncadd.s32 $0xFFFFFFFF  }
0xb5: {  	_ =	strace $0x90000054  }
0xb6: {  	_ =	sfence  }
0xb7: {  	s30 =	sld [smem:$0x0];
	_ =	sdelay $0x2  }
0xb8: {  	s31 =	sshll.u32 s1, $0xD;
	s1 =	sshrl.u32 s1, $0x2  }
0xb9: {  	s3 =	sand.u32 $0x4000, s31;
	s1 =	sadd.s32 s1, s30  }
0xba: {  	s0 =	sor.u32 s3, s0;
	s1 =	sshll.u32 s1, $0x11  }
0xbb: {  	s0 =	sor.u32 s1, s0  }
0xbc: {  	s0 =	sadd.s32 $0x8F2B, s0  }
0xbd: {  	[sflag:s0] =	ssyncadd.remote.s32 $0x1  }
0xbe: {  	_ =	sfence.sel $0xFFFF  }
0xbf: {  	[dreg:$0x0] =	wrdreg $0xFFFFFFFF;
	(pc) =	sbr.abs _section_cstart, $3  }
0xc0: {  	[dreg:$0x1] =	wrdreg $0xFFFFFFFF  }
0xc1: {  	_ =	task.clear_ibuf [dreg:s6], $0x2FFFF;
	_ =	strace $0x9FFFFFFF  }
0xc2: {  	(tm) =	ssettm $0x7FFFFFFF  }
0xc3: {  	_ =	shalt  }
tec
execute0_lowered:
.L_overlay_start_1:
0x0: {  	(tag) =	ssettag $0x1  }
0x1: {  	s0 =	rddreg [dreg:$0x0]  }
0x2: {  	s1 =	rddreg [dreg:$0x1];
	s3 =	simm.s32 $0x0;
	s11 =	stileid.u32  }
0x3: {  	s6 =	srdreg.scid;
	s19 =	simm.s32 $0x7;
	s28 =	simm.s32 $0x4  }
0x4: {  	s29 =	simm.s32 $0x2;
	s30 =	simm.s32 $0x280;
	s31 =	simm.s32 $0x6  }
0x5: {  	[smem:$0x7FF] =	sst s3;
	s4 =	sadd.s32 $0x7200, s0;
	s5 =	sadd.s32 $0x2F200, s0  }
0x6: {  	s2 =	sshll.u32 s11, $0x5;
	s6 =	sand.u32 $0x1, s6;
	s7 =	smul.u32 $0x50000, s11  }
0x7: {  	s8 =	sadd.s32 $0xA0200, s0;
	s25 =	sshll.u32 s11, $0x6;
	_ =	strace $0x80000053  }
0x8: {  	s2 =	sadd.s32 s2, s0;
	[dreg:$0x3] =	wrdreg s8;
	s0 =	sadd.s32 $0xC8200, s0  }
0x9: {  	s20 =	ssub.s32 $0x2, s6;
	s8 =	smul.u32 $0x2800, s11;
	p0 =	seq.s32 s6, $0x1  }
0xa: {  	[dreg:$0x9] =	wrdreg s25;
	s15 =	sor.u32 $0x1C07, s25;
	s25 =	simm.s32 $0x300  }
0xb: {  	s6 =	simm.s32 $0x380;
	[dreg:$0x4] =	wrdreg s0;
	s9 =	sshrl.u32 s20, $0x1  }
0xc: {  	s7 =	sshrl.u32 s7, $0x2;
	s10 =	sadd.s32 $0x64200, s2;
	s23 =	sadd.s32 $0x64400, s2  }
0xd: {  	s24 =	sadd.s32 $0x64600, s2;
	s2 =	sadd.s32 $0x64800, s2;
	[dreg:$0x6] =	wrdreg s23  }
0xe: {  	s0 =	ssub.s32 s20, s9;
	s21 =	sadd.s32 s7, s1;
	[dreg:$0x7] =	wrdreg s24  }
0xf: {  	s22 =	sadd.s32 s4, s8;
	[dreg:$0x8] =	wrdreg s2;
	s26 =	sadd.s32 s5, s8  }
.Ltmp0:
0x10: {  	s20 =	simm.s32 $0x80;
	s23 =	simm.s32 $0x4400;
	(pc) =	sbr.rel .LBB2_1-.Ltmp0, $4  }
0x11: {  	s24 =	simm.s32 $0x100;
	s2 =	simm.s32 $0x3;
	[dreg:$0x5] =	wrdreg s22  }
0x12: {  	s7 =	simm.s32 $0x5;
	s9 =	simm.s32 $0x0;
	[dreg:$0xa] =	wrdreg s26  }
0x13: {  	s16 =	smax.u32 s0, $0x1;
	s18 =	sshrl.u32 s21, $0x3;
	s21 =	simm.s32 $0x400  }
0x14: {  	s22 =	simm.s32 $0x200;
	s26 =	simm.s32 $0x1;
	s0 =	simm.s32 $0x180  }
.LBB2_8:
0x15: {  	s14 =	rddreg [dreg:$0x4];
	s17 =	smov.u32 s15  }
.LBB2_9:
0x16: {  	_ =	swait.ge [sflag:s29], $0x4000  }
0x17: {  	[sflag:s29] =	ssyncset.done $0x0  }
0x18: {  	[sflag:s29] =	ssyncadd.s32 $0xFFFFC000  }
0x19: {  	[spmem:s1] =	stream.indirect.scatter.add.f32 [tilespmem:s23], [sflag:$0x7], $0x80, s6, s20, $0xb8;
	[tilespmem:$0x1C400] =	vst v63  }
0x1a: {  	_ =	swait.ge [sflag:s19], $0x4000  }
0x1b: {  	s9 =	sadd.s32 $0x1, s9;
	[sflag:s19] =	ssyncset.done $0x0  }
0x1c: {  	p1 =	sne.s32 s9, s16;
	[sflag:s19] =	ssyncadd.s32 $0xFFFFC000  }
.Ltmp1:
0x1d: {  	s11 =	sadd.s32 s14, s8;
	[bflag:$0x0] =	sbarrier.arrive $0xFFFF;
	(pc) =	sbr.rel @!p1 .LBB2_10-.Ltmp1, $4  }
0x1e: {  	[hbm:s11], [sflag:s17] =	dma.local [spmem:s18], $0x2800  }
0x1f: {  	_ =	swait.ge [sflag:s19], $0x2800  }
0x20: {  	[sflag:s19] =	ssyncset.done $0x0  }
0x21: {  	[sflag:s19] =	ssyncadd.s32 $0xFFFFD800  }
.LBB2_1:
.Ltmp2:
0x22: {  	(pc) =	sbr.rel @!p0 .LBB2_2-.Ltmp2, $1  }
0x23: {  	_ =	sdelay $0x3  }
0x24: {  	s11 =	rddreg [dreg:$0xa]  }
0x25: {  	[spmem:s18], [sflag:s15] =	dma.local [hbm:s11], $0x2800  }
0x26: {  	_ =	swait.ge [sflag:s19], $0x2800  }
0x27: {  	[sflag:s19] =	ssyncset.done $0x0  }
0x28: {  	[sflag:s19] =	ssyncadd.s32 $0xFFFFD800  }
0x29: {  	[bflag:$0x0] =	sbarrier.arrive $0xFFFF  }
0x2a: {  	[tilespmem:s3], [sflag:$0x7] =	stream.linear.gather [hbm4b:s10+s3], $0x100, $0x38;
	[tilespmem:$0x1C400] =	vst v63  }
0x2b: {  	_ =	swait.ge [sflag:s19], $0x100  }
0x2c: {  	[sflag:s19] =	ssyncset.done $0x0  }
0x2d: {  	[sflag:s19] =	ssyncadd.s32 $0xFFFFFF00  }
0x2e: {  	[tilespmem:s21], [sflag:$0x1] =	stream.indirect.gather [hbm4b:s5+s20], $0x80, s3, s20, $0xb8;
	[tilespmem:$0x1C400] =	vst v63  }
0x2f: {  	s13 =	rddreg [dreg:$0x6]  }
0x30: {  	[tilespmem:s22], [sflag:$0x7] =	stream.linear.gather [hbm4b:s13+s3], $0x100, $0x38;
	[tilespmem:$0x1C400] =	vst v63  }
0x31: {  	_ =	swait.ge [sflag:s19], $0x100  }
0x32: {  	[sflag:s19] =	ssyncset.done $0x0  }
0x33: {  	[sflag:s19] =	ssyncadd.s32 $0xFFFFFF00  }
0x34: {  	[tilespmem:s23], [sflag:$0x2] =	stream.indirect.gather [hbm4b:s5+s20], $0x80, s22, s20, $0xb8;
	[tilespmem:$0x1C400] =	vst v63  }
0x35: {  	s14 =	rddreg [dreg:$0x7]  }
0x36: {  	[tilespmem:s24], [sflag:$0x4] =	stream.linear.gather [hbm4b:s14+s3], $0x100, $0x38;
	[tilespmem:$0x1C400] =	vst v63  }
0x37: {  	s17 =	rddreg [dreg:$0x8];
	s14 =	simm.s32 $0xFFFEC800  }
0x38: {  	[tilespmem:s25], [sflag:$0x6] =	stream.linear.gather [hbm4b:s17+s3], $0x100, $0x38;
	[tilespmem:$0x1C400] =	vst v63  }
.LBB2_7:
0x39: {  	_ =	swait.ge [sflag:s26], $0x4000  }
0x3a: {  	[sflag:s26] =	ssyncset.done $0x0  }
0x3b: {  	[sflag:s26] =	ssyncadd.s32 $0xFFFFC000  }
0x3c: {  	[spmem:s1] =	stream.indirect.scatter.add.f32 [tilespmem:s21], [sflag:$0x7], $0x80, s20, s20, $0xb8;
	[tilespmem:$0x1C400] =	vst v63  }
0x3d: {  	p1 =	seq.s32 s14, $0x0;
	_ =	swait.ge [sflag:s19], $0x4000  }
0x3e: {  	s11 =	sadd.s32 @!p1 s14, s10;
	[sflag:s19] =	ssyncset.done $0x0  }
0x3f: {  	s13 =	simm.s32 @!p1 $0x0;
	s12 =	sadd.s32 @!p1 $0x14000, s11;
	[sflag:s19] =	ssyncadd.s32 $0xFFFFC000  }
0x40: {  	[tilespmem:s13], [sflag:$0x3] =	stream.linear.gather @!p1 [hbm4b:s12+s13], $0x100, $0x38;
	[tilespmem:$0x1C400] =	vst v63  }
0x41: {  	_ =	swait.ge [sflag:s28], $0x100  }
0x42: {  	[sflag:s28] =	ssyncset.done $0x0  }
0x43: {  	[sflag:s28] =	ssyncadd.s32 $0xFFFFFF00  }
0x44: {  	[tilespmem:s21], [sflag:$0x1] =	stream.indirect.gather [hbm4b:s5+s20], $0x80, s24, s20, $0xb8;
	[tilespmem:$0x1C400] =	vst v63  }
0x45: {  	_ =	swait.ge [sflag:s29], $0x4000  }
0x46: {  	[sflag:s29] =	ssyncset.done $0x0  }
0x47: {  	[sflag:s29] =	ssyncadd.s32 $0xFFFFC000  }
0x48: {  	[spmem:s1] =	stream.indirect.scatter.add.f32 [tilespmem:s23], [sflag:$0x7], $0x80, s30, s20, $0xb8;
	[tilespmem:$0x1C400] =	vst v63  }
0x49: {  	_ =	swait.ge [sflag:s19], $0x4000  }
0x4a: {  	[sflag:s19] =	ssyncset.done $0x0  }
0x4b: {  	s11 =	sadd.s32 @!p1 $0x14200, s11;
	s12 =	simm.s32 @!p1 $0x200;
	[sflag:s19] =	ssyncadd.s32 $0xFFFFC000  }
0x4c: {  	[tilespmem:s12], [sflag:$0x5] =	stream.linear.gather @!p1 [hbm4b:s11+s13], $0x100, $0x38;
	[tilespmem:$0x1C400] =	vst v63  }
0x4d: {  	_ =	swait.ge [sflag:s31], $0x100  }
0x4e: {  	[sflag:s31] =	ssyncset.done $0x0  }
0x4f: {  	[sflag:s31] =	ssyncadd.s32 $0xFFFFFF00  }
0x50: {  	[tilespmem:s23], [sflag:$0x2] =	stream.indirect.gather [hbm4b:s5+s20], $0x80, s25, s20, $0xb8;
	[tilespmem:$0x1C400] =	vst v63  }
0x51: {  	_ =	swait.ge [sflag:s26], $0x4000  }
0x52: {  	[sflag:s26] =	ssyncset.done $0x0  }
.Ltmp3:
0x53: {  	[sflag:s26] =	ssyncadd.s32 $0xFFFFC000;
	(pc) =	sbr.rel @p1 .LBB2_8-.Ltmp3, $4  }
0x54: {  	[spmem:s1] =	stream.indirect.scatter.add.f32 [tilespmem:s21], [sflag:$0x7], $0x80, s0, s20, $0xb8;
	[tilespmem:$0x1C400] =	vst v63  }
0x55: {  	_ =	swait.ge [sflag:s19], $0x4000  }
0x56: {  	[sflag:s19] =	ssyncset.done $0x0  }
0x57: {  	[sflag:s19] =	ssyncadd.s32 $0xFFFFC000  }
0x58: {  	s11 =	sadd.s32 s14, s10  }
0x59: {  	s12 =	sadd.s32 $0x14400, s11  }
0x5a: {  	[tilespmem:s24], [sflag:$0x4] =	stream.linear.gather [hbm4b:s12+s3], $0x100, $0x38;
	[tilespmem:$0x1C400] =	vst v63  }
0x5b: {  	_ =	swait.ge [sflag:s2], $0x100  }
0x5c: {  	[sflag:s2] =	ssyncset.done $0x0  }
0x5d: {  	[sflag:s2] =	ssyncadd.s32 $0xFFFFFF00  }
0x5e: {  	[tilespmem:s21], [sflag:$0x1] =	stream.indirect.gather [hbm4b:s5+s20], $0x80, s3, s20, $0xb8;
	[tilespmem:$0x1C400] =	vst v63  }
0x5f: {  	_ =	swait.ge [sflag:s29], $0x4000  }
0x60: {  	[sflag:s29] =	ssyncset.done $0x0  }
0x61: {  	[sflag:s29] =	ssyncadd.s32 $0xFFFFC000  }
0x62: {  	[spmem:s1] =	stream.indirect.scatter.add.f32 [tilespmem:s23], [sflag:$0x7], $0x80, s6, s20, $0xb8;
	[tilespmem:$0x1C400] =	vst v63  }
0x63: {  	_ =	swait.ge [sflag:s19], $0x4000  }
0x64: {  	[sflag:s19] =	ssyncset.done $0x0  }
0x65: {  	s11 =	sadd.s32 $0x14600, s11;
	[sflag:s19] =	ssyncadd.s32 $0xFFFFC000  }
0x66: {  	[tilespmem:s25], [sflag:$0x6] =	stream.linear.gather [hbm4b:s11+s3], $0x100, $0x38;
	[tilespmem:$0x1C400] =	vst v63  }
.Ltmp4:
0x67: {  	_ = 	snop;
	(pc) =	sbr.rel .LBB2_7-.Ltmp4, $4  }
0x68: {  	_ =	swait.ge [sflag:s7], $0x100  }
0x69: {  	[sflag:s7] =	ssyncset.done $0x0  }
0x6a: {  	s14 =	sadd.s32 $0x800, s14;
	[sflag:s7] =	ssyncadd.s32 $0xFFFFFF00  }
0x6b: {  	[tilespmem:s23], [sflag:$0x2] =	stream.indirect.gather [hbm4b:s5+s20], $0x80, s22, s20, $0xb8;
	[tilespmem:$0x1C400] =	vst v63  }
.LBB2_2:
0x6c: {  	s11 =	rddreg [dreg:$0x9]  }
0x6d: {  	s14 =	rddreg [dreg:$0x5];
	s17 =	sor.u32 $0x1C07, s11  }
0x6e: {  	[spmem:s18], [sflag:s17] =	dma.local [hbm:s14], $0x2800  }
0x6f: {  	_ =	swait.ge [sflag:s19], $0x2800  }
0x70: {  	[sflag:s19] =	ssyncset.done $0x0  }
0x71: {  	[sflag:s19] =	ssyncadd.s32 $0xFFFFD800  }
0x72: {  	[bflag:$0x0] =	sbarrier.arrive $0xFFFF  }
0x73: {  	[tilespmem:s3], [sflag:$0x7] =	stream.linear.gather [hbm4b:s10+s3], $0x100, $0x38;
	[tilespmem:$0x1C400] =	vst v63  }
0x74: {  	_ =	swait.ge [sflag:s19], $0x100  }
0x75: {  	[sflag:s19] =	ssyncset.done $0x0  }
0x76: {  	[sflag:s19] =	ssyncadd.s32 $0xFFFFFF00  }
0x77: {  	[tilespmem:s21], [sflag:$0x1] =	stream.indirect.gather [hbm4b:s4+s20], $0x80, s3, s20, $0xb8;
	[tilespmem:$0x1C400] =	vst v63  }
0x78: {  	s12 =	rddreg [dreg:$0x6]  }
0x79: {  	[tilespmem:s22], [sflag:$0x7] =	stream.linear.gather [hbm4b:s12+s3], $0x100, $0x38;
	[tilespmem:$0x1C400] =	vst v63  }
0x7a: {  	_ =	swait.ge [sflag:s19], $0x100  }
0x7b: {  	[sflag:s19] =	ssyncset.done $0x0  }
0x7c: {  	[sflag:s19] =	ssyncadd.s32 $0xFFFFFF00  }
0x7d: {  	[tilespmem:s23], [sflag:$0x2] =	stream.indirect.gather [hbm4b:s4+s20], $0x80, s22, s20, $0xb8;
	[tilespmem:$0x1C400] =	vst v63  }
0x7e: {  	s13 =	rddreg [dreg:$0x7]  }
0x7f: {  	[tilespmem:s24], [sflag:$0x4] =	stream.linear.gather [hbm4b:s13+s3], $0x100, $0x38;
	[tilespmem:$0x1C400] =	vst v63  }
0x80: {  	s14 =	rddreg [dreg:$0x8]  }
0x81: {  	[tilespmem:s25], [sflag:$0x6] =	stream.linear.gather [hbm4b:s14+s3], $0x100, $0x38;
	[tilespmem:$0x1C400] =	vst v63  }
0x82: {  	s14 =	simm.s32 $0xFFFEC800  }
.LBB2_3:
0x83: {  	_ =	swait.ge [sflag:s26], $0x4000  }
0x84: {  	[sflag:s26] =	ssyncset.done $0x0  }
0x85: {  	[sflag:s26] =	ssyncadd.s32 $0xFFFFC000  }
0x86: {  	[spmem:s1] =	stream.indirect.scatter.add.f32 [tilespmem:s21], [sflag:$0x7], $0x80, s20, s20, $0xb8;
	[tilespmem:$0x1C400] =	vst v63  }
0x87: {  	p1 =	seq.s32 s14, $0x0;
	_ =	swait.ge [sflag:s19], $0x4000  }
0x88: {  	s11 =	sadd.s32 @!p1 s14, s10;
	[sflag:s19] =	ssyncset.done $0x0  }
0x89: {  	s13 =	simm.s32 @!p1 $0x0;
	s12 =	sadd.s32 @!p1 $0x14000, s11;
	[sflag:s19] =	ssyncadd.s32 $0xFFFFC000  }
0x8a: {  	[tilespmem:s13], [sflag:$0x3] =	stream.linear.gather @!p1 [hbm4b:s12+s13], $0x100, $0x38;
	[tilespmem:$0x1C400] =	vst v63  }
0x8b: {  	_ =	swait.ge [sflag:s28], $0x100  }
0x8c: {  	[sflag:s28] =	ssyncset.done $0x0  }
0x8d: {  	[sflag:s28] =	ssyncadd.s32 $0xFFFFFF00  }
0x8e: {  	[tilespmem:s21], [sflag:$0x1] =	stream.indirect.gather [hbm4b:s4+s20], $0x80, s24, s20, $0xb8;
	[tilespmem:$0x1C400] =	vst v63  }
0x8f: {  	_ =	swait.ge [sflag:s29], $0x4000  }
0x90: {  	[sflag:s29] =	ssyncset.done $0x0  }
0x91: {  	[sflag:s29] =	ssyncadd.s32 $0xFFFFC000  }
0x92: {  	[spmem:s1] =	stream.indirect.scatter.add.f32 [tilespmem:s23], [sflag:$0x7], $0x80, s30, s20, $0xb8;
	[tilespmem:$0x1C400] =	vst v63  }
0x93: {  	_ =	swait.ge [sflag:s19], $0x4000  }
0x94: {  	[sflag:s19] =	ssyncset.done $0x0  }
0x95: {  	s11 =	sadd.s32 @!p1 $0x14200, s11;
	s12 =	simm.s32 @!p1 $0x200;
	[sflag:s19] =	ssyncadd.s32 $0xFFFFC000  }
0x96: {  	[tilespmem:s12], [sflag:$0x5] =	stream.linear.gather @!p1 [hbm4b:s11+s13], $0x100, $0x38;
	[tilespmem:$0x1C400] =	vst v63  }
0x97: {  	_ =	swait.ge [sflag:s31], $0x100  }
0x98: {  	[sflag:s31] =	ssyncset.done $0x0  }
0x99: {  	[sflag:s31] =	ssyncadd.s32 $0xFFFFFF00  }
0x9a: {  	[tilespmem:s23], [sflag:$0x2] =	stream.indirect.gather [hbm4b:s4+s20], $0x80, s25, s20, $0xb8;
	[tilespmem:$0x1C400] =	vst v63  }
0x9b: {  	_ =	swait.ge [sflag:s26], $0x4000  }
0x9c: {  	[sflag:s26] =	ssyncset.done $0x0  }
.Ltmp5:
0x9d: {  	[sflag:s26] =	ssyncadd.s32 $0xFFFFC000;
	(pc) =	sbr.rel @p1 .LBB2_4-.Ltmp5, $4  }
0x9e: {  	[spmem:s1] =	stream.indirect.scatter.add.f32 [tilespmem:s21], [sflag:$0x7], $0x80, s0, s20, $0xb8;
	[tilespmem:$0x1C400] =	vst v63  }
0x9f: {  	_ =	swait.ge [sflag:s19], $0x4000  }
0xa0: {  	[sflag:s19] =	ssyncset.done $0x0  }
0xa1: {  	[sflag:s19] =	ssyncadd.s32 $0xFFFFC000  }
0xa2: {  	s11 =	sadd.s32 s14, s10  }
0xa3: {  	s12 =	sadd.s32 $0x14400, s11  }
0xa4: {  	[tilespmem:s24], [sflag:$0x4] =	stream.linear.gather [hbm4b:s12+s3], $0x100, $0x38;
	[tilespmem:$0x1C400] =	vst v63  }
0xa5: {  	_ =	swait.ge [sflag:s2], $0x100  }
0xa6: {  	[sflag:s2] =	ssyncset.done $0x0  }
0xa7: {  	[sflag:s2] =	ssyncadd.s32 $0xFFFFFF00  }
0xa8: {  	[tilespmem:s21], [sflag:$0x1] =	stream.indirect.gather [hbm4b:s4+s20], $0x80, s3, s20, $0xb8;
	[tilespmem:$0x1C400] =	vst v63  }
0xa9: {  	_ =	swait.ge [sflag:s29], $0x4000  }
0xaa: {  	[sflag:s29] =	ssyncset.done $0x0  }
0xab: {  	[sflag:s29] =	ssyncadd.s32 $0xFFFFC000  }
0xac: {  	[spmem:s1] =	stream.indirect.scatter.add.f32 [tilespmem:s23], [sflag:$0x7], $0x80, s6, s20, $0xb8;
	[tilespmem:$0x1C400] =	vst v63  }
0xad: {  	_ =	swait.ge [sflag:s19], $0x4000  }
0xae: {  	[sflag:s19] =	ssyncset.done $0x0  }
0xaf: {  	s11 =	sadd.s32 $0x14600, s11;
	[sflag:s19] =	ssyncadd.s32 $0xFFFFC000  }
0xb0: {  	[tilespmem:s25], [sflag:$0x6] =	stream.linear.gather [hbm4b:s11+s3], $0x100, $0x38;
	[tilespmem:$0x1C400] =	vst v63  }
.Ltmp6:
0xb1: {  	_ = 	snop;
	(pc) =	sbr.rel .LBB2_3-.Ltmp6, $4  }
0xb2: {  	_ =	swait.ge [sflag:s7], $0x100  }
0xb3: {  	[sflag:s7] =	ssyncset.done $0x0  }
0xb4: {  	s14 =	sadd.s32 $0x800, s14;
	[sflag:s7] =	ssyncadd.s32 $0xFFFFFF00  }
0xb5: {  	[tilespmem:s23], [sflag:$0x2] =	stream.indirect.gather [hbm4b:s4+s20], $0x80, s22, s20, $0xb8;
	[tilespmem:$0x1C400] =	vst v63  }
.LBB2_4:
.Ltmp7:
0xb6: {  	(pc) =	sbr.rel .LBB2_9-.Ltmp7, $2  }
0xb7: {  	_ =	sdelay $0x2  }
0xb8: {  	s14 =	rddreg [dreg:$0x3]  }
.LBB2_10:
0xb9: {  	_ =	sfence.sel $0x180000  }
0xba: {  	[bflag:$0x0] =	sbarrier.arrive $0xFFFF  }
0xbb: {  	_ =	strace $0x90000053  }
0xbc: {  	s0 =	stileid.u32;
	[bflag:$0x2] =	sbarrier.arrive $0xFFFF  }
0xbd: {  	p0 =	sne.s32 s0, $0x0;
	s0 =	rddreg [dreg:$0x2]  }
0xbe: {  	s0 =	sadd.s32 @!p0 $0x100000, s0  }
0xbf: {  	[sflag:s0] =	ssyncadd.tile.s32 @!p0 $0x1;
	_ =	shalt  }
.Lfunc_end2:
_tile_overlayer_lowered:
.L_overlay_start_2:
0xc0: {  	(tag) =	ssettag $0x2  }
0xc1: {  	s0 =	rddreg [dreg:$0x0];
	s2 =	stileid.u32  }
0xc2: {  	s1 =	rddreg [dreg:$0x1];
	p0 =	sne.s32 s2, $0x0  }
0xc3: {  	s3 =	rddreg [dreg:$0x2];
	[bflag:$0x3] =	sbarrier.arrive $0xFFFF;
	s2 =	simm.s32 @!p0 $0x1C07  }
0xc4: {  	[timem:s3], [sflag:s2] =	dma.local @!p0 [hbm:s0], s1  }
0xc5: {  	s0 =	simm.s32 @!p0 $0x7  }
0xc6: {  	_ =	swait.ge @!p0 [sflag:s0], s1  }
0xc7: {  	s1 =	ssub.s32 @!p0 $0x0, s1;
	[sflag:s0] =	ssyncset.done @!p0 $0x0  }
0xc8: {  	[sflag:s0] =	ssyncadd.s32 @!p0 s1  }
0xc9: {  	[bflag:$0x3] =	sbarrier.arrive $0xFFFF  }
0xca: {  	_ =	shalt  }

</sc_bundles>
